<compile_context>
chip_gen: v7x
topology: tpu7x:2x2x1
jax: 0.10.2.dev20260603
libtpu: 0.0.44.dev20260713+nightly
codegen_flags: <defaults>
</compile_context>

<pallas_src>
import functools

import jax
import jax.numpy as jnp
from jax import lax
from jax.experimental import pallas as pl
from jax.experimental.pallas import tpu as pltpu
from jax.experimental.pallas import tpu_sc as plsc

N = 10000
E = 320000
IN_DIM = 128
HID = 512
OUT_DIM = 128

NC = 2
NS = 16
NW = NC * NS
CH = 128
CPW = 80
HPW = CPW // 2
EPAD = NW * CPW * CH
PAD_NODE = N
G_ROWS = N + 16
NROWS = 10112
RPT = NROWS // NS
F = 128
DEG_W = 128
NB = 2
NG = HPW // NB


@functools.cache
def _mesh():
  return plsc.VectorSubcoreMesh(
      core_axis_name="c", subcore_axis_name="s", num_cores=NC, num_subcores=NS)


CPS = 2 * CPW
X0 = 120


def _agg_body(g, srcb, dstb, zeros, pp, acc, src_v, dst_v, rows, gsems, ssems):
  c = lax.axis_index("c")
  s = lax.axis_index("s")
  pltpu.sync_copy(zeros.at[pl.ds(s * RPT, RPT)], acc.at[pl.ds(s * RPT, RPT)])
  plsc.subcore_barrier()

  nstg = jnp.where(c == 0, X0 // HPW, (CPS - X0) // HPW)
  base0 = s * CPS + jnp.where(c == 0, 0, X0)

  def stage(st, carry):
    base = base0 + st * HPW
    pltpu.sync_copy(srcb.at[pl.ds(base, HPW)], src_v)
    pltpu.sync_copy(dstb.at[pl.ds(base, HPW)], dst_v)

    def group(gi, carry2):
      gdescs = [
          pltpu.async_copy(g.at[src_v.at[gi * NB + b]], rows[b], gsems[b])
          for b in range(NB)
      ]
      sdescs = []
      for b in range(NB):
        gdescs[b].wait()
        sdescs.append(
            pltpu.async_copy(rows[b], acc.at[dst_v.at[gi * NB + b]],
                             ssems[b], add=True))
      for b in range(NB):
        sdescs[b].wait()
      return carry2

    lax.fori_loop(0, NG, group, 0)
    return carry

  lax.fori_loop(0, nstg, stage, 0)
  plsc.subcore_barrier()
  pltpu.sync_copy(acc.at[pl.ds(s * RPT, RPT)],
                  pp.at[c].at[pl.ds(s * RPT, RPT)])


@functools.cache
def _sc_agg():
  return pl.kernel(
      _agg_body,
      out_type=jax.ShapeDtypeStruct((NC, NROWS, F), jnp.float32),
      mesh=_mesh(),
      scratch_types=[
          pltpu.VMEM_SHARED((NROWS, F), jnp.float32),
          pltpu.VMEM((HPW, CH), jnp.int32),
          pltpu.VMEM((HPW, CH), jnp.int32),
          [pltpu.VMEM((CH, F), jnp.float32) for _ in range(NB)],
          [pltpu.SemaphoreType.DMA for _ in range(NB)],
          [pltpu.SemaphoreType.DMA for _ in range(NB)],
      ],
  )


_DK = 2


def _deg_body(dstb, zeros, ones, pp, acc, dst_v, ones_v, sems):
  c = lax.axis_index("c")
  s = lax.axis_index("s")
  pltpu.sync_copy(zeros.at[pl.ds(s * RPT, RPT)], acc.at[pl.ds(s * RPT, RPT)])
  pltpu.sync_copy(ones, ones_v)
  plsc.subcore_barrier()
  nstg = jnp.where(c == 0, X0 // HPW, (CPS - X0) // HPW)
  base0 = s * CPS + jnp.where(c == 0, 0, X0)

  def stage(st, carry):
    pltpu.sync_copy(dstb.at[pl.ds(base0 + st * HPW, HPW)], dst_v)

    def group(gi, carry2):
      descs = [
          pltpu.async_copy(ones_v, acc.at[dst_v.at[gi * _DK + b]], sems[b],
                           add=True)
          for b in range(_DK)
      ]
      for d in descs:
        d.wait()
      return carry2

    lax.fori_loop(0, HPW // _DK, group, 0)
    return carry

  lax.fori_loop(0, nstg, stage, 0)
  plsc.subcore_barrier()
  pltpu.sync_copy(acc.at[pl.ds(s * RPT, RPT)],
                  pp.at[c].at[pl.ds(s * RPT, RPT)])


@functools.cache
def _sc_deg():
  return pl.kernel(
      _deg_body,
      out_type=jax.ShapeDtypeStruct((NC, NROWS, DEG_W), jnp.float32),
      mesh=_mesh(),
      scratch_types=[
          pltpu.VMEM_SHARED((NROWS, DEG_W), jnp.float32),
          pltpu.VMEM((HPW, CH), jnp.int32),
          pltpu.VMEM((CH, DEG_W), jnp.float32),
          [pltpu.SemaphoreType.DMA for _ in range(_DK)],
      ],
  )



_RB = 1000
_GRID = N // _RB


def _dinv_blk(pdeg_ref):
  deg = pdeg_ref[0, :, 0:1] + pdeg_ref[1, :, 0:1] + 1.0
  return lax.rsqrt(deg)


def _psum(p):
  return p[0] + p[1]


def _g0_body(pdeg, x, g0):
  g0[...] = x[...] * _dinv_blk(pdeg)


def _s2_body(pdeg, p, g0, w1, b1, g1):
  dinv = _dinv_blk(pdeg)
  t = dinv * (_psum(p) + g0[...])
  h = jnp.dot(t, w1[...], preferred_element_type=jnp.float32) + b1[...]
  g1[...] = dinv * jnp.maximum(h, 0.0)


def _s3_body(pdeg, p0, p1, p2, p3, g1, w2, b2, w3, gu):
  dinv = _dinv_blk(pdeg)
  agg = jnp.concatenate(
      [_psum(p0), _psum(p1), _psum(p2), _psum(p3)], axis=1) + g1[...]
  t = dinv * agg
  h = jnp.maximum(
      jnp.dot(t, w2[...], preferred_element_type=jnp.float32) + b2[...], 0.0)
  u = jnp.dot(h, w3[...], preferred_element_type=jnp.float32)
  gu[...] = dinv * u


def _s4_body(pdeg, p, gu, b3, out):
  dinv = _dinv_blk(pdeg)
  out[...] = dinv * (_psum(p) + gu[...]) + b3[...]


def _pblock(width):
  return pl.BlockSpec((NC, _RB, width), lambda i: (0, i, 0))


def _rblock(width):
  return pl.BlockSpec((_RB, width), lambda i: (i, 0))


def _wblock(r, c):
  return pl.BlockSpec((r, c), lambda i: (0, 0))


_tc_g0 = pl.pallas_call(
    _g0_body,
    grid=(_GRID,),
    in_specs=[_pblock(DEG_W), _rblock(IN_DIM)],
    out_specs=_rblock(IN_DIM),
    out_shape=jax.ShapeDtypeStruct((N, IN_DIM), jnp.float32),
)

_tc_s2 = pl.pallas_call(
    _s2_body,
    grid=(_GRID,),
    in_specs=[_pblock(DEG_W), _pblock(F), _rblock(IN_DIM),
              _wblock(IN_DIM, HID), _wblock(1, HID)],
    out_specs=_rblock(HID),
    out_shape=jax.ShapeDtypeStruct((N, HID), jnp.float32),
)

_tc_s3 = pl.pallas_call(
    _s3_body,
    grid=(_GRID,),
    in_specs=[_pblock(DEG_W), _pblock(F), _pblock(F), _pblock(F),
              _pblock(F), _rblock(HID), _wblock(HID, HID), _wblock(1, HID),
              _wblock(HID, OUT_DIM)],
    out_specs=_rblock(OUT_DIM),
    out_shape=jax.ShapeDtypeStruct((N, OUT_DIM), jnp.float32),
)

_tc_s4 = pl.pallas_call(
    _s4_body,
    grid=(_GRID,),
    in_specs=[_pblock(DEG_W), _pblock(F), _rblock(OUT_DIM),
              _wblock(1, OUT_DIM)],
    out_specs=_rblock(OUT_DIM),
    out_shape=jax.ShapeDtypeStruct((N, OUT_DIM), jnp.float32),
)


def _padg(g):
  return jnp.concatenate(
      [g, jnp.zeros((G_ROWS - N, g.shape[1]), jnp.float32)], axis=0)


@jax.jit
def kernel(x, edge_index, W1, b1, W2, b2, W3, b3):
  src = edge_index[0].astype(jnp.int32)
  dst = edge_index[1].astype(jnp.int32)
  pad = jnp.full((EPAD - E,), PAD_NODE, jnp.int32)
  srcb = jnp.concatenate([src, pad]).reshape(NW * CPW, CH)
  dstb = jnp.concatenate([dst, pad]).reshape(NW * CPW, CH)
  zeros = jnp.zeros((NROWS, F), jnp.float32)
  ones_d = jnp.ones((CH, DEG_W), jnp.float32)
  b1r = b1.reshape(1, HID)
  b2r = b2.reshape(1, HID)
  b3r = b3.reshape(1, OUT_DIM)

  agg = _sc_agg()
  pdeg = _sc_deg()(dstb, zeros, ones_d)
  g0 = _tc_g0(pdeg, x)
  p1 = agg(_padg(g0), srcb, dstb, zeros)
  g1 = _tc_s2(pdeg, p1, g0, W1, b1r)
  g1c = _padg(g1).reshape(G_ROWS, 4, F).transpose(1, 0, 2)
  p2 = [agg(g1c[cc], srcb, dstb, zeros) for cc in range(4)]
  gu = _tc_s3(pdeg, p2[0], p2[1], p2[2], p2[3], g1, W2, b2r, W3)
  p3 = agg(_padg(gu), srcb, dstb, zeros)
  return _tc_s4(pdeg, p3, gu, b3r)

# --- scband reference (transcript-rebuilt; emitter-appended) ---
"""Pipeline reference for scband-gcn-47906065219902 (READ-ONLY COPY).

The authoritative reference and input builder live on the scoring server;
editing this copy changes nothing except your own understanding.
"""

import jax, jax.numpy as jnp
import numpy as np

N_NODES = 10000
N_EDGES = 320000
IN_DIM = 128
HID = 512
OUT_DIM = 128


def _gcn_conv(x, src, dst, n, W, b):
    # x @ W (PyG GCNConv linear, no bias inside lin; bias added after aggregation)
    h = x @ W
    deg = jnp.zeros((n,), dtype=x.dtype).at[dst].add(jnp.ones_like(dst, dtype=x.dtype))
    dinv = jnp.where(deg > 0, jax.lax.rsqrt(deg), 0.0)
    norm = dinv[src] * dinv[dst]
    msg = jnp.take(h, src, axis=0) * norm[:, None]
    out = jnp.zeros((n, W.shape[1]), dtype=x.dtype).at[dst].add(msg)
    return out + b


def setup_inputs(seed: int = 0) -> dict:
    key = jax.random.key(seed)
    ks = jax.random.split(key, 8)
    x = jax.random.normal(ks[0], (N_NODES, IN_DIM), dtype=jnp.float32)
    edge_index = jax.random.randint(ks[1], (2, N_EDGES), 0, N_NODES, dtype=jnp.int64)
    W1 = jax.random.normal(ks[2], (IN_DIM, HID), dtype=jnp.float32) * (1.0 / np.sqrt(IN_DIM))
    b1 = jnp.zeros((HID,), dtype=jnp.float32)
    W2 = jax.random.normal(ks[3], (HID, HID), dtype=jnp.float32) * (1.0 / np.sqrt(HID))
    b2 = jnp.zeros((HID,), dtype=jnp.float32)
    W3 = jax.random.normal(ks[4], (HID, OUT_DIM), dtype=jnp.float32) * (1.0 / np.sqrt(HID))
    b3 = jnp.zeros((OUT_DIM,), dtype=jnp.float32)
    return {"x": x, "edge_index": edge_index, "W1": W1, "b1": b1, "W2": W2, "b2": b2, "W3": W3, "b3": b3}


def reference(x, edge_index, W1, b1, W2, b2, W3, b3):
    n = x.shape[0]
    # GCNConv adds self-loops by default
    loops = jnp.arange(n, dtype=edge_index.dtype)
    src = jnp.concatenate([edge_index[0], loops])
    dst = jnp.concatenate([edge_index[1], loops])
    h = jax.nn.relu(_gcn_conv(x, src, dst, n, W1, b1))
    h = jax.nn.relu(_gcn_conv(h, src, dst, n, W2, b2))
    h = _gcn_conv(h, src, dst, n, W3, b3)
    return h

if __name__ == "__main__":
    import jax
    _d = setup_inputs()
    print(jax.jit(kernel)(*tuple(_d.values())))

</pallas_src>

<mosaic_0001>
#map = affine_map<(d0, d1) -> (0, 0)>
#map1 = affine_map<(d0, d1) -> (0, 0, 0)>
module attributes {stable_mosaic.version = 14 : i64} {
  func.func @_deg_body(%arg0: i32, %arg1: i32, %arg2: memref<2560x128xi32, #tpu.memory_space<hbm>>, %arg3: memref<10112x128xf32, #tpu.memory_space<hbm>>, %arg4: memref<128x128xf32, #tpu.memory_space<hbm>>, %arg5: memref<2x10112x128xf32, #tpu.memory_space<hbm>>, %arg6: memref<10112x128xf32, #tpu.memory_space<vmem_shared>>, %arg7: memref<40x128xi32, #tpu.memory_space<vmem>>, %arg8: memref<128x128xf32, #tpu.memory_space<vmem>>, %arg9: memref<!tpu.dma_semaphore, #tpu.memory_space<semaphore_mem>>, %arg10: memref<!tpu.dma_semaphore, #tpu.memory_space<semaphore_mem>>) attributes {dimension_semantics = [#tpu.dimension_semantics<core_parallel>, #tpu.dimension_semantics<subcore_parallel>], iteration_bounds = array<i64: 2, 16>, scalar_prefetch = 0 : i64, scratch_operands = 5 : i64, tpu.core_type = #tpu.core_type<sc_vector_subcore>, window_params = [{transform_indices = #map}, {transform_indices = #map}, {transform_indices = #map}, {transform_indices = #map1}]} {
    %mul3A = arith.constant 632 : i32
    %mul3A_0 = arith.muli %arg1, %mul3A : i32
    %mul3A_1 = arith.constant 632 : i32
    %mul3A_2 = arith.muli %arg1, %mul3A_1 : i32
    "tpu.region"() ({
      %run_scoped3A = tpu.sem_alloc : memref<!tpu.dma_semaphore, #tpu.memory_space<semaphore_mem>>
      %dma_start3A = arith.constant 0 : i32
      %dma_start3A_26 = tpu.memref_slice %arg6[%mul3A_2, %dma_start3A] : memref<10112x128xf32, #tpu.memory_space<vmem_shared>> -> memref<632x128xf32, #tpu.memory_space<vmem_shared>>
      %dma_start3A_27 = arith.constant 0 : i32
      %dma_start3A_28 = tpu.memref_slice %arg3[%mul3A_0, %dma_start3A_27] : memref<10112x128xf32, #tpu.memory_space<hbm>> -> memref<632x128xf32, #tpu.memory_space<hbm>>
      tpu.enqueue_dma source(%dma_start3A_28 : memref<632x128xf32, #tpu.memory_space<hbm>>) target(%dma_start3A_26 : memref<632x128xf32, #tpu.memory_space<vmem_shared>>) target_semaphore(%run_scoped3A : memref<!tpu.dma_semaphore, #tpu.memory_space<semaphore_mem>>)
      %dma_wait3A = arith.constant 0 : i32
      %dma_wait3A_29 = tpu.memref_slice %arg6[%mul3A_2, %dma_wait3A] : memref<10112x128xf32, #tpu.memory_space<vmem_shared>> -> memref<632x128xf32, #tpu.memory_space<vmem_shared>>
      %dma_wait3A_30 = arith.constant 0 : i32
      %dma_wait3A_31 = tpu.memref_slice %arg3[%mul3A_0, %dma_wait3A_30] : memref<10112x128xf32, #tpu.memory_space<hbm>> -> memref<632x128xf32, #tpu.memory_space<hbm>>
      tpu.wait_dma2 semaphore(%run_scoped3A : memref<!tpu.dma_semaphore, #tpu.memory_space<semaphore_mem>>) src(%dma_wait3A_31 : memref<632x128xf32, #tpu.memory_space<hbm>>) dst(%dma_wait3A_29 : memref<632x128xf32, #tpu.memory_space<vmem_shared>>)
      tpu.yield
    }) : () -> ()
    "tpu.region"() ({
      %run_scoped3A = tpu.sem_alloc : memref<!tpu.dma_semaphore, #tpu.memory_space<semaphore_mem>>
      tpu.enqueue_dma source(%arg4 : memref<128x128xf32, #tpu.memory_space<hbm>>) target(%arg8 : memref<128x128xf32, #tpu.memory_space<vmem>>) target_semaphore(%run_scoped3A : memref<!tpu.dma_semaphore, #tpu.memory_space<semaphore_mem>>)
      tpu.wait_dma2 semaphore(%run_scoped3A : memref<!tpu.dma_semaphore, #tpu.memory_space<semaphore_mem>>) src(%arg4 : memref<128x128xf32, #tpu.memory_space<hbm>>) dst(%arg8 : memref<128x128xf32, #tpu.memory_space<vmem>>)
      tpu.yield
    }) : () -> ()
    %barrier3A = arith.constant 0 : index
    tpu.barrier barrier_id(%barrier3A)
    %eq3A = arith.constant 0 : i32
    %eq3A_3 = arith.cmpi eq, %arg0, %eq3A : i32
    %jit3A = arith.constant 3 : i32
    %jit3A_4 = arith.constant 1 : i32
    %select_n3A = arith.select %eq3A_3, %jit3A, %jit3A_4 : i32
    %mul3A_5 = arith.constant 160 : i32
    %mul3A_6 = arith.muli %arg1, %mul3A_5 : i32
    %eq3A_7 = arith.constant 0 : i32
    %eq3A_8 = arith.cmpi eq, %arg0, %eq3A_7 : i32
    %jit3A_9 = arith.constant 0 : i32
    %jit3A_10 = arith.constant 120 : i32
    %select_n3A_11 = arith.select %eq3A_8, %jit3A_9, %jit3A_10 : i32
    %add3A = arith.addi %mul3A_6, %select_n3A_11 : i32
    %while3A = arith.constant 0 : i32
    %while3A_12 = arith.constant 0 : i32
    %while3A_13 = arith.subi %select_n3A, %while3A_12 : i32
    %while3A_14 = arith.addi %while3A_12, %while3A_13 : i32
    %while3A_15 = arith.constant 1 : i32
    %while3A_16 = arith.divsi %while3A_13, %while3A_15 : i32
    %while3A_17 = arith.muli %while3A_16, %while3A_15 : i32
    %while3A_18 = arith.addi %while3A_12, %while3A_17 : i32
    %while3A_19 = arith.constant 1 : i32
    scf.for %while3A_26 = %while3A_12 to %while3A_18 step %while3A_19  : i32 {
      %mul3A_27 = arith.constant 40 : i32
      %mul3A_28 = arith.muli %while3A_26, %mul3A_27 : i32
      %add3A_29 = arith.addi %add3A, %mul3A_28 : i32
      "tpu.region"() ({
        %run_scoped3A = tpu.sem_alloc : memref<!tpu.dma_semaphore, #tpu.memory_space<semaphore_mem>>
        %dma_start3A = arith.constant 0 : i32
        %dma_start3A_35 = tpu.memref_slice %arg2[%add3A_29, %dma_start3A] : memref<2560x128xi32, #tpu.memory_space<hbm>> -> memref<40x128xi32, #tpu.memory_space<hbm>>
        %dma_start3A_36 = arith.constant 0 : i32
        %dma_start3A_37 = tpu.memref_slice %arg2[%add3A_29, %dma_start3A_36] : memref<2560x128xi32, #tpu.memory_space<hbm>> -> memref<40x128xi32, #tpu.memory_space<hbm>>
        tpu.enqueue_dma source(%dma_start3A_37 : memref<40x128xi32, #tpu.memory_space<hbm>>) target(%arg7 : memref<40x128xi32, #tpu.memory_space<vmem>>) target_semaphore(%run_scoped3A : memref<!tpu.dma_semaphore, #tpu.memory_space<semaphore_mem>>)
        %dma_wait3A = arith.constant 0 : i32
        %dma_wait3A_38 = tpu.memref_slice %arg2[%add3A_29, %dma_wait3A] : memref<2560x128xi32, #tpu.memory_space<hbm>> -> memref<40x128xi32, #tpu.memory_space<hbm>>
        %dma_wait3A_39 = arith.constant 0 : i32
        %dma_wait3A_40 = tpu.memref_slice %arg2[%add3A_29, %dma_wait3A_39] : memref<2560x128xi32, #tpu.memory_space<hbm>> -> memref<40x128xi32, #tpu.memory_space<hbm>>
        tpu.wait_dma2 semaphore(%run_scoped3A : memref<!tpu.dma_semaphore, #tpu.memory_space<semaphore_mem>>) src(%dma_wait3A_40 : memref<40x128xi32, #tpu.memory_space<hbm>>) dst(%arg7 : memref<40x128xi32, #tpu.memory_space<vmem>>)
        tpu.yield
      }) : () -> ()
      %scan3A = arith.constant 0 : i32
      %scan3A_30 = arith.constant 0 : i32
      %scan3A_31 = arith.constant 20 : i32
      %scan3A_32 = arith.addi %scan3A_30, %scan3A_31 : i32
      %scan3A_33 = arith.constant 1 : i32
      scf.for %scan3A_35 = %scan3A_30 to %scan3A_32 step %scan3A_33  : i32 {
        %mul3A_36 = arith.constant 2 : i32
        %mul3A_37 = arith.muli %scan3A_35, %mul3A_36 : i32
        %add3A_38 = arith.constant 0 : i32
        %add3A_39 = arith.addi %mul3A_37, %add3A_38 : i32
        %dma_start3A = arith.constant 0 : i32
        %dma_start3A_40 = tpu.memref_slice %arg7[%add3A_39, %dma_start3A] : memref<40x128xi32, #tpu.memory_space<vmem>> -> memref<1x128xi32, #tpu.memory_space<vmem>>
        %dma_start3A_41 = tpu.memref_squeeze %dma_start3A_40 : memref<1x128xi32, #tpu.memory_space<vmem>> -> memref<128xi32, #tpu.memory_space<vmem>>
        %dma_start3A_42 = arith.constant 0 : i32
        %dma_start3A_43 = arith.constant 0 : i32
        %dma_start3A_44 = tpu.memref_slice %arg6[%dma_start3A_42, %dma_start3A_43] : memref<10112x128xf32, #tpu.memory_space<vmem_shared>> -> memref<10112x128xf32, #tpu.memory_space<vmem_shared>>
        tpu.enqueue_indirect_dma source(%arg8 : memref<128x128xf32, #tpu.memory_space<vmem>>) target(%dma_start3A_44 : memref<10112x128xf32, #tpu.memory_space<vmem_shared>>) offsets(%dma_start3A_41 : memref<128xi32, #tpu.memory_space<vmem>>) semaphore(%arg9 : memref<!tpu.dma_semaphore, #tpu.memory_space<semaphore_mem>>) {add = true}
        %mul3A_45 = arith.constant 2 : i32
        %mul3A_46 = arith.muli %scan3A_35, %mul3A_45 : i32
        %add3A_47 = arith.constant 1 : i32
        %add3A_48 = arith.addi %mul3A_46, %add3A_47 : i32
        %dma_start3A_49 = arith.constant 0 : i32
        %dma_start3A_50 = tpu.memref_slice %arg7[%add3A_48, %dma_start3A_49] : memref<40x128xi32, #tpu.memory_space<vmem>> -> memref<1x128xi32, #tpu.memory_space<vmem>>
        %dma_start3A_51 = tpu.memref_squeeze %dma_start3A_50 : memref<1x128xi32, #tpu.memory_space<vmem>> -> memref<128xi32, #tpu.memory_space<vmem>>
        %dma_start3A_52 = arith.constant 0 : i32
        %dma_start3A_53 = arith.constant 0 : i32
        %dma_start3A_54 = tpu.memref_slice %arg6[%dma_start3A_52, %dma_start3A_53] : memref<10112x128xf32, #tpu.memory_space<vmem_shared>> -> memref<10112x128xf32, #tpu.memory_space<vmem_shared>>
        tpu.enqueue_indirect_dma source(%arg8 : memref<128x128xf32, #tpu.memory_space<vmem>>) target(%dma_start3A_54 : memref<10112x128xf32, #tpu.memory_space<vmem_shared>>) offsets(%dma_start3A_51 : memref<128xi32, #tpu.memory_space<vmem>>) semaphore(%arg10 : memref<!tpu.dma_semaphore, #tpu.memory_space<semaphore_mem>>) {add = true}
        %dma_wait3A = arith.constant 0 : i32
        %dma_wait3A_55 = tpu.memref_slice %arg7[%add3A_39, %dma_wait3A] : memref<40x128xi32, #tpu.memory_space<vmem>> -> memref<1x128xi32, #tpu.memory_space<vmem>>
        %dma_wait3A_56 = tpu.memref_squeeze %dma_wait3A_55 : memref<1x128xi32, #tpu.memory_space<vmem>> -> memref<128xi32, #tpu.memory_space<vmem>>
        %dma_wait3A_57 = arith.constant 0 : i32
        %dma_wait3A_58 = arith.constant 0 : i32
        %dma_wait3A_59 = tpu.memref_slice %arg6[%dma_wait3A_57, %dma_wait3A_58] : memref<10112x128xf32, #tpu.memory_space<vmem_shared>> -> memref<10112x128xf32, #tpu.memory_space<vmem_shared>>
        tpu.wait_indirect_dma semaphore(%arg9 : memref<!tpu.dma_semaphore, #tpu.memory_space<semaphore_mem>>) src(%arg8 : memref<128x128xf32, #tpu.memory_space<vmem>>) dst(%dma_wait3A_59 : memref<10112x128xf32, #tpu.memory_space<vmem_shared>>)
        %dma_wait3A_60 = arith.constant 0 : i32
        %dma_wait3A_61 = tpu.memref_slice %arg7[%add3A_48, %dma_wait3A_60] : memref<40x128xi32, #tpu.memory_space<vmem>> -> memref<1x128xi32, #tpu.memory_space<vmem>>
        %dma_wait3A_62 = tpu.memref_squeeze %dma_wait3A_61 : memref<1x128xi32, #tpu.memory_space<vmem>> -> memref<128xi32, #tpu.memory_space<vmem>>
        %dma_wait3A_63 = arith.constant 0 : i32
        %dma_wait3A_64 = arith.constant 0 : i32
        %dma_wait3A_65 = tpu.memref_slice %arg6[%dma_wait3A_63, %dma_wait3A_64] : memref<10112x128xf32, #tpu.memory_space<vmem_shared>> -> memref<10112x128xf32, #tpu.memory_space<vmem_shared>>
        tpu.wait_indirect_dma semaphore(%arg10 : memref<!tpu.dma_semaphore, #tpu.memory_space<semaphore_mem>>) src(%arg8 : memref<128x128xf32, #tpu.memory_space<vmem>>) dst(%dma_wait3A_65 : memref<10112x128xf32, #tpu.memory_space<vmem_shared>>)
      }
      %scan3A_34 = arith.constant 20 : i32
    }
    %while3A_20 = arith.constant 1 : i32
    scf.for %while3A_26 = %while3A_18 to %while3A_14 step %while3A_20  : i32 {
      %mul3A_27 = arith.constant 40 : i32
      %mul3A_28 = arith.muli %while3A_26, %mul3A_27 : i32
      %add3A_29 = arith.addi %add3A, %mul3A_28 : i32
      "tpu.region"() ({
        %run_scoped3A = tpu.sem_alloc : memref<!tpu.dma_semaphore, #tpu.memory_space<semaphore_mem>>
        %dma_start3A = arith.constant 0 : i32
        %dma_start3A_35 = tpu.memref_slice %arg2[%add3A_29, %dma_start3A] : memref<2560x128xi32, #tpu.memory_space<hbm>> -> memref<40x128xi32, #tpu.memory_space<hbm>>
        %dma_start3A_36 = arith.constant 0 : i32
        %dma_start3A_37 = tpu.memref_slice %arg2[%add3A_29, %dma_start3A_36] : memref<2560x128xi32, #tpu.memory_space<hbm>> -> memref<40x128xi32, #tpu.memory_space<hbm>>
        tpu.enqueue_dma source(%dma_start3A_37 : memref<40x128xi32, #tpu.memory_space<hbm>>) target(%arg7 : memref<40x128xi32, #tpu.memory_space<vmem>>) target_semaphore(%run_scoped3A : memref<!tpu.dma_semaphore, #tpu.memory_space<semaphore_mem>>)
        %dma_wait3A = arith.constant 0 : i32
        %dma_wait3A_38 = tpu.memref_slice %arg2[%add3A_29, %dma_wait3A] : memref<2560x128xi32, #tpu.memory_space<hbm>> -> memref<40x128xi32, #tpu.memory_space<hbm>>
        %dma_wait3A_39 = arith.constant 0 : i32
        %dma_wait3A_40 = tpu.memref_slice %arg2[%add3A_29, %dma_wait3A_39] : memref<2560x128xi32, #tpu.memory_space<hbm>> -> memref<40x128xi32, #tpu.memory_space<hbm>>
        tpu.wait_dma2 semaphore(%run_scoped3A : memref<!tpu.dma_semaphore, #tpu.memory_space<semaphore_mem>>) src(%dma_wait3A_40 : memref<40x128xi32, #tpu.memory_space<hbm>>) dst(%arg7 : memref<40x128xi32, #tpu.memory_space<vmem>>)
        tpu.yield
      }) : () -> ()
      %scan3A = arith.constant 0 : i32
      %scan3A_30 = arith.constant 0 : i32
      %scan3A_31 = arith.constant 20 : i32
      %scan3A_32 = arith.addi %scan3A_30, %scan3A_31 : i32
      %scan3A_33 = arith.constant 1 : i32
      scf.for %scan3A_35 = %scan3A_30 to %scan3A_32 step %scan3A_33  : i32 {
        %mul3A_36 = arith.constant 2 : i32
        %mul3A_37 = arith.muli %scan3A_35, %mul3A_36 : i32
        %add3A_38 = arith.constant 0 : i32
        %add3A_39 = arith.addi %mul3A_37, %add3A_38 : i32
        %dma_start3A = arith.constant 0 : i32
        %dma_start3A_40 = tpu.memref_slice %arg7[%add3A_39, %dma_start3A] : memref<40x128xi32, #tpu.memory_space<vmem>> -> memref<1x128xi32, #tpu.memory_space<vmem>>
        %dma_start3A_41 = tpu.memref_squeeze %dma_start3A_40 : memref<1x128xi32, #tpu.memory_space<vmem>> -> memref<128xi32, #tpu.memory_space<vmem>>
        %dma_start3A_42 = arith.constant 0 : i32
        %dma_start3A_43 = arith.constant 0 : i32
        %dma_start3A_44 = tpu.memref_slice %arg6[%dma_start3A_42, %dma_start3A_43] : memref<10112x128xf32, #tpu.memory_space<vmem_shared>> -> memref<10112x128xf32, #tpu.memory_space<vmem_shared>>
        tpu.enqueue_indirect_dma source(%arg8 : memref<128x128xf32, #tpu.memory_space<vmem>>) target(%dma_start3A_44 : memref<10112x128xf32, #tpu.memory_space<vmem_shared>>) offsets(%dma_start3A_41 : memref<128xi32, #tpu.memory_space<vmem>>) semaphore(%arg9 : memref<!tpu.dma_semaphore, #tpu.memory_space<semaphore_mem>>) {add = true}
        %mul3A_45 = arith.constant 2 : i32
        %mul3A_46 = arith.muli %scan3A_35, %mul3A_45 : i32
        %add3A_47 = arith.constant 1 : i32
        %add3A_48 = arith.addi %mul3A_46, %add3A_47 : i32
        %dma_start3A_49 = arith.constant 0 : i32
        %dma_start3A_50 = tpu.memref_slice %arg7[%add3A_48, %dma_start3A_49] : memref<40x128xi32, #tpu.memory_space<vmem>> -> memref<1x128xi32, #tpu.memory_space<vmem>>
        %dma_start3A_51 = tpu.memref_squeeze %dma_start3A_50 : memref<1x128xi32, #tpu.memory_space<vmem>> -> memref<128xi32, #tpu.memory_space<vmem>>
        %dma_start3A_52 = arith.constant 0 : i32
        %dma_start3A_53 = arith.constant 0 : i32
        %dma_start3A_54 = tpu.memref_slice %arg6[%dma_start3A_52, %dma_start3A_53] : memref<10112x128xf32, #tpu.memory_space<vmem_shared>> -> memref<10112x128xf32, #tpu.memory_space<vmem_shared>>
        tpu.enqueue_indirect_dma source(%arg8 : memref<128x128xf32, #tpu.memory_space<vmem>>) target(%dma_start3A_54 : memref<10112x128xf32, #tpu.memory_space<vmem_shared>>) offsets(%dma_start3A_51 : memref<128xi32, #tpu.memory_space<vmem>>) semaphore(%arg10 : memref<!tpu.dma_semaphore, #tpu.memory_space<semaphore_mem>>) {add = true}
        %dma_wait3A = arith.constant 0 : i32
        %dma_wait3A_55 = tpu.memref_slice %arg7[%add3A_39, %dma_wait3A] : memref<40x128xi32, #tpu.memory_space<vmem>> -> memref<1x128xi32, #tpu.memory_space<vmem>>
        %dma_wait3A_56 = tpu.memref_squeeze %dma_wait3A_55 : memref<1x128xi32, #tpu.memory_space<vmem>> -> memref<128xi32, #tpu.memory_space<vmem>>
        %dma_wait3A_57 = arith.constant 0 : i32
        %dma_wait3A_58 = arith.constant 0 : i32
        %dma_wait3A_59 = tpu.memref_slice %arg6[%dma_wait3A_57, %dma_wait3A_58] : memref<10112x128xf32, #tpu.memory_space<vmem_shared>> -> memref<10112x128xf32, #tpu.memory_space<vmem_shared>>
        tpu.wait_indirect_dma semaphore(%arg9 : memref<!tpu.dma_semaphore, #tpu.memory_space<semaphore_mem>>) src(%arg8 : memref<128x128xf32, #tpu.memory_space<vmem>>) dst(%dma_wait3A_59 : memref<10112x128xf32, #tpu.memory_space<vmem_shared>>)
        %dma_wait3A_60 = arith.constant 0 : i32
        %dma_wait3A_61 = tpu.memref_slice %arg7[%add3A_48, %dma_wait3A_60] : memref<40x128xi32, #tpu.memory_space<vmem>> -> memref<1x128xi32, #tpu.memory_space<vmem>>
        %dma_wait3A_62 = tpu.memref_squeeze %dma_wait3A_61 : memref<1x128xi32, #tpu.memory_space<vmem>> -> memref<128xi32, #tpu.memory_space<vmem>>
        %dma_wait3A_63 = arith.constant 0 : i32
        %dma_wait3A_64 = arith.constant 0 : i32
        %dma_wait3A_65 = tpu.memref_slice %arg6[%dma_wait3A_63, %dma_wait3A_64] : memref<10112x128xf32, #tpu.memory_space<vmem_shared>> -> memref<10112x128xf32, #tpu.memory_space<vmem_shared>>
        tpu.wait_indirect_dma semaphore(%arg10 : memref<!tpu.dma_semaphore, #tpu.memory_space<semaphore_mem>>) src(%arg8 : memref<128x128xf32, #tpu.memory_space<vmem>>) dst(%dma_wait3A_65 : memref<10112x128xf32, #tpu.memory_space<vmem_shared>>)
      }
      %scan3A_34 = arith.constant 20 : i32
    }
    %barrier3A_21 = arith.constant 0 : index
    tpu.barrier barrier_id(%barrier3A_21)
    %mul3A_22 = arith.constant 632 : i32
    %mul3A_23 = arith.muli %arg1, %mul3A_22 : i32
    %mul3A_24 = arith.constant 632 : i32
    %mul3A_25 = arith.muli %arg1, %mul3A_24 : i32
    "tpu.region"() ({
      %run_scoped3A = tpu.sem_alloc : memref<!tpu.dma_semaphore, #tpu.memory_space<semaphore_mem>>
      %dma_start3A = arith.constant 0 : i32
      %dma_start3A_26 = arith.constant 0 : i32
      %dma_start3A_27 = tpu.memref_slice %arg5[%arg0, %dma_start3A, %dma_start3A_26] : memref<2x10112x128xf32, #tpu.memory_space<hbm>> -> memref<1x10112x128xf32, #tpu.memory_space<hbm>>
      %dma_start3A_28 = tpu.memref_squeeze %dma_start3A_27 : memref<1x10112x128xf32, #tpu.memory_space<hbm>> -> memref<10112x128xf32, #tpu.memory_space<hbm>>
      %dma_start3A_29 = arith.constant 0 : i32
      %dma_start3A_30 = tpu.memref_slice %dma_start3A_28[%mul3A_25, %dma_start3A_29] : memref<10112x128xf32, #tpu.memory_space<hbm>> -> memref<632x128xf32, #tpu.memory_space<hbm>>
      %dma_start3A_31 = arith.constant 0 : i32
      %dma_start3A_32 = tpu.memref_slice %arg6[%mul3A_23, %dma_start3A_31] : memref<10112x128xf32, #tpu.memory_space<vmem_shared>> -> memref<632x128xf32, #tpu.memory_space<vmem_shared>>
      tpu.enqueue_dma source(%dma_start3A_32 : memref<632x128xf32, #tpu.memory_space<vmem_shared>>) target(%dma_start3A_30 : memref<632x128xf32, #tpu.memory_space<hbm>>) target_semaphore(%run_scoped3A : memref<!tpu.dma_semaphore, #tpu.memory_space<semaphore_mem>>)
      %dma_wait3A = arith.constant 0 : i32
      %dma_wait3A_33 = arith.constant 0 : i32
      %dma_wait3A_34 = tpu.memref_slice %arg5[%arg0, %dma_wait3A, %dma_wait3A_33] : memref<2x10112x128xf32, #tpu.memory_space<hbm>> -> memref<1x10112x128xf32, #tpu.memory_space<hbm>>
      %dma_wait3A_35 = tpu.memref_squeeze %dma_wait3A_34 : memref<1x10112x128xf32, #tpu.memory_space<hbm>> -> memref<10112x128xf32, #tpu.memory_space<hbm>>
      %dma_wait3A_36 = arith.constant 0 : i32
      %dma_wait3A_37 = tpu.memref_slice %dma_wait3A_35[%mul3A_25, %dma_wait3A_36] : memref<10112x128xf32, #tpu.memory_space<hbm>> -> memref<632x128xf32, #tpu.memory_space<hbm>>
      %dma_wait3A_38 = arith.constant 0 : i32
      %dma_wait3A_39 = tpu.memref_slice %arg6[%mul3A_23, %dma_wait3A_38] : memref<10112x128xf32, #tpu.memory_space<vmem_shared>> -> memref<632x128xf32, #tpu.memory_space<vmem_shared>>
      tpu.wait_dma2 semaphore(%run_scoped3A : memref<!tpu.dma_semaphore, #tpu.memory_space<semaphore_mem>>) src(%dma_wait3A_39 : memref<632x128xf32, #tpu.memory_space<vmem_shared>>) dst(%dma_wait3A_37 : memref<632x128xf32, #tpu.memory_space<hbm>>)
      tpu.yield
    }) : () -> ()
    return
  }
}

#map = affine_map<(d0, d1) -> (0, 0)>
#map1 = affine_map<(d0, d1) -> (0, 0, 0)>
module attributes {stable_mosaic.version = 14 : i64} {
  func.func @_agg_body(%arg0: i32, %arg1: i32, %arg2: memref<10016x128xf32, #tpu.memory_space<hbm>>, %arg3: memref<2560x128xi32, #tpu.memory_space<hbm>>, %arg4: memref<2560x128xi32, #tpu.memory_space<hbm>>, %arg5: memref<10112x128xf32, #tpu.memory_space<hbm>>, %arg6: memref<2x10112x128xf32, #tpu.memory_space<hbm>>, %arg7: memref<10112x128xf32, #tpu.memory_space<vmem_shared>>, %arg8: memref<40x128xi32, #tpu.memory_space<vmem>>, %arg9: memref<40x128xi32, #tpu.memory_space<vmem>>, %arg10: memref<128x128xf32, #tpu.memory_space<vmem>>, %arg11: memref<128x128xf32, #tpu.memory_space<vmem>>, %arg12: memref<!tpu.dma_semaphore, #tpu.memory_space<semaphore_mem>>, %arg13: memref<!tpu.dma_semaphore, #tpu.memory_space<semaphore_mem>>, %arg14: memref<!tpu.dma_semaphore, #tpu.memory_space<semaphore_mem>>, %arg15: memref<!tpu.dma_semaphore, #tpu.memory_space<semaphore_mem>>) attributes {dimension_semantics = [#tpu.dimension_semantics<core_parallel>, #tpu.dimension_semantics<subcore_parallel>], iteration_bounds = array<i64: 2, 16>, scalar_prefetch = 0 : i64, scratch_operands = 9 : i64, tpu.core_type = #tpu.core_type<sc_vector_subcore>, window_params = [{transform_indices = #map}, {transform_indices = #map}, {transform_indices = #map}, {transform_indices = #map}, {transform_indices = #map1}]} {
    %mul3A = arith.constant 632 : i32
    %mul3A_0 = arith.muli %arg1, %mul3A : i32
    %mul3A_1 = arith.constant 632 : i32
    %mul3A_2 = arith.muli %arg1, %mul3A_1 : i32
    "tpu.region"() ({
      %run_scoped3A = tpu.sem_alloc : memref<!tpu.dma_semaphore, #tpu.memory_space<semaphore_mem>>
      %dma_start3A = arith.constant 0 : i32
      %dma_start3A_26 = tpu.memref_slice %arg7[%mul3A_2, %dma_start3A] : memref<10112x128xf32, #tpu.memory_space<vmem_shared>> -> memref<632x128xf32, #tpu.memory_space<vmem_shared>>
      %dma_start3A_27 = arith.constant 0 : i32
      %dma_start3A_28 = tpu.memref_slice %arg5[%mul3A_0, %dma_start3A_27] : memref<10112x128xf32, #tpu.memory_space<hbm>> -> memref<632x128xf32, #tpu.memory_space<hbm>>
      tpu.enqueue_dma source(%dma_start3A_28 : memref<632x128xf32, #tpu.memory_space<hbm>>) target(%dma_start3A_26 : memref<632x128xf32, #tpu.memory_space<vmem_shared>>) target_semaphore(%run_scoped3A : memref<!tpu.dma_semaphore, #tpu.memory_space<semaphore_mem>>)
      %dma_wait3A = arith.constant 0 : i32
      %dma_wait3A_29 = tpu.memref_slice %arg7[%mul3A_2, %dma_wait3A] : memref<10112x128xf32, #tpu.memory_space<vmem_shared>> -> memref<632x128xf32, #tpu.memory_space<vmem_shared>>
      %dma_wait3A_30 = arith.constant 0 : i32
      %dma_wait3A_31 = tpu.memref_slice %arg5[%mul3A_0, %dma_wait3A_30] : memref<10112x128xf32, #tpu.memory_space<hbm>> -> memref<632x128xf32, #tpu.memory_space<hbm>>
      tpu.wait_dma2 semaphore(%run_scoped3A : memref<!tpu.dma_semaphore, #tpu.memory_space<semaphore_mem>>) src(%dma_wait3A_31 : memref<632x128xf32, #tpu.memory_space<hbm>>) dst(%dma_wait3A_29 : memref<632x128xf32, #tpu.memory_space<vmem_shared>>)
      tpu.yield
    }) : () -> ()
    %barrier3A = arith.constant 0 : index
    tpu.barrier barrier_id(%barrier3A)
    %eq3A = arith.constant 0 : i32
    %eq3A_3 = arith.cmpi eq, %arg0, %eq3A : i32
    %jit3A = arith.constant 3 : i32
    %jit3A_4 = arith.constant 1 : i32
    %select_n3A = arith.select %eq3A_3, %jit3A, %jit3A_4 : i32
    %mul3A_5 = arith.constant 160 : i32
    %mul3A_6 = arith.muli %arg1, %mul3A_5 : i32
    %eq3A_7 = arith.constant 0 : i32
    %eq3A_8 = arith.cmpi eq, %arg0, %eq3A_7 : i32
    %jit3A_9 = arith.constant 0 : i32
    %jit3A_10 = arith.constant 120 : i32
    %select_n3A_11 = arith.select %eq3A_8, %jit3A_9, %jit3A_10 : i32
    %add3A = arith.addi %mul3A_6, %select_n3A_11 : i32
    %while3A = arith.constant 0 : i32
    %while3A_12 = arith.constant 0 : i32
    %while3A_13 = arith.subi %select_n3A, %while3A_12 : i32
    %while3A_14 = arith.addi %while3A_12, %while3A_13 : i32
    %while3A_15 = arith.constant 1 : i32
    %while3A_16 = arith.divsi %while3A_13, %while3A_15 : i32
    %while3A_17 = arith.muli %while3A_16, %while3A_15 : i32
    %while3A_18 = arith.addi %while3A_12, %while3A_17 : i32
    %while3A_19 = arith.constant 1 : i32
    scf.for %while3A_26 = %while3A_12 to %while3A_18 step %while3A_19  : i32 {
      %mul3A_27 = arith.constant 40 : i32
      %mul3A_28 = arith.muli %while3A_26, %mul3A_27 : i32
      %add3A_29 = arith.addi %add3A, %mul3A_28 : i32
      "tpu.region"() ({
        %run_scoped3A = tpu.sem_alloc : memref<!tpu.dma_semaphore, #tpu.memory_space<semaphore_mem>>
        %dma_start3A = arith.constant 0 : i32
        %dma_start3A_35 = tpu.memref_slice %arg3[%add3A_29, %dma_start3A] : memref<2560x128xi32, #tpu.memory_space<hbm>> -> memref<40x128xi32, #tpu.memory_space<hbm>>
        %dma_start3A_36 = arith.constant 0 : i32
        %dma_start3A_37 = tpu.memref_slice %arg3[%add3A_29, %dma_start3A_36] : memref<2560x128xi32, #tpu.memory_space<hbm>> -> memref<40x128xi32, #tpu.memory_space<hbm>>
        tpu.enqueue_dma source(%dma_start3A_37 : memref<40x128xi32, #tpu.memory_space<hbm>>) target(%arg8 : memref<40x128xi32, #tpu.memory_space<vmem>>) target_semaphore(%run_scoped3A : memref<!tpu.dma_semaphore, #tpu.memory_space<semaphore_mem>>)
        %dma_wait3A = arith.constant 0 : i32
        %dma_wait3A_38 = tpu.memref_slice %arg3[%add3A_29, %dma_wait3A] : memref<2560x128xi32, #tpu.memory_space<hbm>> -> memref<40x128xi32, #tpu.memory_space<hbm>>
        %dma_wait3A_39 = arith.constant 0 : i32
        %dma_wait3A_40 = tpu.memref_slice %arg3[%add3A_29, %dma_wait3A_39] : memref<2560x128xi32, #tpu.memory_space<hbm>> -> memref<40x128xi32, #tpu.memory_space<hbm>>
        tpu.wait_dma2 semaphore(%run_scoped3A : memref<!tpu.dma_semaphore, #tpu.memory_space<semaphore_mem>>) src(%dma_wait3A_40 : memref<40x128xi32, #tpu.memory_space<hbm>>) dst(%arg8 : memref<40x128xi32, #tpu.memory_space<vmem>>)
        tpu.yield
      }) : () -> ()
      "tpu.region"() ({
        %run_scoped3A = tpu.sem_alloc : memref<!tpu.dma_semaphore, #tpu.memory_space<semaphore_mem>>
        %dma_start3A = arith.constant 0 : i32
        %dma_start3A_35 = tpu.memref_slice %arg4[%add3A_29, %dma_start3A] : memref<2560x128xi32, #tpu.memory_space<hbm>> -> memref<40x128xi32, #tpu.memory_space<hbm>>
        %dma_start3A_36 = arith.constant 0 : i32
        %dma_start3A_37 = tpu.memref_slice %arg4[%add3A_29, %dma_start3A_36] : memref<2560x128xi32, #tpu.memory_space<hbm>> -> memref<40x128xi32, #tpu.memory_space<hbm>>
        tpu.enqueue_dma source(%dma_start3A_37 : memref<40x128xi32, #tpu.memory_space<hbm>>) target(%arg9 : memref<40x128xi32, #tpu.memory_space<vmem>>) target_semaphore(%run_scoped3A : memref<!tpu.dma_semaphore, #tpu.memory_space<semaphore_mem>>)
        %dma_wait3A = arith.constant 0 : i32
        %dma_wait3A_38 = tpu.memref_slice %arg4[%add3A_29, %dma_wait3A] : memref<2560x128xi32, #tpu.memory_space<hbm>> -> memref<40x128xi32, #tpu.memory_space<hbm>>
        %dma_wait3A_39 = arith.constant 0 : i32
        %dma_wait3A_40 = tpu.memref_slice %arg4[%add3A_29, %dma_wait3A_39] : memref<2560x128xi32, #tpu.memory_space<hbm>> -> memref<40x128xi32, #tpu.memory_space<hbm>>
        tpu.wait_dma2 semaphore(%run_scoped3A : memref<!tpu.dma_semaphore, #tpu.memory_space<semaphore_mem>>) src(%dma_wait3A_40 : memref<40x128xi32, #tpu.memory_space<hbm>>) dst(%arg9 : memref<40x128xi32, #tpu.memory_space<vmem>>)
        tpu.yield
      }) : () -> ()
      %scan3A = arith.constant 0 : i32
      %scan3A_30 = arith.constant 0 : i32
      %scan3A_31 = arith.constant 20 : i32
      %scan3A_32 = arith.addi %scan3A_30, %scan3A_31 : i32
      %scan3A_33 = arith.constant 1 : i32
      scf.for %scan3A_35 = %scan3A_30 to %scan3A_32 step %scan3A_33  : i32 {
        %mul3A_36 = arith.constant 2 : i32
        %mul3A_37 = arith.muli %scan3A_35, %mul3A_36 : i32
        %add3A_38 = arith.constant 0 : i32
        %add3A_39 = arith.addi %mul3A_37, %add3A_38 : i32
        %dma_start3A = arith.constant 0 : i32
        %dma_start3A_40 = tpu.memref_slice %arg8[%add3A_39, %dma_start3A] : memref<40x128xi32, #tpu.memory_space<vmem>> -> memref<1x128xi32, #tpu.memory_space<vmem>>
        %dma_start3A_41 = tpu.memref_squeeze %dma_start3A_40 : memref<1x128xi32, #tpu.memory_space<vmem>> -> memref<128xi32, #tpu.memory_space<vmem>>
        %dma_start3A_42 = arith.constant 0 : i32
        %dma_start3A_43 = arith.constant 0 : i32
        %dma_start3A_44 = tpu.memref_slice %arg2[%dma_start3A_42, %dma_start3A_43] : memref<10016x128xf32, #tpu.memory_space<hbm>> -> memref<10016x128xf32, #tpu.memory_space<hbm>>
        tpu.enqueue_indirect_dma source(%dma_start3A_44 : memref<10016x128xf32, #tpu.memory_space<hbm>>) target(%arg10 : memref<128x128xf32, #tpu.memory_space<vmem>>) offsets(%dma_start3A_41 : memref<128xi32, #tpu.memory_space<vmem>>) semaphore(%arg12 : memref<!tpu.dma_semaphore, #tpu.memory_space<semaphore_mem>>)
        %mul3A_45 = arith.constant 2 : i32
        %mul3A_46 = arith.muli %scan3A_35, %mul3A_45 : i32
        %add3A_47 = arith.constant 1 : i32
        %add3A_48 = arith.addi %mul3A_46, %add3A_47 : i32
        %dma_start3A_49 = arith.constant 0 : i32
        %dma_start3A_50 = tpu.memref_slice %arg8[%add3A_48, %dma_start3A_49] : memref<40x128xi32, #tpu.memory_space<vmem>> -> memref<1x128xi32, #tpu.memory_space<vmem>>
        %dma_start3A_51 = tpu.memref_squeeze %dma_start3A_50 : memref<1x128xi32, #tpu.memory_space<vmem>> -> memref<128xi32, #tpu.memory_space<vmem>>
        %dma_start3A_52 = arith.constant 0 : i32
        %dma_start3A_53 = arith.constant 0 : i32
        %dma_start3A_54 = tpu.memref_slice %arg2[%dma_start3A_52, %dma_start3A_53] : memref<10016x128xf32, #tpu.memory_space<hbm>> -> memref<10016x128xf32, #tpu.memory_space<hbm>>
        tpu.enqueue_indirect_dma source(%dma_start3A_54 : memref<10016x128xf32, #tpu.memory_space<hbm>>) target(%arg11 : memref<128x128xf32, #tpu.memory_space<vmem>>) offsets(%dma_start3A_51 : memref<128xi32, #tpu.memory_space<vmem>>) semaphore(%arg13 : memref<!tpu.dma_semaphore, #tpu.memory_space<semaphore_mem>>)
        %dma_wait3A = arith.constant 0 : i32
        %dma_wait3A_55 = tpu.memref_slice %arg8[%add3A_39, %dma_wait3A] : memref<40x128xi32, #tpu.memory_space<vmem>> -> memref<1x128xi32, #tpu.memory_space<vmem>>
        %dma_wait3A_56 = tpu.memref_squeeze %dma_wait3A_55 : memref<1x128xi32, #tpu.memory_space<vmem>> -> memref<128xi32, #tpu.memory_space<vmem>>
        %dma_wait3A_57 = arith.constant 0 : i32
        %dma_wait3A_58 = arith.constant 0 : i32
        %dma_wait3A_59 = tpu.memref_slice %arg2[%dma_wait3A_57, %dma_wait3A_58] : memref<10016x128xf32, #tpu.memory_space<hbm>> -> memref<10016x128xf32, #tpu.memory_space<hbm>>
        tpu.wait_indirect_dma semaphore(%arg12 : memref<!tpu.dma_semaphore, #tpu.memory_space<semaphore_mem>>) src(%dma_wait3A_59 : memref<10016x128xf32, #tpu.memory_space<hbm>>) dst(%arg10 : memref<128x128xf32, #tpu.memory_space<vmem>>)
        %mul3A_60 = arith.constant 2 : i32
        %mul3A_61 = arith.muli %scan3A_35, %mul3A_60 : i32
        %add3A_62 = arith.constant 0 : i32
        %add3A_63 = arith.addi %mul3A_61, %add3A_62 : i32
        %dma_start3A_64 = arith.constant 0 : i32
        %dma_start3A_65 = tpu.memref_slice %arg9[%add3A_63, %dma_start3A_64] : memref<40x128xi32, #tpu.memory_space<vmem>> -> memref<1x128xi32, #tpu.memory_space<vmem>>
        %dma_start3A_66 = tpu.memref_squeeze %dma_start3A_65 : memref<1x128xi32, #tpu.memory_space<vmem>> -> memref<128xi32, #tpu.memory_space<vmem>>
        %dma_start3A_67 = arith.constant 0 : i32
        %dma_start3A_68 = arith.constant 0 : i32
        %dma_start3A_69 = tpu.memref_slice %arg7[%dma_start3A_67, %dma_start3A_68] : memref<10112x128xf32, #tpu.memory_space<vmem_shared>> -> memref<10112x128xf32, #tpu.memory_space<vmem_shared>>
        tpu.enqueue_indirect_dma source(%arg10 : memref<128x128xf32, #tpu.memory_space<vmem>>) target(%dma_start3A_69 : memref<10112x128xf32, #tpu.memory_space<vmem_shared>>) offsets(%dma_start3A_66 : memref<128xi32, #tpu.memory_space<vmem>>) semaphore(%arg14 : memref<!tpu.dma_semaphore, #tpu.memory_space<semaphore_mem>>) {add = true}
        %dma_wait3A_70 = arith.constant 0 : i32
        %dma_wait3A_71 = tpu.memref_slice %arg8[%add3A_48, %dma_wait3A_70] : memref<40x128xi32, #tpu.memory_space<vmem>> -> memref<1x128xi32, #tpu.memory_space<vmem>>
        %dma_wait3A_72 = tpu.memref_squeeze %dma_wait3A_71 : memref<1x128xi32, #tpu.memory_space<vmem>> -> memref<128xi32, #tpu.memory_space<vmem>>
        %dma_wait3A_73 = arith.constant 0 : i32
        %dma_wait3A_74 = arith.constant 0 : i32
        %dma_wait3A_75 = tpu.memref_slice %arg2[%dma_wait3A_73, %dma_wait3A_74] : memref<10016x128xf32, #tpu.memory_space<hbm>> -> memref<10016x128xf32, #tpu.memory_space<hbm>>
        tpu.wait_indirect_dma semaphore(%arg13 : memref<!tpu.dma_semaphore, #tpu.memory_space<semaphore_mem>>) src(%dma_wait3A_75 : memref<10016x128xf32, #tpu.memory_space<hbm>>) dst(%arg11 : memref<128x128xf32, #tpu.memory_space<vmem>>)
        %mul3A_76 = arith.constant 2 : i32
        %mul3A_77 = arith.muli %scan3A_35, %mul3A_76 : i32
        %add3A_78 = arith.constant 1 : i32
        %add3A_79 = arith.addi %mul3A_77, %add3A_78 : i32
        %dma_start3A_80 = arith.constant 0 : i32
        %dma_start3A_81 = tpu.memref_slice %arg9[%add3A_79, %dma_start3A_80] : memref<40x128xi32, #tpu.memory_space<vmem>> -> memref<1x128xi32, #tpu.memory_space<vmem>>
        %dma_start3A_82 = tpu.memref_squeeze %dma_start3A_81 : memref<1x128xi32, #tpu.memory_space<vmem>> -> memref<128xi32, #tpu.memory_space<vmem>>
        %dma_start3A_83 = arith.constant 0 : i32
        %dma_start3A_84 = arith.constant 0 : i32
        %dma_start3A_85 = tpu.memref_slice %arg7[%dma_start3A_83, %dma_start3A_84] : memref<10112x128xf32, #tpu.memory_space<vmem_shared>> -> memref<10112x128xf32, #tpu.memory_space<vmem_shared>>
        tpu.enqueue_indirect_dma source(%arg11 : memref<128x128xf32, #tpu.memory_space<vmem>>) target(%dma_start3A_85 : memref<10112x128xf32, #tpu.memory_space<vmem_shared>>) offsets(%dma_start3A_82 : memref<128xi32, #tpu.memory_space<vmem>>) semaphore(%arg15 : memref<!tpu.dma_semaphore, #tpu.memory_space<semaphore_mem>>) {add = true}
        %dma_wait3A_86 = arith.constant 0 : i32
        %dma_wait3A_87 = tpu.memref_slice %arg9[%add3A_63, %dma_wait3A_86] : memref<40x128xi32, #tpu.memory_space<vmem>> -> memref<1x128xi32, #tpu.memory_space<vmem>>
        %dma_wait3A_88 = tpu.memref_squeeze %dma_wait3A_87 : memref<1x128xi32, #tpu.memory_space<vmem>> -> memref<128xi32, #tpu.memory_space<vmem>>
        %dma_wait3A_89 = arith.constant 0 : i32
        %dma_wait3A_90 = arith.constant 0 : i32
        %dma_wait3A_91 = tpu.memref_slice %arg7[%dma_wait3A_89, %dma_wait3A_90] : memref<10112x128xf32, #tpu.memory_space<vmem_shared>> -> memref<10112x128xf32, #tpu.memory_space<vmem_shared>>
        tpu.wait_indirect_dma semaphore(%arg14 : memref<!tpu.dma_semaphore, #tpu.memory_space<semaphore_mem>>) src(%arg10 : memref<128x128xf32, #tpu.memory_space<vmem>>) dst(%dma_wait3A_91 : memref<10112x128xf32, #tpu.memory_space<vmem_shared>>)
        %dma_wait3A_92 = arith.constant 0 : i32
        %dma_wait3A_93 = tpu.memref_slice %arg9[%add3A_79, %dma_wait3A_92] : memref<40x128xi32, #tpu.memory_space<vmem>> -> memref<1x128xi32, #tpu.memory_space<vmem>>
        %dma_wait3A_94 = tpu.memref_squeeze %dma_wait3A_93 : memref<1x128xi32, #tpu.memory_space<vmem>> -> memref<128xi32, #tpu.memory_space<vmem>>
        %dma_wait3A_95 = arith.constant 0 : i32
        %dma_wait3A_96 = arith.constant 0 : i32
        %dma_wait3A_97 = tpu.memref_slice %arg7[%dma_wait3A_95, %dma_wait3A_96] : memref<10112x128xf32, #tpu.memory_space<vmem_shared>> -> memref<10112x128xf32, #tpu.memory_space<vmem_shared>>
        tpu.wait_indirect_dma semaphore(%arg15 : memref<!tpu.dma_semaphore, #tpu.memory_space<semaphore_mem>>) src(%arg11 : memref<128x128xf32, #tpu.memory_space<vmem>>) dst(%dma_wait3A_97 : memref<10112x128xf32, #tpu.memory_space<vmem_shared>>)
      }
      %scan3A_34 = arith.constant 20 : i32
    }
    %while3A_20 = arith.constant 1 : i32
    scf.for %while3A_26 = %while3A_18 to %while3A_14 step %while3A_20  : i32 {
      %mul3A_27 = arith.constant 40 : i32
      %mul3A_28 = arith.muli %while3A_26, %mul3A_27 : i32
      %add3A_29 = arith.addi %add3A, %mul3A_28 : i32
      "tpu.region"() ({
        %run_scoped3A = tpu.sem_alloc : memref<!tpu.dma_semaphore, #tpu.memory_space<semaphore_mem>>
        %dma_start3A = arith.constant 0 : i32
        %dma_start3A_35 = tpu.memref_slice %arg3[%add3A_29, %dma_start3A] : memref<2560x128xi32, #tpu.memory_space<hbm>> -> memref<40x128xi32, #tpu.memory_space<hbm>>
        %dma_start3A_36 = arith.constant 0 : i32
        %dma_start3A_37 = tpu.memref_slice %arg3[%add3A_29, %dma_start3A_36] : memref<2560x128xi32, #tpu.memory_space<hbm>> -> memref<40x128xi32, #tpu.memory_space<hbm>>
        tpu.enqueue_dma source(%dma_start3A_37 : memref<40x128xi32, #tpu.memory_space<hbm>>) target(%arg8 : memref<40x128xi32, #tpu.memory_space<vmem>>) target_semaphore(%run_scoped3A : memref<!tpu.dma_semaphore, #tpu.memory_space<semaphore_mem>>)
        %dma_wait3A = arith.constant 0 : i32
        %dma_wait3A_38 = tpu.memref_slice %arg3[%add3A_29, %dma_wait3A] : memref<2560x128xi32, #tpu.memory_space<hbm>> -> memref<40x128xi32, #tpu.memory_space<hbm>>
        %dma_wait3A_39 = arith.constant 0 : i32
        %dma_wait3A_40 = tpu.memref_slice %arg3[%add3A_29, %dma_wait3A_39] : memref<2560x128xi32, #tpu.memory_space<hbm>> -> memref<40x128xi32, #tpu.memory_space<hbm>>
        tpu.wait_dma2 semaphore(%run_scoped3A : memref<!tpu.dma_semaphore, #tpu.memory_space<semaphore_mem>>) src(%dma_wait3A_40 : memref<40x128xi32, #tpu.memory_space<hbm>>) dst(%arg8 : memref<40x128xi32, #tpu.memory_space<vmem>>)
        tpu.yield
      }) : () -> ()
      "tpu.region"() ({
        %run_scoped3A = tpu.sem_alloc : memref<!tpu.dma_semaphore, #tpu.memory_space<semaphore_mem>>
        %dma_start3A = arith.constant 0 : i32
        %dma_start3A_35 = tpu.memref_slice %arg4[%add3A_29, %dma_start3A] : memref<2560x128xi32, #tpu.memory_space<hbm>> -> memref<40x128xi32, #tpu.memory_space<hbm>>
        %dma_start3A_36 = arith.constant 0 : i32
        %dma_start3A_37 = tpu.memref_slice %arg4[%add3A_29, %dma_start3A_36] : memref<2560x128xi32, #tpu.memory_space<hbm>> -> memref<40x128xi32, #tpu.memory_space<hbm>>
        tpu.enqueue_dma source(%dma_start3A_37 : memref<40x128xi32, #tpu.memory_space<hbm>>) target(%arg9 : memref<40x128xi32, #tpu.memory_space<vmem>>) target_semaphore(%run_scoped3A : memref<!tpu.dma_semaphore, #tpu.memory_space<semaphore_mem>>)
        %dma_wait3A = arith.constant 0 : i32
        %dma_wait3A_38 = tpu.memref_slice %arg4[%add3A_29, %dma_wait3A] : memref<2560x128xi32, #tpu.memory_space<hbm>> -> memref<40x128xi32, #tpu.memory_space<hbm>>
        %dma_wait3A_39 = arith.constant 0 : i32
        %dma_wait3A_40 = tpu.memref_slice %arg4[%add3A_29, %dma_wait3A_39] : memref<2560x128xi32, #tpu.memory_space<hbm>> -> memref<40x128xi32, #tpu.memory_space<hbm>>
        tpu.wait_dma2 semaphore(%run_scoped3A : memref<!tpu.dma_semaphore, #tpu.memory_space<semaphore_mem>>) src(%dma_wait3A_40 : memref<40x128xi32, #tpu.memory_space<hbm>>) dst(%arg9 : memref<40x128xi32, #tpu.memory_space<vmem>>)
        tpu.yield
      }) : () -> ()
      %scan3A = arith.constant 0 : i32
      %scan3A_30 = arith.constant 0 : i32
      %scan3A_31 = arith.constant 20 : i32
      %scan3A_32 = arith.addi %scan3A_30, %scan3A_31 : i32
      %scan3A_33 = arith.constant 1 : i32
      scf.for %scan3A_35 = %scan3A_30 to %scan3A_32 step %scan3A_33  : i32 {
        %mul3A_36 = arith.constant 2 : i32
        %mul3A_37 = arith.muli %scan3A_35, %mul3A_36 : i32
        %add3A_38 = arith.constant 0 : i32
        %add3A_39 = arith.addi %mul3A_37, %add3A_38 : i32
        %dma_start3A = arith.constant 0 : i32
        %dma_start3A_40 = tpu.memref_slice %arg8[%add3A_39, %dma_start3A] : memref<40x128xi32, #tpu.memory_space<vmem>> -> memref<1x128xi32, #tpu.memory_space<vmem>>
        %dma_start3A_41 = tpu.memref_squeeze %dma_start3A_40 : memref<1x128xi32, #tpu.memory_space<vmem>> -> memref<128xi32, #tpu.memory_space<vmem>>
        %dma_start3A_42 = arith.constant 0 : i32
        %dma_start3A_43 = arith.constant 0 : i32
        %dma_start3A_44 = tpu.memref_slice %arg2[%dma_start3A_42, %dma_start3A_43] : memref<10016x128xf32, #tpu.memory_space<hbm>> -> memref<10016x128xf32, #tpu.memory_space<hbm>>
        tpu.enqueue_indirect_dma source(%dma_start3A_44 : memref<10016x128xf32, #tpu.memory_space<hbm>>) target(%arg10 : memref<128x128xf32, #tpu.memory_space<vmem>>) offsets(%dma_start3A_41 : memref<128xi32, #tpu.memory_space<vmem>>) semaphore(%arg12 : memref<!tpu.dma_semaphore, #tpu.memory_space<semaphore_mem>>)
        %mul3A_45 = arith.constant 2 : i32
        %mul3A_46 = arith.muli %scan3A_35, %mul3A_45 : i32
        %add3A_47 = arith.constant 1 : i32
        %add3A_48 = arith.addi %mul3A_46, %add3A_47 : i32
        %dma_start3A_49 = arith.constant 0 : i32
        %dma_start3A_50 = tpu.memref_slice %arg8[%add3A_48, %dma_start3A_49] : memref<40x128xi32, #tpu.memory_space<vmem>> -> memref<1x128xi32, #tpu.memory_space<vmem>>
        %dma_start3A_51 = tpu.memref_squeeze %dma_start3A_50 : memref<1x128xi32, #tpu.memory_space<vmem>> -> memref<128xi32, #tpu.memory_space<vmem>>
        %dma_start3A_52 = arith.constant 0 : i32
        %dma_start3A_53 = arith.constant 0 : i32
        %dma_start3A_54 = tpu.memref_slice %arg2[%dma_start3A_52, %dma_start3A_53] : memref<10016x128xf32, #tpu.memory_space<hbm>> -> memref<10016x128xf32, #tpu.memory_space<hbm>>
        tpu.enqueue_indirect_dma source(%dma_start3A_54 : memref<10016x128xf32, #tpu.memory_space<hbm>>) target(%arg11 : memref<128x128xf32, #tpu.memory_space<vmem>>) offsets(%dma_start3A_51 : memref<128xi32, #tpu.memory_space<vmem>>) semaphore(%arg13 : memref<!tpu.dma_semaphore, #tpu.memory_space<semaphore_mem>>)
        %dma_wait3A = arith.constant 0 : i32
        %dma_wait3A_55 = tpu.memref_slice %arg8[%add3A_39, %dma_wait3A] : memref<40x128xi32, #tpu.memory_space<vmem>> -> memref<1x128xi32, #tpu.memory_space<vmem>>
        %dma_wait3A_56 = tpu.memref_squeeze %dma_wait3A_55 : memref<1x128xi32, #tpu.memory_space<vmem>> -> memref<128xi32, #tpu.memory_space<vmem>>
        %dma_wait3A_57 = arith.constant 0 : i32
        %dma_wait3A_58 = arith.constant 0 : i32
        %dma_wait3A_59 = tpu.memref_slice %arg2[%dma_wait3A_57, %dma_wait3A_58] : memref<10016x128xf32, #tpu.memory_space<hbm>> -> memref<10016x128xf32, #tpu.memory_space<hbm>>
        tpu.wait_indirect_dma semaphore(%arg12 : memref<!tpu.dma_semaphore, #tpu.memory_space<semaphore_mem>>) src(%dma_wait3A_59 : memref<10016x128xf32, #tpu.memory_space<hbm>>) dst(%arg10 : memref<128x128xf32, #tpu.memory_space<vmem>>)
        %mul3A_60 = arith.constant 2 : i32
        %mul3A_61 = arith.muli %scan3A_35, %mul3A_60 : i32
        %add3A_62 = arith.constant 0 : i32
        %add3A_63 = arith.addi %mul3A_61, %add3A_62 : i32
        %dma_start3A_64 = arith.constant 0 : i32
        %dma_start3A_65 = tpu.memref_slice %arg9[%add3A_63, %dma_start3A_64] : memref<40x128xi32, #tpu.memory_space<vmem>> -> memref<1x128xi32, #tpu.memory_space<vmem>>
        %dma_start3A_66 = tpu.memref_squeeze %dma_start3A_65 : memref<1x128xi32, #tpu.memory_space<vmem>> -> memref<128xi32, #tpu.memory_space<vmem>>
        %dma_start3A_67 = arith.constant 0 : i32
        %dma_start3A_68 = arith.constant 0 : i32
        %dma_start3A_69 = tpu.memref_slice %arg7[%dma_start3A_67, %dma_start3A_68] : memref<10112x128xf32, #tpu.memory_space<vmem_shared>> -> memref<10112x128xf32, #tpu.memory_space<vmem_shared>>
        tpu.enqueue_indirect_dma source(%arg10 : memref<128x128xf32, #tpu.memory_space<vmem>>) target(%dma_start3A_69 : memref<10112x128xf32, #tpu.memory_space<vmem_shared>>) offsets(%dma_start3A_66 : memref<128xi32, #tpu.memory_space<vmem>>) semaphore(%arg14 : memref<!tpu.dma_semaphore, #tpu.memory_space<semaphore_mem>>) {add = true}
        %dma_wait3A_70 = arith.constant 0 : i32
        %dma_wait3A_71 = tpu.memref_slice %arg8[%add3A_48, %dma_wait3A_70] : memref<40x128xi32, #tpu.memory_space<vmem>> -> memref<1x128xi32, #tpu.memory_space<vmem>>
        %dma_wait3A_72 = tpu.memref_squeeze %dma_wait3A_71 : memref<1x128xi32, #tpu.memory_space<vmem>> -> memref<128xi32, #tpu.memory_space<vmem>>
        %dma_wait3A_73 = arith.constant 0 : i32
        %dma_wait3A_74 = arith.constant 0 : i32
        %dma_wait3A_75 = tpu.memref_slice %arg2[%dma_wait3A_73, %dma_wait3A_74] : memref<10016x128xf32, #tpu.memory_space<hbm>> -> memref<10016x128xf32, #tpu.memory_space<hbm>>
        tpu.wait_indirect_dma semaphore(%arg13 : memref<!tpu.dma_semaphore, #tpu.memory_space<semaphore_mem>>) src(%dma_wait3A_75 : memref<10016x128xf32, #tpu.memory_space<hbm>>) dst(%arg11 : memref<128x128xf32, #tpu.memory_space<vmem>>)
        %mul3A_76 = arith.constant 2 : i32
        %mul3A_77 = arith.muli %scan3A_35, %mul3A_76 : i32
        %add3A_78 = arith.constant 1 : i32
        %add3A_79 = arith.addi %mul3A_77, %add3A_78 : i32
        %dma_start3A_80 = arith.constant 0 : i32
        %dma_start3A_81 = tpu.memref_slice %arg9[%add3A_79, %dma_start3A_80] : memref<40x128xi32, #tpu.memory_space<vmem>> -> memref<1x128xi32, #tpu.memory_space<vmem>>
        %dma_start3A_82 = tpu.memref_squeeze %dma_start3A_81 : memref<1x128xi32, #tpu.memory_space<vmem>> -> memref<128xi32, #tpu.memory_space<vmem>>
        %dma_start3A_83 = arith.constant 0 : i32
        %dma_start3A_84 = arith.constant 0 : i32
        %dma_start3A_85 = tpu.memref_slice %arg7[%dma_start3A_83, %dma_start3A_84] : memref<10112x128xf32, #tpu.memory_space<vmem_shared>> -> memref<10112x128xf32, #tpu.memory_space<vmem_shared>>
        tpu.enqueue_indirect_dma source(%arg11 : memref<128x128xf32, #tpu.memory_space<vmem>>) target(%dma_start3A_85 : memref<10112x128xf32, #tpu.memory_space<vmem_shared>>) offsets(%dma_start3A_82 : memref<128xi32, #tpu.memory_space<vmem>>) semaphore(%arg15 : memref<!tpu.dma_semaphore, #tpu.memory_space<semaphore_mem>>) {add = true}
        %dma_wait3A_86 = arith.constant 0 : i32
        %dma_wait3A_87 = tpu.memref_slice %arg9[%add3A_63, %dma_wait3A_86] : memref<40x128xi32, #tpu.memory_space<vmem>> -> memref<1x128xi32, #tpu.memory_space<vmem>>
        %dma_wait3A_88 = tpu.memref_squeeze %dma_wait3A_87 : memref<1x128xi32, #tpu.memory_space<vmem>> -> memref<128xi32, #tpu.memory_space<vmem>>
        %dma_wait3A_89 = arith.constant 0 : i32
        %dma_wait3A_90 = arith.constant 0 : i32
        %dma_wait3A_91 = tpu.memref_slice %arg7[%dma_wait3A_89, %dma_wait3A_90] : memref<10112x128xf32, #tpu.memory_space<vmem_shared>> -> memref<10112x128xf32, #tpu.memory_space<vmem_shared>>
        tpu.wait_indirect_dma semaphore(%arg14 : memref<!tpu.dma_semaphore, #tpu.memory_space<semaphore_mem>>) src(%arg10 : memref<128x128xf32, #tpu.memory_space<vmem>>) dst(%dma_wait3A_91 : memref<10112x128xf32, #tpu.memory_space<vmem_shared>>)
        %dma_wait3A_92 = arith.constant 0 : i32
        %dma_wait3A_93 = tpu.memref_slice %arg9[%add3A_79, %dma_wait3A_92] : memref<40x128xi32, #tpu.memory_space<vmem>> -> memref<1x128xi32, #tpu.memory_space<vmem>>
        %dma_wait3A_94 = tpu.memref_squeeze %dma_wait3A_93 : memref<1x128xi32, #tpu.memory_space<vmem>> -> memref<128xi32, #tpu.memory_space<vmem>>
        %dma_wait3A_95 = arith.constant 0 : i32
        %dma_wait3A_96 = arith.constant 0 : i32
        %dma_wait3A_97 = tpu.memref_slice %arg7[%dma_wait3A_95, %dma_wait3A_96] : memref<10112x128xf32, #tpu.memory_space<vmem_shared>> -> memref<10112x128xf32, #tpu.memory_space<vmem_shared>>
        tpu.wait_indirect_dma semaphore(%arg15 : memref<!tpu.dma_semaphore, #tpu.memory_space<semaphore_mem>>) src(%arg11 : memref<128x128xf32, #tpu.memory_space<vmem>>) dst(%dma_wait3A_97 : memref<10112x128xf32, #tpu.memory_space<vmem_shared>>)
      }
      %scan3A_34 = arith.constant 20 : i32
    }
    %barrier3A_21 = arith.constant 0 : index
    tpu.barrier barrier_id(%barrier3A_21)
    %mul3A_22 = arith.constant 632 : i32
    %mul3A_23 = arith.muli %arg1, %mul3A_22 : i32
    %mul3A_24 = arith.constant 632 : i32
    %mul3A_25 = arith.muli %arg1, %mul3A_24 : i32
    "tpu.region"() ({
      %run_scoped3A = tpu.sem_alloc : memref<!tpu.dma_semaphore, #tpu.memory_space<semaphore_mem>>
      %dma_start3A = arith.constant 0 : i32
      %dma_start3A_26 = arith.constant 0 : i32
      %dma_start3A_27 = tpu.memref_slice %arg6[%arg0, %dma_start3A, %dma_start3A_26] : memref<2x10112x128xf32, #tpu.memory_space<hbm>> -> memref<1x10112x128xf32, #tpu.memory_space<hbm>>
      %dma_start3A_28 = tpu.memref_squeeze %dma_start3A_27 : memref<1x10112x128xf32, #tpu.memory_space<hbm>> -> memref<10112x128xf32, #tpu.memory_space<hbm>>
      %dma_start3A_29 = arith.constant 0 : i32
      %dma_start3A_30 = tpu.memref_slice %dma_start3A_28[%mul3A_25, %dma_start3A_29] : memref<10112x128xf32, #tpu.memory_space<hbm>> -> memref<632x128xf32, #tpu.memory_space<hbm>>
      %dma_start3A_31 = arith.constant 0 : i32
      %dma_start3A_32 = tpu.memref_slice %arg7[%mul3A_23, %dma_start3A_31] : memref<10112x128xf32, #tpu.memory_space<vmem_shared>> -> memref<632x128xf32, #tpu.memory_space<vmem_shared>>
      tpu.enqueue_dma source(%dma_start3A_32 : memref<632x128xf32, #tpu.memory_space<vmem_shared>>) target(%dma_start3A_30 : memref<632x128xf32, #tpu.memory_space<hbm>>) target_semaphore(%run_scoped3A : memref<!tpu.dma_semaphore, #tpu.memory_space<semaphore_mem>>)
      %dma_wait3A = arith.constant 0 : i32
      %dma_wait3A_33 = arith.constant 0 : i32
      %dma_wait3A_34 = tpu.memref_slice %arg6[%arg0, %dma_wait3A, %dma_wait3A_33] : memref<2x10112x128xf32, #tpu.memory_space<hbm>> -> memref<1x10112x128xf32, #tpu.memory_space<hbm>>
      %dma_wait3A_35 = tpu.memref_squeeze %dma_wait3A_34 : memref<1x10112x128xf32, #tpu.memory_space<hbm>> -> memref<10112x128xf32, #tpu.memory_space<hbm>>
      %dma_wait3A_36 = arith.constant 0 : i32
      %dma_wait3A_37 = tpu.memref_slice %dma_wait3A_35[%mul3A_25, %dma_wait3A_36] : memref<10112x128xf32, #tpu.memory_space<hbm>> -> memref<632x128xf32, #tpu.memory_space<hbm>>
      %dma_wait3A_38 = arith.constant 0 : i32
      %dma_wait3A_39 = tpu.memref_slice %arg7[%mul3A_23, %dma_wait3A_38] : memref<10112x128xf32, #tpu.memory_space<vmem_shared>> -> memref<632x128xf32, #tpu.memory_space<vmem_shared>>
      tpu.wait_dma2 semaphore(%run_scoped3A : memref<!tpu.dma_semaphore, #tpu.memory_space<semaphore_mem>>) src(%dma_wait3A_39 : memref<632x128xf32, #tpu.memory_space<vmem_shared>>) dst(%dma_wait3A_37 : memref<632x128xf32, #tpu.memory_space<hbm>>)
      tpu.yield
    }) : () -> ()
    return
  }
}

#map = affine_map<(d0, d1) -> (0, 0)>
#map1 = affine_map<(d0, d1) -> (0, 0, 0)>
module attributes {stable_mosaic.version = 14 : i64} {
  func.func @_agg_body(%arg0: i32, %arg1: i32, %arg2: memref<10016x128xf32, #tpu.memory_space<hbm>>, %arg3: memref<2560x128xi32, #tpu.memory_space<hbm>>, %arg4: memref<2560x128xi32, #tpu.memory_space<hbm>>, %arg5: memref<10112x128xf32, #tpu.memory_space<hbm>>, %arg6: memref<2x10112x128xf32, #tpu.memory_space<hbm>>, %arg7: memref<10112x128xf32, #tpu.memory_space<vmem_shared>>, %arg8: memref<40x128xi32, #tpu.memory_space<vmem>>, %arg9: memref<40x128xi32, #tpu.memory_space<vmem>>, %arg10: memref<128x128xf32, #tpu.memory_space<vmem>>, %arg11: memref<128x128xf32, #tpu.memory_space<vmem>>, %arg12: memref<!tpu.dma_semaphore, #tpu.memory_space<semaphore_mem>>, %arg13: memref<!tpu.dma_semaphore, #tpu.memory_space<semaphore_mem>>, %arg14: memref<!tpu.dma_semaphore, #tpu.memory_space<semaphore_mem>>, %arg15: memref<!tpu.dma_semaphore, #tpu.memory_space<semaphore_mem>>) attributes {dimension_semantics = [#tpu.dimension_semantics<core_parallel>, #tpu.dimension_semantics<subcore_parallel>], iteration_bounds = array<i64: 2, 16>, scalar_prefetch = 0 : i64, scratch_operands = 9 : i64, tpu.core_type = #tpu.core_type<sc_vector_subcore>, window_params = [{transform_indices = #map}, {transform_indices = #map}, {transform_indices = #map}, {transform_indices = #map}, {transform_indices = #map1}]} {
    %mul3A = arith.constant 632 : i32
    %mul3A_0 = arith.muli %arg1, %mul3A : i32
    %mul3A_1 = arith.constant 632 : i32
    %mul3A_2 = arith.muli %arg1, %mul3A_1 : i32
    "tpu.region"() ({
      %run_scoped3A = tpu.sem_alloc : memref<!tpu.dma_semaphore, #tpu.memory_space<semaphore_mem>>
      %dma_start3A = arith.constant 0 : i32
      %dma_start3A_26 = tpu.memref_slice %arg7[%mul3A_2, %dma_start3A] : memref<10112x128xf32, #tpu.memory_space<vmem_shared>> -> memref<632x128xf32, #tpu.memory_space<vmem_shared>>
      %dma_start3A_27 = arith.constant 0 : i32
      %dma_start3A_28 = tpu.memref_slice %arg5[%mul3A_0, %dma_start3A_27] : memref<10112x128xf32, #tpu.memory_space<hbm>> -> memref<632x128xf32, #tpu.memory_space<hbm>>
      tpu.enqueue_dma source(%dma_start3A_28 : memref<632x128xf32, #tpu.memory_space<hbm>>) target(%dma_start3A_26 : memref<632x128xf32, #tpu.memory_space<vmem_shared>>) target_semaphore(%run_scoped3A : memref<!tpu.dma_semaphore, #tpu.memory_space<semaphore_mem>>)
      %dma_wait3A = arith.constant 0 : i32
      %dma_wait3A_29 = tpu.memref_slice %arg7[%mul3A_2, %dma_wait3A] : memref<10112x128xf32, #tpu.memory_space<vmem_shared>> -> memref<632x128xf32, #tpu.memory_space<vmem_shared>>
      %dma_wait3A_30 = arith.constant 0 : i32
      %dma_wait3A_31 = tpu.memref_slice %arg5[%mul3A_0, %dma_wait3A_30] : memref<10112x128xf32, #tpu.memory_space<hbm>> -> memref<632x128xf32, #tpu.memory_space<hbm>>
      tpu.wait_dma2 semaphore(%run_scoped3A : memref<!tpu.dma_semaphore, #tpu.memory_space<semaphore_mem>>) src(%dma_wait3A_31 : memref<632x128xf32, #tpu.memory_space<hbm>>) dst(%dma_wait3A_29 : memref<632x128xf32, #tpu.memory_space<vmem_shared>>)
      tpu.yield
    }) : () -> ()
    %barrier3A = arith.constant 0 : index
    tpu.barrier barrier_id(%barrier3A)
    %eq3A = arith.constant 0 : i32
    %eq3A_3 = arith.cmpi eq, %arg0, %eq3A : i32
    %jit3A = arith.constant 3 : i32
    %jit3A_4 = arith.constant 1 : i32
    %select_n3A = arith.select %eq3A_3, %jit3A, %jit3A_4 : i32
    %mul3A_5 = arith.constant 160 : i32
    %mul3A_6 = arith.muli %arg1, %mul3A_5 : i32
    %eq3A_7 = arith.constant 0 : i32
    %eq3A_8 = arith.cmpi eq, %arg0, %eq3A_7 : i32
    %jit3A_9 = arith.constant 0 : i32
    %jit3A_10 = arith.constant 120 : i32
    %select_n3A_11 = arith.select %eq3A_8, %jit3A_9, %jit3A_10 : i32
    %add3A = arith.addi %mul3A_6, %select_n3A_11 : i32
    %while3A = arith.constant 0 : i32
    %while3A_12 = arith.constant 0 : i32
    %while3A_13 = arith.subi %select_n3A, %while3A_12 : i32
    %while3A_14 = arith.addi %while3A_12, %while3A_13 : i32
    %while3A_15 = arith.constant 1 : i32
    %while3A_16 = arith.divsi %while3A_13, %while3A_15 : i32
    %while3A_17 = arith.muli %while3A_16, %while3A_15 : i32
    %while3A_18 = arith.addi %while3A_12, %while3A_17 : i32
    %while3A_19 = arith.constant 1 : i32
    scf.for %while3A_26 = %while3A_12 to %while3A_18 step %while3A_19  : i32 {
      %mul3A_27 = arith.constant 40 : i32
      %mul3A_28 = arith.muli %while3A_26, %mul3A_27 : i32
      %add3A_29 = arith.addi %add3A, %mul3A_28 : i32
      "tpu.region"() ({
        %run_scoped3A = tpu.sem_alloc : memref<!tpu.dma_semaphore, #tpu.memory_space<semaphore_mem>>
        %dma_start3A = arith.constant 0 : i32
        %dma_start3A_35 = tpu.memref_slice %arg3[%add3A_29, %dma_start3A] : memref<2560x128xi32, #tpu.memory_space<hbm>> -> memref<40x128xi32, #tpu.memory_space<hbm>>
        %dma_start3A_36 = arith.constant 0 : i32
        %dma_start3A_37 = tpu.memref_slice %arg3[%add3A_29, %dma_start3A_36] : memref<2560x128xi32, #tpu.memory_space<hbm>> -> memref<40x128xi32, #tpu.memory_space<hbm>>
        tpu.enqueue_dma source(%dma_start3A_37 : memref<40x128xi32, #tpu.memory_space<hbm>>) target(%arg8 : memref<40x128xi32, #tpu.memory_space<vmem>>) target_semaphore(%run_scoped3A : memref<!tpu.dma_semaphore, #tpu.memory_space<semaphore_mem>>)
        %dma_wait3A = arith.constant 0 : i32
        %dma_wait3A_38 = tpu.memref_slice %arg3[%add3A_29, %dma_wait3A] : memref<2560x128xi32, #tpu.memory_space<hbm>> -> memref<40x128xi32, #tpu.memory_space<hbm>>
        %dma_wait3A_39 = arith.constant 0 : i32
        %dma_wait3A_40 = tpu.memref_slice %arg3[%add3A_29, %dma_wait3A_39] : memref<2560x128xi32, #tpu.memory_space<hbm>> -> memref<40x128xi32, #tpu.memory_space<hbm>>
        tpu.wait_dma2 semaphore(%run_scoped3A : memref<!tpu.dma_semaphore, #tpu.memory_space<semaphore_mem>>) src(%dma_wait3A_40 : memref<40x128xi32, #tpu.memory_space<hbm>>) dst(%arg8 : memref<40x128xi32, #tpu.memory_space<vmem>>)
        tpu.yield
      }) : () -> ()
      "tpu.region"() ({
        %run_scoped3A = tpu.sem_alloc : memref<!tpu.dma_semaphore, #tpu.memory_space<semaphore_mem>>
        %dma_start3A = arith.constant 0 : i32
        %dma_start3A_35 = tpu.memref_slice %arg4[%add3A_29, %dma_start3A] : memref<2560x128xi32, #tpu.memory_space<hbm>> -> memref<40x128xi32, #tpu.memory_space<hbm>>
        %dma_start3A_36 = arith.constant 0 : i32
        %dma_start3A_37 = tpu.memref_slice %arg4[%add3A_29, %dma_start3A_36] : memref<2560x128xi32, #tpu.memory_space<hbm>> -> memref<40x128xi32, #tpu.memory_space<hbm>>
        tpu.enqueue_dma source(%dma_start3A_37 : memref<40x128xi32, #tpu.memory_space<hbm>>) target(%arg9 : memref<40x128xi32, #tpu.memory_space<vmem>>) target_semaphore(%run_scoped3A : memref<!tpu.dma_semaphore, #tpu.memory_space<semaphore_mem>>)
        %dma_wait3A = arith.constant 0 : i32
        %dma_wait3A_38 = tpu.memref_slice %arg4[%add3A_29, %dma_wait3A] : memref<2560x128xi32, #tpu.memory_space<hbm>> -> memref<40x128xi32, #tpu.memory_space<hbm>>
        %dma_wait3A_39 = arith.constant 0 : i32
        %dma_wait3A_40 = tpu.memref_slice %arg4[%add3A_29, %dma_wait3A_39] : memref<2560x128xi32, #tpu.memory_space<hbm>> -> memref<40x128xi32, #tpu.memory_space<hbm>>
        tpu.wait_dma2 semaphore(%run_scoped3A : memref<!tpu.dma_semaphore, #tpu.memory_space<semaphore_mem>>) src(%dma_wait3A_40 : memref<40x128xi32, #tpu.memory_space<hbm>>) dst(%arg9 : memref<40x128xi32, #tpu.memory_space<vmem>>)
        tpu.yield
      }) : () -> ()
      %scan3A = arith.constant 0 : i32
      %scan3A_30 = arith.constant 0 : i32
      %scan3A_31 = arith.constant 20 : i32
      %scan3A_32 = arith.addi %scan3A_30, %scan3A_31 : i32
      %scan3A_33 = arith.constant 1 : i32
      scf.for %scan3A_35 = %scan3A_30 to %scan3A_32 step %scan3A_33  : i32 {
        %mul3A_36 = arith.constant 2 : i32
        %mul3A_37 = arith.muli %scan3A_35, %mul3A_36 : i32
        %add3A_38 = arith.constant 0 : i32
        %add3A_39 = arith.addi %mul3A_37, %add3A_38 : i32
        %dma_start3A = arith.constant 0 : i32
        %dma_start3A_40 = tpu.memref_slice %arg8[%add3A_39, %dma_start3A] : memref<40x128xi32, #tpu.memory_space<vmem>> -> memref<1x128xi32, #tpu.memory_space<vmem>>
        %dma_start3A_41 = tpu.memref_squeeze %dma_start3A_40 : memref<1x128xi32, #tpu.memory_space<vmem>> -> memref<128xi32, #tpu.memory_space<vmem>>
        %dma_start3A_42 = arith.constant 0 : i32
        %dma_start3A_43 = arith.constant 0 : i32
        %dma_start3A_44 = tpu.memref_slice %arg2[%dma_start3A_42, %dma_start3A_43] : memref<10016x128xf32, #tpu.memory_space<hbm>> -> memref<10016x128xf32, #tpu.memory_space<hbm>>
        tpu.enqueue_indirect_dma source(%dma_start3A_44 : memref<10016x128xf32, #tpu.memory_space<hbm>>) target(%arg10 : memref<128x128xf32, #tpu.memory_space<vmem>>) offsets(%dma_start3A_41 : memref<128xi32, #tpu.memory_space<vmem>>) semaphore(%arg12 : memref<!tpu.dma_semaphore, #tpu.memory_space<semaphore_mem>>)
        %mul3A_45 = arith.constant 2 : i32
        %mul3A_46 = arith.muli %scan3A_35, %mul3A_45 : i32
        %add3A_47 = arith.constant 1 : i32
        %add3A_48 = arith.addi %mul3A_46, %add3A_47 : i32
        %dma_start3A_49 = arith.constant 0 : i32
        %dma_start3A_50 = tpu.memref_slice %arg8[%add3A_48, %dma_start3A_49] : memref<40x128xi32, #tpu.memory_space<vmem>> -> memref<1x128xi32, #tpu.memory_space<vmem>>
        %dma_start3A_51 = tpu.memref_squeeze %dma_start3A_50 : memref<1x128xi32, #tpu.memory_space<vmem>> -> memref<128xi32, #tpu.memory_space<vmem>>
        %dma_start3A_52 = arith.constant 0 : i32
        %dma_start3A_53 = arith.constant 0 : i32
        %dma_start3A_54 = tpu.memref_slice %arg2[%dma_start3A_52, %dma_start3A_53] : memref<10016x128xf32, #tpu.memory_space<hbm>> -> memref<10016x128xf32, #tpu.memory_space<hbm>>
        tpu.enqueue_indirect_dma source(%dma_start3A_54 : memref<10016x128xf32, #tpu.memory_space<hbm>>) target(%arg11 : memref<128x128xf32, #tpu.memory_space<vmem>>) offsets(%dma_start3A_51 : memref<128xi32, #tpu.memory_space<vmem>>) semaphore(%arg13 : memref<!tpu.dma_semaphore, #tpu.memory_space<semaphore_mem>>)
        %dma_wait3A = arith.constant 0 : i32
        %dma_wait3A_55 = tpu.memref_slice %arg8[%add3A_39, %dma_wait3A] : memref<40x128xi32, #tpu.memory_space<vmem>> -> memref<1x128xi32, #tpu.memory_space<vmem>>
        %dma_wait3A_56 = tpu.memref_squeeze %dma_wait3A_55 : memref<1x128xi32, #tpu.memory_space<vmem>> -> memref<128xi32, #tpu.memory_space<vmem>>
        %dma_wait3A_57 = arith.constant 0 : i32
        %dma_wait3A_58 = arith.constant 0 : i32
        %dma_wait3A_59 = tpu.memref_slice %arg2[%dma_wait3A_57, %dma_wait3A_58] : memref<10016x128xf32, #tpu.memory_space<hbm>> -> memref<10016x128xf32, #tpu.memory_space<hbm>>
        tpu.wait_indirect_dma semaphore(%arg12 : memref<!tpu.dma_semaphore, #tpu.memory_space<semaphore_mem>>) src(%dma_wait3A_59 : memref<10016x128xf32, #tpu.memory_space<hbm>>) dst(%arg10 : memref<128x128xf32, #tpu.memory_space<vmem>>)
        %mul3A_60 = arith.constant 2 : i32
        %mul3A_61 = arith.muli %scan3A_35, %mul3A_60 : i32
        %add3A_62 = arith.constant 0 : i32
        %add3A_63 = arith.addi %mul3A_61, %add3A_62 : i32
        %dma_start3A_64 = arith.constant 0 : i32
        %dma_start3A_65 = tpu.memref_slice %arg9[%add3A_63, %dma_start3A_64] : memref<40x128xi32, #tpu.memory_space<vmem>> -> memref<1x128xi32, #tpu.memory_space<vmem>>
        %dma_start3A_66 = tpu.memref_squeeze %dma_start3A_65 : memref<1x128xi32, #tpu.memory_space<vmem>> -> memref<128xi32, #tpu.memory_space<vmem>>
        %dma_start3A_67 = arith.constant 0 : i32
        %dma_start3A_68 = arith.constant 0 : i32
        %dma_start3A_69 = tpu.memref_slice %arg7[%dma_start3A_67, %dma_start3A_68] : memref<10112x128xf32, #tpu.memory_space<vmem_shared>> -> memref<10112x128xf32, #tpu.memory_space<vmem_shared>>
        tpu.enqueue_indirect_dma source(%arg10 : memref<128x128xf32, #tpu.memory_space<vmem>>) target(%dma_start3A_69 : memref<10112x128xf32, #tpu.memory_space<vmem_shared>>) offsets(%dma_start3A_66 : memref<128xi32, #tpu.memory_space<vmem>>) semaphore(%arg14 : memref<!tpu.dma_semaphore, #tpu.memory_space<semaphore_mem>>) {add = true}
        %dma_wait3A_70 = arith.constant 0 : i32
        %dma_wait3A_71 = tpu.memref_slice %arg8[%add3A_48, %dma_wait3A_70] : memref<40x128xi32, #tpu.memory_space<vmem>> -> memref<1x128xi32, #tpu.memory_space<vmem>>
        %dma_wait3A_72 = tpu.memref_squeeze %dma_wait3A_71 : memref<1x128xi32, #tpu.memory_space<vmem>> -> memref<128xi32, #tpu.memory_space<vmem>>
        %dma_wait3A_73 = arith.constant 0 : i32
        %dma_wait3A_74 = arith.constant 0 : i32
        %dma_wait3A_75 = tpu.memref_slice %arg2[%dma_wait3A_73, %dma_wait3A_74] : memref<10016x128xf32, #tpu.memory_space<hbm>> -> memref<10016x128xf32, #tpu.memory_space<hbm>>
        tpu.wait_indirect_dma semaphore(%arg13 : memref<!tpu.dma_semaphore, #tpu.memory_space<semaphore_mem>>) src(%dma_wait3A_75 : memref<10016x128xf32, #tpu.memory_space<hbm>>) dst(%arg11 : memref<128x128xf32, #tpu.memory_space<vmem>>)
        %mul3A_76 = arith.constant 2 : i32
        %mul3A_77 = arith.muli %scan3A_35, %mul3A_76 : i32
        %add3A_78 = arith.constant 1 : i32
        %add3A_79 = arith.addi %mul3A_77, %add3A_78 : i32
        %dma_start3A_80 = arith.constant 0 : i32
        %dma_start3A_81 = tpu.memref_slice %arg9[%add3A_79, %dma_start3A_80] : memref<40x128xi32, #tpu.memory_space<vmem>> -> memref<1x128xi32, #tpu.memory_space<vmem>>
        %dma_start3A_82 = tpu.memref_squeeze %dma_start3A_81 : memref<1x128xi32, #tpu.memory_space<vmem>> -> memref<128xi32, #tpu.memory_space<vmem>>
        %dma_start3A_83 = arith.constant 0 : i32
        %dma_start3A_84 = arith.constant 0 : i32
        %dma_start3A_85 = tpu.memref_slice %arg7[%dma_start3A_83, %dma_start3A_84] : memref<10112x128xf32, #tpu.memory_space<vmem_shared>> -> memref<10112x128xf32, #tpu.memory_space<vmem_shared>>
        tpu.enqueue_indirect_dma source(%arg11 : memref<128x128xf32, #tpu.memory_space<vmem>>) target(%dma_start3A_85 : memref<10112x128xf32, #tpu.memory_space<vmem_shared>>) offsets(%dma_start3A_82 : memref<128xi32, #tpu.memory_space<vmem>>) semaphore(%arg15 : memref<!tpu.dma_semaphore, #tpu.memory_space<semaphore_mem>>) {add = true}
        %dma_wait3A_86 = arith.constant 0 : i32
        %dma_wait3A_87 = tpu.memref_slice %arg9[%add3A_63, %dma_wait3A_86] : memref<40x128xi32, #tpu.memory_space<vmem>> -> memref<1x128xi32, #tpu.memory_space<vmem>>
        %dma_wait3A_88 = tpu.memref_squeeze %dma_wait3A_87 : memref<1x128xi32, #tpu.memory_space<vmem>> -> memref<128xi32, #tpu.memory_space<vmem>>
        %dma_wait3A_89 = arith.constant 0 : i32
        %dma_wait3A_90 = arith.constant 0 : i32
        %dma_wait3A_91 = tpu.memref_slice %arg7[%dma_wait3A_89, %dma_wait3A_90] : memref<10112x128xf32, #tpu.memory_space<vmem_shared>> -> memref<10112x128xf32, #tpu.memory_space<vmem_shared>>
        tpu.wait_indirect_dma semaphore(%arg14 : memref<!tpu.dma_semaphore, #tpu.memory_space<semaphore_mem>>) src(%arg10 : memref<128x128xf32, #tpu.memory_space<vmem>>) dst(%dma_wait3A_91 : memref<10112x128xf32, #tpu.memory_space<vmem_shared>>)
        %dma_wait3A_92 = arith.constant 0 : i32
        %dma_wait3A_93 = tpu.memref_slice %arg9[%add3A_79, %dma_wait3A_92] : memref<40x128xi32, #tpu.memory_space<vmem>> -> memref<1x128xi32, #tpu.memory_space<vmem>>
        %dma_wait3A_94 = tpu.memref_squeeze %dma_wait3A_93 : memref<1x128xi32, #tpu.memory_space<vmem>> -> memref<128xi32, #tpu.memory_space<vmem>>
        %dma_wait3A_95 = arith.constant 0 : i32
        %dma_wait3A_96 = arith.constant 0 : i32
        %dma_wait3A_97 = tpu.memref_slice %arg7[%dma_wait3A_95, %dma_wait3A_96] : memref<10112x128xf32, #tpu.memory_space<vmem_shared>> -> memref<10112x128xf32, #tpu.memory_space<vmem_shared>>
        tpu.wait_indirect_dma semaphore(%arg15 : memref<!tpu.dma_semaphore, #tpu.memory_space<semaphore_mem>>) src(%arg11 : memref<128x128xf32, #tpu.memory_space<vmem>>) dst(%dma_wait3A_97 : memref<10112x128xf32, #tpu.memory_space<vmem_shared>>)
      }
      %scan3A_34 = arith.constant 20 : i32
    }
    %while3A_20 = arith.constant 1 : i32
    scf.for %while3A_26 = %while3A_18 to %while3A_14 step %while3A_20  : i32 {
      %mul3A_27 = arith.constant 40 : i32
      %mul3A_28 = arith.muli %while3A_26, %mul3A_27 : i32
      %add3A_29 = arith.addi %add3A, %mul3A_28 : i32
      "tpu.region"() ({
        %run_scoped3A = tpu.sem_alloc : memref<!tpu.dma_semaphore, #tpu.memory_space<semaphore_mem>>
        %dma_start3A = arith.constant 0 : i32
        %dma_start3A_35 = tpu.memref_slice %arg3[%add3A_29, %dma_start3A] : memref<2560x128xi32, #tpu.memory_space<hbm>> -> memref<40x128xi32, #tpu.memory_space<hbm>>
        %dma_start3A_36 = arith.constant 0 : i32
        %dma_start3A_37 = tpu.memref_slice %arg3[%add3A_29, %dma_start3A_36] : memref<2560x128xi32, #tpu.memory_space<hbm>> -> memref<40x128xi32, #tpu.memory_space<hbm>>
        tpu.enqueue_dma source(%dma_start3A_37 : memref<40x128xi32, #tpu.memory_space<hbm>>) target(%arg8 : memref<40x128xi32, #tpu.memory_space<vmem>>) target_semaphore(%run_scoped3A : memref<!tpu.dma_semaphore, #tpu.memory_space<semaphore_mem>>)
        %dma_wait3A = arith.constant 0 : i32
        %dma_wait3A_38 = tpu.memref_slice %arg3[%add3A_29, %dma_wait3A] : memref<2560x128xi32, #tpu.memory_space<hbm>> -> memref<40x128xi32, #tpu.memory_space<hbm>>
        %dma_wait3A_39 = arith.constant 0 : i32
        %dma_wait3A_40 = tpu.memref_slice %arg3[%add3A_29, %dma_wait3A_39] : memref<2560x128xi32, #tpu.memory_space<hbm>> -> memref<40x128xi32, #tpu.memory_space<hbm>>
        tpu.wait_dma2 semaphore(%run_scoped3A : memref<!tpu.dma_semaphore, #tpu.memory_space<semaphore_mem>>) src(%dma_wait3A_40 : memref<40x128xi32, #tpu.memory_space<hbm>>) dst(%arg8 : memref<40x128xi32, #tpu.memory_space<vmem>>)
        tpu.yield
      }) : () -> ()
      "tpu.region"() ({
        %run_scoped3A = tpu.sem_alloc : memref<!tpu.dma_semaphore, #tpu.memory_space<semaphore_mem>>
        %dma_start3A = arith.constant 0 : i32
        %dma_start3A_35 = tpu.memref_slice %arg4[%add3A_29, %dma_start3A] : memref<2560x128xi32, #tpu.memory_space<hbm>> -> memref<40x128xi32, #tpu.memory_space<hbm>>
        %dma_start3A_36 = arith.constant 0 : i32
        %dma_start3A_37 = tpu.memref_slice %arg4[%add3A_29, %dma_start3A_36] : memref<2560x128xi32, #tpu.memory_space<hbm>> -> memref<40x128xi32, #tpu.memory_space<hbm>>
        tpu.enqueue_dma source(%dma_start3A_37 : memref<40x128xi32, #tpu.memory_space<hbm>>) target(%arg9 : memref<40x128xi32, #tpu.memory_space<vmem>>) target_semaphore(%run_scoped3A : memref<!tpu.dma_semaphore, #tpu.memory_space<semaphore_mem>>)
        %dma_wait3A = arith.constant 0 : i32
        %dma_wait3A_38 = tpu.memref_slice %arg4[%add3A_29, %dma_wait3A] : memref<2560x128xi32, #tpu.memory_space<hbm>> -> memref<40x128xi32, #tpu.memory_space<hbm>>
        %dma_wait3A_39 = arith.constant 0 : i32
        %dma_wait3A_40 = tpu.memref_slice %arg4[%add3A_29, %dma_wait3A_39] : memref<2560x128xi32, #tpu.memory_space<hbm>> -> memref<40x128xi32, #tpu.memory_space<hbm>>
        tpu.wait_dma2 semaphore(%run_scoped3A : memref<!tpu.dma_semaphore, #tpu.memory_space<semaphore_mem>>) src(%dma_wait3A_40 : memref<40x128xi32, #tpu.memory_space<hbm>>) dst(%arg9 : memref<40x128xi32, #tpu.memory_space<vmem>>)
        tpu.yield
      }) : () -> ()
      %scan3A = arith.constant 0 : i32
      %scan3A_30 = arith.constant 0 : i32
      %scan3A_31 = arith.constant 20 : i32
      %scan3A_32 = arith.addi %scan3A_30, %scan3A_31 : i32
      %scan3A_33 = arith.constant 1 : i32
      scf.for %scan3A_35 = %scan3A_30 to %scan3A_32 step %scan3A_33  : i32 {
        %mul3A_36 = arith.constant 2 : i32
        %mul3A_37 = arith.muli %scan3A_35, %mul3A_36 : i32
        %add3A_38 = arith.constant 0 : i32
        %add3A_39 = arith.addi %mul3A_37, %add3A_38 : i32
        %dma_start3A = arith.constant 0 : i32
        %dma_start3A_40 = tpu.memref_slice %arg8[%add3A_39, %dma_start3A] : memref<40x128xi32, #tpu.memory_space<vmem>> -> memref<1x128xi32, #tpu.memory_space<vmem>>
        %dma_start3A_41 = tpu.memref_squeeze %dma_start3A_40 : memref<1x128xi32, #tpu.memory_space<vmem>> -> memref<128xi32, #tpu.memory_space<vmem>>
        %dma_start3A_42 = arith.constant 0 : i32
        %dma_start3A_43 = arith.constant 0 : i32
        %dma_start3A_44 = tpu.memref_slice %arg2[%dma_start3A_42, %dma_start3A_43] : memref<10016x128xf32, #tpu.memory_space<hbm>> -> memref<10016x128xf32, #tpu.memory_space<hbm>>
        tpu.enqueue_indirect_dma source(%dma_start3A_44 : memref<10016x128xf32, #tpu.memory_space<hbm>>) target(%arg10 : memref<128x128xf32, #tpu.memory_space<vmem>>) offsets(%dma_start3A_41 : memref<128xi32, #tpu.memory_space<vmem>>) semaphore(%arg12 : memref<!tpu.dma_semaphore, #tpu.memory_space<semaphore_mem>>)
        %mul3A_45 = arith.constant 2 : i32
        %mul3A_46 = arith.muli %scan3A_35, %mul3A_45 : i32
        %add3A_47 = arith.constant 1 : i32
        %add3A_48 = arith.addi %mul3A_46, %add3A_47 : i32
        %dma_start3A_49 = arith.constant 0 : i32
        %dma_start3A_50 = tpu.memref_slice %arg8[%add3A_48, %dma_start3A_49] : memref<40x128xi32, #tpu.memory_space<vmem>> -> memref<1x128xi32, #tpu.memory_space<vmem>>
        %dma_start3A_51 = tpu.memref_squeeze %dma_start3A_50 : memref<1x128xi32, #tpu.memory_space<vmem>> -> memref<128xi32, #tpu.memory_space<vmem>>
        %dma_start3A_52 = arith.constant 0 : i32
        %dma_start3A_53 = arith.constant 0 : i32
        %dma_start3A_54 = tpu.memref_slice %arg2[%dma_start3A_52, %dma_start3A_53] : memref<10016x128xf32, #tpu.memory_space<hbm>> -> memref<10016x128xf32, #tpu.memory_space<hbm>>
        tpu.enqueue_indirect_dma source(%dma_start3A_54 : memref<10016x128xf32, #tpu.memory_space<hbm>>) target(%arg11 : memref<128x128xf32, #tpu.memory_space<vmem>>) offsets(%dma_start3A_51 : memref<128xi32, #tpu.memory_space<vmem>>) semaphore(%arg13 : memref<!tpu.dma_semaphore, #tpu.memory_space<semaphore_mem>>)
        %dma_wait3A = arith.constant 0 : i32
        %dma_wait3A_55 = tpu.memref_slice %arg8[%add3A_39, %dma_wait3A] : memref<40x128xi32, #tpu.memory_space<vmem>> -> memref<1x128xi32, #tpu.memory_space<vmem>>
        %dma_wait3A_56 = tpu.memref_squeeze %dma_wait3A_55 : memref<1x128xi32, #tpu.memory_space<vmem>> -> memref<128xi32, #tpu.memory_space<vmem>>
        %dma_wait3A_57 = arith.constant 0 : i32
        %dma_wait3A_58 = arith.constant 0 : i32
        %dma_wait3A_59 = tpu.memref_slice %arg2[%dma_wait3A_57, %dma_wait3A_58] : memref<10016x128xf32, #tpu.memory_space<hbm>> -> memref<10016x128xf32, #tpu.memory_space<hbm>>
        tpu.wait_indirect_dma semaphore(%arg12 : memref<!tpu.dma_semaphore, #tpu.memory_space<semaphore_mem>>) src(%dma_wait3A_59 : memref<10016x128xf32, #tpu.memory_space<hbm>>) dst(%arg10 : memref<128x128xf32, #tpu.memory_space<vmem>>)
        %mul3A_60 = arith.constant 2 : i32
        %mul3A_61 = arith.muli %scan3A_35, %mul3A_60 : i32
        %add3A_62 = arith.constant 0 : i32
        %add3A_63 = arith.addi %mul3A_61, %add3A_62 : i32
        %dma_start3A_64 = arith.constant 0 : i32
        %dma_start3A_65 = tpu.memref_slice %arg9[%add3A_63, %dma_start3A_64] : memref<40x128xi32, #tpu.memory_space<vmem>> -> memref<1x128xi32, #tpu.memory_space<vmem>>
        %dma_start3A_66 = tpu.memref_squeeze %dma_start3A_65 : memref<1x128xi32, #tpu.memory_space<vmem>> -> memref<128xi32, #tpu.memory_space<vmem>>
        %dma_start3A_67 = arith.constant 0 : i32
        %dma_start3A_68 = arith.constant 0 : i32
        %dma_start3A_69 = tpu.memref_slice %arg7[%dma_start3A_67, %dma_start3A_68] : memref<10112x128xf32, #tpu.memory_space<vmem_shared>> -> memref<10112x128xf32, #tpu.memory_space<vmem_shared>>
        tpu.enqueue_indirect_dma source(%arg10 : memref<128x128xf32, #tpu.memory_space<vmem>>) target(%dma_start3A_69 : memref<10112x128xf32, #tpu.memory_space<vmem_shared>>) offsets(%dma_start3A_66 : memref<128xi32, #tpu.memory_space<vmem>>) semaphore(%arg14 : memref<!tpu.dma_semaphore, #tpu.memory_space<semaphore_mem>>) {add = true}
        %dma_wait3A_70 = arith.constant 0 : i32
        %dma_wait3A_71 = tpu.memref_slice %arg8[%add3A_48, %dma_wait3A_70] : memref<40x128xi32, #tpu.memory_space<vmem>> -> memref<1x128xi32, #tpu.memory_space<vmem>>
        %dma_wait3A_72 = tpu.memref_squeeze %dma_wait3A_71 : memref<1x128xi32, #tpu.memory_space<vmem>> -> memref<128xi32, #tpu.memory_space<vmem>>
        %dma_wait3A_73 = arith.constant 0 : i32
        %dma_wait3A_74 = arith.constant 0 : i32
        %dma_wait3A_75 = tpu.memref_slice %arg2[%dma_wait3A_73, %dma_wait3A_74] : memref<10016x128xf32, #tpu.memory_space<hbm>> -> memref<10016x128xf32, #tpu.memory_space<hbm>>
        tpu.wait_indirect_dma semaphore(%arg13 : memref<!tpu.dma_semaphore, #tpu.memory_space<semaphore_mem>>) src(%dma_wait3A_75 : memref<10016x128xf32, #tpu.memory_space<hbm>>) dst(%arg11 : memref<128x128xf32, #tpu.memory_space<vmem>>)
        %mul3A_76 = arith.constant 2 : i32
        %mul3A_77 = arith.muli %scan3A_35, %mul3A_76 : i32
        %add3A_78 = arith.constant 1 : i32
        %add3A_79 = arith.addi %mul3A_77, %add3A_78 : i32
        %dma_start3A_80 = arith.constant 0 : i32
        %dma_start3A_81 = tpu.memref_slice %arg9[%add3A_79, %dma_start3A_80] : memref<40x128xi32, #tpu.memory_space<vmem>> -> memref<1x128xi32, #tpu.memory_space<vmem>>
        %dma_start3A_82 = tpu.memref_squeeze %dma_start3A_81 : memref<1x128xi32, #tpu.memory_space<vmem>> -> memref<128xi32, #tpu.memory_space<vmem>>
        %dma_start3A_83 = arith.constant 0 : i32
        %dma_start3A_84 = arith.constant 0 : i32
        %dma_start3A_85 = tpu.memref_slice %arg7[%dma_start3A_83, %dma_start3A_84] : memref<10112x128xf32, #tpu.memory_space<vmem_shared>> -> memref<10112x128xf32, #tpu.memory_space<vmem_shared>>
        tpu.enqueue_indirect_dma source(%arg11 : memref<128x128xf32, #tpu.memory_space<vmem>>) target(%dma_start3A_85 : memref<10112x128xf32, #tpu.memory_space<vmem_shared>>) offsets(%dma_start3A_82 : memref<128xi32, #tpu.memory_space<vmem>>) semaphore(%arg15 : memref<!tpu.dma_semaphore, #tpu.memory_space<semaphore_mem>>) {add = true}
        %dma_wait3A_86 = arith.constant 0 : i32
        %dma_wait3A_87 = tpu.memref_slice %arg9[%add3A_63, %dma_wait3A_86] : memref<40x128xi32, #tpu.memory_space<vmem>> -> memref<1x128xi32, #tpu.memory_space<vmem>>
        %dma_wait3A_88 = tpu.memref_squeeze %dma_wait3A_87 : memref<1x128xi32, #tpu.memory_space<vmem>> -> memref<128xi32, #tpu.memory_space<vmem>>
        %dma_wait3A_89 = arith.constant 0 : i32
        %dma_wait3A_90 = arith.constant 0 : i32
        %dma_wait3A_91 = tpu.memref_slice %arg7[%dma_wait3A_89, %dma_wait3A_90] : memref<10112x128xf32, #tpu.memory_space<vmem_shared>> -> memref<10112x128xf32, #tpu.memory_space<vmem_shared>>
        tpu.wait_indirect_dma semaphore(%arg14 : memref<!tpu.dma_semaphore, #tpu.memory_space<semaphore_mem>>) src(%arg10 : memref<128x128xf32, #tpu.memory_space<vmem>>) dst(%dma_wait3A_91 : memref<10112x128xf32, #tpu.memory_space<vmem_shared>>)
        %dma_wait3A_92 = arith.constant 0 : i32
        %dma_wait3A_93 = tpu.memref_slice %arg9[%add3A_79, %dma_wait3A_92] : memref<40x128xi32, #tpu.memory_space<vmem>> -> memref<1x128xi32, #tpu.memory_space<vmem>>
        %dma_wait3A_94 = tpu.memref_squeeze %dma_wait3A_93 : memref<1x128xi32, #tpu.memory_space<vmem>> -> memref<128xi32, #tpu.memory_space<vmem>>
        %dma_wait3A_95 = arith.constant 0 : i32
        %dma_wait3A_96 = arith.constant 0 : i32
        %dma_wait3A_97 = tpu.memref_slice %arg7[%dma_wait3A_95, %dma_wait3A_96] : memref<10112x128xf32, #tpu.memory_space<vmem_shared>> -> memref<10112x128xf32, #tpu.memory_space<vmem_shared>>
        tpu.wait_indirect_dma semaphore(%arg15 : memref<!tpu.dma_semaphore, #tpu.memory_space<semaphore_mem>>) src(%arg11 : memref<128x128xf32, #tpu.memory_space<vmem>>) dst(%dma_wait3A_97 : memref<10112x128xf32, #tpu.memory_space<vmem_shared>>)
      }
      %scan3A_34 = arith.constant 20 : i32
    }
    %barrier3A_21 = arith.constant 0 : index
    tpu.barrier barrier_id(%barrier3A_21)
    %mul3A_22 = arith.constant 632 : i32
    %mul3A_23 = arith.muli %arg1, %mul3A_22 : i32
    %mul3A_24 = arith.constant 632 : i32
    %mul3A_25 = arith.muli %arg1, %mul3A_24 : i32
    "tpu.region"() ({
      %run_scoped3A = tpu.sem_alloc : memref<!tpu.dma_semaphore, #tpu.memory_space<semaphore_mem>>
      %dma_start3A = arith.constant 0 : i32
      %dma_start3A_26 = arith.constant 0 : i32
      %dma_start3A_27 = tpu.memref_slice %arg6[%arg0, %dma_start3A, %dma_start3A_26] : memref<2x10112x128xf32, #tpu.memory_space<hbm>> -> memref<1x10112x128xf32, #tpu.memory_space<hbm>>
      %dma_start3A_28 = tpu.memref_squeeze %dma_start3A_27 : memref<1x10112x128xf32, #tpu.memory_space<hbm>> -> memref<10112x128xf32, #tpu.memory_space<hbm>>
      %dma_start3A_29 = arith.constant 0 : i32
      %dma_start3A_30 = tpu.memref_slice %dma_start3A_28[%mul3A_25, %dma_start3A_29] : memref<10112x128xf32, #tpu.memory_space<hbm>> -> memref<632x128xf32, #tpu.memory_space<hbm>>
      %dma_start3A_31 = arith.constant 0 : i32
      %dma_start3A_32 = tpu.memref_slice %arg7[%mul3A_23, %dma_start3A_31] : memref<10112x128xf32, #tpu.memory_space<vmem_shared>> -> memref<632x128xf32, #tpu.memory_space<vmem_shared>>
      tpu.enqueue_dma source(%dma_start3A_32 : memref<632x128xf32, #tpu.memory_space<vmem_shared>>) target(%dma_start3A_30 : memref<632x128xf32, #tpu.memory_space<hbm>>) target_semaphore(%run_scoped3A : memref<!tpu.dma_semaphore, #tpu.memory_space<semaphore_mem>>)
      %dma_wait3A = arith.constant 0 : i32
      %dma_wait3A_33 = arith.constant 0 : i32
      %dma_wait3A_34 = tpu.memref_slice %arg6[%arg0, %dma_wait3A, %dma_wait3A_33] : memref<2x10112x128xf32, #tpu.memory_space<hbm>> -> memref<1x10112x128xf32, #tpu.memory_space<hbm>>
      %dma_wait3A_35 = tpu.memref_squeeze %dma_wait3A_34 : memref<1x10112x128xf32, #tpu.memory_space<hbm>> -> memref<10112x128xf32, #tpu.memory_space<hbm>>
      %dma_wait3A_36 = arith.constant 0 : i32
      %dma_wait3A_37 = tpu.memref_slice %dma_wait3A_35[%mul3A_25, %dma_wait3A_36] : memref<10112x128xf32, #tpu.memory_space<hbm>> -> memref<632x128xf32, #tpu.memory_space<hbm>>
      %dma_wait3A_38 = arith.constant 0 : i32
      %dma_wait3A_39 = tpu.memref_slice %arg7[%mul3A_23, %dma_wait3A_38] : memref<10112x128xf32, #tpu.memory_space<vmem_shared>> -> memref<632x128xf32, #tpu.memory_space<vmem_shared>>
      tpu.wait_dma2 semaphore(%run_scoped3A : memref<!tpu.dma_semaphore, #tpu.memory_space<semaphore_mem>>) src(%dma_wait3A_39 : memref<632x128xf32, #tpu.memory_space<vmem_shared>>) dst(%dma_wait3A_37 : memref<632x128xf32, #tpu.memory_space<hbm>>)
      tpu.yield
    }) : () -> ()
    return
  }
}

#map = affine_map<(d0, d1) -> (0, 0)>
#map1 = affine_map<(d0, d1) -> (0, 0, 0)>
module attributes {stable_mosaic.version = 14 : i64} {
  func.func @_agg_body(%arg0: i32, %arg1: i32, %arg2: memref<10016x128xf32, #tpu.memory_space<hbm>>, %arg3: memref<2560x128xi32, #tpu.memory_space<hbm>>, %arg4: memref<2560x128xi32, #tpu.memory_space<hbm>>, %arg5: memref<10112x128xf32, #tpu.memory_space<hbm>>, %arg6: memref<2x10112x128xf32, #tpu.memory_space<hbm>>, %arg7: memref<10112x128xf32, #tpu.memory_space<vmem_shared>>, %arg8: memref<40x128xi32, #tpu.memory_space<vmem>>, %arg9: memref<40x128xi32, #tpu.memory_space<vmem>>, %arg10: memref<128x128xf32, #tpu.memory_space<vmem>>, %arg11: memref<128x128xf32, #tpu.memory_space<vmem>>, %arg12: memref<!tpu.dma_semaphore, #tpu.memory_space<semaphore_mem>>, %arg13: memref<!tpu.dma_semaphore, #tpu.memory_space<semaphore_mem>>, %arg14: memref<!tpu.dma_semaphore, #tpu.memory_space<semaphore_mem>>, %arg15: memref<!tpu.dma_semaphore, #tpu.memory_space<semaphore_mem>>) attributes {dimension_semantics = [#tpu.dimension_semantics<core_parallel>, #tpu.dimension_semantics<subcore_parallel>], iteration_bounds = array<i64: 2, 16>, scalar_prefetch = 0 : i64, scratch_operands = 9 : i64, tpu.core_type = #tpu.core_type<sc_vector_subcore>, window_params = [{transform_indices = #map}, {transform_indices = #map}, {transform_indices = #map}, {transform_indices = #map}, {transform_indices = #map1}]} {
    %mul3A = arith.constant 632 : i32
    %mul3A_0 = arith.muli %arg1, %mul3A : i32
    %mul3A_1 = arith.constant 632 : i32
    %mul3A_2 = arith.muli %arg1, %mul3A_1 : i32
    "tpu.region"() ({
      %run_scoped3A = tpu.sem_alloc : memref<!tpu.dma_semaphore, #tpu.memory_space<semaphore_mem>>
      %dma_start3A = arith.constant 0 : i32
      %dma_start3A_26 = tpu.memref_slice %arg7[%mul3A_2, %dma_start3A] : memref<10112x128xf32, #tpu.memory_space<vmem_shared>> -> memref<632x128xf32, #tpu.memory_space<vmem_shared>>
      %dma_start3A_27 = arith.constant 0 : i32
      %dma_start3A_28 = tpu.memref_slice %arg5[%mul3A_0, %dma_start3A_27] : memref<10112x128xf32, #tpu.memory_space<hbm>> -> memref<632x128xf32, #tpu.memory_space<hbm>>
      tpu.enqueue_dma source(%dma_start3A_28 : memref<632x128xf32, #tpu.memory_space<hbm>>) target(%dma_start3A_26 : memref<632x128xf32, #tpu.memory_space<vmem_shared>>) target_semaphore(%run_scoped3A : memref<!tpu.dma_semaphore, #tpu.memory_space<semaphore_mem>>)
      %dma_wait3A = arith.constant 0 : i32
      %dma_wait3A_29 = tpu.memref_slice %arg7[%mul3A_2, %dma_wait3A] : memref<10112x128xf32, #tpu.memory_space<vmem_shared>> -> memref<632x128xf32, #tpu.memory_space<vmem_shared>>
      %dma_wait3A_30 = arith.constant 0 : i32
      %dma_wait3A_31 = tpu.memref_slice %arg5[%mul3A_0, %dma_wait3A_30] : memref<10112x128xf32, #tpu.memory_space<hbm>> -> memref<632x128xf32, #tpu.memory_space<hbm>>
      tpu.wait_dma2 semaphore(%run_scoped3A : memref<!tpu.dma_semaphore, #tpu.memory_space<semaphore_mem>>) src(%dma_wait3A_31 : memref<632x128xf32, #tpu.memory_space<hbm>>) dst(%dma_wait3A_29 : memref<632x128xf32, #tpu.memory_space<vmem_shared>>)
      tpu.yield
    }) : () -> ()
    %barrier3A = arith.constant 0 : index
    tpu.barrier barrier_id(%barrier3A)
    %eq3A = arith.constant 0 : i32
    %eq3A_3 = arith.cmpi eq, %arg0, %eq3A : i32
    %jit3A = arith.constant 3 : i32
    %jit3A_4 = arith.constant 1 : i32
    %select_n3A = arith.select %eq3A_3, %jit3A, %jit3A_4 : i32
    %mul3A_5 = arith.constant 160 : i32
    %mul3A_6 = arith.muli %arg1, %mul3A_5 : i32
    %eq3A_7 = arith.constant 0 : i32
    %eq3A_8 = arith.cmpi eq, %arg0, %eq3A_7 : i32
    %jit3A_9 = arith.constant 0 : i32
    %jit3A_10 = arith.constant 120 : i32
    %select_n3A_11 = arith.select %eq3A_8, %jit3A_9, %jit3A_10 : i32
    %add3A = arith.addi %mul3A_6, %select_n3A_11 : i32
    %while3A = arith.constant 0 : i32
    %while3A_12 = arith.constant 0 : i32
    %while3A_13 = arith.subi %select_n3A, %while3A_12 : i32
    %while3A_14 = arith.addi %while3A_12, %while3A_13 : i32
    %while3A_15 = arith.constant 1 : i32
    %while3A_16 = arith.divsi %while3A_13, %while3A_15 : i32
    %while3A_17 = arith.muli %while3A_16, %while3A_15 : i32
    %while3A_18 = arith.addi %while3A_12, %while3A_17 : i32
    %while3A_19 = arith.constant 1 : i32
    scf.for %while3A_26 = %while3A_12 to %while3A_18 step %while3A_19  : i32 {
      %mul3A_27 = arith.constant 40 : i32
      %mul3A_28 = arith.muli %while3A_26, %mul3A_27 : i32
      %add3A_29 = arith.addi %add3A, %mul3A_28 : i32
      "tpu.region"() ({
        %run_scoped3A = tpu.sem_alloc : memref<!tpu.dma_semaphore, #tpu.memory_space<semaphore_mem>>
        %dma_start3A = arith.constant 0 : i32
        %dma_start3A_35 = tpu.memref_slice %arg3[%add3A_29, %dma_start3A] : memref<2560x128xi32, #tpu.memory_space<hbm>> -> memref<40x128xi32, #tpu.memory_space<hbm>>
        %dma_start3A_36 = arith.constant 0 : i32
        %dma_start3A_37 = tpu.memref_slice %arg3[%add3A_29, %dma_start3A_36] : memref<2560x128xi32, #tpu.memory_space<hbm>> -> memref<40x128xi32, #tpu.memory_space<hbm>>
        tpu.enqueue_dma source(%dma_start3A_37 : memref<40x128xi32, #tpu.memory_space<hbm>>) target(%arg8 : memref<40x128xi32, #tpu.memory_space<vmem>>) target_semaphore(%run_scoped3A : memref<!tpu.dma_semaphore, #tpu.memory_space<semaphore_mem>>)
        %dma_wait3A = arith.constant 0 : i32
        %dma_wait3A_38 = tpu.memref_slice %arg3[%add3A_29, %dma_wait3A] : memref<2560x128xi32, #tpu.memory_space<hbm>> -> memref<40x128xi32, #tpu.memory_space<hbm>>
        %dma_wait3A_39 = arith.constant 0 : i32
        %dma_wait3A_40 = tpu.memref_slice %arg3[%add3A_29, %dma_wait3A_39] : memref<2560x128xi32, #tpu.memory_space<hbm>> -> memref<40x128xi32, #tpu.memory_space<hbm>>
        tpu.wait_dma2 semaphore(%run_scoped3A : memref<!tpu.dma_semaphore, #tpu.memory_space<semaphore_mem>>) src(%dma_wait3A_40 : memref<40x128xi32, #tpu.memory_space<hbm>>) dst(%arg8 : memref<40x128xi32, #tpu.memory_space<vmem>>)
        tpu.yield
      }) : () -> ()
      "tpu.region"() ({
        %run_scoped3A = tpu.sem_alloc : memref<!tpu.dma_semaphore, #tpu.memory_space<semaphore_mem>>
        %dma_start3A = arith.constant 0 : i32
        %dma_start3A_35 = tpu.memref_slice %arg4[%add3A_29, %dma_start3A] : memref<2560x128xi32, #tpu.memory_space<hbm>> -> memref<40x128xi32, #tpu.memory_space<hbm>>
        %dma_start3A_36 = arith.constant 0 : i32
        %dma_start3A_37 = tpu.memref_slice %arg4[%add3A_29, %dma_start3A_36] : memref<2560x128xi32, #tpu.memory_space<hbm>> -> memref<40x128xi32, #tpu.memory_space<hbm>>
        tpu.enqueue_dma source(%dma_start3A_37 : memref<40x128xi32, #tpu.memory_space<hbm>>) target(%arg9 : memref<40x128xi32, #tpu.memory_space<vmem>>) target_semaphore(%run_scoped3A : memref<!tpu.dma_semaphore, #tpu.memory_space<semaphore_mem>>)
        %dma_wait3A = arith.constant 0 : i32
        %dma_wait3A_38 = tpu.memref_slice %arg4[%add3A_29, %dma_wait3A] : memref<2560x128xi32, #tpu.memory_space<hbm>> -> memref<40x128xi32, #tpu.memory_space<hbm>>
        %dma_wait3A_39 = arith.constant 0 : i32
        %dma_wait3A_40 = tpu.memref_slice %arg4[%add3A_29, %dma_wait3A_39] : memref<2560x128xi32, #tpu.memory_space<hbm>> -> memref<40x128xi32, #tpu.memory_space<hbm>>
        tpu.wait_dma2 semaphore(%run_scoped3A : memref<!tpu.dma_semaphore, #tpu.memory_space<semaphore_mem>>) src(%dma_wait3A_40 : memref<40x128xi32, #tpu.memory_space<hbm>>) dst(%arg9 : memref<40x128xi32, #tpu.memory_space<vmem>>)
        tpu.yield
      }) : () -> ()
      %scan3A = arith.constant 0 : i32
      %scan3A_30 = arith.constant 0 : i32
      %scan3A_31 = arith.constant 20 : i32
      %scan3A_32 = arith.addi %scan3A_30, %scan3A_31 : i32
      %scan3A_33 = arith.constant 1 : i32
      scf.for %scan3A_35 = %scan3A_30 to %scan3A_32 step %scan3A_33  : i32 {
        %mul3A_36 = arith.constant 2 : i32
        %mul3A_37 = arith.muli %scan3A_35, %mul3A_36 : i32
        %add3A_38 = arith.constant 0 : i32
        %add3A_39 = arith.addi %mul3A_37, %add3A_38 : i32
        %dma_start3A = arith.constant 0 : i32
        %dma_start3A_40 = tpu.memref_slice %arg8[%add3A_39, %dma_start3A] : memref<40x128xi32, #tpu.memory_space<vmem>> -> memref<1x128xi32, #tpu.memory_space<vmem>>
        %dma_start3A_41 = tpu.memref_squeeze %dma_start3A_40 : memref<1x128xi32, #tpu.memory_space<vmem>> -> memref<128xi32, #tpu.memory_space<vmem>>
        %dma_start3A_42 = arith.constant 0 : i32
        %dma_start3A_43 = arith.constant 0 : i32
        %dma_start3A_44 = tpu.memref_slice %arg2[%dma_start3A_42, %dma_start3A_43] : memref<10016x128xf32, #tpu.memory_space<hbm>> -> memref<10016x128xf32, #tpu.memory_space<hbm>>
        tpu.enqueue_indirect_dma source(%dma_start3A_44 : memref<10016x128xf32, #tpu.memory_space<hbm>>) target(%arg10 : memref<128x128xf32, #tpu.memory_space<vmem>>) offsets(%dma_start3A_41 : memref<128xi32, #tpu.memory_space<vmem>>) semaphore(%arg12 : memref<!tpu.dma_semaphore, #tpu.memory_space<semaphore_mem>>)
        %mul3A_45 = arith.constant 2 : i32
        %mul3A_46 = arith.muli %scan3A_35, %mul3A_45 : i32
        %add3A_47 = arith.constant 1 : i32
        %add3A_48 = arith.addi %mul3A_46, %add3A_47 : i32
        %dma_start3A_49 = arith.constant 0 : i32
        %dma_start3A_50 = tpu.memref_slice %arg8[%add3A_48, %dma_start3A_49] : memref<40x128xi32, #tpu.memory_space<vmem>> -> memref<1x128xi32, #tpu.memory_space<vmem>>
        %dma_start3A_51 = tpu.memref_squeeze %dma_start3A_50 : memref<1x128xi32, #tpu.memory_space<vmem>> -> memref<128xi32, #tpu.memory_space<vmem>>
        %dma_start3A_52 = arith.constant 0 : i32
        %dma_start3A_53 = arith.constant 0 : i32
        %dma_start3A_54 = tpu.memref_slice %arg2[%dma_start3A_52, %dma_start3A_53] : memref<10016x128xf32, #tpu.memory_space<hbm>> -> memref<10016x128xf32, #tpu.memory_space<hbm>>
        tpu.enqueue_indirect_dma source(%dma_start3A_54 : memref<10016x128xf32, #tpu.memory_space<hbm>>) target(%arg11 : memref<128x128xf32, #tpu.memory_space<vmem>>) offsets(%dma_start3A_51 : memref<128xi32, #tpu.memory_space<vmem>>) semaphore(%arg13 : memref<!tpu.dma_semaphore, #tpu.memory_space<semaphore_mem>>)
        %dma_wait3A = arith.constant 0 : i32
        %dma_wait3A_55 = tpu.memref_slice %arg8[%add3A_39, %dma_wait3A] : memref<40x128xi32, #tpu.memory_space<vmem>> -> memref<1x128xi32, #tpu.memory_space<vmem>>
        %dma_wait3A_56 = tpu.memref_squeeze %dma_wait3A_55 : memref<1x128xi32, #tpu.memory_space<vmem>> -> memref<128xi32, #tpu.memory_space<vmem>>
        %dma_wait3A_57 = arith.constant 0 : i32
        %dma_wait3A_58 = arith.constant 0 : i32
        %dma_wait3A_59 = tpu.memref_slice %arg2[%dma_wait3A_57, %dma_wait3A_58] : memref<10016x128xf32, #tpu.memory_space<hbm>> -> memref<10016x128xf32, #tpu.memory_space<hbm>>
        tpu.wait_indirect_dma semaphore(%arg12 : memref<!tpu.dma_semaphore, #tpu.memory_space<semaphore_mem>>) src(%dma_wait3A_59 : memref<10016x128xf32, #tpu.memory_space<hbm>>) dst(%arg10 : memref<128x128xf32, #tpu.memory_space<vmem>>)
        %mul3A_60 = arith.constant 2 : i32
        %mul3A_61 = arith.muli %scan3A_35, %mul3A_60 : i32
        %add3A_62 = arith.constant 0 : i32
        %add3A_63 = arith.addi %mul3A_61, %add3A_62 : i32
        %dma_start3A_64 = arith.constant 0 : i32
        %dma_start3A_65 = tpu.memref_slice %arg9[%add3A_63, %dma_start3A_64] : memref<40x128xi32, #tpu.memory_space<vmem>> -> memref<1x128xi32, #tpu.memory_space<vmem>>
        %dma_start3A_66 = tpu.memref_squeeze %dma_start3A_65 : memref<1x128xi32, #tpu.memory_space<vmem>> -> memref<128xi32, #tpu.memory_space<vmem>>
        %dma_start3A_67 = arith.constant 0 : i32
        %dma_start3A_68 = arith.constant 0 : i32
        %dma_start3A_69 = tpu.memref_slice %arg7[%dma_start3A_67, %dma_start3A_68] : memref<10112x128xf32, #tpu.memory_space<vmem_shared>> -> memref<10112x128xf32, #tpu.memory_space<vmem_shared>>
        tpu.enqueue_indirect_dma source(%arg10 : memref<128x128xf32, #tpu.memory_space<vmem>>) target(%dma_start3A_69 : memref<10112x128xf32, #tpu.memory_space<vmem_shared>>) offsets(%dma_start3A_66 : memref<128xi32, #tpu.memory_space<vmem>>) semaphore(%arg14 : memref<!tpu.dma_semaphore, #tpu.memory_space<semaphore_mem>>) {add = true}
        %dma_wait3A_70 = arith.constant 0 : i32
        %dma_wait3A_71 = tpu.memref_slice %arg8[%add3A_48, %dma_wait3A_70] : memref<40x128xi32, #tpu.memory_space<vmem>> -> memref<1x128xi32, #tpu.memory_space<vmem>>
        %dma_wait3A_72 = tpu.memref_squeeze %dma_wait3A_71 : memref<1x128xi32, #tpu.memory_space<vmem>> -> memref<128xi32, #tpu.memory_space<vmem>>
        %dma_wait3A_73 = arith.constant 0 : i32
        %dma_wait3A_74 = arith.constant 0 : i32
        %dma_wait3A_75 = tpu.memref_slice %arg2[%dma_wait3A_73, %dma_wait3A_74] : memref<10016x128xf32, #tpu.memory_space<hbm>> -> memref<10016x128xf32, #tpu.memory_space<hbm>>
        tpu.wait_indirect_dma semaphore(%arg13 : memref<!tpu.dma_semaphore, #tpu.memory_space<semaphore_mem>>) src(%dma_wait3A_75 : memref<10016x128xf32, #tpu.memory_space<hbm>>) dst(%arg11 : memref<128x128xf32, #tpu.memory_space<vmem>>)
        %mul3A_76 = arith.constant 2 : i32
        %mul3A_77 = arith.muli %scan3A_35, %mul3A_76 : i32
        %add3A_78 = arith.constant 1 : i32
        %add3A_79 = arith.addi %mul3A_77, %add3A_78 : i32
        %dma_start3A_80 = arith.constant 0 : i32
        %dma_start3A_81 = tpu.memref_slice %arg9[%add3A_79, %dma_start3A_80] : memref<40x128xi32, #tpu.memory_space<vmem>> -> memref<1x128xi32, #tpu.memory_space<vmem>>
        %dma_start3A_82 = tpu.memref_squeeze %dma_start3A_81 : memref<1x128xi32, #tpu.memory_space<vmem>> -> memref<128xi32, #tpu.memory_space<vmem>>
        %dma_start3A_83 = arith.constant 0 : i32
        %dma_start3A_84 = arith.constant 0 : i32
        %dma_start3A_85 = tpu.memref_slice %arg7[%dma_start3A_83, %dma_start3A_84] : memref<10112x128xf32, #tpu.memory_space<vmem_shared>> -> memref<10112x128xf32, #tpu.memory_space<vmem_shared>>
        tpu.enqueue_indirect_dma source(%arg11 : memref<128x128xf32, #tpu.memory_space<vmem>>) target(%dma_start3A_85 : memref<10112x128xf32, #tpu.memory_space<vmem_shared>>) offsets(%dma_start3A_82 : memref<128xi32, #tpu.memory_space<vmem>>) semaphore(%arg15 : memref<!tpu.dma_semaphore, #tpu.memory_space<semaphore_mem>>) {add = true}
        %dma_wait3A_86 = arith.constant 0 : i32
        %dma_wait3A_87 = tpu.memref_slice %arg9[%add3A_63, %dma_wait3A_86] : memref<40x128xi32, #tpu.memory_space<vmem>> -> memref<1x128xi32, #tpu.memory_space<vmem>>
        %dma_wait3A_88 = tpu.memref_squeeze %dma_wait3A_87 : memref<1x128xi32, #tpu.memory_space<vmem>> -> memref<128xi32, #tpu.memory_space<vmem>>
        %dma_wait3A_89 = arith.constant 0 : i32
        %dma_wait3A_90 = arith.constant 0 : i32
        %dma_wait3A_91 = tpu.memref_slice %arg7[%dma_wait3A_89, %dma_wait3A_90] : memref<10112x128xf32, #tpu.memory_space<vmem_shared>> -> memref<10112x128xf32, #tpu.memory_space<vmem_shared>>
        tpu.wait_indirect_dma semaphore(%arg14 : memref<!tpu.dma_semaphore, #tpu.memory_space<semaphore_mem>>) src(%arg10 : memref<128x128xf32, #tpu.memory_space<vmem>>) dst(%dma_wait3A_91 : memref<10112x128xf32, #tpu.memory_space<vmem_shared>>)
        %dma_wait3A_92 = arith.constant 0 : i32
        %dma_wait3A_93 = tpu.memref_slice %arg9[%add3A_79, %dma_wait3A_92] : memref<40x128xi32, #tpu.memory_space<vmem>> -> memref<1x128xi32, #tpu.memory_space<vmem>>
        %dma_wait3A_94 = tpu.memref_squeeze %dma_wait3A_93 : memref<1x128xi32, #tpu.memory_space<vmem>> -> memref<128xi32, #tpu.memory_space<vmem>>
        %dma_wait3A_95 = arith.constant 0 : i32
        %dma_wait3A_96 = arith.constant 0 : i32
        %dma_wait3A_97 = tpu.memref_slice %arg7[%dma_wait3A_95, %dma_wait3A_96] : memref<10112x128xf32, #tpu.memory_space<vmem_shared>> -> memref<10112x128xf32, #tpu.memory_space<vmem_shared>>
        tpu.wait_indirect_dma semaphore(%arg15 : memref<!tpu.dma_semaphore, #tpu.memory_space<semaphore_mem>>) src(%arg11 : memref<128x128xf32, #tpu.memory_space<vmem>>) dst(%dma_wait3A_97 : memref<10112x128xf32, #tpu.memory_space<vmem_shared>>)
      }
      %scan3A_34 = arith.constant 20 : i32
    }
    %while3A_20 = arith.constant 1 : i32
    scf.for %while3A_26 = %while3A_18 to %while3A_14 step %while3A_20  : i32 {
      %mul3A_27 = arith.constant 40 : i32
      %mul3A_28 = arith.muli %while3A_26, %mul3A_27 : i32
      %add3A_29 = arith.addi %add3A, %mul3A_28 : i32
      "tpu.region"() ({
        %run_scoped3A = tpu.sem_alloc : memref<!tpu.dma_semaphore, #tpu.memory_space<semaphore_mem>>
        %dma_start3A = arith.constant 0 : i32
        %dma_start3A_35 = tpu.memref_slice %arg3[%add3A_29, %dma_start3A] : memref<2560x128xi32, #tpu.memory_space<hbm>> -> memref<40x128xi32, #tpu.memory_space<hbm>>
        %dma_start3A_36 = arith.constant 0 : i32
        %dma_start3A_37 = tpu.memref_slice %arg3[%add3A_29, %dma_start3A_36] : memref<2560x128xi32, #tpu.memory_space<hbm>> -> memref<40x128xi32, #tpu.memory_space<hbm>>
        tpu.enqueue_dma source(%dma_start3A_37 : memref<40x128xi32, #tpu.memory_space<hbm>>) target(%arg8 : memref<40x128xi32, #tpu.memory_space<vmem>>) target_semaphore(%run_scoped3A : memref<!tpu.dma_semaphore, #tpu.memory_space<semaphore_mem>>)
        %dma_wait3A = arith.constant 0 : i32
        %dma_wait3A_38 = tpu.memref_slice %arg3[%add3A_29, %dma_wait3A] : memref<2560x128xi32, #tpu.memory_space<hbm>> -> memref<40x128xi32, #tpu.memory_space<hbm>>
        %dma_wait3A_39 = arith.constant 0 : i32
        %dma_wait3A_40 = tpu.memref_slice %arg3[%add3A_29, %dma_wait3A_39] : memref<2560x128xi32, #tpu.memory_space<hbm>> -> memref<40x128xi32, #tpu.memory_space<hbm>>
        tpu.wait_dma2 semaphore(%run_scoped3A : memref<!tpu.dma_semaphore, #tpu.memory_space<semaphore_mem>>) src(%dma_wait3A_40 : memref<40x128xi32, #tpu.memory_space<hbm>>) dst(%arg8 : memref<40x128xi32, #tpu.memory_space<vmem>>)
        tpu.yield
      }) : () -> ()
      "tpu.region"() ({
        %run_scoped3A = tpu.sem_alloc : memref<!tpu.dma_semaphore, #tpu.memory_space<semaphore_mem>>
        %dma_start3A = arith.constant 0 : i32
        %dma_start3A_35 = tpu.memref_slice %arg4[%add3A_29, %dma_start3A] : memref<2560x128xi32, #tpu.memory_space<hbm>> -> memref<40x128xi32, #tpu.memory_space<hbm>>
        %dma_start3A_36 = arith.constant 0 : i32
        %dma_start3A_37 = tpu.memref_slice %arg4[%add3A_29, %dma_start3A_36] : memref<2560x128xi32, #tpu.memory_space<hbm>> -> memref<40x128xi32, #tpu.memory_space<hbm>>
        tpu.enqueue_dma source(%dma_start3A_37 : memref<40x128xi32, #tpu.memory_space<hbm>>) target(%arg9 : memref<40x128xi32, #tpu.memory_space<vmem>>) target_semaphore(%run_scoped3A : memref<!tpu.dma_semaphore, #tpu.memory_space<semaphore_mem>>)
        %dma_wait3A = arith.constant 0 : i32
        %dma_wait3A_38 = tpu.memref_slice %arg4[%add3A_29, %dma_wait3A] : memref<2560x128xi32, #tpu.memory_space<hbm>> -> memref<40x128xi32, #tpu.memory_space<hbm>>
        %dma_wait3A_39 = arith.constant 0 : i32
        %dma_wait3A_40 = tpu.memref_slice %arg4[%add3A_29, %dma_wait3A_39] : memref<2560x128xi32, #tpu.memory_space<hbm>> -> memref<40x128xi32, #tpu.memory_space<hbm>>
        tpu.wait_dma2 semaphore(%run_scoped3A : memref<!tpu.dma_semaphore, #tpu.memory_space<semaphore_mem>>) src(%dma_wait3A_40 : memref<40x128xi32, #tpu.memory_space<hbm>>) dst(%arg9 : memref<40x128xi32, #tpu.memory_space<vmem>>)
        tpu.yield
      }) : () -> ()
      %scan3A = arith.constant 0 : i32
      %scan3A_30 = arith.constant 0 : i32
      %scan3A_31 = arith.constant 20 : i32
      %scan3A_32 = arith.addi %scan3A_30, %scan3A_31 : i32
      %scan3A_33 = arith.constant 1 : i32
      scf.for %scan3A_35 = %scan3A_30 to %scan3A_32 step %scan3A_33  : i32 {
        %mul3A_36 = arith.constant 2 : i32
        %mul3A_37 = arith.muli %scan3A_35, %mul3A_36 : i32
        %add3A_38 = arith.constant 0 : i32
        %add3A_39 = arith.addi %mul3A_37, %add3A_38 : i32
        %dma_start3A = arith.constant 0 : i32
        %dma_start3A_40 = tpu.memref_slice %arg8[%add3A_39, %dma_start3A] : memref<40x128xi32, #tpu.memory_space<vmem>> -> memref<1x128xi32, #tpu.memory_space<vmem>>
        %dma_start3A_41 = tpu.memref_squeeze %dma_start3A_40 : memref<1x128xi32, #tpu.memory_space<vmem>> -> memref<128xi32, #tpu.memory_space<vmem>>
        %dma_start3A_42 = arith.constant 0 : i32
        %dma_start3A_43 = arith.constant 0 : i32
        %dma_start3A_44 = tpu.memref_slice %arg2[%dma_start3A_42, %dma_start3A_43] : memref<10016x128xf32, #tpu.memory_space<hbm>> -> memref<10016x128xf32, #tpu.memory_space<hbm>>
        tpu.enqueue_indirect_dma source(%dma_start3A_44 : memref<10016x128xf32, #tpu.memory_space<hbm>>) target(%arg10 : memref<128x128xf32, #tpu.memory_space<vmem>>) offsets(%dma_start3A_41 : memref<128xi32, #tpu.memory_space<vmem>>) semaphore(%arg12 : memref<!tpu.dma_semaphore, #tpu.memory_space<semaphore_mem>>)
        %mul3A_45 = arith.constant 2 : i32
        %mul3A_46 = arith.muli %scan3A_35, %mul3A_45 : i32
        %add3A_47 = arith.constant 1 : i32
        %add3A_48 = arith.addi %mul3A_46, %add3A_47 : i32
        %dma_start3A_49 = arith.constant 0 : i32
        %dma_start3A_50 = tpu.memref_slice %arg8[%add3A_48, %dma_start3A_49] : memref<40x128xi32, #tpu.memory_space<vmem>> -> memref<1x128xi32, #tpu.memory_space<vmem>>
        %dma_start3A_51 = tpu.memref_squeeze %dma_start3A_50 : memref<1x128xi32, #tpu.memory_space<vmem>> -> memref<128xi32, #tpu.memory_space<vmem>>
        %dma_start3A_52 = arith.constant 0 : i32
        %dma_start3A_53 = arith.constant 0 : i32
        %dma_start3A_54 = tpu.memref_slice %arg2[%dma_start3A_52, %dma_start3A_53] : memref<10016x128xf32, #tpu.memory_space<hbm>> -> memref<10016x128xf32, #tpu.memory_space<hbm>>
        tpu.enqueue_indirect_dma source(%dma_start3A_54 : memref<10016x128xf32, #tpu.memory_space<hbm>>) target(%arg11 : memref<128x128xf32, #tpu.memory_space<vmem>>) offsets(%dma_start3A_51 : memref<128xi32, #tpu.memory_space<vmem>>) semaphore(%arg13 : memref<!tpu.dma_semaphore, #tpu.memory_space<semaphore_mem>>)
        %dma_wait3A = arith.constant 0 : i32
        %dma_wait3A_55 = tpu.memref_slice %arg8[%add3A_39, %dma_wait3A] : memref<40x128xi32, #tpu.memory_space<vmem>> -> memref<1x128xi32, #tpu.memory_space<vmem>>
        %dma_wait3A_56 = tpu.memref_squeeze %dma_wait3A_55 : memref<1x128xi32, #tpu.memory_space<vmem>> -> memref<128xi32, #tpu.memory_space<vmem>>
        %dma_wait3A_57 = arith.constant 0 : i32
        %dma_wait3A_58 = arith.constant 0 : i32
        %dma_wait3A_59 = tpu.memref_slice %arg2[%dma_wait3A_57, %dma_wait3A_58] : memref<10016x128xf32, #tpu.memory_space<hbm>> -> memref<10016x128xf32, #tpu.memory_space<hbm>>
        tpu.wait_indirect_dma semaphore(%arg12 : memref<!tpu.dma_semaphore, #tpu.memory_space<semaphore_mem>>) src(%dma_wait3A_59 : memref<10016x128xf32, #tpu.memory_space<hbm>>) dst(%arg10 : memref<128x128xf32, #tpu.memory_space<vmem>>)
        %mul3A_60 = arith.constant 2 : i32
        %mul3A_61 = arith.muli %scan3A_35, %mul3A_60 : i32
        %add3A_62 = arith.constant 0 : i32
        %add3A_63 = arith.addi %mul3A_61, %add3A_62 : i32
        %dma_start3A_64 = arith.constant 0 : i32
        %dma_start3A_65 = tpu.memref_slice %arg9[%add3A_63, %dma_start3A_64] : memref<40x128xi32, #tpu.memory_space<vmem>> -> memref<1x128xi32, #tpu.memory_space<vmem>>
        %dma_start3A_66 = tpu.memref_squeeze %dma_start3A_65 : memref<1x128xi32, #tpu.memory_space<vmem>> -> memref<128xi32, #tpu.memory_space<vmem>>
        %dma_start3A_67 = arith.constant 0 : i32
        %dma_start3A_68 = arith.constant 0 : i32
        %dma_start3A_69 = tpu.memref_slice %arg7[%dma_start3A_67, %dma_start3A_68] : memref<10112x128xf32, #tpu.memory_space<vmem_shared>> -> memref<10112x128xf32, #tpu.memory_space<vmem_shared>>
        tpu.enqueue_indirect_dma source(%arg10 : memref<128x128xf32, #tpu.memory_space<vmem>>) target(%dma_start3A_69 : memref<10112x128xf32, #tpu.memory_space<vmem_shared>>) offsets(%dma_start3A_66 : memref<128xi32, #tpu.memory_space<vmem>>) semaphore(%arg14 : memref<!tpu.dma_semaphore, #tpu.memory_space<semaphore_mem>>) {add = true}
        %dma_wait3A_70 = arith.constant 0 : i32
        %dma_wait3A_71 = tpu.memref_slice %arg8[%add3A_48, %dma_wait3A_70] : memref<40x128xi32, #tpu.memory_space<vmem>> -> memref<1x128xi32, #tpu.memory_space<vmem>>
        %dma_wait3A_72 = tpu.memref_squeeze %dma_wait3A_71 : memref<1x128xi32, #tpu.memory_space<vmem>> -> memref<128xi32, #tpu.memory_space<vmem>>
        %dma_wait3A_73 = arith.constant 0 : i32
        %dma_wait3A_74 = arith.constant 0 : i32
        %dma_wait3A_75 = tpu.memref_slice %arg2[%dma_wait3A_73, %dma_wait3A_74] : memref<10016x128xf32, #tpu.memory_space<hbm>> -> memref<10016x128xf32, #tpu.memory_space<hbm>>
        tpu.wait_indirect_dma semaphore(%arg13 : memref<!tpu.dma_semaphore, #tpu.memory_space<semaphore_mem>>) src(%dma_wait3A_75 : memref<10016x128xf32, #tpu.memory_space<hbm>>) dst(%arg11 : memref<128x128xf32, #tpu.memory_space<vmem>>)
        %mul3A_76 = arith.constant 2 : i32
        %mul3A_77 = arith.muli %scan3A_35, %mul3A_76 : i32
        %add3A_78 = arith.constant 1 : i32
        %add3A_79 = arith.addi %mul3A_77, %add3A_78 : i32
        %dma_start3A_80 = arith.constant 0 : i32
        %dma_start3A_81 = tpu.memref_slice %arg9[%add3A_79, %dma_start3A_80] : memref<40x128xi32, #tpu.memory_space<vmem>> -> memref<1x128xi32, #tpu.memory_space<vmem>>
        %dma_start3A_82 = tpu.memref_squeeze %dma_start3A_81 : memref<1x128xi32, #tpu.memory_space<vmem>> -> memref<128xi32, #tpu.memory_space<vmem>>
        %dma_start3A_83 = arith.constant 0 : i32
        %dma_start3A_84 = arith.constant 0 : i32
        %dma_start3A_85 = tpu.memref_slice %arg7[%dma_start3A_83, %dma_start3A_84] : memref<10112x128xf32, #tpu.memory_space<vmem_shared>> -> memref<10112x128xf32, #tpu.memory_space<vmem_shared>>
        tpu.enqueue_indirect_dma source(%arg11 : memref<128x128xf32, #tpu.memory_space<vmem>>) target(%dma_start3A_85 : memref<10112x128xf32, #tpu.memory_space<vmem_shared>>) offsets(%dma_start3A_82 : memref<128xi32, #tpu.memory_space<vmem>>) semaphore(%arg15 : memref<!tpu.dma_semaphore, #tpu.memory_space<semaphore_mem>>) {add = true}
        %dma_wait3A_86 = arith.constant 0 : i32
        %dma_wait3A_87 = tpu.memref_slice %arg9[%add3A_63, %dma_wait3A_86] : memref<40x128xi32, #tpu.memory_space<vmem>> -> memref<1x128xi32, #tpu.memory_space<vmem>>
        %dma_wait3A_88 = tpu.memref_squeeze %dma_wait3A_87 : memref<1x128xi32, #tpu.memory_space<vmem>> -> memref<128xi32, #tpu.memory_space<vmem>>
        %dma_wait3A_89 = arith.constant 0 : i32
        %dma_wait3A_90 = arith.constant 0 : i32
        %dma_wait3A_91 = tpu.memref_slice %arg7[%dma_wait3A_89, %dma_wait3A_90] : memref<10112x128xf32, #tpu.memory_space<vmem_shared>> -> memref<10112x128xf32, #tpu.memory_space<vmem_shared>>
        tpu.wait_indirect_dma semaphore(%arg14 : memref<!tpu.dma_semaphore, #tpu.memory_space<semaphore_mem>>) src(%arg10 : memref<128x128xf32, #tpu.memory_space<vmem>>) dst(%dma_wait3A_91 : memref<10112x128xf32, #tpu.memory_space<vmem_shared>>)
        %dma_wait3A_92 = arith.constant 0 : i32
        %dma_wait3A_93 = tpu.memref_slice %arg9[%add3A_79, %dma_wait3A_92] : memref<40x128xi32, #tpu.memory_space<vmem>> -> memref<1x128xi32, #tpu.memory_space<vmem>>
        %dma_wait3A_94 = tpu.memref_squeeze %dma_wait3A_93 : memref<1x128xi32, #tpu.memory_space<vmem>> -> memref<128xi32, #tpu.memory_space<vmem>>
        %dma_wait3A_95 = arith.constant 0 : i32
        %dma_wait3A_96 = arith.constant 0 : i32
        %dma_wait3A_97 = tpu.memref_slice %arg7[%dma_wait3A_95, %dma_wait3A_96] : memref<10112x128xf32, #tpu.memory_space<vmem_shared>> -> memref<10112x128xf32, #tpu.memory_space<vmem_shared>>
        tpu.wait_indirect_dma semaphore(%arg15 : memref<!tpu.dma_semaphore, #tpu.memory_space<semaphore_mem>>) src(%arg11 : memref<128x128xf32, #tpu.memory_space<vmem>>) dst(%dma_wait3A_97 : memref<10112x128xf32, #tpu.memory_space<vmem_shared>>)
      }
      %scan3A_34 = arith.constant 20 : i32
    }
    %barrier3A_21 = arith.constant 0 : index
    tpu.barrier barrier_id(%barrier3A_21)
    %mul3A_22 = arith.constant 632 : i32
    %mul3A_23 = arith.muli %arg1, %mul3A_22 : i32
    %mul3A_24 = arith.constant 632 : i32
    %mul3A_25 = arith.muli %arg1, %mul3A_24 : i32
    "tpu.region"() ({
      %run_scoped3A = tpu.sem_alloc : memref<!tpu.dma_semaphore, #tpu.memory_space<semaphore_mem>>
      %dma_start3A = arith.constant 0 : i32
      %dma_start3A_26 = arith.constant 0 : i32
      %dma_start3A_27 = tpu.memref_slice %arg6[%arg0, %dma_start3A, %dma_start3A_26] : memref<2x10112x128xf32, #tpu.memory_space<hbm>> -> memref<1x10112x128xf32, #tpu.memory_space<hbm>>
      %dma_start3A_28 = tpu.memref_squeeze %dma_start3A_27 : memref<1x10112x128xf32, #tpu.memory_space<hbm>> -> memref<10112x128xf32, #tpu.memory_space<hbm>>
      %dma_start3A_29 = arith.constant 0 : i32
      %dma_start3A_30 = tpu.memref_slice %dma_start3A_28[%mul3A_25, %dma_start3A_29] : memref<10112x128xf32, #tpu.memory_space<hbm>> -> memref<632x128xf32, #tpu.memory_space<hbm>>
      %dma_start3A_31 = arith.constant 0 : i32
      %dma_start3A_32 = tpu.memref_slice %arg7[%mul3A_23, %dma_start3A_31] : memref<10112x128xf32, #tpu.memory_space<vmem_shared>> -> memref<632x128xf32, #tpu.memory_space<vmem_shared>>
      tpu.enqueue_dma source(%dma_start3A_32 : memref<632x128xf32, #tpu.memory_space<vmem_shared>>) target(%dma_start3A_30 : memref<632x128xf32, #tpu.memory_space<hbm>>) target_semaphore(%run_scoped3A : memref<!tpu.dma_semaphore, #tpu.memory_space<semaphore_mem>>)
      %dma_wait3A = arith.constant 0 : i32
      %dma_wait3A_33 = arith.constant 0 : i32
      %dma_wait3A_34 = tpu.memref_slice %arg6[%arg0, %dma_wait3A, %dma_wait3A_33] : memref<2x10112x128xf32, #tpu.memory_space<hbm>> -> memref<1x10112x128xf32, #tpu.memory_space<hbm>>
      %dma_wait3A_35 = tpu.memref_squeeze %dma_wait3A_34 : memref<1x10112x128xf32, #tpu.memory_space<hbm>> -> memref<10112x128xf32, #tpu.memory_space<hbm>>
      %dma_wait3A_36 = arith.constant 0 : i32
      %dma_wait3A_37 = tpu.memref_slice %dma_wait3A_35[%mul3A_25, %dma_wait3A_36] : memref<10112x128xf32, #tpu.memory_space<hbm>> -> memref<632x128xf32, #tpu.memory_space<hbm>>
      %dma_wait3A_38 = arith.constant 0 : i32
      %dma_wait3A_39 = tpu.memref_slice %arg7[%mul3A_23, %dma_wait3A_38] : memref<10112x128xf32, #tpu.memory_space<vmem_shared>> -> memref<632x128xf32, #tpu.memory_space<vmem_shared>>
      tpu.wait_dma2 semaphore(%run_scoped3A : memref<!tpu.dma_semaphore, #tpu.memory_space<semaphore_mem>>) src(%dma_wait3A_39 : memref<632x128xf32, #tpu.memory_space<vmem_shared>>) dst(%dma_wait3A_37 : memref<632x128xf32, #tpu.memory_space<hbm>>)
      tpu.yield
    }) : () -> ()
    return
  }
}

#map = affine_map<(d0, d1) -> (0, 0)>
#map1 = affine_map<(d0, d1) -> (0, 0, 0)>
module attributes {stable_mosaic.version = 14 : i64} {
  func.func @_agg_body(%arg0: i32, %arg1: i32, %arg2: memref<10016x128xf32, #tpu.memory_space<hbm>>, %arg3: memref<2560x128xi32, #tpu.memory_space<hbm>>, %arg4: memref<2560x128xi32, #tpu.memory_space<hbm>>, %arg5: memref<10112x128xf32, #tpu.memory_space<hbm>>, %arg6: memref<2x10112x128xf32, #tpu.memory_space<hbm>>, %arg7: memref<10112x128xf32, #tpu.memory_space<vmem_shared>>, %arg8: memref<40x128xi32, #tpu.memory_space<vmem>>, %arg9: memref<40x128xi32, #tpu.memory_space<vmem>>, %arg10: memref<128x128xf32, #tpu.memory_space<vmem>>, %arg11: memref<128x128xf32, #tpu.memory_space<vmem>>, %arg12: memref<!tpu.dma_semaphore, #tpu.memory_space<semaphore_mem>>, %arg13: memref<!tpu.dma_semaphore, #tpu.memory_space<semaphore_mem>>, %arg14: memref<!tpu.dma_semaphore, #tpu.memory_space<semaphore_mem>>, %arg15: memref<!tpu.dma_semaphore, #tpu.memory_space<semaphore_mem>>) attributes {dimension_semantics = [#tpu.dimension_semantics<core_parallel>, #tpu.dimension_semantics<subcore_parallel>], iteration_bounds = array<i64: 2, 16>, scalar_prefetch = 0 : i64, scratch_operands = 9 : i64, tpu.core_type = #tpu.core_type<sc_vector_subcore>, window_params = [{transform_indices = #map}, {transform_indices = #map}, {transform_indices = #map}, {transform_indices = #map}, {transform_indices = #map1}]} {
    %mul3A = arith.constant 632 : i32
    %mul3A_0 = arith.muli %arg1, %mul3A : i32
    %mul3A_1 = arith.constant 632 : i32
    %mul3A_2 = arith.muli %arg1, %mul3A_1 : i32
    "tpu.region"() ({
      %run_scoped3A = tpu.sem_alloc : memref<!tpu.dma_semaphore, #tpu.memory_space<semaphore_mem>>
      %dma_start3A = arith.constant 0 : i32
      %dma_start3A_26 = tpu.memref_slice %arg7[%mul3A_2, %dma_start3A] : memref<10112x128xf32, #tpu.memory_space<vmem_shared>> -> memref<632x128xf32, #tpu.memory_space<vmem_shared>>
      %dma_start3A_27 = arith.constant 0 : i32
      %dma_start3A_28 = tpu.memref_slice %arg5[%mul3A_0, %dma_start3A_27] : memref<10112x128xf32, #tpu.memory_space<hbm>> -> memref<632x128xf32, #tpu.memory_space<hbm>>
      tpu.enqueue_dma source(%dma_start3A_28 : memref<632x128xf32, #tpu.memory_space<hbm>>) target(%dma_start3A_26 : memref<632x128xf32, #tpu.memory_space<vmem_shared>>) target_semaphore(%run_scoped3A : memref<!tpu.dma_semaphore, #tpu.memory_space<semaphore_mem>>)
      %dma_wait3A = arith.constant 0 : i32
      %dma_wait3A_29 = tpu.memref_slice %arg7[%mul3A_2, %dma_wait3A] : memref<10112x128xf32, #tpu.memory_space<vmem_shared>> -> memref<632x128xf32, #tpu.memory_space<vmem_shared>>
      %dma_wait3A_30 = arith.constant 0 : i32
      %dma_wait3A_31 = tpu.memref_slice %arg5[%mul3A_0, %dma_wait3A_30] : memref<10112x128xf32, #tpu.memory_space<hbm>> -> memref<632x128xf32, #tpu.memory_space<hbm>>
      tpu.wait_dma2 semaphore(%run_scoped3A : memref<!tpu.dma_semaphore, #tpu.memory_space<semaphore_mem>>) src(%dma_wait3A_31 : memref<632x128xf32, #tpu.memory_space<hbm>>) dst(%dma_wait3A_29 : memref<632x128xf32, #tpu.memory_space<vmem_shared>>)
      tpu.yield
    }) : () -> ()
    %barrier3A = arith.constant 0 : index
    tpu.barrier barrier_id(%barrier3A)
    %eq3A = arith.constant 0 : i32
    %eq3A_3 = arith.cmpi eq, %arg0, %eq3A : i32
    %jit3A = arith.constant 3 : i32
    %jit3A_4 = arith.constant 1 : i32
    %select_n3A = arith.select %eq3A_3, %jit3A, %jit3A_4 : i32
    %mul3A_5 = arith.constant 160 : i32
    %mul3A_6 = arith.muli %arg1, %mul3A_5 : i32
    %eq3A_7 = arith.constant 0 : i32
    %eq3A_8 = arith.cmpi eq, %arg0, %eq3A_7 : i32
    %jit3A_9 = arith.constant 0 : i32
    %jit3A_10 = arith.constant 120 : i32
    %select_n3A_11 = arith.select %eq3A_8, %jit3A_9, %jit3A_10 : i32
    %add3A = arith.addi %mul3A_6, %select_n3A_11 : i32
    %while3A = arith.constant 0 : i32
    %while3A_12 = arith.constant 0 : i32
    %while3A_13 = arith.subi %select_n3A, %while3A_12 : i32
    %while3A_14 = arith.addi %while3A_12, %while3A_13 : i32
    %while3A_15 = arith.constant 1 : i32
    %while3A_16 = arith.divsi %while3A_13, %while3A_15 : i32
    %while3A_17 = arith.muli %while3A_16, %while3A_15 : i32
    %while3A_18 = arith.addi %while3A_12, %while3A_17 : i32
    %while3A_19 = arith.constant 1 : i32
    scf.for %while3A_26 = %while3A_12 to %while3A_18 step %while3A_19  : i32 {
      %mul3A_27 = arith.constant 40 : i32
      %mul3A_28 = arith.muli %while3A_26, %mul3A_27 : i32
      %add3A_29 = arith.addi %add3A, %mul3A_28 : i32
      "tpu.region"() ({
        %run_scoped3A = tpu.sem_alloc : memref<!tpu.dma_semaphore, #tpu.memory_space<semaphore_mem>>
        %dma_start3A = arith.constant 0 : i32
        %dma_start3A_35 = tpu.memref_slice %arg3[%add3A_29, %dma_start3A] : memref<2560x128xi32, #tpu.memory_space<hbm>> -> memref<40x128xi32, #tpu.memory_space<hbm>>
        %dma_start3A_36 = arith.constant 0 : i32
        %dma_start3A_37 = tpu.memref_slice %arg3[%add3A_29, %dma_start3A_36] : memref<2560x128xi32, #tpu.memory_space<hbm>> -> memref<40x128xi32, #tpu.memory_space<hbm>>
        tpu.enqueue_dma source(%dma_start3A_37 : memref<40x128xi32, #tpu.memory_space<hbm>>) target(%arg8 : memref<40x128xi32, #tpu.memory_space<vmem>>) target_semaphore(%run_scoped3A : memref<!tpu.dma_semaphore, #tpu.memory_space<semaphore_mem>>)
        %dma_wait3A = arith.constant 0 : i32
        %dma_wait3A_38 = tpu.memref_slice %arg3[%add3A_29, %dma_wait3A] : memref<2560x128xi32, #tpu.memory_space<hbm>> -> memref<40x128xi32, #tpu.memory_space<hbm>>
        %dma_wait3A_39 = arith.constant 0 : i32
        %dma_wait3A_40 = tpu.memref_slice %arg3[%add3A_29, %dma_wait3A_39] : memref<2560x128xi32, #tpu.memory_space<hbm>> -> memref<40x128xi32, #tpu.memory_space<hbm>>
        tpu.wait_dma2 semaphore(%run_scoped3A : memref<!tpu.dma_semaphore, #tpu.memory_space<semaphore_mem>>) src(%dma_wait3A_40 : memref<40x128xi32, #tpu.memory_space<hbm>>) dst(%arg8 : memref<40x128xi32, #tpu.memory_space<vmem>>)
        tpu.yield
      }) : () -> ()
      "tpu.region"() ({
        %run_scoped3A = tpu.sem_alloc : memref<!tpu.dma_semaphore, #tpu.memory_space<semaphore_mem>>
        %dma_start3A = arith.constant 0 : i32
        %dma_start3A_35 = tpu.memref_slice %arg4[%add3A_29, %dma_start3A] : memref<2560x128xi32, #tpu.memory_space<hbm>> -> memref<40x128xi32, #tpu.memory_space<hbm>>
        %dma_start3A_36 = arith.constant 0 : i32
        %dma_start3A_37 = tpu.memref_slice %arg4[%add3A_29, %dma_start3A_36] : memref<2560x128xi32, #tpu.memory_space<hbm>> -> memref<40x128xi32, #tpu.memory_space<hbm>>
        tpu.enqueue_dma source(%dma_start3A_37 : memref<40x128xi32, #tpu.memory_space<hbm>>) target(%arg9 : memref<40x128xi32, #tpu.memory_space<vmem>>) target_semaphore(%run_scoped3A : memref<!tpu.dma_semaphore, #tpu.memory_space<semaphore_mem>>)
        %dma_wait3A = arith.constant 0 : i32
        %dma_wait3A_38 = tpu.memref_slice %arg4[%add3A_29, %dma_wait3A] : memref<2560x128xi32, #tpu.memory_space<hbm>> -> memref<40x128xi32, #tpu.memory_space<hbm>>
        %dma_wait3A_39 = arith.constant 0 : i32
        %dma_wait3A_40 = tpu.memref_slice %arg4[%add3A_29, %dma_wait3A_39] : memref<2560x128xi32, #tpu.memory_space<hbm>> -> memref<40x128xi32, #tpu.memory_space<hbm>>
        tpu.wait_dma2 semaphore(%run_scoped3A : memref<!tpu.dma_semaphore, #tpu.memory_space<semaphore_mem>>) src(%dma_wait3A_40 : memref<40x128xi32, #tpu.memory_space<hbm>>) dst(%arg9 : memref<40x128xi32, #tpu.memory_space<vmem>>)
        tpu.yield
      }) : () -> ()
      %scan3A = arith.constant 0 : i32
      %scan3A_30 = arith.constant 0 : i32
      %scan3A_31 = arith.constant 20 : i32
      %scan3A_32 = arith.addi %scan3A_30, %scan3A_31 : i32
      %scan3A_33 = arith.constant 1 : i32
      scf.for %scan3A_35 = %scan3A_30 to %scan3A_32 step %scan3A_33  : i32 {
        %mul3A_36 = arith.constant 2 : i32
        %mul3A_37 = arith.muli %scan3A_35, %mul3A_36 : i32
        %add3A_38 = arith.constant 0 : i32
        %add3A_39 = arith.addi %mul3A_37, %add3A_38 : i32
        %dma_start3A = arith.constant 0 : i32
        %dma_start3A_40 = tpu.memref_slice %arg8[%add3A_39, %dma_start3A] : memref<40x128xi32, #tpu.memory_space<vmem>> -> memref<1x128xi32, #tpu.memory_space<vmem>>
        %dma_start3A_41 = tpu.memref_squeeze %dma_start3A_40 : memref<1x128xi32, #tpu.memory_space<vmem>> -> memref<128xi32, #tpu.memory_space<vmem>>
        %dma_start3A_42 = arith.constant 0 : i32
        %dma_start3A_43 = arith.constant 0 : i32
        %dma_start3A_44 = tpu.memref_slice %arg2[%dma_start3A_42, %dma_start3A_43] : memref<10016x128xf32, #tpu.memory_space<hbm>> -> memref<10016x128xf32, #tpu.memory_space<hbm>>
        tpu.enqueue_indirect_dma source(%dma_start3A_44 : memref<10016x128xf32, #tpu.memory_space<hbm>>) target(%arg10 : memref<128x128xf32, #tpu.memory_space<vmem>>) offsets(%dma_start3A_41 : memref<128xi32, #tpu.memory_space<vmem>>) semaphore(%arg12 : memref<!tpu.dma_semaphore, #tpu.memory_space<semaphore_mem>>)
        %mul3A_45 = arith.constant 2 : i32
        %mul3A_46 = arith.muli %scan3A_35, %mul3A_45 : i32
        %add3A_47 = arith.constant 1 : i32
        %add3A_48 = arith.addi %mul3A_46, %add3A_47 : i32
        %dma_start3A_49 = arith.constant 0 : i32
        %dma_start3A_50 = tpu.memref_slice %arg8[%add3A_48, %dma_start3A_49] : memref<40x128xi32, #tpu.memory_space<vmem>> -> memref<1x128xi32, #tpu.memory_space<vmem>>
        %dma_start3A_51 = tpu.memref_squeeze %dma_start3A_50 : memref<1x128xi32, #tpu.memory_space<vmem>> -> memref<128xi32, #tpu.memory_space<vmem>>
        %dma_start3A_52 = arith.constant 0 : i32
        %dma_start3A_53 = arith.constant 0 : i32
        %dma_start3A_54 = tpu.memref_slice %arg2[%dma_start3A_52, %dma_start3A_53] : memref<10016x128xf32, #tpu.memory_space<hbm>> -> memref<10016x128xf32, #tpu.memory_space<hbm>>
        tpu.enqueue_indirect_dma source(%dma_start3A_54 : memref<10016x128xf32, #tpu.memory_space<hbm>>) target(%arg11 : memref<128x128xf32, #tpu.memory_space<vmem>>) offsets(%dma_start3A_51 : memref<128xi32, #tpu.memory_space<vmem>>) semaphore(%arg13 : memref<!tpu.dma_semaphore, #tpu.memory_space<semaphore_mem>>)
        %dma_wait3A = arith.constant 0 : i32
        %dma_wait3A_55 = tpu.memref_slice %arg8[%add3A_39, %dma_wait3A] : memref<40x128xi32, #tpu.memory_space<vmem>> -> memref<1x128xi32, #tpu.memory_space<vmem>>
        %dma_wait3A_56 = tpu.memref_squeeze %dma_wait3A_55 : memref<1x128xi32, #tpu.memory_space<vmem>> -> memref<128xi32, #tpu.memory_space<vmem>>
        %dma_wait3A_57 = arith.constant 0 : i32
        %dma_wait3A_58 = arith.constant 0 : i32
        %dma_wait3A_59 = tpu.memref_slice %arg2[%dma_wait3A_57, %dma_wait3A_58] : memref<10016x128xf32, #tpu.memory_space<hbm>> -> memref<10016x128xf32, #tpu.memory_space<hbm>>
        tpu.wait_indirect_dma semaphore(%arg12 : memref<!tpu.dma_semaphore, #tpu.memory_space<semaphore_mem>>) src(%dma_wait3A_59 : memref<10016x128xf32, #tpu.memory_space<hbm>>) dst(%arg10 : memref<128x128xf32, #tpu.memory_space<vmem>>)
        %mul3A_60 = arith.constant 2 : i32
        %mul3A_61 = arith.muli %scan3A_35, %mul3A_60 : i32
        %add3A_62 = arith.constant 0 : i32
        %add3A_63 = arith.addi %mul3A_61, %add3A_62 : i32
        %dma_start3A_64 = arith.constant 0 : i32
        %dma_start3A_65 = tpu.memref_slice %arg9[%add3A_63, %dma_start3A_64] : memref<40x128xi32, #tpu.memory_space<vmem>> -> memref<1x128xi32, #tpu.memory_space<vmem>>
        %dma_start3A_66 = tpu.memref_squeeze %dma_start3A_65 : memref<1x128xi32, #tpu.memory_space<vmem>> -> memref<128xi32, #tpu.memory_space<vmem>>
        %dma_start3A_67 = arith.constant 0 : i32
        %dma_start3A_68 = arith.constant 0 : i32
        %dma_start3A_69 = tpu.memref_slice %arg7[%dma_start3A_67, %dma_start3A_68] : memref<10112x128xf32, #tpu.memory_space<vmem_shared>> -> memref<10112x128xf32, #tpu.memory_space<vmem_shared>>
        tpu.enqueue_indirect_dma source(%arg10 : memref<128x128xf32, #tpu.memory_space<vmem>>) target(%dma_start3A_69 : memref<10112x128xf32, #tpu.memory_space<vmem_shared>>) offsets(%dma_start3A_66 : memref<128xi32, #tpu.memory_space<vmem>>) semaphore(%arg14 : memref<!tpu.dma_semaphore, #tpu.memory_space<semaphore_mem>>) {add = true}
        %dma_wait3A_70 = arith.constant 0 : i32
        %dma_wait3A_71 = tpu.memref_slice %arg8[%add3A_48, %dma_wait3A_70] : memref<40x128xi32, #tpu.memory_space<vmem>> -> memref<1x128xi32, #tpu.memory_space<vmem>>
        %dma_wait3A_72 = tpu.memref_squeeze %dma_wait3A_71 : memref<1x128xi32, #tpu.memory_space<vmem>> -> memref<128xi32, #tpu.memory_space<vmem>>
        %dma_wait3A_73 = arith.constant 0 : i32
        %dma_wait3A_74 = arith.constant 0 : i32
        %dma_wait3A_75 = tpu.memref_slice %arg2[%dma_wait3A_73, %dma_wait3A_74] : memref<10016x128xf32, #tpu.memory_space<hbm>> -> memref<10016x128xf32, #tpu.memory_space<hbm>>
        tpu.wait_indirect_dma semaphore(%arg13 : memref<!tpu.dma_semaphore, #tpu.memory_space<semaphore_mem>>) src(%dma_wait3A_75 : memref<10016x128xf32, #tpu.memory_space<hbm>>) dst(%arg11 : memref<128x128xf32, #tpu.memory_space<vmem>>)
        %mul3A_76 = arith.constant 2 : i32
        %mul3A_77 = arith.muli %scan3A_35, %mul3A_76 : i32
        %add3A_78 = arith.constant 1 : i32
        %add3A_79 = arith.addi %mul3A_77, %add3A_78 : i32
        %dma_start3A_80 = arith.constant 0 : i32
        %dma_start3A_81 = tpu.memref_slice %arg9[%add3A_79, %dma_start3A_80] : memref<40x128xi32, #tpu.memory_space<vmem>> -> memref<1x128xi32, #tpu.memory_space<vmem>>
        %dma_start3A_82 = tpu.memref_squeeze %dma_start3A_81 : memref<1x128xi32, #tpu.memory_space<vmem>> -> memref<128xi32, #tpu.memory_space<vmem>>
        %dma_start3A_83 = arith.constant 0 : i32
        %dma_start3A_84 = arith.constant 0 : i32
        %dma_start3A_85 = tpu.memref_slice %arg7[%dma_start3A_83, %dma_start3A_84] : memref<10112x128xf32, #tpu.memory_space<vmem_shared>> -> memref<10112x128xf32, #tpu.memory_space<vmem_shared>>
        tpu.enqueue_indirect_dma source(%arg11 : memref<128x128xf32, #tpu.memory_space<vmem>>) target(%dma_start3A_85 : memref<10112x128xf32, #tpu.memory_space<vmem_shared>>) offsets(%dma_start3A_82 : memref<128xi32, #tpu.memory_space<vmem>>) semaphore(%arg15 : memref<!tpu.dma_semaphore, #tpu.memory_space<semaphore_mem>>) {add = true}
        %dma_wait3A_86 = arith.constant 0 : i32
        %dma_wait3A_87 = tpu.memref_slice %arg9[%add3A_63, %dma_wait3A_86] : memref<40x128xi32, #tpu.memory_space<vmem>> -> memref<1x128xi32, #tpu.memory_space<vmem>>
        %dma_wait3A_88 = tpu.memref_squeeze %dma_wait3A_87 : memref<1x128xi32, #tpu.memory_space<vmem>> -> memref<128xi32, #tpu.memory_space<vmem>>
        %dma_wait3A_89 = arith.constant 0 : i32
        %dma_wait3A_90 = arith.constant 0 : i32
        %dma_wait3A_91 = tpu.memref_slice %arg7[%dma_wait3A_89, %dma_wait3A_90] : memref<10112x128xf32, #tpu.memory_space<vmem_shared>> -> memref<10112x128xf32, #tpu.memory_space<vmem_shared>>
        tpu.wait_indirect_dma semaphore(%arg14 : memref<!tpu.dma_semaphore, #tpu.memory_space<semaphore_mem>>) src(%arg10 : memref<128x128xf32, #tpu.memory_space<vmem>>) dst(%dma_wait3A_91 : memref<10112x128xf32, #tpu.memory_space<vmem_shared>>)
        %dma_wait3A_92 = arith.constant 0 : i32
        %dma_wait3A_93 = tpu.memref_slice %arg9[%add3A_79, %dma_wait3A_92] : memref<40x128xi32, #tpu.memory_space<vmem>> -> memref<1x128xi32, #tpu.memory_space<vmem>>
        %dma_wait3A_94 = tpu.memref_squeeze %dma_wait3A_93 : memref<1x128xi32, #tpu.memory_space<vmem>> -> memref<128xi32, #tpu.memory_space<vmem>>
        %dma_wait3A_95 = arith.constant 0 : i32
        %dma_wait3A_96 = arith.constant 0 : i32
        %dma_wait3A_97 = tpu.memref_slice %arg7[%dma_wait3A_95, %dma_wait3A_96] : memref<10112x128xf32, #tpu.memory_space<vmem_shared>> -> memref<10112x128xf32, #tpu.memory_space<vmem_shared>>
        tpu.wait_indirect_dma semaphore(%arg15 : memref<!tpu.dma_semaphore, #tpu.memory_space<semaphore_mem>>) src(%arg11 : memref<128x128xf32, #tpu.memory_space<vmem>>) dst(%dma_wait3A_97 : memref<10112x128xf32, #tpu.memory_space<vmem_shared>>)
      }
      %scan3A_34 = arith.constant 20 : i32
    }
    %while3A_20 = arith.constant 1 : i32
    scf.for %while3A_26 = %while3A_18 to %while3A_14 step %while3A_20  : i32 {
      %mul3A_27 = arith.constant 40 : i32
      %mul3A_28 = arith.muli %while3A_26, %mul3A_27 : i32
      %add3A_29 = arith.addi %add3A, %mul3A_28 : i32
      "tpu.region"() ({
        %run_scoped3A = tpu.sem_alloc : memref<!tpu.dma_semaphore, #tpu.memory_space<semaphore_mem>>
        %dma_start3A = arith.constant 0 : i32
        %dma_start3A_35 = tpu.memref_slice %arg3[%add3A_29, %dma_start3A] : memref<2560x128xi32, #tpu.memory_space<hbm>> -> memref<40x128xi32, #tpu.memory_space<hbm>>
        %dma_start3A_36 = arith.constant 0 : i32
        %dma_start3A_37 = tpu.memref_slice %arg3[%add3A_29, %dma_start3A_36] : memref<2560x128xi32, #tpu.memory_space<hbm>> -> memref<40x128xi32, #tpu.memory_space<hbm>>
        tpu.enqueue_dma source(%dma_start3A_37 : memref<40x128xi32, #tpu.memory_space<hbm>>) target(%arg8 : memref<40x128xi32, #tpu.memory_space<vmem>>) target_semaphore(%run_scoped3A : memref<!tpu.dma_semaphore, #tpu.memory_space<semaphore_mem>>)
        %dma_wait3A = arith.constant 0 : i32
        %dma_wait3A_38 = tpu.memref_slice %arg3[%add3A_29, %dma_wait3A] : memref<2560x128xi32, #tpu.memory_space<hbm>> -> memref<40x128xi32, #tpu.memory_space<hbm>>
        %dma_wait3A_39 = arith.constant 0 : i32
        %dma_wait3A_40 = tpu.memref_slice %arg3[%add3A_29, %dma_wait3A_39] : memref<2560x128xi32, #tpu.memory_space<hbm>> -> memref<40x128xi32, #tpu.memory_space<hbm>>
        tpu.wait_dma2 semaphore(%run_scoped3A : memref<!tpu.dma_semaphore, #tpu.memory_space<semaphore_mem>>) src(%dma_wait3A_40 : memref<40x128xi32, #tpu.memory_space<hbm>>) dst(%arg8 : memref<40x128xi32, #tpu.memory_space<vmem>>)
        tpu.yield
      }) : () -> ()
      "tpu.region"() ({
        %run_scoped3A = tpu.sem_alloc : memref<!tpu.dma_semaphore, #tpu.memory_space<semaphore_mem>>
        %dma_start3A = arith.constant 0 : i32
        %dma_start3A_35 = tpu.memref_slice %arg4[%add3A_29, %dma_start3A] : memref<2560x128xi32, #tpu.memory_space<hbm>> -> memref<40x128xi32, #tpu.memory_space<hbm>>
        %dma_start3A_36 = arith.constant 0 : i32
        %dma_start3A_37 = tpu.memref_slice %arg4[%add3A_29, %dma_start3A_36] : memref<2560x128xi32, #tpu.memory_space<hbm>> -> memref<40x128xi32, #tpu.memory_space<hbm>>
        tpu.enqueue_dma source(%dma_start3A_37 : memref<40x128xi32, #tpu.memory_space<hbm>>) target(%arg9 : memref<40x128xi32, #tpu.memory_space<vmem>>) target_semaphore(%run_scoped3A : memref<!tpu.dma_semaphore, #tpu.memory_space<semaphore_mem>>)
        %dma_wait3A = arith.constant 0 : i32
        %dma_wait3A_38 = tpu.memref_slice %arg4[%add3A_29, %dma_wait3A] : memref<2560x128xi32, #tpu.memory_space<hbm>> -> memref<40x128xi32, #tpu.memory_space<hbm>>
        %dma_wait3A_39 = arith.constant 0 : i32
        %dma_wait3A_40 = tpu.memref_slice %arg4[%add3A_29, %dma_wait3A_39] : memref<2560x128xi32, #tpu.memory_space<hbm>> -> memref<40x128xi32, #tpu.memory_space<hbm>>
        tpu.wait_dma2 semaphore(%run_scoped3A : memref<!tpu.dma_semaphore, #tpu.memory_space<semaphore_mem>>) src(%dma_wait3A_40 : memref<40x128xi32, #tpu.memory_space<hbm>>) dst(%arg9 : memref<40x128xi32, #tpu.memory_space<vmem>>)
        tpu.yield
      }) : () -> ()
      %scan3A = arith.constant 0 : i32
      %scan3A_30 = arith.constant 0 : i32
      %scan3A_31 = arith.constant 20 : i32
      %scan3A_32 = arith.addi %scan3A_30, %scan3A_31 : i32
      %scan3A_33 = arith.constant 1 : i32
      scf.for %scan3A_35 = %scan3A_30 to %scan3A_32 step %scan3A_33  : i32 {
        %mul3A_36 = arith.constant 2 : i32
        %mul3A_37 = arith.muli %scan3A_35, %mul3A_36 : i32
        %add3A_38 = arith.constant 0 : i32
        %add3A_39 = arith.addi %mul3A_37, %add3A_38 : i32
        %dma_start3A = arith.constant 0 : i32
        %dma_start3A_40 = tpu.memref_slice %arg8[%add3A_39, %dma_start3A] : memref<40x128xi32, #tpu.memory_space<vmem>> -> memref<1x128xi32, #tpu.memory_space<vmem>>
        %dma_start3A_41 = tpu.memref_squeeze %dma_start3A_40 : memref<1x128xi32, #tpu.memory_space<vmem>> -> memref<128xi32, #tpu.memory_space<vmem>>
        %dma_start3A_42 = arith.constant 0 : i32
        %dma_start3A_43 = arith.constant 0 : i32
        %dma_start3A_44 = tpu.memref_slice %arg2[%dma_start3A_42, %dma_start3A_43] : memref<10016x128xf32, #tpu.memory_space<hbm>> -> memref<10016x128xf32, #tpu.memory_space<hbm>>
        tpu.enqueue_indirect_dma source(%dma_start3A_44 : memref<10016x128xf32, #tpu.memory_space<hbm>>) target(%arg10 : memref<128x128xf32, #tpu.memory_space<vmem>>) offsets(%dma_start3A_41 : memref<128xi32, #tpu.memory_space<vmem>>) semaphore(%arg12 : memref<!tpu.dma_semaphore, #tpu.memory_space<semaphore_mem>>)
        %mul3A_45 = arith.constant 2 : i32
        %mul3A_46 = arith.muli %scan3A_35, %mul3A_45 : i32
        %add3A_47 = arith.constant 1 : i32
        %add3A_48 = arith.addi %mul3A_46, %add3A_47 : i32
        %dma_start3A_49 = arith.constant 0 : i32
        %dma_start3A_50 = tpu.memref_slice %arg8[%add3A_48, %dma_start3A_49] : memref<40x128xi32, #tpu.memory_space<vmem>> -> memref<1x128xi32, #tpu.memory_space<vmem>>
        %dma_start3A_51 = tpu.memref_squeeze %dma_start3A_50 : memref<1x128xi32, #tpu.memory_space<vmem>> -> memref<128xi32, #tpu.memory_space<vmem>>
        %dma_start3A_52 = arith.constant 0 : i32
        %dma_start3A_53 = arith.constant 0 : i32
        %dma_start3A_54 = tpu.memref_slice %arg2[%dma_start3A_52, %dma_start3A_53] : memref<10016x128xf32, #tpu.memory_space<hbm>> -> memref<10016x128xf32, #tpu.memory_space<hbm>>
        tpu.enqueue_indirect_dma source(%dma_start3A_54 : memref<10016x128xf32, #tpu.memory_space<hbm>>) target(%arg11 : memref<128x128xf32, #tpu.memory_space<vmem>>) offsets(%dma_start3A_51 : memref<128xi32, #tpu.memory_space<vmem>>) semaphore(%arg13 : memref<!tpu.dma_semaphore, #tpu.memory_space<semaphore_mem>>)
        %dma_wait3A = arith.constant 0 : i32
        %dma_wait3A_55 = tpu.memref_slice %arg8[%add3A_39, %dma_wait3A] : memref<40x128xi32, #tpu.memory_space<vmem>> -> memref<1x128xi32, #tpu.memory_space<vmem>>
        %dma_wait3A_56 = tpu.memref_squeeze %dma_wait3A_55 : memref<1x128xi32, #tpu.memory_space<vmem>> -> memref<128xi32, #tpu.memory_space<vmem>>
        %dma_wait3A_57 = arith.constant 0 : i32
        %dma_wait3A_58 = arith.constant 0 : i32
        %dma_wait3A_59 = tpu.memref_slice %arg2[%dma_wait3A_57, %dma_wait3A_58] : memref<10016x128xf32, #tpu.memory_space<hbm>> -> memref<10016x128xf32, #tpu.memory_space<hbm>>
        tpu.wait_indirect_dma semaphore(%arg12 : memref<!tpu.dma_semaphore, #tpu.memory_space<semaphore_mem>>) src(%dma_wait3A_59 : memref<10016x128xf32, #tpu.memory_space<hbm>>) dst(%arg10 : memref<128x128xf32, #tpu.memory_space<vmem>>)
        %mul3A_60 = arith.constant 2 : i32
        %mul3A_61 = arith.muli %scan3A_35, %mul3A_60 : i32
        %add3A_62 = arith.constant 0 : i32
        %add3A_63 = arith.addi %mul3A_61, %add3A_62 : i32
        %dma_start3A_64 = arith.constant 0 : i32
        %dma_start3A_65 = tpu.memref_slice %arg9[%add3A_63, %dma_start3A_64] : memref<40x128xi32, #tpu.memory_space<vmem>> -> memref<1x128xi32, #tpu.memory_space<vmem>>
        %dma_start3A_66 = tpu.memref_squeeze %dma_start3A_65 : memref<1x128xi32, #tpu.memory_space<vmem>> -> memref<128xi32, #tpu.memory_space<vmem>>
        %dma_start3A_67 = arith.constant 0 : i32
        %dma_start3A_68 = arith.constant 0 : i32
        %dma_start3A_69 = tpu.memref_slice %arg7[%dma_start3A_67, %dma_start3A_68] : memref<10112x128xf32, #tpu.memory_space<vmem_shared>> -> memref<10112x128xf32, #tpu.memory_space<vmem_shared>>
        tpu.enqueue_indirect_dma source(%arg10 : memref<128x128xf32, #tpu.memory_space<vmem>>) target(%dma_start3A_69 : memref<10112x128xf32, #tpu.memory_space<vmem_shared>>) offsets(%dma_start3A_66 : memref<128xi32, #tpu.memory_space<vmem>>) semaphore(%arg14 : memref<!tpu.dma_semaphore, #tpu.memory_space<semaphore_mem>>) {add = true}
        %dma_wait3A_70 = arith.constant 0 : i32
        %dma_wait3A_71 = tpu.memref_slice %arg8[%add3A_48, %dma_wait3A_70] : memref<40x128xi32, #tpu.memory_space<vmem>> -> memref<1x128xi32, #tpu.memory_space<vmem>>
        %dma_wait3A_72 = tpu.memref_squeeze %dma_wait3A_71 : memref<1x128xi32, #tpu.memory_space<vmem>> -> memref<128xi32, #tpu.memory_space<vmem>>
        %dma_wait3A_73 = arith.constant 0 : i32
        %dma_wait3A_74 = arith.constant 0 : i32
        %dma_wait3A_75 = tpu.memref_slice %arg2[%dma_wait3A_73, %dma_wait3A_74] : memref<10016x128xf32, #tpu.memory_space<hbm>> -> memref<10016x128xf32, #tpu.memory_space<hbm>>
        tpu.wait_indirect_dma semaphore(%arg13 : memref<!tpu.dma_semaphore, #tpu.memory_space<semaphore_mem>>) src(%dma_wait3A_75 : memref<10016x128xf32, #tpu.memory_space<hbm>>) dst(%arg11 : memref<128x128xf32, #tpu.memory_space<vmem>>)
        %mul3A_76 = arith.constant 2 : i32
        %mul3A_77 = arith.muli %scan3A_35, %mul3A_76 : i32
        %add3A_78 = arith.constant 1 : i32
        %add3A_79 = arith.addi %mul3A_77, %add3A_78 : i32
        %dma_start3A_80 = arith.constant 0 : i32
        %dma_start3A_81 = tpu.memref_slice %arg9[%add3A_79, %dma_start3A_80] : memref<40x128xi32, #tpu.memory_space<vmem>> -> memref<1x128xi32, #tpu.memory_space<vmem>>
        %dma_start3A_82 = tpu.memref_squeeze %dma_start3A_81 : memref<1x128xi32, #tpu.memory_space<vmem>> -> memref<128xi32, #tpu.memory_space<vmem>>
        %dma_start3A_83 = arith.constant 0 : i32
        %dma_start3A_84 = arith.constant 0 : i32
        %dma_start3A_85 = tpu.memref_slice %arg7[%dma_start3A_83, %dma_start3A_84] : memref<10112x128xf32, #tpu.memory_space<vmem_shared>> -> memref<10112x128xf32, #tpu.memory_space<vmem_shared>>
        tpu.enqueue_indirect_dma source(%arg11 : memref<128x128xf32, #tpu.memory_space<vmem>>) target(%dma_start3A_85 : memref<10112x128xf32, #tpu.memory_space<vmem_shared>>) offsets(%dma_start3A_82 : memref<128xi32, #tpu.memory_space<vmem>>) semaphore(%arg15 : memref<!tpu.dma_semaphore, #tpu.memory_space<semaphore_mem>>) {add = true}
        %dma_wait3A_86 = arith.constant 0 : i32
        %dma_wait3A_87 = tpu.memref_slice %arg9[%add3A_63, %dma_wait3A_86] : memref<40x128xi32, #tpu.memory_space<vmem>> -> memref<1x128xi32, #tpu.memory_space<vmem>>
        %dma_wait3A_88 = tpu.memref_squeeze %dma_wait3A_87 : memref<1x128xi32, #tpu.memory_space<vmem>> -> memref<128xi32, #tpu.memory_space<vmem>>
        %dma_wait3A_89 = arith.constant 0 : i32
        %dma_wait3A_90 = arith.constant 0 : i32
        %dma_wait3A_91 = tpu.memref_slice %arg7[%dma_wait3A_89, %dma_wait3A_90] : memref<10112x128xf32, #tpu.memory_space<vmem_shared>> -> memref<10112x128xf32, #tpu.memory_space<vmem_shared>>
        tpu.wait_indirect_dma semaphore(%arg14 : memref<!tpu.dma_semaphore, #tpu.memory_space<semaphore_mem>>) src(%arg10 : memref<128x128xf32, #tpu.memory_space<vmem>>) dst(%dma_wait3A_91 : memref<10112x128xf32, #tpu.memory_space<vmem_shared>>)
        %dma_wait3A_92 = arith.constant 0 : i32
        %dma_wait3A_93 = tpu.memref_slice %arg9[%add3A_79, %dma_wait3A_92] : memref<40x128xi32, #tpu.memory_space<vmem>> -> memref<1x128xi32, #tpu.memory_space<vmem>>
        %dma_wait3A_94 = tpu.memref_squeeze %dma_wait3A_93 : memref<1x128xi32, #tpu.memory_space<vmem>> -> memref<128xi32, #tpu.memory_space<vmem>>
        %dma_wait3A_95 = arith.constant 0 : i32
        %dma_wait3A_96 = arith.constant 0 : i32
        %dma_wait3A_97 = tpu.memref_slice %arg7[%dma_wait3A_95, %dma_wait3A_96] : memref<10112x128xf32, #tpu.memory_space<vmem_shared>> -> memref<10112x128xf32, #tpu.memory_space<vmem_shared>>
        tpu.wait_indirect_dma semaphore(%arg15 : memref<!tpu.dma_semaphore, #tpu.memory_space<semaphore_mem>>) src(%arg11 : memref<128x128xf32, #tpu.memory_space<vmem>>) dst(%dma_wait3A_97 : memref<10112x128xf32, #tpu.memory_space<vmem_shared>>)
      }
      %scan3A_34 = arith.constant 20 : i32
    }
    %barrier3A_21 = arith.constant 0 : index
    tpu.barrier barrier_id(%barrier3A_21)
    %mul3A_22 = arith.constant 632 : i32
    %mul3A_23 = arith.muli %arg1, %mul3A_22 : i32
    %mul3A_24 = arith.constant 632 : i32
    %mul3A_25 = arith.muli %arg1, %mul3A_24 : i32
    "tpu.region"() ({
      %run_scoped3A = tpu.sem_alloc : memref<!tpu.dma_semaphore, #tpu.memory_space<semaphore_mem>>
      %dma_start3A = arith.constant 0 : i32
      %dma_start3A_26 = arith.constant 0 : i32
      %dma_start3A_27 = tpu.memref_slice %arg6[%arg0, %dma_start3A, %dma_start3A_26] : memref<2x10112x128xf32, #tpu.memory_space<hbm>> -> memref<1x10112x128xf32, #tpu.memory_space<hbm>>
      %dma_start3A_28 = tpu.memref_squeeze %dma_start3A_27 : memref<1x10112x128xf32, #tpu.memory_space<hbm>> -> memref<10112x128xf32, #tpu.memory_space<hbm>>
      %dma_start3A_29 = arith.constant 0 : i32
      %dma_start3A_30 = tpu.memref_slice %dma_start3A_28[%mul3A_25, %dma_start3A_29] : memref<10112x128xf32, #tpu.memory_space<hbm>> -> memref<632x128xf32, #tpu.memory_space<hbm>>
      %dma_start3A_31 = arith.constant 0 : i32
      %dma_start3A_32 = tpu.memref_slice %arg7[%mul3A_23, %dma_start3A_31] : memref<10112x128xf32, #tpu.memory_space<vmem_shared>> -> memref<632x128xf32, #tpu.memory_space<vmem_shared>>
      tpu.enqueue_dma source(%dma_start3A_32 : memref<632x128xf32, #tpu.memory_space<vmem_shared>>) target(%dma_start3A_30 : memref<632x128xf32, #tpu.memory_space<hbm>>) target_semaphore(%run_scoped3A : memref<!tpu.dma_semaphore, #tpu.memory_space<semaphore_mem>>)
      %dma_wait3A = arith.constant 0 : i32
      %dma_wait3A_33 = arith.constant 0 : i32
      %dma_wait3A_34 = tpu.memref_slice %arg6[%arg0, %dma_wait3A, %dma_wait3A_33] : memref<2x10112x128xf32, #tpu.memory_space<hbm>> -> memref<1x10112x128xf32, #tpu.memory_space<hbm>>
      %dma_wait3A_35 = tpu.memref_squeeze %dma_wait3A_34 : memref<1x10112x128xf32, #tpu.memory_space<hbm>> -> memref<10112x128xf32, #tpu.memory_space<hbm>>
      %dma_wait3A_36 = arith.constant 0 : i32
      %dma_wait3A_37 = tpu.memref_slice %dma_wait3A_35[%mul3A_25, %dma_wait3A_36] : memref<10112x128xf32, #tpu.memory_space<hbm>> -> memref<632x128xf32, #tpu.memory_space<hbm>>
      %dma_wait3A_38 = arith.constant 0 : i32
      %dma_wait3A_39 = tpu.memref_slice %arg7[%mul3A_23, %dma_wait3A_38] : memref<10112x128xf32, #tpu.memory_space<vmem_shared>> -> memref<632x128xf32, #tpu.memory_space<vmem_shared>>
      tpu.wait_dma2 semaphore(%run_scoped3A : memref<!tpu.dma_semaphore, #tpu.memory_space<semaphore_mem>>) src(%dma_wait3A_39 : memref<632x128xf32, #tpu.memory_space<vmem_shared>>) dst(%dma_wait3A_37 : memref<632x128xf32, #tpu.memory_space<hbm>>)
      tpu.yield
    }) : () -> ()
    return
  }
}

#map = affine_map<(d0, d1) -> (0, 0)>
#map1 = affine_map<(d0, d1) -> (0, 0, 0)>
module attributes {stable_mosaic.version = 14 : i64} {
  func.func @_agg_body(%arg0: i32, %arg1: i32, %arg2: memref<10016x128xf32, #tpu.memory_space<hbm>>, %arg3: memref<2560x128xi32, #tpu.memory_space<hbm>>, %arg4: memref<2560x128xi32, #tpu.memory_space<hbm>>, %arg5: memref<10112x128xf32, #tpu.memory_space<hbm>>, %arg6: memref<2x10112x128xf32, #tpu.memory_space<hbm>>, %arg7: memref<10112x128xf32, #tpu.memory_space<vmem_shared>>, %arg8: memref<40x128xi32, #tpu.memory_space<vmem>>, %arg9: memref<40x128xi32, #tpu.memory_space<vmem>>, %arg10: memref<128x128xf32, #tpu.memory_space<vmem>>, %arg11: memref<128x128xf32, #tpu.memory_space<vmem>>, %arg12: memref<!tpu.dma_semaphore, #tpu.memory_space<semaphore_mem>>, %arg13: memref<!tpu.dma_semaphore, #tpu.memory_space<semaphore_mem>>, %arg14: memref<!tpu.dma_semaphore, #tpu.memory_space<semaphore_mem>>, %arg15: memref<!tpu.dma_semaphore, #tpu.memory_space<semaphore_mem>>) attributes {dimension_semantics = [#tpu.dimension_semantics<core_parallel>, #tpu.dimension_semantics<subcore_parallel>], iteration_bounds = array<i64: 2, 16>, scalar_prefetch = 0 : i64, scratch_operands = 9 : i64, tpu.core_type = #tpu.core_type<sc_vector_subcore>, window_params = [{transform_indices = #map}, {transform_indices = #map}, {transform_indices = #map}, {transform_indices = #map}, {transform_indices = #map1}]} {
    %mul3A = arith.constant 632 : i32
    %mul3A_0 = arith.muli %arg1, %mul3A : i32
    %mul3A_1 = arith.constant 632 : i32
    %mul3A_2 = arith.muli %arg1, %mul3A_1 : i32
    "tpu.region"() ({
      %run_scoped3A = tpu.sem_alloc : memref<!tpu.dma_semaphore, #tpu.memory_space<semaphore_mem>>
      %dma_start3A = arith.constant 0 : i32
      %dma_start3A_26 = tpu.memref_slice %arg7[%mul3A_2, %dma_start3A] : memref<10112x128xf32, #tpu.memory_space<vmem_shared>> -> memref<632x128xf32, #tpu.memory_space<vmem_shared>>
      %dma_start3A_27 = arith.constant 0 : i32
      %dma_start3A_28 = tpu.memref_slice %arg5[%mul3A_0, %dma_start3A_27] : memref<10112x128xf32, #tpu.memory_space<hbm>> -> memref<632x128xf32, #tpu.memory_space<hbm>>
      tpu.enqueue_dma source(%dma_start3A_28 : memref<632x128xf32, #tpu.memory_space<hbm>>) target(%dma_start3A_26 : memref<632x128xf32, #tpu.memory_space<vmem_shared>>) target_semaphore(%run_scoped3A : memref<!tpu.dma_semaphore, #tpu.memory_space<semaphore_mem>>)
      %dma_wait3A = arith.constant 0 : i32
      %dma_wait3A_29 = tpu.memref_slice %arg7[%mul3A_2, %dma_wait3A] : memref<10112x128xf32, #tpu.memory_space<vmem_shared>> -> memref<632x128xf32, #tpu.memory_space<vmem_shared>>
      %dma_wait3A_30 = arith.constant 0 : i32
      %dma_wait3A_31 = tpu.memref_slice %arg5[%mul3A_0, %dma_wait3A_30] : memref<10112x128xf32, #tpu.memory_space<hbm>> -> memref<632x128xf32, #tpu.memory_space<hbm>>
      tpu.wait_dma2 semaphore(%run_scoped3A : memref<!tpu.dma_semaphore, #tpu.memory_space<semaphore_mem>>) src(%dma_wait3A_31 : memref<632x128xf32, #tpu.memory_space<hbm>>) dst(%dma_wait3A_29 : memref<632x128xf32, #tpu.memory_space<vmem_shared>>)
      tpu.yield
    }) : () -> ()
    %barrier3A = arith.constant 0 : index
    tpu.barrier barrier_id(%barrier3A)
    %eq3A = arith.constant 0 : i32
    %eq3A_3 = arith.cmpi eq, %arg0, %eq3A : i32
    %jit3A = arith.constant 3 : i32
    %jit3A_4 = arith.constant 1 : i32
    %select_n3A = arith.select %eq3A_3, %jit3A, %jit3A_4 : i32
    %mul3A_5 = arith.constant 160 : i32
    %mul3A_6 = arith.muli %arg1, %mul3A_5 : i32
    %eq3A_7 = arith.constant 0 : i32
    %eq3A_8 = arith.cmpi eq, %arg0, %eq3A_7 : i32
    %jit3A_9 = arith.constant 0 : i32
    %jit3A_10 = arith.constant 120 : i32
    %select_n3A_11 = arith.select %eq3A_8, %jit3A_9, %jit3A_10 : i32
    %add3A = arith.addi %mul3A_6, %select_n3A_11 : i32
    %while3A = arith.constant 0 : i32
    %while3A_12 = arith.constant 0 : i32
    %while3A_13 = arith.subi %select_n3A, %while3A_12 : i32
    %while3A_14 = arith.addi %while3A_12, %while3A_13 : i32
    %while3A_15 = arith.constant 1 : i32
    %while3A_16 = arith.divsi %while3A_13, %while3A_15 : i32
    %while3A_17 = arith.muli %while3A_16, %while3A_15 : i32
    %while3A_18 = arith.addi %while3A_12, %while3A_17 : i32
    %while3A_19 = arith.constant 1 : i32
    scf.for %while3A_26 = %while3A_12 to %while3A_18 step %while3A_19  : i32 {
      %mul3A_27 = arith.constant 40 : i32
      %mul3A_28 = arith.muli %while3A_26, %mul3A_27 : i32
      %add3A_29 = arith.addi %add3A, %mul3A_28 : i32
      "tpu.region"() ({
        %run_scoped3A = tpu.sem_alloc : memref<!tpu.dma_semaphore, #tpu.memory_space<semaphore_mem>>
        %dma_start3A = arith.constant 0 : i32
        %dma_start3A_35 = tpu.memref_slice %arg3[%add3A_29, %dma_start3A] : memref<2560x128xi32, #tpu.memory_space<hbm>> -> memref<40x128xi32, #tpu.memory_space<hbm>>
        %dma_start3A_36 = arith.constant 0 : i32
        %dma_start3A_37 = tpu.memref_slice %arg3[%add3A_29, %dma_start3A_36] : memref<2560x128xi32, #tpu.memory_space<hbm>> -> memref<40x128xi32, #tpu.memory_space<hbm>>
        tpu.enqueue_dma source(%dma_start3A_37 : memref<40x128xi32, #tpu.memory_space<hbm>>) target(%arg8 : memref<40x128xi32, #tpu.memory_space<vmem>>) target_semaphore(%run_scoped3A : memref<!tpu.dma_semaphore, #tpu.memory_space<semaphore_mem>>)
        %dma_wait3A = arith.constant 0 : i32
        %dma_wait3A_38 = tpu.memref_slice %arg3[%add3A_29, %dma_wait3A] : memref<2560x128xi32, #tpu.memory_space<hbm>> -> memref<40x128xi32, #tpu.memory_space<hbm>>
        %dma_wait3A_39 = arith.constant 0 : i32
        %dma_wait3A_40 = tpu.memref_slice %arg3[%add3A_29, %dma_wait3A_39] : memref<2560x128xi32, #tpu.memory_space<hbm>> -> memref<40x128xi32, #tpu.memory_space<hbm>>
        tpu.wait_dma2 semaphore(%run_scoped3A : memref<!tpu.dma_semaphore, #tpu.memory_space<semaphore_mem>>) src(%dma_wait3A_40 : memref<40x128xi32, #tpu.memory_space<hbm>>) dst(%arg8 : memref<40x128xi32, #tpu.memory_space<vmem>>)
        tpu.yield
      }) : () -> ()
      "tpu.region"() ({
        %run_scoped3A = tpu.sem_alloc : memref<!tpu.dma_semaphore, #tpu.memory_space<semaphore_mem>>
        %dma_start3A = arith.constant 0 : i32
        %dma_start3A_35 = tpu.memref_slice %arg4[%add3A_29, %dma_start3A] : memref<2560x128xi32, #tpu.memory_space<hbm>> -> memref<40x128xi32, #tpu.memory_space<hbm>>
        %dma_start3A_36 = arith.constant 0 : i32
        %dma_start3A_37 = tpu.memref_slice %arg4[%add3A_29, %dma_start3A_36] : memref<2560x128xi32, #tpu.memory_space<hbm>> -> memref<40x128xi32, #tpu.memory_space<hbm>>
        tpu.enqueue_dma source(%dma_start3A_37 : memref<40x128xi32, #tpu.memory_space<hbm>>) target(%arg9 : memref<40x128xi32, #tpu.memory_space<vmem>>) target_semaphore(%run_scoped3A : memref<!tpu.dma_semaphore, #tpu.memory_space<semaphore_mem>>)
        %dma_wait3A = arith.constant 0 : i32
        %dma_wait3A_38 = tpu.memref_slice %arg4[%add3A_29, %dma_wait3A] : memref<2560x128xi32, #tpu.memory_space<hbm>> -> memref<40x128xi32, #tpu.memory_space<hbm>>
        %dma_wait3A_39 = arith.constant 0 : i32
        %dma_wait3A_40 = tpu.memref_slice %arg4[%add3A_29, %dma_wait3A_39] : memref<2560x128xi32, #tpu.memory_space<hbm>> -> memref<40x128xi32, #tpu.memory_space<hbm>>
        tpu.wait_dma2 semaphore(%run_scoped3A : memref<!tpu.dma_semaphore, #tpu.memory_space<semaphore_mem>>) src(%dma_wait3A_40 : memref<40x128xi32, #tpu.memory_space<hbm>>) dst(%arg9 : memref<40x128xi32, #tpu.memory_space<vmem>>)
        tpu.yield
      }) : () -> ()
      %scan3A = arith.constant 0 : i32
      %scan3A_30 = arith.constant 0 : i32
      %scan3A_31 = arith.constant 20 : i32
      %scan3A_32 = arith.addi %scan3A_30, %scan3A_31 : i32
      %scan3A_33 = arith.constant 1 : i32
      scf.for %scan3A_35 = %scan3A_30 to %scan3A_32 step %scan3A_33  : i32 {
        %mul3A_36 = arith.constant 2 : i32
        %mul3A_37 = arith.muli %scan3A_35, %mul3A_36 : i32
        %add3A_38 = arith.constant 0 : i32
        %add3A_39 = arith.addi %mul3A_37, %add3A_38 : i32
        %dma_start3A = arith.constant 0 : i32
        %dma_start3A_40 = tpu.memref_slice %arg8[%add3A_39, %dma_start3A] : memref<40x128xi32, #tpu.memory_space<vmem>> -> memref<1x128xi32, #tpu.memory_space<vmem>>
        %dma_start3A_41 = tpu.memref_squeeze %dma_start3A_40 : memref<1x128xi32, #tpu.memory_space<vmem>> -> memref<128xi32, #tpu.memory_space<vmem>>
        %dma_start3A_42 = arith.constant 0 : i32
        %dma_start3A_43 = arith.constant 0 : i32
        %dma_start3A_44 = tpu.memref_slice %arg2[%dma_start3A_42, %dma_start3A_43] : memref<10016x128xf32, #tpu.memory_space<hbm>> -> memref<10016x128xf32, #tpu.memory_space<hbm>>
        tpu.enqueue_indirect_dma source(%dma_start3A_44 : memref<10016x128xf32, #tpu.memory_space<hbm>>) target(%arg10 : memref<128x128xf32, #tpu.memory_space<vmem>>) offsets(%dma_start3A_41 : memref<128xi32, #tpu.memory_space<vmem>>) semaphore(%arg12 : memref<!tpu.dma_semaphore, #tpu.memory_space<semaphore_mem>>)
        %mul3A_45 = arith.constant 2 : i32
        %mul3A_46 = arith.muli %scan3A_35, %mul3A_45 : i32
        %add3A_47 = arith.constant 1 : i32
        %add3A_48 = arith.addi %mul3A_46, %add3A_47 : i32
        %dma_start3A_49 = arith.constant 0 : i32
        %dma_start3A_50 = tpu.memref_slice %arg8[%add3A_48, %dma_start3A_49] : memref<40x128xi32, #tpu.memory_space<vmem>> -> memref<1x128xi32, #tpu.memory_space<vmem>>
        %dma_start3A_51 = tpu.memref_squeeze %dma_start3A_50 : memref<1x128xi32, #tpu.memory_space<vmem>> -> memref<128xi32, #tpu.memory_space<vmem>>
        %dma_start3A_52 = arith.constant 0 : i32
        %dma_start3A_53 = arith.constant 0 : i32
        %dma_start3A_54 = tpu.memref_slice %arg2[%dma_start3A_52, %dma_start3A_53] : memref<10016x128xf32, #tpu.memory_space<hbm>> -> memref<10016x128xf32, #tpu.memory_space<hbm>>
        tpu.enqueue_indirect_dma source(%dma_start3A_54 : memref<10016x128xf32, #tpu.memory_space<hbm>>) target(%arg11 : memref<128x128xf32, #tpu.memory_space<vmem>>) offsets(%dma_start3A_51 : memref<128xi32, #tpu.memory_space<vmem>>) semaphore(%arg13 : memref<!tpu.dma_semaphore, #tpu.memory_space<semaphore_mem>>)
        %dma_wait3A = arith.constant 0 : i32
        %dma_wait3A_55 = tpu.memref_slice %arg8[%add3A_39, %dma_wait3A] : memref<40x128xi32, #tpu.memory_space<vmem>> -> memref<1x128xi32, #tpu.memory_space<vmem>>
        %dma_wait3A_56 = tpu.memref_squeeze %dma_wait3A_55 : memref<1x128xi32, #tpu.memory_space<vmem>> -> memref<128xi32, #tpu.memory_space<vmem>>
        %dma_wait3A_57 = arith.constant 0 : i32
        %dma_wait3A_58 = arith.constant 0 : i32
        %dma_wait3A_59 = tpu.memref_slice %arg2[%dma_wait3A_57, %dma_wait3A_58] : memref<10016x128xf32, #tpu.memory_space<hbm>> -> memref<10016x128xf32, #tpu.memory_space<hbm>>
        tpu.wait_indirect_dma semaphore(%arg12 : memref<!tpu.dma_semaphore, #tpu.memory_space<semaphore_mem>>) src(%dma_wait3A_59 : memref<10016x128xf32, #tpu.memory_space<hbm>>) dst(%arg10 : memref<128x128xf32, #tpu.memory_space<vmem>>)
        %mul3A_60 = arith.constant 2 : i32
        %mul3A_61 = arith.muli %scan3A_35, %mul3A_60 : i32
        %add3A_62 = arith.constant 0 : i32
        %add3A_63 = arith.addi %mul3A_61, %add3A_62 : i32
        %dma_start3A_64 = arith.constant 0 : i32
        %dma_start3A_65 = tpu.memref_slice %arg9[%add3A_63, %dma_start3A_64] : memref<40x128xi32, #tpu.memory_space<vmem>> -> memref<1x128xi32, #tpu.memory_space<vmem>>
        %dma_start3A_66 = tpu.memref_squeeze %dma_start3A_65 : memref<1x128xi32, #tpu.memory_space<vmem>> -> memref<128xi32, #tpu.memory_space<vmem>>
        %dma_start3A_67 = arith.constant 0 : i32
        %dma_start3A_68 = arith.constant 0 : i32
        %dma_start3A_69 = tpu.memref_slice %arg7[%dma_start3A_67, %dma_start3A_68] : memref<10112x128xf32, #tpu.memory_space<vmem_shared>> -> memref<10112x128xf32, #tpu.memory_space<vmem_shared>>
        tpu.enqueue_indirect_dma source(%arg10 : memref<128x128xf32, #tpu.memory_space<vmem>>) target(%dma_start3A_69 : memref<10112x128xf32, #tpu.memory_space<vmem_shared>>) offsets(%dma_start3A_66 : memref<128xi32, #tpu.memory_space<vmem>>) semaphore(%arg14 : memref<!tpu.dma_semaphore, #tpu.memory_space<semaphore_mem>>) {add = true}
        %dma_wait3A_70 = arith.constant 0 : i32
        %dma_wait3A_71 = tpu.memref_slice %arg8[%add3A_48, %dma_wait3A_70] : memref<40x128xi32, #tpu.memory_space<vmem>> -> memref<1x128xi32, #tpu.memory_space<vmem>>
        %dma_wait3A_72 = tpu.memref_squeeze %dma_wait3A_71 : memref<1x128xi32, #tpu.memory_space<vmem>> -> memref<128xi32, #tpu.memory_space<vmem>>
        %dma_wait3A_73 = arith.constant 0 : i32
        %dma_wait3A_74 = arith.constant 0 : i32
        %dma_wait3A_75 = tpu.memref_slice %arg2[%dma_wait3A_73, %dma_wait3A_74] : memref<10016x128xf32, #tpu.memory_space<hbm>> -> memref<10016x128xf32, #tpu.memory_space<hbm>>
        tpu.wait_indirect_dma semaphore(%arg13 : memref<!tpu.dma_semaphore, #tpu.memory_space<semaphore_mem>>) src(%dma_wait3A_75 : memref<10016x128xf32, #tpu.memory_space<hbm>>) dst(%arg11 : memref<128x128xf32, #tpu.memory_space<vmem>>)
        %mul3A_76 = arith.constant 2 : i32
        %mul3A_77 = arith.muli %scan3A_35, %mul3A_76 : i32
        %add3A_78 = arith.constant 1 : i32
        %add3A_79 = arith.addi %mul3A_77, %add3A_78 : i32
        %dma_start3A_80 = arith.constant 0 : i32
        %dma_start3A_81 = tpu.memref_slice %arg9[%add3A_79, %dma_start3A_80] : memref<40x128xi32, #tpu.memory_space<vmem>> -> memref<1x128xi32, #tpu.memory_space<vmem>>
        %dma_start3A_82 = tpu.memref_squeeze %dma_start3A_81 : memref<1x128xi32, #tpu.memory_space<vmem>> -> memref<128xi32, #tpu.memory_space<vmem>>
        %dma_start3A_83 = arith.constant 0 : i32
        %dma_start3A_84 = arith.constant 0 : i32
        %dma_start3A_85 = tpu.memref_slice %arg7[%dma_start3A_83, %dma_start3A_84] : memref<10112x128xf32, #tpu.memory_space<vmem_shared>> -> memref<10112x128xf32, #tpu.memory_space<vmem_shared>>
        tpu.enqueue_indirect_dma source(%arg11 : memref<128x128xf32, #tpu.memory_space<vmem>>) target(%dma_start3A_85 : memref<10112x128xf32, #tpu.memory_space<vmem_shared>>) offsets(%dma_start3A_82 : memref<128xi32, #tpu.memory_space<vmem>>) semaphore(%arg15 : memref<!tpu.dma_semaphore, #tpu.memory_space<semaphore_mem>>) {add = true}
        %dma_wait3A_86 = arith.constant 0 : i32
        %dma_wait3A_87 = tpu.memref_slice %arg9[%add3A_63, %dma_wait3A_86] : memref<40x128xi32, #tpu.memory_space<vmem>> -> memref<1x128xi32, #tpu.memory_space<vmem>>
        %dma_wait3A_88 = tpu.memref_squeeze %dma_wait3A_87 : memref<1x128xi32, #tpu.memory_space<vmem>> -> memref<128xi32, #tpu.memory_space<vmem>>
        %dma_wait3A_89 = arith.constant 0 : i32
        %dma_wait3A_90 = arith.constant 0 : i32
        %dma_wait3A_91 = tpu.memref_slice %arg7[%dma_wait3A_89, %dma_wait3A_90] : memref<10112x128xf32, #tpu.memory_space<vmem_shared>> -> memref<10112x128xf32, #tpu.memory_space<vmem_shared>>
        tpu.wait_indirect_dma semaphore(%arg14 : memref<!tpu.dma_semaphore, #tpu.memory_space<semaphore_mem>>) src(%arg10 : memref<128x128xf32, #tpu.memory_space<vmem>>) dst(%dma_wait3A_91 : memref<10112x128xf32, #tpu.memory_space<vmem_shared>>)
        %dma_wait3A_92 = arith.constant 0 : i32
        %dma_wait3A_93 = tpu.memref_slice %arg9[%add3A_79, %dma_wait3A_92] : memref<40x128xi32, #tpu.memory_space<vmem>> -> memref<1x128xi32, #tpu.memory_space<vmem>>
        %dma_wait3A_94 = tpu.memref_squeeze %dma_wait3A_93 : memref<1x128xi32, #tpu.memory_space<vmem>> -> memref<128xi32, #tpu.memory_space<vmem>>
        %dma_wait3A_95 = arith.constant 0 : i32
        %dma_wait3A_96 = arith.constant 0 : i32
        %dma_wait3A_97 = tpu.memref_slice %arg7[%dma_wait3A_95, %dma_wait3A_96] : memref<10112x128xf32, #tpu.memory_space<vmem_shared>> -> memref<10112x128xf32, #tpu.memory_space<vmem_shared>>
        tpu.wait_indirect_dma semaphore(%arg15 : memref<!tpu.dma_semaphore, #tpu.memory_space<semaphore_mem>>) src(%arg11 : memref<128x128xf32, #tpu.memory_space<vmem>>) dst(%dma_wait3A_97 : memref<10112x128xf32, #tpu.memory_space<vmem_shared>>)
      }
      %scan3A_34 = arith.constant 20 : i32
    }
    %while3A_20 = arith.constant 1 : i32
    scf.for %while3A_26 = %while3A_18 to %while3A_14 step %while3A_20  : i32 {
      %mul3A_27 = arith.constant 40 : i32
      %mul3A_28 = arith.muli %while3A_26, %mul3A_27 : i32
      %add3A_29 = arith.addi %add3A, %mul3A_28 : i32
      "tpu.region"() ({
        %run_scoped3A = tpu.sem_alloc : memref<!tpu.dma_semaphore, #tpu.memory_space<semaphore_mem>>
        %dma_start3A = arith.constant 0 : i32
        %dma_start3A_35 = tpu.memref_slice %arg3[%add3A_29, %dma_start3A] : memref<2560x128xi32, #tpu.memory_space<hbm>> -> memref<40x128xi32, #tpu.memory_space<hbm>>
        %dma_start3A_36 = arith.constant 0 : i32
        %dma_start3A_37 = tpu.memref_slice %arg3[%add3A_29, %dma_start3A_36] : memref<2560x128xi32, #tpu.memory_space<hbm>> -> memref<40x128xi32, #tpu.memory_space<hbm>>
        tpu.enqueue_dma source(%dma_start3A_37 : memref<40x128xi32, #tpu.memory_space<hbm>>) target(%arg8 : memref<40x128xi32, #tpu.memory_space<vmem>>) target_semaphore(%run_scoped3A : memref<!tpu.dma_semaphore, #tpu.memory_space<semaphore_mem>>)
        %dma_wait3A = arith.constant 0 : i32
        %dma_wait3A_38 = tpu.memref_slice %arg3[%add3A_29, %dma_wait3A] : memref<2560x128xi32, #tpu.memory_space<hbm>> -> memref<40x128xi32, #tpu.memory_space<hbm>>
        %dma_wait3A_39 = arith.constant 0 : i32
        %dma_wait3A_40 = tpu.memref_slice %arg3[%add3A_29, %dma_wait3A_39] : memref<2560x128xi32, #tpu.memory_space<hbm>> -> memref<40x128xi32, #tpu.memory_space<hbm>>
        tpu.wait_dma2 semaphore(%run_scoped3A : memref<!tpu.dma_semaphore, #tpu.memory_space<semaphore_mem>>) src(%dma_wait3A_40 : memref<40x128xi32, #tpu.memory_space<hbm>>) dst(%arg8 : memref<40x128xi32, #tpu.memory_space<vmem>>)
        tpu.yield
      }) : () -> ()
      "tpu.region"() ({
        %run_scoped3A = tpu.sem_alloc : memref<!tpu.dma_semaphore, #tpu.memory_space<semaphore_mem>>
        %dma_start3A = arith.constant 0 : i32
        %dma_start3A_35 = tpu.memref_slice %arg4[%add3A_29, %dma_start3A] : memref<2560x128xi32, #tpu.memory_space<hbm>> -> memref<40x128xi32, #tpu.memory_space<hbm>>
        %dma_start3A_36 = arith.constant 0 : i32
        %dma_start3A_37 = tpu.memref_slice %arg4[%add3A_29, %dma_start3A_36] : memref<2560x128xi32, #tpu.memory_space<hbm>> -> memref<40x128xi32, #tpu.memory_space<hbm>>
        tpu.enqueue_dma source(%dma_start3A_37 : memref<40x128xi32, #tpu.memory_space<hbm>>) target(%arg9 : memref<40x128xi32, #tpu.memory_space<vmem>>) target_semaphore(%run_scoped3A : memref<!tpu.dma_semaphore, #tpu.memory_space<semaphore_mem>>)
        %dma_wait3A = arith.constant 0 : i32
        %dma_wait3A_38 = tpu.memref_slice %arg4[%add3A_29, %dma_wait3A] : memref<2560x128xi32, #tpu.memory_space<hbm>> -> memref<40x128xi32, #tpu.memory_space<hbm>>
        %dma_wait3A_39 = arith.constant 0 : i32
        %dma_wait3A_40 = tpu.memref_slice %arg4[%add3A_29, %dma_wait3A_39] : memref<2560x128xi32, #tpu.memory_space<hbm>> -> memref<40x128xi32, #tpu.memory_space<hbm>>
        tpu.wait_dma2 semaphore(%run_scoped3A : memref<!tpu.dma_semaphore, #tpu.memory_space<semaphore_mem>>) src(%dma_wait3A_40 : memref<40x128xi32, #tpu.memory_space<hbm>>) dst(%arg9 : memref<40x128xi32, #tpu.memory_space<vmem>>)
        tpu.yield
      }) : () -> ()
      %scan3A = arith.constant 0 : i32
      %scan3A_30 = arith.constant 0 : i32
      %scan3A_31 = arith.constant 20 : i32
      %scan3A_32 = arith.addi %scan3A_30, %scan3A_31 : i32
      %scan3A_33 = arith.constant 1 : i32
      scf.for %scan3A_35 = %scan3A_30 to %scan3A_32 step %scan3A_33  : i32 {
        %mul3A_36 = arith.constant 2 : i32
        %mul3A_37 = arith.muli %scan3A_35, %mul3A_36 : i32
        %add3A_38 = arith.constant 0 : i32
        %add3A_39 = arith.addi %mul3A_37, %add3A_38 : i32
        %dma_start3A = arith.constant 0 : i32
        %dma_start3A_40 = tpu.memref_slice %arg8[%add3A_39, %dma_start3A] : memref<40x128xi32, #tpu.memory_space<vmem>> -> memref<1x128xi32, #tpu.memory_space<vmem>>
        %dma_start3A_41 = tpu.memref_squeeze %dma_start3A_40 : memref<1x128xi32, #tpu.memory_space<vmem>> -> memref<128xi32, #tpu.memory_space<vmem>>
        %dma_start3A_42 = arith.constant 0 : i32
        %dma_start3A_43 = arith.constant 0 : i32
        %dma_start3A_44 = tpu.memref_slice %arg2[%dma_start3A_42, %dma_start3A_43] : memref<10016x128xf32, #tpu.memory_space<hbm>> -> memref<10016x128xf32, #tpu.memory_space<hbm>>
        tpu.enqueue_indirect_dma source(%dma_start3A_44 : memref<10016x128xf32, #tpu.memory_space<hbm>>) target(%arg10 : memref<128x128xf32, #tpu.memory_space<vmem>>) offsets(%dma_start3A_41 : memref<128xi32, #tpu.memory_space<vmem>>) semaphore(%arg12 : memref<!tpu.dma_semaphore, #tpu.memory_space<semaphore_mem>>)
        %mul3A_45 = arith.constant 2 : i32
        %mul3A_46 = arith.muli %scan3A_35, %mul3A_45 : i32
        %add3A_47 = arith.constant 1 : i32
        %add3A_48 = arith.addi %mul3A_46, %add3A_47 : i32
        %dma_start3A_49 = arith.constant 0 : i32
        %dma_start3A_50 = tpu.memref_slice %arg8[%add3A_48, %dma_start3A_49] : memref<40x128xi32, #tpu.memory_space<vmem>> -> memref<1x128xi32, #tpu.memory_space<vmem>>
        %dma_start3A_51 = tpu.memref_squeeze %dma_start3A_50 : memref<1x128xi32, #tpu.memory_space<vmem>> -> memref<128xi32, #tpu.memory_space<vmem>>
        %dma_start3A_52 = arith.constant 0 : i32
        %dma_start3A_53 = arith.constant 0 : i32
        %dma_start3A_54 = tpu.memref_slice %arg2[%dma_start3A_52, %dma_start3A_53] : memref<10016x128xf32, #tpu.memory_space<hbm>> -> memref<10016x128xf32, #tpu.memory_space<hbm>>
        tpu.enqueue_indirect_dma source(%dma_start3A_54 : memref<10016x128xf32, #tpu.memory_space<hbm>>) target(%arg11 : memref<128x128xf32, #tpu.memory_space<vmem>>) offsets(%dma_start3A_51 : memref<128xi32, #tpu.memory_space<vmem>>) semaphore(%arg13 : memref<!tpu.dma_semaphore, #tpu.memory_space<semaphore_mem>>)
        %dma_wait3A = arith.constant 0 : i32
        %dma_wait3A_55 = tpu.memref_slice %arg8[%add3A_39, %dma_wait3A] : memref<40x128xi32, #tpu.memory_space<vmem>> -> memref<1x128xi32, #tpu.memory_space<vmem>>
        %dma_wait3A_56 = tpu.memref_squeeze %dma_wait3A_55 : memref<1x128xi32, #tpu.memory_space<vmem>> -> memref<128xi32, #tpu.memory_space<vmem>>
        %dma_wait3A_57 = arith.constant 0 : i32
        %dma_wait3A_58 = arith.constant 0 : i32
        %dma_wait3A_59 = tpu.memref_slice %arg2[%dma_wait3A_57, %dma_wait3A_58] : memref<10016x128xf32, #tpu.memory_space<hbm>> -> memref<10016x128xf32, #tpu.memory_space<hbm>>
        tpu.wait_indirect_dma semaphore(%arg12 : memref<!tpu.dma_semaphore, #tpu.memory_space<semaphore_mem>>) src(%dma_wait3A_59 : memref<10016x128xf32, #tpu.memory_space<hbm>>) dst(%arg10 : memref<128x128xf32, #tpu.memory_space<vmem>>)
        %mul3A_60 = arith.constant 2 : i32
        %mul3A_61 = arith.muli %scan3A_35, %mul3A_60 : i32
        %add3A_62 = arith.constant 0 : i32
        %add3A_63 = arith.addi %mul3A_61, %add3A_62 : i32
        %dma_start3A_64 = arith.constant 0 : i32
        %dma_start3A_65 = tpu.memref_slice %arg9[%add3A_63, %dma_start3A_64] : memref<40x128xi32, #tpu.memory_space<vmem>> -> memref<1x128xi32, #tpu.memory_space<vmem>>
        %dma_start3A_66 = tpu.memref_squeeze %dma_start3A_65 : memref<1x128xi32, #tpu.memory_space<vmem>> -> memref<128xi32, #tpu.memory_space<vmem>>
        %dma_start3A_67 = arith.constant 0 : i32
        %dma_start3A_68 = arith.constant 0 : i32
        %dma_start3A_69 = tpu.memref_slice %arg7[%dma_start3A_67, %dma_start3A_68] : memref<10112x128xf32, #tpu.memory_space<vmem_shared>> -> memref<10112x128xf32, #tpu.memory_space<vmem_shared>>
        tpu.enqueue_indirect_dma source(%arg10 : memref<128x128xf32, #tpu.memory_space<vmem>>) target(%dma_start3A_69 : memref<10112x128xf32, #tpu.memory_space<vmem_shared>>) offsets(%dma_start3A_66 : memref<128xi32, #tpu.memory_space<vmem>>) semaphore(%arg14 : memref<!tpu.dma_semaphore, #tpu.memory_space<semaphore_mem>>) {add = true}
        %dma_wait3A_70 = arith.constant 0 : i32
        %dma_wait3A_71 = tpu.memref_slice %arg8[%add3A_48, %dma_wait3A_70] : memref<40x128xi32, #tpu.memory_space<vmem>> -> memref<1x128xi32, #tpu.memory_space<vmem>>
        %dma_wait3A_72 = tpu.memref_squeeze %dma_wait3A_71 : memref<1x128xi32, #tpu.memory_space<vmem>> -> memref<128xi32, #tpu.memory_space<vmem>>
        %dma_wait3A_73 = arith.constant 0 : i32
        %dma_wait3A_74 = arith.constant 0 : i32
        %dma_wait3A_75 = tpu.memref_slice %arg2[%dma_wait3A_73, %dma_wait3A_74] : memref<10016x128xf32, #tpu.memory_space<hbm>> -> memref<10016x128xf32, #tpu.memory_space<hbm>>
        tpu.wait_indirect_dma semaphore(%arg13 : memref<!tpu.dma_semaphore, #tpu.memory_space<semaphore_mem>>) src(%dma_wait3A_75 : memref<10016x128xf32, #tpu.memory_space<hbm>>) dst(%arg11 : memref<128x128xf32, #tpu.memory_space<vmem>>)
        %mul3A_76 = arith.constant 2 : i32
        %mul3A_77 = arith.muli %scan3A_35, %mul3A_76 : i32
        %add3A_78 = arith.constant 1 : i32
        %add3A_79 = arith.addi %mul3A_77, %add3A_78 : i32
        %dma_start3A_80 = arith.constant 0 : i32
        %dma_start3A_81 = tpu.memref_slice %arg9[%add3A_79, %dma_start3A_80] : memref<40x128xi32, #tpu.memory_space<vmem>> -> memref<1x128xi32, #tpu.memory_space<vmem>>
        %dma_start3A_82 = tpu.memref_squeeze %dma_start3A_81 : memref<1x128xi32, #tpu.memory_space<vmem>> -> memref<128xi32, #tpu.memory_space<vmem>>
        %dma_start3A_83 = arith.constant 0 : i32
        %dma_start3A_84 = arith.constant 0 : i32
        %dma_start3A_85 = tpu.memref_slice %arg7[%dma_start3A_83, %dma_start3A_84] : memref<10112x128xf32, #tpu.memory_space<vmem_shared>> -> memref<10112x128xf32, #tpu.memory_space<vmem_shared>>
        tpu.enqueue_indirect_dma source(%arg11 : memref<128x128xf32, #tpu.memory_space<vmem>>) target(%dma_start3A_85 : memref<10112x128xf32, #tpu.memory_space<vmem_shared>>) offsets(%dma_start3A_82 : memref<128xi32, #tpu.memory_space<vmem>>) semaphore(%arg15 : memref<!tpu.dma_semaphore, #tpu.memory_space<semaphore_mem>>) {add = true}
        %dma_wait3A_86 = arith.constant 0 : i32
        %dma_wait3A_87 = tpu.memref_slice %arg9[%add3A_63, %dma_wait3A_86] : memref<40x128xi32, #tpu.memory_space<vmem>> -> memref<1x128xi32, #tpu.memory_space<vmem>>
        %dma_wait3A_88 = tpu.memref_squeeze %dma_wait3A_87 : memref<1x128xi32, #tpu.memory_space<vmem>> -> memref<128xi32, #tpu.memory_space<vmem>>
        %dma_wait3A_89 = arith.constant 0 : i32
        %dma_wait3A_90 = arith.constant 0 : i32
        %dma_wait3A_91 = tpu.memref_slice %arg7[%dma_wait3A_89, %dma_wait3A_90] : memref<10112x128xf32, #tpu.memory_space<vmem_shared>> -> memref<10112x128xf32, #tpu.memory_space<vmem_shared>>
        tpu.wait_indirect_dma semaphore(%arg14 : memref<!tpu.dma_semaphore, #tpu.memory_space<semaphore_mem>>) src(%arg10 : memref<128x128xf32, #tpu.memory_space<vmem>>) dst(%dma_wait3A_91 : memref<10112x128xf32, #tpu.memory_space<vmem_shared>>)
        %dma_wait3A_92 = arith.constant 0 : i32
        %dma_wait3A_93 = tpu.memref_slice %arg9[%add3A_79, %dma_wait3A_92] : memref<40x128xi32, #tpu.memory_space<vmem>> -> memref<1x128xi32, #tpu.memory_space<vmem>>
        %dma_wait3A_94 = tpu.memref_squeeze %dma_wait3A_93 : memref<1x128xi32, #tpu.memory_space<vmem>> -> memref<128xi32, #tpu.memory_space<vmem>>
        %dma_wait3A_95 = arith.constant 0 : i32
        %dma_wait3A_96 = arith.constant 0 : i32
        %dma_wait3A_97 = tpu.memref_slice %arg7[%dma_wait3A_95, %dma_wait3A_96] : memref<10112x128xf32, #tpu.memory_space<vmem_shared>> -> memref<10112x128xf32, #tpu.memory_space<vmem_shared>>
        tpu.wait_indirect_dma semaphore(%arg15 : memref<!tpu.dma_semaphore, #tpu.memory_space<semaphore_mem>>) src(%arg11 : memref<128x128xf32, #tpu.memory_space<vmem>>) dst(%dma_wait3A_97 : memref<10112x128xf32, #tpu.memory_space<vmem_shared>>)
      }
      %scan3A_34 = arith.constant 20 : i32
    }
    %barrier3A_21 = arith.constant 0 : index
    tpu.barrier barrier_id(%barrier3A_21)
    %mul3A_22 = arith.constant 632 : i32
    %mul3A_23 = arith.muli %arg1, %mul3A_22 : i32
    %mul3A_24 = arith.constant 632 : i32
    %mul3A_25 = arith.muli %arg1, %mul3A_24 : i32
    "tpu.region"() ({
      %run_scoped3A = tpu.sem_alloc : memref<!tpu.dma_semaphore, #tpu.memory_space<semaphore_mem>>
      %dma_start3A = arith.constant 0 : i32
      %dma_start3A_26 = arith.constant 0 : i32
      %dma_start3A_27 = tpu.memref_slice %arg6[%arg0, %dma_start3A, %dma_start3A_26] : memref<2x10112x128xf32, #tpu.memory_space<hbm>> -> memref<1x10112x128xf32, #tpu.memory_space<hbm>>
      %dma_start3A_28 = tpu.memref_squeeze %dma_start3A_27 : memref<1x10112x128xf32, #tpu.memory_space<hbm>> -> memref<10112x128xf32, #tpu.memory_space<hbm>>
      %dma_start3A_29 = arith.constant 0 : i32
      %dma_start3A_30 = tpu.memref_slice %dma_start3A_28[%mul3A_25, %dma_start3A_29] : memref<10112x128xf32, #tpu.memory_space<hbm>> -> memref<632x128xf32, #tpu.memory_space<hbm>>
      %dma_start3A_31 = arith.constant 0 : i32
      %dma_start3A_32 = tpu.memref_slice %arg7[%mul3A_23, %dma_start3A_31] : memref<10112x128xf32, #tpu.memory_space<vmem_shared>> -> memref<632x128xf32, #tpu.memory_space<vmem_shared>>
      tpu.enqueue_dma source(%dma_start3A_32 : memref<632x128xf32, #tpu.memory_space<vmem_shared>>) target(%dma_start3A_30 : memref<632x128xf32, #tpu.memory_space<hbm>>) target_semaphore(%run_scoped3A : memref<!tpu.dma_semaphore, #tpu.memory_space<semaphore_mem>>)
      %dma_wait3A = arith.constant 0 : i32
      %dma_wait3A_33 = arith.constant 0 : i32
      %dma_wait3A_34 = tpu.memref_slice %arg6[%arg0, %dma_wait3A, %dma_wait3A_33] : memref<2x10112x128xf32, #tpu.memory_space<hbm>> -> memref<1x10112x128xf32, #tpu.memory_space<hbm>>
      %dma_wait3A_35 = tpu.memref_squeeze %dma_wait3A_34 : memref<1x10112x128xf32, #tpu.memory_space<hbm>> -> memref<10112x128xf32, #tpu.memory_space<hbm>>
      %dma_wait3A_36 = arith.constant 0 : i32
      %dma_wait3A_37 = tpu.memref_slice %dma_wait3A_35[%mul3A_25, %dma_wait3A_36] : memref<10112x128xf32, #tpu.memory_space<hbm>> -> memref<632x128xf32, #tpu.memory_space<hbm>>
      %dma_wait3A_38 = arith.constant 0 : i32
      %dma_wait3A_39 = tpu.memref_slice %arg7[%mul3A_23, %dma_wait3A_38] : memref<10112x128xf32, #tpu.memory_space<vmem_shared>> -> memref<632x128xf32, #tpu.memory_space<vmem_shared>>
      tpu.wait_dma2 semaphore(%run_scoped3A : memref<!tpu.dma_semaphore, #tpu.memory_space<semaphore_mem>>) src(%dma_wait3A_39 : memref<632x128xf32, #tpu.memory_space<vmem_shared>>) dst(%dma_wait3A_37 : memref<632x128xf32, #tpu.memory_space<hbm>>)
      tpu.yield
    }) : () -> ()
    return
  }
}

#map = affine_map<(d0, d1) -> (0, 0)>
#map1 = affine_map<(d0, d1) -> (0, 0, 0)>
module attributes {stable_mosaic.version = 14 : i64} {
  func.func @_agg_body(%arg0: i32, %arg1: i32, %arg2: memref<10016x128xf32, #tpu.memory_space<hbm>>, %arg3: memref<2560x128xi32, #tpu.memory_space<hbm>>, %arg4: memref<2560x128xi32, #tpu.memory_space<hbm>>, %arg5: memref<10112x128xf32, #tpu.memory_space<hbm>>, %arg6: memref<2x10112x128xf32, #tpu.memory_space<hbm>>, %arg7: memref<10112x128xf32, #tpu.memory_space<vmem_shared>>, %arg8: memref<40x128xi32, #tpu.memory_space<vmem>>, %arg9: memref<40x128xi32, #tpu.memory_space<vmem>>, %arg10: memref<128x128xf32, #tpu.memory_space<vmem>>, %arg11: memref<128x128xf32, #tpu.memory_space<vmem>>, %arg12: memref<!tpu.dma_semaphore, #tpu.memory_space<semaphore_mem>>, %arg13: memref<!tpu.dma_semaphore, #tpu.memory_space<semaphore_mem>>, %arg14: memref<!tpu.dma_semaphore, #tpu.memory_space<semaphore_mem>>, %arg15: memref<!tpu.dma_semaphore, #tpu.memory_space<semaphore_mem>>) attributes {dimension_semantics = [#tpu.dimension_semantics<core_parallel>, #tpu.dimension_semantics<subcore_parallel>], iteration_bounds = array<i64: 2, 16>, scalar_prefetch = 0 : i64, scratch_operands = 9 : i64, tpu.core_type = #tpu.core_type<sc_vector_subcore>, window_params = [{transform_indices = #map}, {transform_indices = #map}, {transform_indices = #map}, {transform_indices = #map}, {transform_indices = #map1}]} {
    %mul3A = arith.constant 632 : i32
    %mul3A_0 = arith.muli %arg1, %mul3A : i32
    %mul3A_1 = arith.constant 632 : i32
    %mul3A_2 = arith.muli %arg1, %mul3A_1 : i32
    "tpu.region"() ({
      %run_scoped3A = tpu.sem_alloc : memref<!tpu.dma_semaphore, #tpu.memory_space<semaphore_mem>>
      %dma_start3A = arith.constant 0 : i32
      %dma_start3A_26 = tpu.memref_slice %arg7[%mul3A_2, %dma_start3A] : memref<10112x128xf32, #tpu.memory_space<vmem_shared>> -> memref<632x128xf32, #tpu.memory_space<vmem_shared>>
      %dma_start3A_27 = arith.constant 0 : i32
      %dma_start3A_28 = tpu.memref_slice %arg5[%mul3A_0, %dma_start3A_27] : memref<10112x128xf32, #tpu.memory_space<hbm>> -> memref<632x128xf32, #tpu.memory_space<hbm>>
      tpu.enqueue_dma source(%dma_start3A_28 : memref<632x128xf32, #tpu.memory_space<hbm>>) target(%dma_start3A_26 : memref<632x128xf32, #tpu.memory_space<vmem_shared>>) target_semaphore(%run_scoped3A : memref<!tpu.dma_semaphore, #tpu.memory_space<semaphore_mem>>)
      %dma_wait3A = arith.constant 0 : i32
      %dma_wait3A_29 = tpu.memref_slice %arg7[%mul3A_2, %dma_wait3A] : memref<10112x128xf32, #tpu.memory_space<vmem_shared>> -> memref<632x128xf32, #tpu.memory_space<vmem_shared>>
      %dma_wait3A_30 = arith.constant 0 : i32
      %dma_wait3A_31 = tpu.memref_slice %arg5[%mul3A_0, %dma_wait3A_30] : memref<10112x128xf32, #tpu.memory_space<hbm>> -> memref<632x128xf32, #tpu.memory_space<hbm>>
      tpu.wait_dma2 semaphore(%run_scoped3A : memref<!tpu.dma_semaphore, #tpu.memory_space<semaphore_mem>>) src(%dma_wait3A_31 : memref<632x128xf32, #tpu.memory_space<hbm>>) dst(%dma_wait3A_29 : memref<632x128xf32, #tpu.memory_space<vmem_shared>>)
      tpu.yield
    }) : () -> ()
    %barrier3A = arith.constant 0 : index
    tpu.barrier barrier_id(%barrier3A)
    %eq3A = arith.constant 0 : i32
    %eq3A_3 = arith.cmpi eq, %arg0, %eq3A : i32
    %jit3A = arith.constant 3 : i32
    %jit3A_4 = arith.constant 1 : i32
    %select_n3A = arith.select %eq3A_3, %jit3A, %jit3A_4 : i32
    %mul3A_5 = arith.constant 160 : i32
    %mul3A_6 = arith.muli %arg1, %mul3A_5 : i32
    %eq3A_7 = arith.constant 0 : i32
    %eq3A_8 = arith.cmpi eq, %arg0, %eq3A_7 : i32
    %jit3A_9 = arith.constant 0 : i32
    %jit3A_10 = arith.constant 120 : i32
    %select_n3A_11 = arith.select %eq3A_8, %jit3A_9, %jit3A_10 : i32
    %add3A = arith.addi %mul3A_6, %select_n3A_11 : i32
    %while3A = arith.constant 0 : i32
    %while3A_12 = arith.constant 0 : i32
    %while3A_13 = arith.subi %select_n3A, %while3A_12 : i32
    %while3A_14 = arith.addi %while3A_12, %while3A_13 : i32
    %while3A_15 = arith.constant 1 : i32
    %while3A_16 = arith.divsi %while3A_13, %while3A_15 : i32
    %while3A_17 = arith.muli %while3A_16, %while3A_15 : i32
    %while3A_18 = arith.addi %while3A_12, %while3A_17 : i32
    %while3A_19 = arith.constant 1 : i32
    scf.for %while3A_26 = %while3A_12 to %while3A_18 step %while3A_19  : i32 {
      %mul3A_27 = arith.constant 40 : i32
      %mul3A_28 = arith.muli %while3A_26, %mul3A_27 : i32
      %add3A_29 = arith.addi %add3A, %mul3A_28 : i32
      "tpu.region"() ({
        %run_scoped3A = tpu.sem_alloc : memref<!tpu.dma_semaphore, #tpu.memory_space<semaphore_mem>>
        %dma_start3A = arith.constant 0 : i32
        %dma_start3A_35 = tpu.memref_slice %arg3[%add3A_29, %dma_start3A] : memref<2560x128xi32, #tpu.memory_space<hbm>> -> memref<40x128xi32, #tpu.memory_space<hbm>>
        %dma_start3A_36 = arith.constant 0 : i32
        %dma_start3A_37 = tpu.memref_slice %arg3[%add3A_29, %dma_start3A_36] : memref<2560x128xi32, #tpu.memory_space<hbm>> -> memref<40x128xi32, #tpu.memory_space<hbm>>
        tpu.enqueue_dma source(%dma_start3A_37 : memref<40x128xi32, #tpu.memory_space<hbm>>) target(%arg8 : memref<40x128xi32, #tpu.memory_space<vmem>>) target_semaphore(%run_scoped3A : memref<!tpu.dma_semaphore, #tpu.memory_space<semaphore_mem>>)
        %dma_wait3A = arith.constant 0 : i32
        %dma_wait3A_38 = tpu.memref_slice %arg3[%add3A_29, %dma_wait3A] : memref<2560x128xi32, #tpu.memory_space<hbm>> -> memref<40x128xi32, #tpu.memory_space<hbm>>
        %dma_wait3A_39 = arith.constant 0 : i32
        %dma_wait3A_40 = tpu.memref_slice %arg3[%add3A_29, %dma_wait3A_39] : memref<2560x128xi32, #tpu.memory_space<hbm>> -> memref<40x128xi32, #tpu.memory_space<hbm>>
        tpu.wait_dma2 semaphore(%run_scoped3A : memref<!tpu.dma_semaphore, #tpu.memory_space<semaphore_mem>>) src(%dma_wait3A_40 : memref<40x128xi32, #tpu.memory_space<hbm>>) dst(%arg8 : memref<40x128xi32, #tpu.memory_space<vmem>>)
        tpu.yield
      }) : () -> ()
      "tpu.region"() ({
        %run_scoped3A = tpu.sem_alloc : memref<!tpu.dma_semaphore, #tpu.memory_space<semaphore_mem>>
        %dma_start3A = arith.constant 0 : i32
        %dma_start3A_35 = tpu.memref_slice %arg4[%add3A_29, %dma_start3A] : memref<2560x128xi32, #tpu.memory_space<hbm>> -> memref<40x128xi32, #tpu.memory_space<hbm>>
        %dma_start3A_36 = arith.constant 0 : i32
        %dma_start3A_37 = tpu.memref_slice %arg4[%add3A_29, %dma_start3A_36] : memref<2560x128xi32, #tpu.memory_space<hbm>> -> memref<40x128xi32, #tpu.memory_space<hbm>>
        tpu.enqueue_dma source(%dma_start3A_37 : memref<40x128xi32, #tpu.memory_space<hbm>>) target(%arg9 : memref<40x128xi32, #tpu.memory_space<vmem>>) target_semaphore(%run_scoped3A : memref<!tpu.dma_semaphore, #tpu.memory_space<semaphore_mem>>)
        %dma_wait3A = arith.constant 0 : i32
        %dma_wait3A_38 = tpu.memref_slice %arg4[%add3A_29, %dma_wait3A] : memref<2560x128xi32, #tpu.memory_space<hbm>> -> memref<40x128xi32, #tpu.memory_space<hbm>>
        %dma_wait3A_39 = arith.constant 0 : i32
        %dma_wait3A_40 = tpu.memref_slice %arg4[%add3A_29, %dma_wait3A_39] : memref<2560x128xi32, #tpu.memory_space<hbm>> -> memref<40x128xi32, #tpu.memory_space<hbm>>
        tpu.wait_dma2 semaphore(%run_scoped3A : memref<!tpu.dma_semaphore, #tpu.memory_space<semaphore_mem>>) src(%dma_wait3A_40 : memref<40x128xi32, #tpu.memory_space<hbm>>) dst(%arg9 : memref<40x128xi32, #tpu.memory_space<vmem>>)
        tpu.yield
      }) : () -> ()
      %scan3A = arith.constant 0 : i32
      %scan3A_30 = arith.constant 0 : i32
      %scan3A_31 = arith.constant 20 : i32
      %scan3A_32 = arith.addi %scan3A_30, %scan3A_31 : i32
      %scan3A_33 = arith.constant 1 : i32
      scf.for %scan3A_35 = %scan3A_30 to %scan3A_32 step %scan3A_33  : i32 {
        %mul3A_36 = arith.constant 2 : i32
        %mul3A_37 = arith.muli %scan3A_35, %mul3A_36 : i32
        %add3A_38 = arith.constant 0 : i32
        %add3A_39 = arith.addi %mul3A_37, %add3A_38 : i32
        %dma_start3A = arith.constant 0 : i32
        %dma_start3A_40 = tpu.memref_slice %arg8[%add3A_39, %dma_start3A] : memref<40x128xi32, #tpu.memory_space<vmem>> -> memref<1x128xi32, #tpu.memory_space<vmem>>
        %dma_start3A_41 = tpu.memref_squeeze %dma_start3A_40 : memref<1x128xi32, #tpu.memory_space<vmem>> -> memref<128xi32, #tpu.memory_space<vmem>>
        %dma_start3A_42 = arith.constant 0 : i32
        %dma_start3A_43 = arith.constant 0 : i32
        %dma_start3A_44 = tpu.memref_slice %arg2[%dma_start3A_42, %dma_start3A_43] : memref<10016x128xf32, #tpu.memory_space<hbm>> -> memref<10016x128xf32, #tpu.memory_space<hbm>>
        tpu.enqueue_indirect_dma source(%dma_start3A_44 : memref<10016x128xf32, #tpu.memory_space<hbm>>) target(%arg10 : memref<128x128xf32, #tpu.memory_space<vmem>>) offsets(%dma_start3A_41 : memref<128xi32, #tpu.memory_space<vmem>>) semaphore(%arg12 : memref<!tpu.dma_semaphore, #tpu.memory_space<semaphore_mem>>)
        %mul3A_45 = arith.constant 2 : i32
        %mul3A_46 = arith.muli %scan3A_35, %mul3A_45 : i32
        %add3A_47 = arith.constant 1 : i32
        %add3A_48 = arith.addi %mul3A_46, %add3A_47 : i32
        %dma_start3A_49 = arith.constant 0 : i32
        %dma_start3A_50 = tpu.memref_slice %arg8[%add3A_48, %dma_start3A_49] : memref<40x128xi32, #tpu.memory_space<vmem>> -> memref<1x128xi32, #tpu.memory_space<vmem>>
        %dma_start3A_51 = tpu.memref_squeeze %dma_start3A_50 : memref<1x128xi32, #tpu.memory_space<vmem>> -> memref<128xi32, #tpu.memory_space<vmem>>
        %dma_start3A_52 = arith.constant 0 : i32
        %dma_start3A_53 = arith.constant 0 : i32
        %dma_start3A_54 = tpu.memref_slice %arg2[%dma_start3A_52, %dma_start3A_53] : memref<10016x128xf32, #tpu.memory_space<hbm>> -> memref<10016x128xf32, #tpu.memory_space<hbm>>
        tpu.enqueue_indirect_dma source(%dma_start3A_54 : memref<10016x128xf32, #tpu.memory_space<hbm>>) target(%arg11 : memref<128x128xf32, #tpu.memory_space<vmem>>) offsets(%dma_start3A_51 : memref<128xi32, #tpu.memory_space<vmem>>) semaphore(%arg13 : memref<!tpu.dma_semaphore, #tpu.memory_space<semaphore_mem>>)
        %dma_wait3A = arith.constant 0 : i32
        %dma_wait3A_55 = tpu.memref_slice %arg8[%add3A_39, %dma_wait3A] : memref<40x128xi32, #tpu.memory_space<vmem>> -> memref<1x128xi32, #tpu.memory_space<vmem>>
        %dma_wait3A_56 = tpu.memref_squeeze %dma_wait3A_55 : memref<1x128xi32, #tpu.memory_space<vmem>> -> memref<128xi32, #tpu.memory_space<vmem>>
        %dma_wait3A_57 = arith.constant 0 : i32
        %dma_wait3A_58 = arith.constant 0 : i32
        %dma_wait3A_59 = tpu.memref_slice %arg2[%dma_wait3A_57, %dma_wait3A_58] : memref<10016x128xf32, #tpu.memory_space<hbm>> -> memref<10016x128xf32, #tpu.memory_space<hbm>>
        tpu.wait_indirect_dma semaphore(%arg12 : memref<!tpu.dma_semaphore, #tpu.memory_space<semaphore_mem>>) src(%dma_wait3A_59 : memref<10016x128xf32, #tpu.memory_space<hbm>>) dst(%arg10 : memref<128x128xf32, #tpu.memory_space<vmem>>)
        %mul3A_60 = arith.constant 2 : i32
        %mul3A_61 = arith.muli %scan3A_35, %mul3A_60 : i32
        %add3A_62 = arith.constant 0 : i32
        %add3A_63 = arith.addi %mul3A_61, %add3A_62 : i32
        %dma_start3A_64 = arith.constant 0 : i32
        %dma_start3A_65 = tpu.memref_slice %arg9[%add3A_63, %dma_start3A_64] : memref<40x128xi32, #tpu.memory_space<vmem>> -> memref<1x128xi32, #tpu.memory_space<vmem>>
        %dma_start3A_66 = tpu.memref_squeeze %dma_start3A_65 : memref<1x128xi32, #tpu.memory_space<vmem>> -> memref<128xi32, #tpu.memory_space<vmem>>
        %dma_start3A_67 = arith.constant 0 : i32
        %dma_start3A_68 = arith.constant 0 : i32
        %dma_start3A_69 = tpu.memref_slice %arg7[%dma_start3A_67, %dma_start3A_68] : memref<10112x128xf32, #tpu.memory_space<vmem_shared>> -> memref<10112x128xf32, #tpu.memory_space<vmem_shared>>
        tpu.enqueue_indirect_dma source(%arg10 : memref<128x128xf32, #tpu.memory_space<vmem>>) target(%dma_start3A_69 : memref<10112x128xf32, #tpu.memory_space<vmem_shared>>) offsets(%dma_start3A_66 : memref<128xi32, #tpu.memory_space<vmem>>) semaphore(%arg14 : memref<!tpu.dma_semaphore, #tpu.memory_space<semaphore_mem>>) {add = true}
        %dma_wait3A_70 = arith.constant 0 : i32
        %dma_wait3A_71 = tpu.memref_slice %arg8[%add3A_48, %dma_wait3A_70] : memref<40x128xi32, #tpu.memory_space<vmem>> -> memref<1x128xi32, #tpu.memory_space<vmem>>
        %dma_wait3A_72 = tpu.memref_squeeze %dma_wait3A_71 : memref<1x128xi32, #tpu.memory_space<vmem>> -> memref<128xi32, #tpu.memory_space<vmem>>
        %dma_wait3A_73 = arith.constant 0 : i32
        %dma_wait3A_74 = arith.constant 0 : i32
        %dma_wait3A_75 = tpu.memref_slice %arg2[%dma_wait3A_73, %dma_wait3A_74] : memref<10016x128xf32, #tpu.memory_space<hbm>> -> memref<10016x128xf32, #tpu.memory_space<hbm>>
        tpu.wait_indirect_dma semaphore(%arg13 : memref<!tpu.dma_semaphore, #tpu.memory_space<semaphore_mem>>) src(%dma_wait3A_75 : memref<10016x128xf32, #tpu.memory_space<hbm>>) dst(%arg11 : memref<128x128xf32, #tpu.memory_space<vmem>>)
        %mul3A_76 = arith.constant 2 : i32
        %mul3A_77 = arith.muli %scan3A_35, %mul3A_76 : i32
        %add3A_78 = arith.constant 1 : i32
        %add3A_79 = arith.addi %mul3A_77, %add3A_78 : i32
        %dma_start3A_80 = arith.constant 0 : i32
        %dma_start3A_81 = tpu.memref_slice %arg9[%add3A_79, %dma_start3A_80] : memref<40x128xi32, #tpu.memory_space<vmem>> -> memref<1x128xi32, #tpu.memory_space<vmem>>
        %dma_start3A_82 = tpu.memref_squeeze %dma_start3A_81 : memref<1x128xi32, #tpu.memory_space<vmem>> -> memref<128xi32, #tpu.memory_space<vmem>>
        %dma_start3A_83 = arith.constant 0 : i32
        %dma_start3A_84 = arith.constant 0 : i32
        %dma_start3A_85 = tpu.memref_slice %arg7[%dma_start3A_83, %dma_start3A_84] : memref<10112x128xf32, #tpu.memory_space<vmem_shared>> -> memref<10112x128xf32, #tpu.memory_space<vmem_shared>>
        tpu.enqueue_indirect_dma source(%arg11 : memref<128x128xf32, #tpu.memory_space<vmem>>) target(%dma_start3A_85 : memref<10112x128xf32, #tpu.memory_space<vmem_shared>>) offsets(%dma_start3A_82 : memref<128xi32, #tpu.memory_space<vmem>>) semaphore(%arg15 : memref<!tpu.dma_semaphore, #tpu.memory_space<semaphore_mem>>) {add = true}
        %dma_wait3A_86 = arith.constant 0 : i32
        %dma_wait3A_87 = tpu.memref_slice %arg9[%add3A_63, %dma_wait3A_86] : memref<40x128xi32, #tpu.memory_space<vmem>> -> memref<1x128xi32, #tpu.memory_space<vmem>>
        %dma_wait3A_88 = tpu.memref_squeeze %dma_wait3A_87 : memref<1x128xi32, #tpu.memory_space<vmem>> -> memref<128xi32, #tpu.memory_space<vmem>>
        %dma_wait3A_89 = arith.constant 0 : i32
        %dma_wait3A_90 = arith.constant 0 : i32
        %dma_wait3A_91 = tpu.memref_slice %arg7[%dma_wait3A_89, %dma_wait3A_90] : memref<10112x128xf32, #tpu.memory_space<vmem_shared>> -> memref<10112x128xf32, #tpu.memory_space<vmem_shared>>
        tpu.wait_indirect_dma semaphore(%arg14 : memref<!tpu.dma_semaphore, #tpu.memory_space<semaphore_mem>>) src(%arg10 : memref<128x128xf32, #tpu.memory_space<vmem>>) dst(%dma_wait3A_91 : memref<10112x128xf32, #tpu.memory_space<vmem_shared>>)
        %dma_wait3A_92 = arith.constant 0 : i32
        %dma_wait3A_93 = tpu.memref_slice %arg9[%add3A_79, %dma_wait3A_92] : memref<40x128xi32, #tpu.memory_space<vmem>> -> memref<1x128xi32, #tpu.memory_space<vmem>>
        %dma_wait3A_94 = tpu.memref_squeeze %dma_wait3A_93 : memref<1x128xi32, #tpu.memory_space<vmem>> -> memref<128xi32, #tpu.memory_space<vmem>>
        %dma_wait3A_95 = arith.constant 0 : i32
        %dma_wait3A_96 = arith.constant 0 : i32
        %dma_wait3A_97 = tpu.memref_slice %arg7[%dma_wait3A_95, %dma_wait3A_96] : memref<10112x128xf32, #tpu.memory_space<vmem_shared>> -> memref<10112x128xf32, #tpu.memory_space<vmem_shared>>
        tpu.wait_indirect_dma semaphore(%arg15 : memref<!tpu.dma_semaphore, #tpu.memory_space<semaphore_mem>>) src(%arg11 : memref<128x128xf32, #tpu.memory_space<vmem>>) dst(%dma_wait3A_97 : memref<10112x128xf32, #tpu.memory_space<vmem_shared>>)
      }
      %scan3A_34 = arith.constant 20 : i32
    }
    %while3A_20 = arith.constant 1 : i32
    scf.for %while3A_26 = %while3A_18 to %while3A_14 step %while3A_20  : i32 {
      %mul3A_27 = arith.constant 40 : i32
      %mul3A_28 = arith.muli %while3A_26, %mul3A_27 : i32
      %add3A_29 = arith.addi %add3A, %mul3A_28 : i32
      "tpu.region"() ({
        %run_scoped3A = tpu.sem_alloc : memref<!tpu.dma_semaphore, #tpu.memory_space<semaphore_mem>>
        %dma_start3A = arith.constant 0 : i32
        %dma_start3A_35 = tpu.memref_slice %arg3[%add3A_29, %dma_start3A] : memref<2560x128xi32, #tpu.memory_space<hbm>> -> memref<40x128xi32, #tpu.memory_space<hbm>>
        %dma_start3A_36 = arith.constant 0 : i32
        %dma_start3A_37 = tpu.memref_slice %arg3[%add3A_29, %dma_start3A_36] : memref<2560x128xi32, #tpu.memory_space<hbm>> -> memref<40x128xi32, #tpu.memory_space<hbm>>
        tpu.enqueue_dma source(%dma_start3A_37 : memref<40x128xi32, #tpu.memory_space<hbm>>) target(%arg8 : memref<40x128xi32, #tpu.memory_space<vmem>>) target_semaphore(%run_scoped3A : memref<!tpu.dma_semaphore, #tpu.memory_space<semaphore_mem>>)
        %dma_wait3A = arith.constant 0 : i32
        %dma_wait3A_38 = tpu.memref_slice %arg3[%add3A_29, %dma_wait3A] : memref<2560x128xi32, #tpu.memory_space<hbm>> -> memref<40x128xi32, #tpu.memory_space<hbm>>
        %dma_wait3A_39 = arith.constant 0 : i32
        %dma_wait3A_40 = tpu.memref_slice %arg3[%add3A_29, %dma_wait3A_39] : memref<2560x128xi32, #tpu.memory_space<hbm>> -> memref<40x128xi32, #tpu.memory_space<hbm>>
        tpu.wait_dma2 semaphore(%run_scoped3A : memref<!tpu.dma_semaphore, #tpu.memory_space<semaphore_mem>>) src(%dma_wait3A_40 : memref<40x128xi32, #tpu.memory_space<hbm>>) dst(%arg8 : memref<40x128xi32, #tpu.memory_space<vmem>>)
        tpu.yield
      }) : () -> ()
      "tpu.region"() ({
        %run_scoped3A = tpu.sem_alloc : memref<!tpu.dma_semaphore, #tpu.memory_space<semaphore_mem>>
        %dma_start3A = arith.constant 0 : i32
        %dma_start3A_35 = tpu.memref_slice %arg4[%add3A_29, %dma_start3A] : memref<2560x128xi32, #tpu.memory_space<hbm>> -> memref<40x128xi32, #tpu.memory_space<hbm>>
        %dma_start3A_36 = arith.constant 0 : i32
        %dma_start3A_37 = tpu.memref_slice %arg4[%add3A_29, %dma_start3A_36] : memref<2560x128xi32, #tpu.memory_space<hbm>> -> memref<40x128xi32, #tpu.memory_space<hbm>>
        tpu.enqueue_dma source(%dma_start3A_37 : memref<40x128xi32, #tpu.memory_space<hbm>>) target(%arg9 : memref<40x128xi32, #tpu.memory_space<vmem>>) target_semaphore(%run_scoped3A : memref<!tpu.dma_semaphore, #tpu.memory_space<semaphore_mem>>)
        %dma_wait3A = arith.constant 0 : i32
        %dma_wait3A_38 = tpu.memref_slice %arg4[%add3A_29, %dma_wait3A] : memref<2560x128xi32, #tpu.memory_space<hbm>> -> memref<40x128xi32, #tpu.memory_space<hbm>>
        %dma_wait3A_39 = arith.constant 0 : i32
        %dma_wait3A_40 = tpu.memref_slice %arg4[%add3A_29, %dma_wait3A_39] : memref<2560x128xi32, #tpu.memory_space<hbm>> -> memref<40x128xi32, #tpu.memory_space<hbm>>
        tpu.wait_dma2 semaphore(%run_scoped3A : memref<!tpu.dma_semaphore, #tpu.memory_space<semaphore_mem>>) src(%dma_wait3A_40 : memref<40x128xi32, #tpu.memory_space<hbm>>) dst(%arg9 : memref<40x128xi32, #tpu.memory_space<vmem>>)
        tpu.yield
      }) : () -> ()
      %scan3A = arith.constant 0 : i32
      %scan3A_30 = arith.constant 0 : i32
      %scan3A_31 = arith.constant 20 : i32
      %scan3A_32 = arith.addi %scan3A_30, %scan3A_31 : i32
      %scan3A_33 = arith.constant 1 : i32
      scf.for %scan3A_35 = %scan3A_30 to %scan3A_32 step %scan3A_33  : i32 {
        %mul3A_36 = arith.constant 2 : i32
        %mul3A_37 = arith.muli %scan3A_35, %mul3A_36 : i32
        %add3A_38 = arith.constant 0 : i32
        %add3A_39 = arith.addi %mul3A_37, %add3A_38 : i32
        %dma_start3A = arith.constant 0 : i32
        %dma_start3A_40 = tpu.memref_slice %arg8[%add3A_39, %dma_start3A] : memref<40x128xi32, #tpu.memory_space<vmem>> -> memref<1x128xi32, #tpu.memory_space<vmem>>
        %dma_start3A_41 = tpu.memref_squeeze %dma_start3A_40 : memref<1x128xi32, #tpu.memory_space<vmem>> -> memref<128xi32, #tpu.memory_space<vmem>>
        %dma_start3A_42 = arith.constant 0 : i32
        %dma_start3A_43 = arith.constant 0 : i32
        %dma_start3A_44 = tpu.memref_slice %arg2[%dma_start3A_42, %dma_start3A_43] : memref<10016x128xf32, #tpu.memory_space<hbm>> -> memref<10016x128xf32, #tpu.memory_space<hbm>>
        tpu.enqueue_indirect_dma source(%dma_start3A_44 : memref<10016x128xf32, #tpu.memory_space<hbm>>) target(%arg10 : memref<128x128xf32, #tpu.memory_space<vmem>>) offsets(%dma_start3A_41 : memref<128xi32, #tpu.memory_space<vmem>>) semaphore(%arg12 : memref<!tpu.dma_semaphore, #tpu.memory_space<semaphore_mem>>)
        %mul3A_45 = arith.constant 2 : i32
        %mul3A_46 = arith.muli %scan3A_35, %mul3A_45 : i32
        %add3A_47 = arith.constant 1 : i32
        %add3A_48 = arith.addi %mul3A_46, %add3A_47 : i32
        %dma_start3A_49 = arith.constant 0 : i32
        %dma_start3A_50 = tpu.memref_slice %arg8[%add3A_48, %dma_start3A_49] : memref<40x128xi32, #tpu.memory_space<vmem>> -> memref<1x128xi32, #tpu.memory_space<vmem>>
        %dma_start3A_51 = tpu.memref_squeeze %dma_start3A_50 : memref<1x128xi32, #tpu.memory_space<vmem>> -> memref<128xi32, #tpu.memory_space<vmem>>
        %dma_start3A_52 = arith.constant 0 : i32
        %dma_start3A_53 = arith.constant 0 : i32
        %dma_start3A_54 = tpu.memref_slice %arg2[%dma_start3A_52, %dma_start3A_53] : memref<10016x128xf32, #tpu.memory_space<hbm>> -> memref<10016x128xf32, #tpu.memory_space<hbm>>
        tpu.enqueue_indirect_dma source(%dma_start3A_54 : memref<10016x128xf32, #tpu.memory_space<hbm>>) target(%arg11 : memref<128x128xf32, #tpu.memory_space<vmem>>) offsets(%dma_start3A_51 : memref<128xi32, #tpu.memory_space<vmem>>) semaphore(%arg13 : memref<!tpu.dma_semaphore, #tpu.memory_space<semaphore_mem>>)
        %dma_wait3A = arith.constant 0 : i32
        %dma_wait3A_55 = tpu.memref_slice %arg8[%add3A_39, %dma_wait3A] : memref<40x128xi32, #tpu.memory_space<vmem>> -> memref<1x128xi32, #tpu.memory_space<vmem>>
        %dma_wait3A_56 = tpu.memref_squeeze %dma_wait3A_55 : memref<1x128xi32, #tpu.memory_space<vmem>> -> memref<128xi32, #tpu.memory_space<vmem>>
        %dma_wait3A_57 = arith.constant 0 : i32
        %dma_wait3A_58 = arith.constant 0 : i32
        %dma_wait3A_59 = tpu.memref_slice %arg2[%dma_wait3A_57, %dma_wait3A_58] : memref<10016x128xf32, #tpu.memory_space<hbm>> -> memref<10016x128xf32, #tpu.memory_space<hbm>>
        tpu.wait_indirect_dma semaphore(%arg12 : memref<!tpu.dma_semaphore, #tpu.memory_space<semaphore_mem>>) src(%dma_wait3A_59 : memref<10016x128xf32, #tpu.memory_space<hbm>>) dst(%arg10 : memref<128x128xf32, #tpu.memory_space<vmem>>)
        %mul3A_60 = arith.constant 2 : i32
        %mul3A_61 = arith.muli %scan3A_35, %mul3A_60 : i32
        %add3A_62 = arith.constant 0 : i32
        %add3A_63 = arith.addi %mul3A_61, %add3A_62 : i32
        %dma_start3A_64 = arith.constant 0 : i32
        %dma_start3A_65 = tpu.memref_slice %arg9[%add3A_63, %dma_start3A_64] : memref<40x128xi32, #tpu.memory_space<vmem>> -> memref<1x128xi32, #tpu.memory_space<vmem>>
        %dma_start3A_66 = tpu.memref_squeeze %dma_start3A_65 : memref<1x128xi32, #tpu.memory_space<vmem>> -> memref<128xi32, #tpu.memory_space<vmem>>
        %dma_start3A_67 = arith.constant 0 : i32
        %dma_start3A_68 = arith.constant 0 : i32
        %dma_start3A_69 = tpu.memref_slice %arg7[%dma_start3A_67, %dma_start3A_68] : memref<10112x128xf32, #tpu.memory_space<vmem_shared>> -> memref<10112x128xf32, #tpu.memory_space<vmem_shared>>
        tpu.enqueue_indirect_dma source(%arg10 : memref<128x128xf32, #tpu.memory_space<vmem>>) target(%dma_start3A_69 : memref<10112x128xf32, #tpu.memory_space<vmem_shared>>) offsets(%dma_start3A_66 : memref<128xi32, #tpu.memory_space<vmem>>) semaphore(%arg14 : memref<!tpu.dma_semaphore, #tpu.memory_space<semaphore_mem>>) {add = true}
        %dma_wait3A_70 = arith.constant 0 : i32
        %dma_wait3A_71 = tpu.memref_slice %arg8[%add3A_48, %dma_wait3A_70] : memref<40x128xi32, #tpu.memory_space<vmem>> -> memref<1x128xi32, #tpu.memory_space<vmem>>
        %dma_wait3A_72 = tpu.memref_squeeze %dma_wait3A_71 : memref<1x128xi32, #tpu.memory_space<vmem>> -> memref<128xi32, #tpu.memory_space<vmem>>
        %dma_wait3A_73 = arith.constant 0 : i32
        %dma_wait3A_74 = arith.constant 0 : i32
        %dma_wait3A_75 = tpu.memref_slice %arg2[%dma_wait3A_73, %dma_wait3A_74] : memref<10016x128xf32, #tpu.memory_space<hbm>> -> memref<10016x128xf32, #tpu.memory_space<hbm>>
        tpu.wait_indirect_dma semaphore(%arg13 : memref<!tpu.dma_semaphore, #tpu.memory_space<semaphore_mem>>) src(%dma_wait3A_75 : memref<10016x128xf32, #tpu.memory_space<hbm>>) dst(%arg11 : memref<128x128xf32, #tpu.memory_space<vmem>>)
        %mul3A_76 = arith.constant 2 : i32
        %mul3A_77 = arith.muli %scan3A_35, %mul3A_76 : i32
        %add3A_78 = arith.constant 1 : i32
        %add3A_79 = arith.addi %mul3A_77, %add3A_78 : i32
        %dma_start3A_80 = arith.constant 0 : i32
        %dma_start3A_81 = tpu.memref_slice %arg9[%add3A_79, %dma_start3A_80] : memref<40x128xi32, #tpu.memory_space<vmem>> -> memref<1x128xi32, #tpu.memory_space<vmem>>
        %dma_start3A_82 = tpu.memref_squeeze %dma_start3A_81 : memref<1x128xi32, #tpu.memory_space<vmem>> -> memref<128xi32, #tpu.memory_space<vmem>>
        %dma_start3A_83 = arith.constant 0 : i32
        %dma_start3A_84 = arith.constant 0 : i32
        %dma_start3A_85 = tpu.memref_slice %arg7[%dma_start3A_83, %dma_start3A_84] : memref<10112x128xf32, #tpu.memory_space<vmem_shared>> -> memref<10112x128xf32, #tpu.memory_space<vmem_shared>>
        tpu.enqueue_indirect_dma source(%arg11 : memref<128x128xf32, #tpu.memory_space<vmem>>) target(%dma_start3A_85 : memref<10112x128xf32, #tpu.memory_space<vmem_shared>>) offsets(%dma_start3A_82 : memref<128xi32, #tpu.memory_space<vmem>>) semaphore(%arg15 : memref<!tpu.dma_semaphore, #tpu.memory_space<semaphore_mem>>) {add = true}
        %dma_wait3A_86 = arith.constant 0 : i32
        %dma_wait3A_87 = tpu.memref_slice %arg9[%add3A_63, %dma_wait3A_86] : memref<40x128xi32, #tpu.memory_space<vmem>> -> memref<1x128xi32, #tpu.memory_space<vmem>>
        %dma_wait3A_88 = tpu.memref_squeeze %dma_wait3A_87 : memref<1x128xi32, #tpu.memory_space<vmem>> -> memref<128xi32, #tpu.memory_space<vmem>>
        %dma_wait3A_89 = arith.constant 0 : i32
        %dma_wait3A_90 = arith.constant 0 : i32
        %dma_wait3A_91 = tpu.memref_slice %arg7[%dma_wait3A_89, %dma_wait3A_90] : memref<10112x128xf32, #tpu.memory_space<vmem_shared>> -> memref<10112x128xf32, #tpu.memory_space<vmem_shared>>
        tpu.wait_indirect_dma semaphore(%arg14 : memref<!tpu.dma_semaphore, #tpu.memory_space<semaphore_mem>>) src(%arg10 : memref<128x128xf32, #tpu.memory_space<vmem>>) dst(%dma_wait3A_91 : memref<10112x128xf32, #tpu.memory_space<vmem_shared>>)
        %dma_wait3A_92 = arith.constant 0 : i32
        %dma_wait3A_93 = tpu.memref_slice %arg9[%add3A_79, %dma_wait3A_92] : memref<40x128xi32, #tpu.memory_space<vmem>> -> memref<1x128xi32, #tpu.memory_space<vmem>>
        %dma_wait3A_94 = tpu.memref_squeeze %dma_wait3A_93 : memref<1x128xi32, #tpu.memory_space<vmem>> -> memref<128xi32, #tpu.memory_space<vmem>>
        %dma_wait3A_95 = arith.constant 0 : i32
        %dma_wait3A_96 = arith.constant 0 : i32
        %dma_wait3A_97 = tpu.memref_slice %arg7[%dma_wait3A_95, %dma_wait3A_96] : memref<10112x128xf32, #tpu.memory_space<vmem_shared>> -> memref<10112x128xf32, #tpu.memory_space<vmem_shared>>
        tpu.wait_indirect_dma semaphore(%arg15 : memref<!tpu.dma_semaphore, #tpu.memory_space<semaphore_mem>>) src(%arg11 : memref<128x128xf32, #tpu.memory_space<vmem>>) dst(%dma_wait3A_97 : memref<10112x128xf32, #tpu.memory_space<vmem_shared>>)
      }
      %scan3A_34 = arith.constant 20 : i32
    }
    %barrier3A_21 = arith.constant 0 : index
    tpu.barrier barrier_id(%barrier3A_21)
    %mul3A_22 = arith.constant 632 : i32
    %mul3A_23 = arith.muli %arg1, %mul3A_22 : i32
    %mul3A_24 = arith.constant 632 : i32
    %mul3A_25 = arith.muli %arg1, %mul3A_24 : i32
    "tpu.region"() ({
      %run_scoped3A = tpu.sem_alloc : memref<!tpu.dma_semaphore, #tpu.memory_space<semaphore_mem>>
      %dma_start3A = arith.constant 0 : i32
      %dma_start3A_26 = arith.constant 0 : i32
      %dma_start3A_27 = tpu.memref_slice %arg6[%arg0, %dma_start3A, %dma_start3A_26] : memref<2x10112x128xf32, #tpu.memory_space<hbm>> -> memref<1x10112x128xf32, #tpu.memory_space<hbm>>
      %dma_start3A_28 = tpu.memref_squeeze %dma_start3A_27 : memref<1x10112x128xf32, #tpu.memory_space<hbm>> -> memref<10112x128xf32, #tpu.memory_space<hbm>>
      %dma_start3A_29 = arith.constant 0 : i32
      %dma_start3A_30 = tpu.memref_slice %dma_start3A_28[%mul3A_25, %dma_start3A_29] : memref<10112x128xf32, #tpu.memory_space<hbm>> -> memref<632x128xf32, #tpu.memory_space<hbm>>
      %dma_start3A_31 = arith.constant 0 : i32
      %dma_start3A_32 = tpu.memref_slice %arg7[%mul3A_23, %dma_start3A_31] : memref<10112x128xf32, #tpu.memory_space<vmem_shared>> -> memref<632x128xf32, #tpu.memory_space<vmem_shared>>
      tpu.enqueue_dma source(%dma_start3A_32 : memref<632x128xf32, #tpu.memory_space<vmem_shared>>) target(%dma_start3A_30 : memref<632x128xf32, #tpu.memory_space<hbm>>) target_semaphore(%run_scoped3A : memref<!tpu.dma_semaphore, #tpu.memory_space<semaphore_mem>>)
      %dma_wait3A = arith.constant 0 : i32
      %dma_wait3A_33 = arith.constant 0 : i32
      %dma_wait3A_34 = tpu.memref_slice %arg6[%arg0, %dma_wait3A, %dma_wait3A_33] : memref<2x10112x128xf32, #tpu.memory_space<hbm>> -> memref<1x10112x128xf32, #tpu.memory_space<hbm>>
      %dma_wait3A_35 = tpu.memref_squeeze %dma_wait3A_34 : memref<1x10112x128xf32, #tpu.memory_space<hbm>> -> memref<10112x128xf32, #tpu.memory_space<hbm>>
      %dma_wait3A_36 = arith.constant 0 : i32
      %dma_wait3A_37 = tpu.memref_slice %dma_wait3A_35[%mul3A_25, %dma_wait3A_36] : memref<10112x128xf32, #tpu.memory_space<hbm>> -> memref<632x128xf32, #tpu.memory_space<hbm>>
      %dma_wait3A_38 = arith.constant 0 : i32
      %dma_wait3A_39 = tpu.memref_slice %arg7[%mul3A_23, %dma_wait3A_38] : memref<10112x128xf32, #tpu.memory_space<vmem_shared>> -> memref<632x128xf32, #tpu.memory_space<vmem_shared>>
      tpu.wait_dma2 semaphore(%run_scoped3A : memref<!tpu.dma_semaphore, #tpu.memory_space<semaphore_mem>>) src(%dma_wait3A_39 : memref<632x128xf32, #tpu.memory_space<vmem_shared>>) dst(%dma_wait3A_37 : memref<632x128xf32, #tpu.memory_space<hbm>>)
      tpu.yield
    }) : () -> ()
    return
  }
}

module attributes {stable_mosaic.version = 14 : i64} {
  func.func @_g0_body(%arg0: i32, %arg1: memref<2x1000x128xf32, #tpu.memory_space<vmem>>, %arg2: memref<1000x128xf32, #tpu.memory_space<vmem>>, %arg3: memref<1000x128xf32, #tpu.memory_space<vmem>>) attributes {dimension_semantics = [#tpu.dimension_semantics<arbitrary>], iteration_bounds = array<i64: 10>, scalar_prefetch = 0 : i64, scratch_operands = 0 : i64, tpu.core_type = #tpu.core_type<tc>, window_params = [{transform_indices = @transform_0, window_bounds = array<i64: 2, 1000, 128>}, {transform_indices = @transform_1, window_bounds = array<i64: 1000, 128>}, {transform_indices = @transform_2, window_bounds = array<i64: 1000, 128>}]} {
    %get3A = arith.constant 0 : index
    %get3A_0 = arith.constant 0 : index
    %get3A_1 = vector.load %arg2[%get3A, %get3A_0] : memref<1000x128xf32, #tpu.memory_space<vmem>>, vector<1000x128xf32>
    %get3A_2 = arith.constant 0 : index
    %get3A_3 = arith.constant 0 : index
    %get3A_4 = arith.constant 0 : index
    %get3A_5 = vector.load %arg1[%get3A_2, %get3A_3, %get3A_4] : memref<2x1000x128xf32, #tpu.memory_space<vmem>>, vector<1x1000x1xf32>
    %get3A_6 = vector.shape_cast %get3A_5 : vector<1x1000x1xf32> to vector<1000x1xf32>
    %get3A_7 = arith.constant 1 : index
    %get3A_8 = arith.constant 0 : index
    %get3A_9 = arith.constant 0 : index
    %get3A_10 = vector.load %arg1[%get3A_7, %get3A_8, %get3A_9] : memref<2x1000x128xf32, #tpu.memory_space<vmem>>, vector<1x1000x1xf32>
    %get3A_11 = vector.shape_cast %get3A_10 : vector<1x1000x1xf32> to vector<1000x1xf32>
    %add3A = arith.addf %get3A_6, %get3A_11 : vector<1000x1xf32>
    %add3A_12 = arith.constant 1.000000e+00 : f32
    %add3A_13 = vector.broadcast %add3A_12 : f32 to vector<1000x1xf32>
    %add3A_14 = arith.addf %add3A, %add3A_13 : vector<1000x1xf32>
    %rsqrt3A = math.rsqrt %add3A_14 : vector<1000x1xf32>
    %mul3A = vector.broadcast %rsqrt3A : vector<1000x1xf32> to vector<1000x128xf32>
    %mul3A_15 = arith.mulf %get3A_1, %mul3A : vector<1000x128xf32>
    %swap3A = arith.constant 0 : index
    %swap3A_16 = arith.constant 0 : index
    %swap3A_17 = vector.load %arg3[%swap3A, %swap3A_16] : memref<1000x128xf32, #tpu.memory_space<vmem>>, vector<1000x128xf32>
    tpu.vector_store %arg3[%swap3A, %swap3A_16], %mul3A_15 {strides = array<i32>} : memref<1000x128xf32, #tpu.memory_space<vmem>>, vector<1000x128xf32>,
    return
  }
  func.func @transform_0(%arg0: i32) -> (i32, i32, i32) {
    %c0_i32 = arith.constant 0 : i32
    %c0_i32_0 = arith.constant 0 : i32
    %c0_i32_1 = arith.constant 0 : i32
    return %c0_i32, %arg0, %c0_i32_0 : i32, i32, i32
  }
  func.func @transform_1(%arg0: i32) -> (i32, i32) {
    %c0_i32 = arith.constant 0 : i32
    %c0_i32_0 = arith.constant 0 : i32
    return %arg0, %c0_i32 : i32, i32
  }
  func.func @transform_2(%arg0: i32) -> (i32, i32) {
    %c0_i32 = arith.constant 0 : i32
    %c0_i32_0 = arith.constant 0 : i32
    return %arg0, %c0_i32 : i32, i32
  }
}

module attributes {stable_mosaic.version = 14 : i64} {
  func.func @_s2_body(%arg0: i32, %arg1: memref<2x1000x128xf32, #tpu.memory_space<vmem>>, %arg2: memref<2x1000x128xf32, #tpu.memory_space<vmem>>, %arg3: memref<1000x128xf32, #tpu.memory_space<vmem>>, %arg4: memref<128x512xf32, #tpu.memory_space<vmem>>, %arg5: memref<1x512xf32, #tpu.memory_space<vmem>>, %arg6: memref<1000x512xf32, #tpu.memory_space<vmem>>) attributes {dimension_semantics = [#tpu.dimension_semantics<arbitrary>], iteration_bounds = array<i64: 10>, scalar_prefetch = 0 : i64, scratch_operands = 0 : i64, tpu.core_type = #tpu.core_type<tc>, window_params = [{transform_indices = @transform_0, window_bounds = array<i64: 2, 1000, 128>}, {transform_indices = @transform_1, window_bounds = array<i64: 2, 1000, 128>}, {transform_indices = @transform_2, window_bounds = array<i64: 1000, 128>}, {pipeline_mode = #tpu.pipeline_mode<synchronous>, transform_indices = @transform_3, window_bounds = array<i64: 128, 512>}, {pipeline_mode = #tpu.pipeline_mode<synchronous>, transform_indices = @transform_4, window_bounds = array<i64: 1, 512>}, {transform_indices = @transform_5, window_bounds = array<i64: 1000, 512>}]} {
    %get3A = arith.constant 0 : index
    %get3A_0 = arith.constant 0 : index
    %get3A_1 = arith.constant 0 : index
    %get3A_2 = vector.load %arg1[%get3A, %get3A_0, %get3A_1] : memref<2x1000x128xf32, #tpu.memory_space<vmem>>, vector<1x1000x1xf32>
    %get3A_3 = vector.shape_cast %get3A_2 : vector<1x1000x1xf32> to vector<1000x1xf32>
    %get3A_4 = arith.constant 1 : index
    %get3A_5 = arith.constant 0 : index
    %get3A_6 = arith.constant 0 : index
    %get3A_7 = vector.load %arg1[%get3A_4, %get3A_5, %get3A_6] : memref<2x1000x128xf32, #tpu.memory_space<vmem>>, vector<1x1000x1xf32>
    %get3A_8 = vector.shape_cast %get3A_7 : vector<1x1000x1xf32> to vector<1000x1xf32>
    %add3A = arith.addf %get3A_3, %get3A_8 : vector<1000x1xf32>
    %add3A_9 = arith.constant 1.000000e+00 : f32
    %add3A_10 = vector.broadcast %add3A_9 : f32 to vector<1000x1xf32>
    %add3A_11 = arith.addf %add3A, %add3A_10 : vector<1000x1xf32>
    %rsqrt3A = math.rsqrt %add3A_11 : vector<1000x1xf32>
    %get3A_12 = arith.constant 0 : index
    %get3A_13 = arith.constant 0 : index
    %get3A_14 = arith.constant 0 : index
    %get3A_15 = vector.load %arg2[%get3A_12, %get3A_13, %get3A_14] : memref<2x1000x128xf32, #tpu.memory_space<vmem>>, vector<1x1000x128xf32>
    %get3A_16 = vector.shape_cast %get3A_15 : vector<1x1000x128xf32> to vector<1000x128xf32>
    %get3A_17 = arith.constant 1 : index
    %get3A_18 = arith.constant 0 : index
    %get3A_19 = arith.constant 0 : index
    %get3A_20 = vector.load %arg2[%get3A_17, %get3A_18, %get3A_19] : memref<2x1000x128xf32, #tpu.memory_space<vmem>>, vector<1x1000x128xf32>
    %get3A_21 = vector.shape_cast %get3A_20 : vector<1x1000x128xf32> to vector<1000x128xf32>
    %add3A_22 = arith.addf %get3A_16, %get3A_21 : vector<1000x128xf32>
    %get3A_23 = arith.constant 0 : index
    %get3A_24 = arith.constant 0 : index
    %get3A_25 = vector.load %arg3[%get3A_23, %get3A_24] : memref<1000x128xf32, #tpu.memory_space<vmem>>, vector<1000x128xf32>
    %add3A_26 = arith.addf %add3A_22, %get3A_25 : vector<1000x128xf32>
    %mul3A = vector.broadcast %rsqrt3A : vector<1000x1xf32> to vector<1000x128xf32>
    %mul3A_27 = arith.mulf %mul3A, %add3A_26 : vector<1000x128xf32>
    %get3A_28 = arith.constant 0 : index
    %get3A_29 = arith.constant 0 : index
    %get3A_30 = vector.load %arg4[%get3A_28, %get3A_29] : memref<128x512xf32, #tpu.memory_space<vmem>>, vector<128x512xf32>
    %dot_general3A = arith.constant dense<0.000000e+00> : vector<1000x512xf32>
    %dot_general3A_31 = tpu.matmul %mul3A_27, %get3A_30, %dot_general3A {dimension_numbers = #tpu.dot_dimension_numbers<[1], [0], [0], [1], [0, 0, 1, 1], [], []>, transpose_lhs_hint = false} : vector<1000x128xf32>, vector<128x512xf32>, vector<1000x512xf32> -> vector<1000x512xf32>
    %get3A_32 = arith.constant 0 : index
    %get3A_33 = arith.constant 0 : index
    %get3A_34 = vector.load %arg5[%get3A_32, %get3A_33] : memref<1x512xf32, #tpu.memory_space<vmem>>, vector<1x512xf32>
    %add3A_35 = vector.broadcast %get3A_34 : vector<1x512xf32> to vector<1000x512xf32>
    %add3A_36 = arith.addf %dot_general3A_31, %add3A_35 : vector<1000x512xf32>
    %max3A = arith.constant 0.000000e+00 : f32
    %max3A_37 = vector.broadcast %max3A : f32 to vector<1000x512xf32>
    %max3A_38 = arith.maximumf %add3A_36, %max3A_37 : vector<1000x512xf32>
    %mul3A_39 = vector.broadcast %rsqrt3A : vector<1000x1xf32> to vector<1000x512xf32>
    %mul3A_40 = arith.mulf %mul3A_39, %max3A_38 : vector<1000x512xf32>
    %swap3A = arith.constant 0 : index
    %swap3A_41 = arith.constant 0 : index
    %swap3A_42 = vector.load %arg6[%swap3A, %swap3A_41] : memref<1000x512xf32, #tpu.memory_space<vmem>>, vector<1000x512xf32>
    tpu.vector_store %arg6[%swap3A, %swap3A_41], %mul3A_40 {strides = array<i32>} : memref<1000x512xf32, #tpu.memory_space<vmem>>, vector<1000x512xf32>,
    return
  }
  func.func @transform_0(%arg0: i32) -> (i32, i32, i32) {
    %c0_i32 = arith.constant 0 : i32
    %c0_i32_0 = arith.constant 0 : i32
    %c0_i32_1 = arith.constant 0 : i32
    return %c0_i32, %arg0, %c0_i32_0 : i32, i32, i32
  }
  func.func @transform_1(%arg0: i32) -> (i32, i32, i32) {
    %c0_i32 = arith.constant 0 : i32
    %c0_i32_0 = arith.constant 0 : i32
    %c0_i32_1 = arith.constant 0 : i32
    return %c0_i32, %arg0, %c0_i32_0 : i32, i32, i32
  }
  func.func @transform_2(%arg0: i32) -> (i32, i32) {
    %c0_i32 = arith.constant 0 : i32
    %c0_i32_0 = arith.constant 0 : i32
    return %arg0, %c0_i32 : i32, i32
  }
  func.func @transform_3(%arg0: i32) -> (i32, i32) {
    %c0_i32 = arith.constant 0 : i32
    %c0_i32_0 = arith.constant 0 : i32
    %c0_i32_1 = arith.constant 0 : i32
    return %c0_i32, %c0_i32_0 : i32, i32
  }
  func.func @transform_4(%arg0: i32) -> (i32, i32) {
    %c0_i32 = arith.constant 0 : i32
    %c0_i32_0 = arith.constant 0 : i32
    %c0_i32_1 = arith.constant 0 : i32
    return %c0_i32, %c0_i32_0 : i32, i32
  }
  func.func @transform_5(%arg0: i32) -> (i32, i32) {
    %c0_i32 = arith.constant 0 : i32
    %c0_i32_0 = arith.constant 0 : i32
    return %arg0, %c0_i32 : i32, i32
  }
}

module attributes {stable_mosaic.version = 14 : i64} {
  func.func @_s3_body(%arg0: i32, %arg1: memref<2x1000x128xf32, #tpu.memory_space<vmem>>, %arg2: memref<2x1000x128xf32, #tpu.memory_space<vmem>>, %arg3: memref<2x1000x128xf32, #tpu.memory_space<vmem>>, %arg4: memref<2x1000x128xf32, #tpu.memory_space<vmem>>, %arg5: memref<2x1000x128xf32, #tpu.memory_space<vmem>>, %arg6: memref<1000x512xf32, #tpu.memory_space<vmem>>, %arg7: memref<512x512xf32, #tpu.memory_space<vmem>>, %arg8: memref<1x512xf32, #tpu.memory_space<vmem>>, %arg9: memref<512x128xf32, #tpu.memory_space<vmem>>, %arg10: memref<1000x128xf32, #tpu.memory_space<vmem>>) attributes {dimension_semantics = [#tpu.dimension_semantics<arbitrary>], iteration_bounds = array<i64: 10>, scalar_prefetch = 0 : i64, scratch_operands = 0 : i64, tpu.core_type = #tpu.core_type<tc>, window_params = [{transform_indices = @transform_0, window_bounds = array<i64: 2, 1000, 128>}, {transform_indices = @transform_1, window_bounds = array<i64: 2, 1000, 128>}, {transform_indices = @transform_2, window_bounds = array<i64: 2, 1000, 128>}, {transform_indices = @transform_3, window_bounds = array<i64: 2, 1000, 128>}, {transform_indices = @transform_4, window_bounds = array<i64: 2, 1000, 128>}, {transform_indices = @transform_5, window_bounds = array<i64: 1000, 512>}, {pipeline_mode = #tpu.pipeline_mode<synchronous>, transform_indices = @transform_6, window_bounds = array<i64: 512, 512>}, {pipeline_mode = #tpu.pipeline_mode<synchronous>, transform_indices = @transform_7, window_bounds = array<i64: 1, 512>}, {pipeline_mode = #tpu.pipeline_mode<synchronous>, transform_indices = @transform_8, window_bounds = array<i64: 512, 128>}, {transform_indices = @transform_9, window_bounds = array<i64: 1000, 128>}]} {
    %get3A = arith.constant 0 : index
    %get3A_0 = arith.constant 0 : index
    %get3A_1 = arith.constant 0 : index
    %get3A_2 = vector.load %arg1[%get3A, %get3A_0, %get3A_1] : memref<2x1000x128xf32, #tpu.memory_space<vmem>>, vector<1x1000x1xf32>
    %get3A_3 = vector.shape_cast %get3A_2 : vector<1x1000x1xf32> to vector<1000x1xf32>
    %get3A_4 = arith.constant 1 : index
    %get3A_5 = arith.constant 0 : index
    %get3A_6 = arith.constant 0 : index
    %get3A_7 = vector.load %arg1[%get3A_4, %get3A_5, %get3A_6] : memref<2x1000x128xf32, #tpu.memory_space<vmem>>, vector<1x1000x1xf32>
    %get3A_8 = vector.shape_cast %get3A_7 : vector<1x1000x1xf32> to vector<1000x1xf32>
    %add3A = arith.addf %get3A_3, %get3A_8 : vector<1000x1xf32>
    %add3A_9 = arith.constant 1.000000e+00 : f32
    %add3A_10 = vector.broadcast %add3A_9 : f32 to vector<1000x1xf32>
    %add3A_11 = arith.addf %add3A, %add3A_10 : vector<1000x1xf32>
    %rsqrt3A = math.rsqrt %add3A_11 : vector<1000x1xf32>
    %get3A_12 = arith.constant 0 : index
    %get3A_13 = arith.constant 0 : index
    %get3A_14 = arith.constant 0 : index
    %get3A_15 = vector.load %arg2[%get3A_12, %get3A_13, %get3A_14] : memref<2x1000x128xf32, #tpu.memory_space<vmem>>, vector<1x1000x128xf32>
    %get3A_16 = vector.shape_cast %get3A_15 : vector<1x1000x128xf32> to vector<1000x128xf32>
    %get3A_17 = arith.constant 1 : index
    %get3A_18 = arith.constant 0 : index
    %get3A_19 = arith.constant 0 : index
    %get3A_20 = vector.load %arg2[%get3A_17, %get3A_18, %get3A_19] : memref<2x1000x128xf32, #tpu.memory_space<vmem>>, vector<1x1000x128xf32>
    %get3A_21 = vector.shape_cast %get3A_20 : vector<1x1000x128xf32> to vector<1000x128xf32>
    %add3A_22 = arith.addf %get3A_16, %get3A_21 : vector<1000x128xf32>
    %get3A_23 = arith.constant 0 : index
    %get3A_24 = arith.constant 0 : index
    %get3A_25 = arith.constant 0 : index
    %get3A_26 = vector.load %arg3[%get3A_23, %get3A_24, %get3A_25] : memref<2x1000x128xf32, #tpu.memory_space<vmem>>, vector<1x1000x128xf32>
    %get3A_27 = vector.shape_cast %get3A_26 : vector<1x1000x128xf32> to vector<1000x128xf32>
    %get3A_28 = arith.constant 1 : index
    %get3A_29 = arith.constant 0 : index
    %get3A_30 = arith.constant 0 : index
    %get3A_31 = vector.load %arg3[%get3A_28, %get3A_29, %get3A_30] : memref<2x1000x128xf32, #tpu.memory_space<vmem>>, vector<1x1000x128xf32>
    %get3A_32 = vector.shape_cast %get3A_31 : vector<1x1000x128xf32> to vector<1000x128xf32>
    %add3A_33 = arith.addf %get3A_27, %get3A_32 : vector<1000x128xf32>
    %get3A_34 = arith.constant 0 : index
    %get3A_35 = arith.constant 0 : index
    %get3A_36 = arith.constant 0 : index
    %get3A_37 = vector.load %arg4[%get3A_34, %get3A_35, %get3A_36] : memref<2x1000x128xf32, #tpu.memory_space<vmem>>, vector<1x1000x128xf32>
    %get3A_38 = vector.shape_cast %get3A_37 : vector<1x1000x128xf32> to vector<1000x128xf32>
    %get3A_39 = arith.constant 1 : index
    %get3A_40 = arith.constant 0 : index
    %get3A_41 = arith.constant 0 : index
    %get3A_42 = vector.load %arg4[%get3A_39, %get3A_40, %get3A_41] : memref<2x1000x128xf32, #tpu.memory_space<vmem>>, vector<1x1000x128xf32>
    %get3A_43 = vector.shape_cast %get3A_42 : vector<1x1000x128xf32> to vector<1000x128xf32>
    %add3A_44 = arith.addf %get3A_38, %get3A_43 : vector<1000x128xf32>
    %get3A_45 = arith.constant 0 : index
    %get3A_46 = arith.constant 0 : index
    %get3A_47 = arith.constant 0 : index
    %get3A_48 = vector.load %arg5[%get3A_45, %get3A_46, %get3A_47] : memref<2x1000x128xf32, #tpu.memory_space<vmem>>, vector<1x1000x128xf32>
    %get3A_49 = vector.shape_cast %get3A_48 : vector<1x1000x128xf32> to vector<1000x128xf32>
    %get3A_50 = arith.constant 1 : index
    %get3A_51 = arith.constant 0 : index
    %get3A_52 = arith.constant 0 : index
    %get3A_53 = vector.load %arg5[%get3A_50, %get3A_51, %get3A_52] : memref<2x1000x128xf32, #tpu.memory_space<vmem>>, vector<1x1000x128xf32>
    %get3A_54 = vector.shape_cast %get3A_53 : vector<1x1000x128xf32> to vector<1000x128xf32>
    %add3A_55 = arith.addf %get3A_49, %get3A_54 : vector<1000x128xf32>
    %concatenate3A = tpu.concatenate %add3A_22, %add3A_33, %add3A_44, %add3A_55 in 1 : vector<1000x128xf32>, vector<1000x128xf32>, vector<1000x128xf32>, vector<1000x128xf32> -> vector<1000x512xf32>
    %get3A_56 = arith.constant 0 : index
    %get3A_57 = arith.constant 0 : index
    %get3A_58 = vector.load %arg6[%get3A_56, %get3A_57] : memref<1000x512xf32, #tpu.memory_space<vmem>>, vector<1000x512xf32>
    %add3A_59 = arith.addf %concatenate3A, %get3A_58 : vector<1000x512xf32>
    %mul3A = vector.broadcast %rsqrt3A : vector<1000x1xf32> to vector<1000x512xf32>
    %mul3A_60 = arith.mulf %mul3A, %add3A_59 : vector<1000x512xf32>
    %get3A_61 = arith.constant 0 : index
    %get3A_62 = arith.constant 0 : index
    %get3A_63 = vector.load %arg7[%get3A_61, %get3A_62] : memref<512x512xf32, #tpu.memory_space<vmem>>, vector<512x512xf32>
    %dot_general3A = arith.constant dense<0.000000e+00> : vector<1000x512xf32>
    %dot_general3A_64 = tpu.matmul %mul3A_60, %get3A_63, %dot_general3A {dimension_numbers = #tpu.dot_dimension_numbers<[1], [0], [0], [1], [0, 0, 1, 1], [], []>, transpose_lhs_hint = false} : vector<1000x512xf32>, vector<512x512xf32>, vector<1000x512xf32> -> vector<1000x512xf32>
    %get3A_65 = arith.constant 0 : index
    %get3A_66 = arith.constant 0 : index
    %get3A_67 = vector.load %arg8[%get3A_65, %get3A_66] : memref<1x512xf32, #tpu.memory_space<vmem>>, vector<1x512xf32>
    %add3A_68 = vector.broadcast %get3A_67 : vector<1x512xf32> to vector<1000x512xf32>
    %add3A_69 = arith.addf %dot_general3A_64, %add3A_68 : vector<1000x512xf32>
    %max3A = arith.constant 0.000000e+00 : f32
    %max3A_70 = vector.broadcast %max3A : f32 to vector<1000x512xf32>
    %max3A_71 = arith.maximumf %add3A_69, %max3A_70 : vector<1000x512xf32>
    %get3A_72 = arith.constant 0 : index
    %get3A_73 = arith.constant 0 : index
    %get3A_74 = vector.load %arg9[%get3A_72, %get3A_73] : memref<512x128xf32, #tpu.memory_space<vmem>>, vector<512x128xf32>
    %dot_general3A_75 = arith.constant dense<0.000000e+00> : vector<1000x128xf32>
    %dot_general3A_76 = tpu.matmul %max3A_71, %get3A_74, %dot_general3A_75 {dimension_numbers = #tpu.dot_dimension_numbers<[1], [0], [0], [1], [0, 0, 1, 1], [], []>, transpose_lhs_hint = false} : vector<1000x512xf32>, vector<512x128xf32>, vector<1000x128xf32> -> vector<1000x128xf32>
    %mul3A_77 = vector.broadcast %rsqrt3A : vector<1000x1xf32> to vector<1000x128xf32>
    %mul3A_78 = arith.mulf %mul3A_77, %dot_general3A_76 : vector<1000x128xf32>
    %swap3A = arith.constant 0 : index
    %swap3A_79 = arith.constant 0 : index
    %swap3A_80 = vector.load %arg10[%swap3A, %swap3A_79] : memref<1000x128xf32, #tpu.memory_space<vmem>>, vector<1000x128xf32>
    tpu.vector_store %arg10[%swap3A, %swap3A_79], %mul3A_78 {strides = array<i32>} : memref<1000x128xf32, #tpu.memory_space<vmem>>, vector<1000x128xf32>,
    return
  }
  func.func @transform_0(%arg0: i32) -> (i32, i32, i32) {
    %c0_i32 = arith.constant 0 : i32
    %c0_i32_0 = arith.constant 0 : i32
    %c0_i32_1 = arith.constant 0 : i32
    return %c0_i32, %arg0, %c0_i32_0 : i32, i32, i32
  }
  func.func @transform_1(%arg0: i32) -> (i32, i32, i32) {
    %c0_i32 = arith.constant 0 : i32
    %c0_i32_0 = arith.constant 0 : i32
    %c0_i32_1 = arith.constant 0 : i32
    return %c0_i32, %arg0, %c0_i32_0 : i32, i32, i32
  }
  func.func @transform_2(%arg0: i32) -> (i32, i32, i32) {
    %c0_i32 = arith.constant 0 : i32
    %c0_i32_0 = arith.constant 0 : i32
    %c0_i32_1 = arith.constant 0 : i32
    return %c0_i32, %arg0, %c0_i32_0 : i32, i32, i32
  }
  func.func @transform_3(%arg0: i32) -> (i32, i32, i32) {
    %c0_i32 = arith.constant 0 : i32
    %c0_i32_0 = arith.constant 0 : i32
    %c0_i32_1 = arith.constant 0 : i32
    return %c0_i32, %arg0, %c0_i32_0 : i32, i32, i32
  }
  func.func @transform_4(%arg0: i32) -> (i32, i32, i32) {
    %c0_i32 = arith.constant 0 : i32
    %c0_i32_0 = arith.constant 0 : i32
    %c0_i32_1 = arith.constant 0 : i32
    return %c0_i32, %arg0, %c0_i32_0 : i32, i32, i32
  }
  func.func @transform_5(%arg0: i32) -> (i32, i32) {
    %c0_i32 = arith.constant 0 : i32
    %c0_i32_0 = arith.constant 0 : i32
    return %arg0, %c0_i32 : i32, i32
  }
  func.func @transform_6(%arg0: i32) -> (i32, i32) {
    %c0_i32 = arith.constant 0 : i32
    %c0_i32_0 = arith.constant 0 : i32
    %c0_i32_1 = arith.constant 0 : i32
    return %c0_i32, %c0_i32_0 : i32, i32
  }
  func.func @transform_7(%arg0: i32) -> (i32, i32) {
    %c0_i32 = arith.constant 0 : i32
    %c0_i32_0 = arith.constant 0 : i32
    %c0_i32_1 = arith.constant 0 : i32
    return %c0_i32, %c0_i32_0 : i32, i32
  }
  func.func @transform_8(%arg0: i32) -> (i32, i32) {
    %c0_i32 = arith.constant 0 : i32
    %c0_i32_0 = arith.constant 0 : i32
    %c0_i32_1 = arith.constant 0 : i32
    return %c0_i32, %c0_i32_0 : i32, i32
  }
  func.func @transform_9(%arg0: i32) -> (i32, i32) {
    %c0_i32 = arith.constant 0 : i32
    %c0_i32_0 = arith.constant 0 : i32
    return %arg0, %c0_i32 : i32, i32
  }
}

module attributes {stable_mosaic.version = 14 : i64} {
  func.func @_s4_body(%arg0: i32, %arg1: memref<2x1000x128xf32, #tpu.memory_space<vmem>>, %arg2: memref<2x1000x128xf32, #tpu.memory_space<vmem>>, %arg3: memref<1000x128xf32, #tpu.memory_space<vmem>>, %arg4: memref<1x128xf32, #tpu.memory_space<vmem>>, %arg5: memref<1000x128xf32, #tpu.memory_space<vmem>>) attributes {dimension_semantics = [#tpu.dimension_semantics<arbitrary>], iteration_bounds = array<i64: 10>, scalar_prefetch = 0 : i64, scratch_operands = 0 : i64, tpu.core_type = #tpu.core_type<tc>, window_params = [{transform_indices = @transform_0, window_bounds = array<i64: 2, 1000, 128>}, {transform_indices = @transform_1, window_bounds = array<i64: 2, 1000, 128>}, {transform_indices = @transform_2, window_bounds = array<i64: 1000, 128>}, {pipeline_mode = #tpu.pipeline_mode<synchronous>, transform_indices = @transform_3, window_bounds = array<i64: 1, 128>}, {transform_indices = @transform_4, window_bounds = array<i64: 1000, 128>}]} {
    %get3A = arith.constant 0 : index
    %get3A_0 = arith.constant 0 : index
    %get3A_1 = arith.constant 0 : index
    %get3A_2 = vector.load %arg1[%get3A, %get3A_0, %get3A_1] : memref<2x1000x128xf32, #tpu.memory_space<vmem>>, vector<1x1000x1xf32>
    %get3A_3 = vector.shape_cast %get3A_2 : vector<1x1000x1xf32> to vector<1000x1xf32>
    %get3A_4 = arith.constant 1 : index
    %get3A_5 = arith.constant 0 : index
    %get3A_6 = arith.constant 0 : index
    %get3A_7 = vector.load %arg1[%get3A_4, %get3A_5, %get3A_6] : memref<2x1000x128xf32, #tpu.memory_space<vmem>>, vector<1x1000x1xf32>
    %get3A_8 = vector.shape_cast %get3A_7 : vector<1x1000x1xf32> to vector<1000x1xf32>
    %add3A = arith.addf %get3A_3, %get3A_8 : vector<1000x1xf32>
    %add3A_9 = arith.constant 1.000000e+00 : f32
    %add3A_10 = vector.broadcast %add3A_9 : f32 to vector<1000x1xf32>
    %add3A_11 = arith.addf %add3A, %add3A_10 : vector<1000x1xf32>
    %rsqrt3A = math.rsqrt %add3A_11 : vector<1000x1xf32>
    %get3A_12 = arith.constant 0 : index
    %get3A_13 = arith.constant 0 : index
    %get3A_14 = arith.constant 0 : index
    %get3A_15 = vector.load %arg2[%get3A_12, %get3A_13, %get3A_14] : memref<2x1000x128xf32, #tpu.memory_space<vmem>>, vector<1x1000x128xf32>
    %get3A_16 = vector.shape_cast %get3A_15 : vector<1x1000x128xf32> to vector<1000x128xf32>
    %get3A_17 = arith.constant 1 : index
    %get3A_18 = arith.constant 0 : index
    %get3A_19 = arith.constant 0 : index
    %get3A_20 = vector.load %arg2[%get3A_17, %get3A_18, %get3A_19] : memref<2x1000x128xf32, #tpu.memory_space<vmem>>, vector<1x1000x128xf32>
    %get3A_21 = vector.shape_cast %get3A_20 : vector<1x1000x128xf32> to vector<1000x128xf32>
    %add3A_22 = arith.addf %get3A_16, %get3A_21 : vector<1000x128xf32>
    %get3A_23 = arith.constant 0 : index
    %get3A_24 = arith.constant 0 : index
    %get3A_25 = vector.load %arg3[%get3A_23, %get3A_24] : memref<1000x128xf32, #tpu.memory_space<vmem>>, vector<1000x128xf32>
    %add3A_26 = arith.addf %add3A_22, %get3A_25 : vector<1000x128xf32>
    %mul3A = vector.broadcast %rsqrt3A : vector<1000x1xf32> to vector<1000x128xf32>
    %mul3A_27 = arith.mulf %mul3A, %add3A_26 : vector<1000x128xf32>
    %get3A_28 = arith.constant 0 : index
    %get3A_29 = arith.constant 0 : index
    %get3A_30 = vector.load %arg4[%get3A_28, %get3A_29] : memref<1x128xf32, #tpu.memory_space<vmem>>, vector<1x128xf32>
    %add3A_31 = vector.broadcast %get3A_30 : vector<1x128xf32> to vector<1000x128xf32>
    %add3A_32 = arith.addf %mul3A_27, %add3A_31 : vector<1000x128xf32>
    %swap3A = arith.constant 0 : index
    %swap3A_33 = arith.constant 0 : index
    %swap3A_34 = vector.load %arg5[%swap3A, %swap3A_33] : memref<1000x128xf32, #tpu.memory_space<vmem>>, vector<1000x128xf32>
    tpu.vector_store %arg5[%swap3A, %swap3A_33], %add3A_32 {strides = array<i32>} : memref<1000x128xf32, #tpu.memory_space<vmem>>, vector<1000x128xf32>,
    return
  }
  func.func @transform_0(%arg0: i32) -> (i32, i32, i32) {
    %c0_i32 = arith.constant 0 : i32
    %c0_i32_0 = arith.constant 0 : i32
    %c0_i32_1 = arith.constant 0 : i32
    return %c0_i32, %arg0, %c0_i32_0 : i32, i32, i32
  }
  func.func @transform_1(%arg0: i32) -> (i32, i32, i32) {
    %c0_i32 = arith.constant 0 : i32
    %c0_i32_0 = arith.constant 0 : i32
    %c0_i32_1 = arith.constant 0 : i32
    return %c0_i32, %arg0, %c0_i32_0 : i32, i32, i32
  }
  func.func @transform_2(%arg0: i32) -> (i32, i32) {
    %c0_i32 = arith.constant 0 : i32
    %c0_i32_0 = arith.constant 0 : i32
    return %arg0, %c0_i32 : i32, i32
  }
  func.func @transform_3(%arg0: i32) -> (i32, i32) {
    %c0_i32 = arith.constant 0 : i32
    %c0_i32_0 = arith.constant 0 : i32
    %c0_i32_1 = arith.constant 0 : i32
    return %c0_i32, %c0_i32_0 : i32, i32
  }
  func.func @transform_4(%arg0: i32) -> (i32, i32) {
    %c0_i32 = arith.constant 0 : i32
    %c0_i32_0 = arith.constant 0 : i32
    return %arg0, %c0_i32 : i32, i32
  }
}

</mosaic_0001>

<sc_bundles>
// kernel: kernel.13.cloned.1.call-start
scs
__scs_entry_jumppad:
0x0: {  	(pc) =	sbr.rel $0x88, $3  }
0x1: {  	(tag) =	ssettag $0x0;
	lr =	simm.s32 $0x1  }
0x2: {  	[smem:$0x3F99] =	sst lr;
	_ =	strace $0xD0000000  }
0x3: {  	_ = 	snop  }
0x4: {  	_ = 	snop  }
0x5: {  	_ = 	snop  }
0x6: {  	_ = 	snop  }
0x7: {  	_ = 	snop  }
__scs_overlays_trampoline_lowered:
0x8: {  	[smem:$0x3FA8] =	sst s0  }
0x9: {  	[smem:$0x3FA9] =	sst s1  }
0xa: {  	[smem:$0x3FAA] =	sst s2  }
0xb: {  	[smem:$0x3FAB] =	sst s3  }
0xc: {  	[smem:$0x3FAC] =	sst s4  }
0xd: {  	[smem:$0x3FAD] =	sst s5  }
0xe: {  	[smem:$0x3FAE] =	sst s6  }
0xf: {  	[smem:$0x3FAF] =	sst s7  }
0x10: {  	[smem:$0x3FB0] =	sst s8  }
0x11: {  	[smem:$0x3FB1] =	sst s9;
	s0 =	simm.s32 @!p0 $0x0  }
0x12: {  	s1 =	sld [smem:$0x3F97];
	s0 =	simm.s32 @p0 $0x1  }
0x13: {  	[smem:$0x3FB2] =	sst s0;
	s0 =	simm.s32 @!p1 $0x0  }
0x14: {  	s2 =	sld [smem:$0x3F96];
	s0 =	simm.s32 @p1 $0x1  }
0x15: {  	[smem:$0x3FB3] =	sst s0;
	s0 =	simm.s32 @!p2 $0x0  }
0x16: {  	s3 =	sld [smem:$0x3FDB];
	s0 =	simm.s32 @p2 $0x1  }
0x17: {  	s4 =	simm.s32 $0x1BF5;
	[smem:$0x3FB5] =	sst s0  }
0x18: {  	s0 =	sld [smem:$0x3F98];
	_ =	swait.ge [sflag:s4], $0x0  }
0x19: {  	s7 =	sld [smem:$0x3F99]  }
0x1a: {  	s8 =	sadd.s32 $0xFFFFE003, lr  }
0x1b: {  	s9 =	sadd.s32 $0xFFFFFEF7, lr;
	s5 =	simm.s32 $0xFFFFFFFF;
	p2 =	slt.u32 s8, $0xFFFFF086  }
0x1c: {  	p1 =	slt.u32 s9, $0xF7A;
	s5 =	simm.s32 @!p2 $0x0  }
0x1d: {  	s5 =	simm.s32 @p1 $0x1;
	p0 =	seq.s32 s7, s2  }
0x1e: {  	s7 =	smul.u32 @!p0 $0xF7A, s2;
	p2 =	seq.s32 @!p0 s5, $0x0  }
0x1f: {  	s9 =	smul.u32 $0xF7A, s1;
	s8 =	simm.s32 @!p0 $0x1BF5;
	p2 =	por !p2, p0  }
0x20: {  	[sflag:s8] =	ssyncset.s32 @!p0 $0xFFFFF086;
	s6 =	sadd.s32 @!p0 s3, s7;
	s7 =	simm.s32 @!p0 $0x108  }
0x21: {  	s3 =	sadd.s32 s3, s9;
	s6 =	sadd.s32 @!p0 $0x88, s6;
	s7 =	simm.s32 @p2 $0x1082  }
0x22: {  	[simem:s7], [sflag:s8] =	dma.local @!p0 [hbm:s6], $0xF7A  }
0x23: {  	s9 =	sor.u32 $0xD0000000, s2;
	s6 =	simm.s32 $0x108;
	_ =	swait.ge @!p0 [sflag:s8], $0x0  }
0x24: {  	s3 =	sadd.s32 $0x88, s3;
	s6 =	simm.s32 @!p1 $0x1082;
	[sflag:s4] =	ssyncset.s32 $0xFFFFF086  }
0x25: {  	[simem:s6], [sflag:s4] =	dma.local [hbm:s3], $0xF7A  }
0x26: {  	[smem:$0x3F99] =	sst s1;
	(tag) =	ssettag s2;
	_ =	strace s9  }
0x27: {  	s1 =	sld [smem:$0x3FA9]  }
0x28: {  	s2 =	sld [smem:$0x3FAA]  }
0x29: {  	s4 =	sld [smem:$0x3FAC]  }
0x2a: {  	p0 =	seq.s32 s5, $0x0;
	s5 =	sld [smem:$0x3FAD]  }
0x2b: {  	s6 =	sld [smem:$0x3FAE]  }
0x2c: {  	s7 =	sld [smem:$0x3FAF]  }
0x2d: {  	s3 =	simm.s32 $0x108;
	s8 =	sld [smem:$0x3FB0]  }
0x2e: {  	s3 =	simm.s32 @!p0 $0x1082;
	s9 =	sld [smem:$0x3FB1]  }
0x2f: {  	lr =	sadd.s32 s0, s3;
	s0 =	sld [smem:$0x3FA8]  }
0x30: {  	s3 =	sld [smem:$0x3FAB]  }
0x31: {  	[smem:$0x3FB4] =	sst s10  }
0x32: {  	s10 =	sld [smem:$0x3FB2];
	_ =	sdelay $0x3  }
0x33: {  	p0 =	seq.s32 s10, $0x1;
	s10 =	sld [smem:$0x3FB4];
	_ =	sdelay $0x3  }
0x34: {  	[smem:$0x3FB4] =	sst s10  }
0x35: {  	s10 =	sld [smem:$0x3FB3];
	_ =	sdelay $0x3  }
0x36: {  	p1 =	seq.s32 s10, $0x1;
	s10 =	sld [smem:$0x3FB4];
	_ =	sdelay $0x3  }
0x37: {  	[smem:$0x3FB4] =	sst s10  }
0x38: {  	s10 =	sld [smem:$0x3FB5]  }
0x39: {  	_ = 	snop;
	(pc) =	sbr.ind lr, $3  }
0x3a: {  	_ = 	snop  }
0x3b: {  	_ = 	snop  }
0x3c: {  	p2 =	seq.s32 s10, $0x1;
	s10 =	sld [smem:$0x3FB4]  }
0x3d: {  	_ =	shalt  }
0x3e: {  	_ =	shalt  }
0x3f: {  	_ =	shalt  }
0x40: {  	_ =	shalt  }
0x41: {  	_ =	shalt  }
0x42: {  	_ =	shalt  }
0x43: {  	_ =	shalt  }
0x44: {  	_ =	shalt  }
0x45: {  	_ =	shalt  }
0x46: {  	_ =	shalt  }
0x47: {  	_ =	shalt  }
0x48: {  	_ =	shalt  }
0x49: {  	_ =	shalt  }
0x4a: {  	_ =	shalt  }
0x4b: {  	_ =	shalt  }
0x4c: {  	_ =	shalt  }
0x4d: {  	_ =	shalt  }
0x4e: {  	_ =	shalt  }
0x4f: {  	_ =	shalt  }
0x50: {  	_ =	shalt  }
0x51: {  	_ =	shalt  }
0x52: {  	_ =	shalt  }
0x53: {  	_ =	shalt  }
0x54: {  	_ =	shalt  }
0x55: {  	_ =	shalt  }
0x56: {  	_ =	shalt  }
0x57: {  	_ =	shalt  }
0x58: {  	_ =	shalt  }
0x59: {  	_ =	shalt  }
0x5a: {  	_ =	shalt  }
0x5b: {  	_ =	shalt  }
0x5c: {  	_ =	shalt  }
0x5d: {  	_ =	shalt  }
0x5e: {  	_ =	shalt  }
0x5f: {  	_ =	shalt  }
0x60: {  	_ =	shalt  }
0x61: {  	_ =	shalt  }
0x62: {  	_ =	shalt  }
0x63: {  	_ =	shalt  }
0x64: {  	_ =	shalt  }
0x65: {  	_ =	shalt  }
0x66: {  	_ =	shalt  }
0x67: {  	_ =	shalt  }
0x68: {  	_ =	shalt  }
0x69: {  	_ =	shalt  }
0x6a: {  	_ =	shalt  }
0x6b: {  	_ =	shalt  }
0x6c: {  	_ =	shalt  }
0x6d: {  	_ =	shalt  }
0x6e: {  	_ =	shalt  }
0x6f: {  	_ =	shalt  }
0x70: {  	_ =	shalt  }
0x71: {  	_ =	shalt  }
0x72: {  	_ =	shalt  }
0x73: {  	_ =	shalt  }
0x74: {  	_ =	shalt  }
0x75: {  	_ =	shalt  }
0x76: {  	_ =	shalt  }
0x77: {  	_ =	shalt  }
0x78: {  	_ =	shalt  }
0x79: {  	_ =	shalt  }
0x7a: {  	_ =	shalt  }
0x7b: {  	_ =	shalt  }
0x7c: {  	_ =	shalt  }
0x7d: {  	_ =	shalt  }
0x7e: {  	_ =	shalt  }
0x7f: {  	_ =	shalt  }
0x80: {  	_ =	shalt  }
0x81: {  	_ =	shalt  }
0x82: {  	_ =	shalt  }
0x83: {  	_ =	shalt  }
0x84: {  	_ =	shalt  }
0x85: {  	_ =	shalt  }
0x86: {  	_ =	shalt  }
0x87: {  	_ =	shalt  }
.Lfunc_end0:
.L_simem_size_0:
called_computation_lowered:
.L_overlay_start_0:
0x88: {  	s2 =	sld [smem:$0x3FD9]  }
0x89: {  	s3 =	sld [smem:$0x3FFE];
	_ =	sdelay $0x1  }
0x8a: {  	s1 =	srdreg.scid  }
0x8b: {  	s0 =	sand.u32 $0x1, s1  }
0x8c: {  	s16 =	sshll.u32 s0, $0xA;
	s2 =	sadd.s32 s3, s2  }
0x8d: {  	s2 =	sadd.s32 s2, s16  }
0x8e: {  	[smem:$0x3FC0] =	sst s2  }
0x8f: {  	_ = 	snop  }
0x90: {  	(tm) =	ssettm $0x1  }
0x91: {  	s17 =	sld [smem:$0x3FFB];
	_ =	sdelay $0x3  }
0x92: {  	_ =	strace s17  }
0x93: {  	s2 =	sld [smem:$0x3FFC];
	_ =	sdelay $0x3  }
0x94: {  	_ =	strace s2  }
0x95: {  	s2 =	sld [smem:$0x3FFD];
	_ =	sdelay $0x3  }
0x96: {  	_ =	strace s2  }
0x97: {  	_ =	strace $0x8FFFFFFF  }
0x98: {  	s18 =	sld [smem:$0x3FDB];
	_ =	sdelay $0x1  }
0x99: {  	s19 =	simm.s32 $_scs_section_size  }
0x9a: {  	s4 =	simm.s32 $_size__tile_overlayer_lowered;
	s5 =	simm.s32 $_tile_overlayer_lowered  }
0x9b: {  	s22 =	simm.s32 $0x1BFF;
	s21 =	sshll.u32 s5, $0x1;
	s2 =	sadd.s32 s19, s18  }
0x9c: {  	s6 =	simm.s32 $0x0;
	s20 =	sshll.u32 s4, $0x1;
	s4 =	sadd.s32 s21, s2  }
0x9d: {  	[timem:s6], [sflag:s22] =	dma.local [hbm:s4], s20  }
0x9e: {  	_ =	swait.ge [sflag:s22], s20  }
0x9f: {  	s3 =	ssub.s32 $0x0, s20;
	[sflag:s22] =	ssyncset.done $0x0  }
0xa0: {  	[sflag:s22] =	ssyncadd.s32 s3;
	_ =	sdelay $0x1  }
0xa1: {  	s23 =	simm.s32 $0x1B8B  }
0xa2: {  	_ =	swait.ge [sflag:s23], $0x1  }
0xa3: {  	[sflag:s23] =	ssyncset.done $0x0  }
0xa4: {  	s25 =	simm.s32 $0x1B8E;
	s24 =	sld [smem:$0x3FFE];
	[sflag:s23] =	ssyncadd.s32 $0xFFFFFFFF  }
0xa5: {  	s26 =	simm.s32 $execute0_lowered;
	[smem:$0x3FD2] =	sst s25  }
0xa6: {  	s4 =	sshll.u32 s26, $0x1;
	_ =	strace $0x80000046;
	[dreg:$0x1] =	wrdreg $0xFFFFFFFF  }
0xa7: {  	s28 =	simm.s32 $_size_execute0_lowered;
	s2 =	sadd.s32 s2, s4;
	[dreg:$0x0] =	wrdreg $0x0  }
0xa8: {  	s4 =	sshll.u32 s28, $0x1;
	[dreg:$0x2] =	wrdreg s2  }
0xa9: {  	[dreg:$0x3] =	wrdreg s4  }
0xaa: {  	[dreg:$0x4] =	wrdreg $0xC0  }
0xab: {  	_ =	task [dreg:s6], $0x5FFFF  }
0xac: {  	[dreg:$0x1] =	wrdreg $0xFFFFFFFF  }
0xad: {  	[dreg:$0x0] =	wrdreg $0x60  }
0xae: {  	[dreg:$0x2] =	wrdreg s24  }
0xaf: {  	[dreg:$0x3] =	wrdreg $0x0  }
0xb0: {  	[dreg:$0x4] =	wrdreg $0x9  }
0xb1: {  	_ =	task.clear_ibuf [dreg:s6], $0x5FFFF;
	_ =	strace $0x90000046  }
0xb2: {  	s29 =	simm.s32 $0x9;
	_ =	strace $0x80000048  }
0xb3: {  	_ =	swait.ge [sflag:s29], $0x1  }
0xb4: {  	[sflag:s29] =	ssyncadd.s32 $0xFFFFFFFF  }
0xb5: {  	_ =	strace $0x90000048  }
0xb6: {  	_ =	sfence  }
0xb7: {  	s30 =	sld [smem:$0x0];
	_ =	sdelay $0x2  }
0xb8: {  	s31 =	sshll.u32 s1, $0xD;
	s1 =	sshrl.u32 s1, $0x2  }
0xb9: {  	s3 =	sand.u32 $0x4000, s31;
	s1 =	sadd.s32 s1, s30  }
0xba: {  	s0 =	sor.u32 s3, s0;
	s1 =	sshll.u32 s1, $0x11  }
0xbb: {  	s0 =	sor.u32 s1, s0  }
0xbc: {  	s0 =	sadd.s32 $0x8F2B, s0  }
0xbd: {  	[sflag:s0] =	ssyncadd.remote.s32 $0x1  }
0xbe: {  	_ =	sfence.sel $0xFFFF  }
0xbf: {  	[dreg:$0x0] =	wrdreg $0xFFFFFFFF;
	(pc) =	sbr.abs _section_cstart, $3  }
0xc0: {  	[dreg:$0x1] =	wrdreg $0xFFFFFFFF  }
0xc1: {  	_ =	task.clear_ibuf [dreg:s6], $0x2FFFF;
	_ =	strace $0x9FFFFFFF  }
0xc2: {  	(tm) =	ssettm $0x7FFFFFFF  }
0xc3: {  	_ =	shalt  }
tec
execute0_lowered:
.L_overlay_start_1:
0x0: {  	(tag) =	ssettag $0x1  }
0x1: {  	s6 =	rddreg [dreg:$0x0]  }
0x2: {  	s2 =	rddreg [dreg:$0x1]  }
0x3: {  	s0 =	rddreg [dreg:$0x2];
	s3 =	simm.s32 $0x0  }
0x4: {  	s1 =	stileid.u32;
	s4 =	srdreg.scid;
	s14 =	simm.s32 $0x80  }
0x5: {  	s15 =	simm.s32 $0x1;
	s16 =	simm.s32 $0x2;
	s17 =	smul.u32 $0x2780, s1  }
0x6: {  	[smem:$0x7FF] =	sst s3;
	s18 =	sand.u32 $0x1, s4;
	s10 =	smul.u32 $0x4F000, s1  }
0x7: {  	s4 =	sadd.s32 $0x2E00, s6;
	s5 =	sadd.s32 $0xCE00, s6;
	s30 =	smul.u32 $0xA0, s1  }
0x8: {  	s31 =	sshll.u32 s1, $0x6;
	_ =	strace $0x80000047;
	s8 =	smul.u32 $0x27800, s18  }
0x9: {  	s9 =	ssub.s32 $0x2, s18;
	s26 =	ssub.s32 $0x0, s18;
	p0 =	sne.s32 s18, $0x0  }
0xa: {  	s18 =	simm.s32 $0x0;
	s7 =	sadd.s32 s17, s6;
	s28 =	sshrl.u32 s9, $0x1  }
0xb: {  	s29 =	sshrl.u32 s10, $0x2;
	s13 =	sand.u32 $0x78, s26;
	s11 =	sadd.s32 s8, s6  }
0xc: {  	s9 =	ssub.s32 s9, s28;
	s12 =	sadd.s32 s29, s2;
	s6 =	sadd.s32 $0xD600, s7  }
0xd: {  	s7 =	sor.u32 $0x1C03, s31;
	s8 =	sadd.s32 s30, s13;
	s13 =	simm.s32 $0x13C00  }
0xe: {  	s19 =	sadd.s32 $0x34E00, s11;
	s9 =	smax.u32 s9, $0x1;
	s10 =	sshrl.u32 s12, $0x3  }
0xf: {  	s11 =	simm.s32 $0x3;
	s12 =	simm.s32 $0x15000;
	s17 =	sadd.s32 s17, s19  }
.LBB2_1:
0x10: {  	[spmem:s10], [sflag:s7] =	dma.local [hbm:s6], $0x2780  }
0x11: {  	_ =	swait.ge [sflag:s11], $0x2780  }
0x12: {  	[sflag:s11] =	ssyncset.done $0x0  }
0x13: {  	[sflag:s11] =	ssyncadd.s32 $0xFFFFD880  }
0x14: {  	[tilespmem:s12], [sflag:$0x3] =	stream.linear.gather [hbm4b:s5+s3], $0x4000, $0x38;
	[tilespmem:$0x19000] =	vst v63  }
0x15: {  	_ =	swait.ge [sflag:s11], $0x4000  }
0x16: {  	[sflag:s11] =	ssyncset.done $0x0  }
0x17: {  	[sflag:s11] =	ssyncadd.s32 $0xFFFFC000  }
0x18: {  	s19 =	simm.s32 $0x0;
	[bflag:$0x0] =	sbarrier.arrive $0xFFFF  }
.LBB2_2:
0x19: {  	s20 =	smul.u32 $0x28, s19;
	_ =	sdelay $0x1  }
0x1a: {  	s20 =	sadd.s32 s20, s8  }
0x1b: {  	s20 =	sshll.u32 s20, $0x4  }
0x1c: {  	s21 =	simm.s32 $0x0;
	s20 =	sadd.s32 s4, s20  }
0x1d: {  	[tilespmem:s13], [sflag:$0x3] =	stream.linear.gather [hbm4b:s20+s21], $0x1400, $0x38;
	[tilespmem:$0x19000] =	vst v63  }
0x1e: {  	_ =	swait.ge [sflag:s11], $0x1400  }
0x1f: {  	[sflag:s11] =	ssyncset.done $0x0  }
0x20: {  	s30 =	simm.s32 $0x13C00;
	[sflag:s11] =	ssyncadd.s32 $0xFFFFEC00  }
0x21: {  	[spmem:s2] =	stream.indirect.scatter.add.f32 [tilespmem:s12], [sflag:$0x1], $0x80, s30, s14, $0xb8;
	[tilespmem:$0x19000] =	vst v63  }
0x22: {  	s31 =	simm.s32 $0x13C80  }
0x23: {  	[spmem:s2] =	stream.indirect.scatter.add.f32 [tilespmem:s12], [sflag:$0x2], $0x80, s31, s14, $0xb8;
	[tilespmem:$0x19000] =	vst v63  }
0x24: {  	_ =	swait.ge [sflag:s15], $0x4000  }
0x25: {  	[sflag:s15] =	ssyncset.done $0x0  }
0x26: {  	[sflag:s15] =	ssyncadd.s32 $0xFFFFC000  }
0x27: {  	_ =	swait.ge [sflag:s16], $0x4000  }
0x28: {  	s21 =	simm.s32 $0x800;
	s20 =	simm.s32 $0x100;
	[sflag:s16] =	ssyncset.done $0x0  }
.LBB2_3:
0x29: {  	s22 =	sadd.s32 $0x13C00, s20  }
0x2a: {  	[sflag:s16] =	ssyncadd.s32 $0xFFFFC000;
	s23 =	smov.u32 s21;
	s24 =	sadd.s32 $0x400, s21  }
0x2b: {  	[spmem:s2] =	stream.indirect.scatter.add.f32 [tilespmem:s12], [sflag:$0x1], $0x80, s22, s14, $0xb8;
	[tilespmem:$0x19000] =	vst v63  }
0x2c: {  	p1 =	sne.s32 s21, $0x4C00;
	s20 =	sadd.s32 $0x13C80, s20  }
0x2d: {  	[spmem:s2] =	stream.indirect.scatter.add.f32 [tilespmem:s12], [sflag:$0x2], $0x80, s20, s14, $0xb8;
	[tilespmem:$0x19000] =	vst v63  }
.Ltmp0:
0x2e: {  	_ =	swait.ge [sflag:s15], $0x4000;
	(pc) =	sbr.rel @p1 .LBB2_3-.Ltmp0, $4  }
0x2f: {  	[sflag:s15] =	ssyncset.done $0x0  }
0x30: {  	[sflag:s15] =	ssyncadd.s32 $0xFFFFC000  }
0x31: {  	_ =	swait.ge [sflag:s16], $0x4000  }
0x32: {  	s21 =	smov.u32 s24;
	s20 =	sshra.s32 s23, $0x2;
	[sflag:s16] =	ssyncset.done $0x0  }
0x33: {  	s21 =	sadd.s32 $0x13C00, s20;
	[sflag:s16] =	ssyncadd.s32 $0xFFFFC000  }
0x34: {  	[spmem:s2] =	stream.indirect.scatter.add.f32 [tilespmem:s12], [sflag:$0x1], $0x80, s21, s14, $0xb8;
	[tilespmem:$0x19000] =	vst v63  }
0x35: {  	s31 =	sadd.s32 $0x13C80, s20;
	p1 =	slt.u32 @!p0 s19, $0x2  }
0x36: {  	[spmem:s2] =	stream.indirect.scatter.add.f32 [tilespmem:s12], [sflag:$0x2], $0x80, s31, s14, $0xb8;
	[tilespmem:$0x19000] =	vst v63  }
0x37: {  	p1 =	por p0, !p1;
	_ =	swait.ge [sflag:s15], $0x4000  }
.Ltmp1:
0x38: {  	[sflag:s15] =	ssyncset.done $0x0;
	(pc) =	sbr.rel @!p1 .LBB2_2-.Ltmp1, $4  }
0x39: {  	[sflag:s15] =	ssyncadd.s32 $0xFFFFC000  }
0x3a: {  	_ =	swait.ge [sflag:s16], $0x4000  }
0x3b: {  	[sflag:s16] =	ssyncset.done $0x0  }
0x3c: {  	s19 =	sadd.s32 $0x1, s19;
	[sflag:s16] =	ssyncadd.s32 $0xFFFFC000  }
0x3d: {  	s18 =	sadd.s32 $0x1, s18  }
0x3e: {  	p1 =	sne.s32 s18, s9  }
.Ltmp2:
0x3f: {  	[bflag:$0x0] =	sbarrier.arrive $0xFFFF;
	(pc) =	sbr.rel @p1 .LBB2_1-.Ltmp2, $4  }
0x40: {  	[hbm:s17], [sflag:s7] =	dma.local [spmem:s10], $0x2780  }
0x41: {  	_ =	swait.ge [sflag:s11], $0x2780  }
0x42: {  	[sflag:s11] =	ssyncset.done $0x0  }
0x43: {  	[sflag:s11] =	ssyncadd.s32 $0xFFFFD880  }
0x44: {  	_ =	sfence.sel $0x180000  }
0x45: {  	[bflag:$0x0] =	sbarrier.arrive $0xFFFF  }
0x46: {  	p0 =	sne.s32 s1, $0x0;
	_ =	strace $0x90000047  }
0x47: {  	s0 =	sadd.s32 @!p0 $0x100000, s0;
	[bflag:$0x2] =	sbarrier.arrive $0xFFFF  }
0x48: {  	[sflag:s0] =	ssyncadd.tile.s32 @!p0 $0x1;
	_ =	shalt  }
.Lfunc_end2:
_tile_overlayer_lowered:
.L_overlay_start_2:
0x49: {  	(tag) =	ssettag $0x2  }
0x4a: {  	s0 =	rddreg [dreg:$0x0];
	s2 =	stileid.u32  }
0x4b: {  	s1 =	rddreg [dreg:$0x1];
	p0 =	sne.s32 s2, $0x0  }
0x4c: {  	s3 =	rddreg [dreg:$0x2];
	[bflag:$0x3] =	sbarrier.arrive $0xFFFF;
	s2 =	simm.s32 @!p0 $0x1C03  }
0x4d: {  	[timem:s3], [sflag:s2] =	dma.local @!p0 [hbm:s0], s1  }
0x4e: {  	s0 =	simm.s32 @!p0 $0x3  }
0x4f: {  	_ =	swait.ge @!p0 [sflag:s0], s1  }
0x50: {  	s1 =	ssub.s32 @!p0 $0x0, s1;
	[sflag:s0] =	ssyncset.done @!p0 $0x0  }
0x51: {  	[sflag:s0] =	ssyncadd.s32 @!p0 s1  }
0x52: {  	[bflag:$0x3] =	sbarrier.arrive $0xFFFF  }
0x53: {  	_ =	shalt  }

// kernel: kernel.16.cloned.1.call-start
scs
__scs_entry_jumppad:
0x0: {  	(pc) =	sbr.rel $0x88, $3  }
0x1: {  	(tag) =	ssettag $0x0;
	lr =	simm.s32 $0x1  }
0x2: {  	[smem:$0x3F99] =	sst lr;
	_ =	strace $0xD0000000  }
0x3: {  	_ = 	snop  }
0x4: {  	_ = 	snop  }
0x5: {  	_ = 	snop  }
0x6: {  	_ = 	snop  }
0x7: {  	_ = 	snop  }
__scs_overlays_trampoline_lowered:
0x8: {  	[smem:$0x3FA8] =	sst s0  }
0x9: {  	[smem:$0x3FA9] =	sst s1  }
0xa: {  	[smem:$0x3FAA] =	sst s2  }
0xb: {  	[smem:$0x3FAB] =	sst s3  }
0xc: {  	[smem:$0x3FAC] =	sst s4  }
0xd: {  	[smem:$0x3FAD] =	sst s5  }
0xe: {  	[smem:$0x3FAE] =	sst s6  }
0xf: {  	[smem:$0x3FAF] =	sst s7  }
0x10: {  	[smem:$0x3FB0] =	sst s8  }
0x11: {  	[smem:$0x3FB1] =	sst s9;
	s0 =	simm.s32 @!p0 $0x0  }
0x12: {  	s1 =	sld [smem:$0x3F97];
	s0 =	simm.s32 @p0 $0x1  }
0x13: {  	[smem:$0x3FB2] =	sst s0;
	s0 =	simm.s32 @!p1 $0x0  }
0x14: {  	s2 =	sld [smem:$0x3F96];
	s0 =	simm.s32 @p1 $0x1  }
0x15: {  	[smem:$0x3FB3] =	sst s0;
	s0 =	simm.s32 @!p2 $0x0  }
0x16: {  	s3 =	sld [smem:$0x3FDB];
	s0 =	simm.s32 @p2 $0x1  }
0x17: {  	s4 =	simm.s32 $0x1BF5;
	[smem:$0x3FB5] =	sst s0  }
0x18: {  	s0 =	sld [smem:$0x3F98];
	_ =	swait.ge [sflag:s4], $0x0  }
0x19: {  	s7 =	sld [smem:$0x3F99]  }
0x1a: {  	s8 =	sadd.s32 $0xFFFFE003, lr  }
0x1b: {  	s9 =	sadd.s32 $0xFFFFFEF7, lr;
	s5 =	simm.s32 $0xFFFFFFFF;
	p2 =	slt.u32 s8, $0xFFFFF086  }
0x1c: {  	p1 =	slt.u32 s9, $0xF7A;
	s5 =	simm.s32 @!p2 $0x0  }
0x1d: {  	s5 =	simm.s32 @p1 $0x1;
	p0 =	seq.s32 s7, s2  }
0x1e: {  	s7 =	smul.u32 @!p0 $0xF7A, s2;
	p2 =	seq.s32 @!p0 s5, $0x0  }
0x1f: {  	s9 =	smul.u32 $0xF7A, s1;
	s8 =	simm.s32 @!p0 $0x1BF5;
	p2 =	por !p2, p0  }
0x20: {  	[sflag:s8] =	ssyncset.s32 @!p0 $0xFFFFF086;
	s6 =	sadd.s32 @!p0 s3, s7;
	s7 =	simm.s32 @!p0 $0x108  }
0x21: {  	s3 =	sadd.s32 s3, s9;
	s6 =	sadd.s32 @!p0 $0x88, s6;
	s7 =	simm.s32 @p2 $0x1082  }
0x22: {  	[simem:s7], [sflag:s8] =	dma.local @!p0 [hbm:s6], $0xF7A  }
0x23: {  	s9 =	sor.u32 $0xD0000000, s2;
	s6 =	simm.s32 $0x108;
	_ =	swait.ge @!p0 [sflag:s8], $0x0  }
0x24: {  	s3 =	sadd.s32 $0x88, s3;
	s6 =	simm.s32 @!p1 $0x1082;
	[sflag:s4] =	ssyncset.s32 $0xFFFFF086  }
0x25: {  	[simem:s6], [sflag:s4] =	dma.local [hbm:s3], $0xF7A  }
0x26: {  	[smem:$0x3F99] =	sst s1;
	(tag) =	ssettag s2;
	_ =	strace s9  }
0x27: {  	s1 =	sld [smem:$0x3FA9]  }
0x28: {  	s2 =	sld [smem:$0x3FAA]  }
0x29: {  	s4 =	sld [smem:$0x3FAC]  }
0x2a: {  	p0 =	seq.s32 s5, $0x0;
	s5 =	sld [smem:$0x3FAD]  }
0x2b: {  	s6 =	sld [smem:$0x3FAE]  }
0x2c: {  	s7 =	sld [smem:$0x3FAF]  }
0x2d: {  	s3 =	simm.s32 $0x108;
	s8 =	sld [smem:$0x3FB0]  }
0x2e: {  	s3 =	simm.s32 @!p0 $0x1082;
	s9 =	sld [smem:$0x3FB1]  }
0x2f: {  	lr =	sadd.s32 s0, s3;
	s0 =	sld [smem:$0x3FA8]  }
0x30: {  	s3 =	sld [smem:$0x3FAB]  }
0x31: {  	[smem:$0x3FB4] =	sst s10  }
0x32: {  	s10 =	sld [smem:$0x3FB2];
	_ =	sdelay $0x3  }
0x33: {  	p0 =	seq.s32 s10, $0x1;
	s10 =	sld [smem:$0x3FB4];
	_ =	sdelay $0x3  }
0x34: {  	[smem:$0x3FB4] =	sst s10  }
0x35: {  	s10 =	sld [smem:$0x3FB3];
	_ =	sdelay $0x3  }
0x36: {  	p1 =	seq.s32 s10, $0x1;
	s10 =	sld [smem:$0x3FB4];
	_ =	sdelay $0x3  }
0x37: {  	[smem:$0x3FB4] =	sst s10  }
0x38: {  	s10 =	sld [smem:$0x3FB5]  }
0x39: {  	_ = 	snop;
	(pc) =	sbr.ind lr, $3  }
0x3a: {  	_ = 	snop  }
0x3b: {  	_ = 	snop  }
0x3c: {  	p2 =	seq.s32 s10, $0x1;
	s10 =	sld [smem:$0x3FB4]  }
0x3d: {  	_ =	shalt  }
0x3e: {  	_ =	shalt  }
0x3f: {  	_ =	shalt  }
0x40: {  	_ =	shalt  }
0x41: {  	_ =	shalt  }
0x42: {  	_ =	shalt  }
0x43: {  	_ =	shalt  }
0x44: {  	_ =	shalt  }
0x45: {  	_ =	shalt  }
0x46: {  	_ =	shalt  }
0x47: {  	_ =	shalt  }
0x48: {  	_ =	shalt  }
0x49: {  	_ =	shalt  }
0x4a: {  	_ =	shalt  }
0x4b: {  	_ =	shalt  }
0x4c: {  	_ =	shalt  }
0x4d: {  	_ =	shalt  }
0x4e: {  	_ =	shalt  }
0x4f: {  	_ =	shalt  }
0x50: {  	_ =	shalt  }
0x51: {  	_ =	shalt  }
0x52: {  	_ =	shalt  }
0x53: {  	_ =	shalt  }
0x54: {  	_ =	shalt  }
0x55: {  	_ =	shalt  }
0x56: {  	_ =	shalt  }
0x57: {  	_ =	shalt  }
0x58: {  	_ =	shalt  }
0x59: {  	_ =	shalt  }
0x5a: {  	_ =	shalt  }
0x5b: {  	_ =	shalt  }
0x5c: {  	_ =	shalt  }
0x5d: {  	_ =	shalt  }
0x5e: {  	_ =	shalt  }
0x5f: {  	_ =	shalt  }
0x60: {  	_ =	shalt  }
0x61: {  	_ =	shalt  }
0x62: {  	_ =	shalt  }
0x63: {  	_ =	shalt  }
0x64: {  	_ =	shalt  }
0x65: {  	_ =	shalt  }
0x66: {  	_ =	shalt  }
0x67: {  	_ =	shalt  }
0x68: {  	_ =	shalt  }
0x69: {  	_ =	shalt  }
0x6a: {  	_ =	shalt  }
0x6b: {  	_ =	shalt  }
0x6c: {  	_ =	shalt  }
0x6d: {  	_ =	shalt  }
0x6e: {  	_ =	shalt  }
0x6f: {  	_ =	shalt  }
0x70: {  	_ =	shalt  }
0x71: {  	_ =	shalt  }
0x72: {  	_ =	shalt  }
0x73: {  	_ =	shalt  }
0x74: {  	_ =	shalt  }
0x75: {  	_ =	shalt  }
0x76: {  	_ =	shalt  }
0x77: {  	_ =	shalt  }
0x78: {  	_ =	shalt  }
0x79: {  	_ =	shalt  }
0x7a: {  	_ =	shalt  }
0x7b: {  	_ =	shalt  }
0x7c: {  	_ =	shalt  }
0x7d: {  	_ =	shalt  }
0x7e: {  	_ =	shalt  }
0x7f: {  	_ =	shalt  }
0x80: {  	_ =	shalt  }
0x81: {  	_ =	shalt  }
0x82: {  	_ =	shalt  }
0x83: {  	_ =	shalt  }
0x84: {  	_ =	shalt  }
0x85: {  	_ =	shalt  }
0x86: {  	_ =	shalt  }
0x87: {  	_ =	shalt  }
.Lfunc_end0:
.L_simem_size_0:
called_computation.1_lowered:
.L_overlay_start_0:
0x88: {  	s2 =	sld [smem:$0x3FD9]  }
0x89: {  	s3 =	sld [smem:$0x3FFE];
	_ =	sdelay $0x1  }
0x8a: {  	s1 =	srdreg.scid  }
0x8b: {  	s0 =	sand.u32 $0x1, s1  }
0x8c: {  	s17 =	sshll.u32 s0, $0xA;
	s2 =	sadd.s32 s3, s2  }
0x8d: {  	s2 =	sadd.s32 s2, s17  }
0x8e: {  	[smem:$0x3FC0] =	sst s2  }
0x8f: {  	_ = 	snop  }
0x90: {  	s2 =	sld [smem:$0x3FD0];
	(tm) =	ssettm $0x1  }
0x91: {  	s18 =	sld [smem:$0x3FFB];
	_ =	sdelay $0x3  }
0x92: {  	_ =	strace s18  }
0x93: {  	s3 =	sld [smem:$0x3FFC];
	_ =	sdelay $0x3  }
0x94: {  	_ =	strace s3  }
0x95: {  	s3 =	sld [smem:$0x3FFD];
	_ =	sdelay $0x3  }
0x96: {  	_ =	strace s3  }
0x97: {  	_ =	strace $0x8FFFFFFF  }
0x98: {  	s19 =	sld [smem:$0x3FDB];
	_ =	sdelay $0x1  }
0x99: {  	s4 =	simm.s32 $_scs_section_size  }
0x9a: {  	s5 =	simm.s32 $_size__tile_overlayer_lowered;
	s6 =	simm.s32 $_tile_overlayer_lowered  }
0x9b: {  	s22 =	simm.s32 $0x1BFF;
	s21 =	sshll.u32 s6, $0x1;
	s3 =	sadd.s32 s4, s19  }
0x9c: {  	s7 =	simm.s32 $0x0;
	s20 =	sshll.u32 s5, $0x1;
	s5 =	sadd.s32 s21, s3  }
0x9d: {  	[timem:s7], [sflag:s22] =	dma.local [hbm:s5], s20  }
0x9e: {  	_ =	swait.ge [sflag:s22], s20  }
0x9f: {  	s4 =	ssub.s32 $0x0, s20;
	[sflag:s22] =	ssyncset.done $0x0  }
0xa0: {  	[sflag:s22] =	ssyncadd.s32 s4;
	_ =	sdelay $0x1  }
0xa1: {  	s23 =	simm.s32 $0x1B8B  }
0xa2: {  	_ =	swait.ge [sflag:s23], $0x1  }
0xa3: {  	[sflag:s23] =	ssyncset.done $0x0  }
0xa4: {  	s25 =	simm.s32 $0x1B8E;
	s24 =	sld [smem:$0x3FFE];
	[sflag:s23] =	ssyncadd.s32 $0xFFFFFFFF  }
0xa5: {  	s26 =	simm.s32 $execute0_lowered;
	[smem:$0x3FD2] =	sst s25  }
0xa6: {  	s5 =	sshll.u32 s26, $0x1;
	_ =	strace $0x80000049;
	[dreg:$0x1] =	wrdreg $0xFFFFFFFF  }
0xa7: {  	s28 =	simm.s32 $_size_execute0_lowered;
	s3 =	sadd.s32 s3, s5;
	[dreg:$0x0] =	wrdreg $0x0  }
0xa8: {  	s5 =	sshll.u32 s28, $0x1;
	[dreg:$0x2] =	wrdreg s3  }
0xa9: {  	[dreg:$0x3] =	wrdreg s5  }
0xaa: {  	[dreg:$0x4] =	wrdreg $0xC0  }
0xab: {  	_ =	task [dreg:s7], $0x5FFFF  }
0xac: {  	[dreg:$0x1] =	wrdreg $0xFFFFFFFF  }
0xad: {  	[dreg:$0x0] =	wrdreg $0x60  }
0xae: {  	[dreg:$0x2] =	wrdreg s24  }
0xaf: {  	[dreg:$0x3] =	wrdreg s2  }
0xb0: {  	[dreg:$0x4] =	wrdreg $0x0  }
0xb1: {  	[dreg:$0x5] =	wrdreg $0x9  }
0xb2: {  	_ =	task.clear_ibuf [dreg:s7], $0x6FFFF;
	_ =	strace $0x90000049  }
0xb3: {  	s29 =	simm.s32 $0x9;
	_ =	strace $0x8000004B  }
0xb4: {  	_ =	swait.ge [sflag:s29], $0x1  }
0xb5: {  	[sflag:s29] =	ssyncadd.s32 $0xFFFFFFFF  }
0xb6: {  	_ =	strace $0x9000004B  }
0xb7: {  	_ =	sfence  }
0xb8: {  	s30 =	sld [smem:$0x0];
	_ =	sdelay $0x2  }
0xb9: {  	s31 =	sshll.u32 s1, $0xD;
	s1 =	sshrl.u32 s1, $0x2  }
0xba: {  	s3 =	sand.u32 $0x4000, s31;
	s1 =	sadd.s32 s1, s30  }
0xbb: {  	s0 =	sor.u32 s3, s0;
	s1 =	sshll.u32 s1, $0x11  }
0xbc: {  	s0 =	sor.u32 s1, s0  }
0xbd: {  	s0 =	sadd.s32 $0x8F2B, s0  }
0xbe: {  	[sflag:s0] =	ssyncadd.remote.s32 $0x1  }
0xbf: {  	_ =	sfence.sel $0xFFFF  }
0xc0: {  	[dreg:$0x0] =	wrdreg $0xFFFFFFFF;
	(pc) =	sbr.abs _section_cstart, $3  }
0xc1: {  	[dreg:$0x1] =	wrdreg $0xFFFFFFFF  }
0xc2: {  	_ =	task.clear_ibuf [dreg:s7], $0x2FFFF;
	_ =	strace $0x9FFFFFFF  }
0xc3: {  	(tm) =	ssettm $0x7FFFFFFF  }
tec
execute0_lowered:
.L_overlay_start_1:
0x0: {  	(tag) =	ssettag $0x1  }
0x1: {  	s7 =	rddreg [dreg:$0x0]  }
0x2: {  	s1 =	rddreg [dreg:$0x1]  }
0x3: {  	s3 =	rddreg [dreg:$0x2]  }
0x4: {  	s0 =	rddreg [dreg:$0x3];
	s4 =	simm.s32 $0x0  }
0x5: {  	s2 =	stileid.u32;
	s5 =	srdreg.scid;
	s15 =	simm.s32 $0x80  }
0x6: {  	s16 =	simm.s32 $0x16400;
	s17 =	simm.s32 $0x1A400;
	s18 =	simm.s32 $0x1  }
0x7: {  	s19 =	simm.s32 $0x2;
	s20 =	simm.s32 $0x3;
	s21 =	simm.s32 $0x4  }
0x8: {  	[smem:$0x7FF] =	sst s4;
	s22 =	smul.u32 $0x2780, s2;
	s23 =	sand.u32 $0x1, s5  }
0x9: {  	s5 =	sadd.s32 $0x34E00, s7;
	s6 =	sadd.s32 $0x2E00, s7;
	s11 =	smul.u32 $0x4F000, s2  }
0xa: {  	s30 =	smul.u32 $0xA0, s2;
	s31 =	sshll.u32 s2, $0x6;
	_ =	strace $0x8000004A  }
0xb: {  	s8 =	smul.u32 $0x27800, s23;
	s10 =	ssub.s32 $0x2, s23;
	s26 =	ssub.s32 $0x0, s23  }
0xc: {  	p0 =	sne.s32 s23, $0x0;
	s9 =	sadd.s32 s22, s7;
	s28 =	sshrl.u32 s10, $0x1  }
0xd: {  	s29 =	sshrl.u32 s11, $0x2;
	s14 =	sand.u32 $0x78, s26;
	s12 =	sadd.s32 s8, s7  }
0xe: {  	s10 =	ssub.s32 s10, s28;
	s13 =	sadd.s32 s29, s3;
	s7 =	sadd.s32 $0xD600, s9  }
0xf: {  	s8 =	sor.u32 $0x1C05, s31;
	s9 =	sadd.s32 s30, s14;
	s14 =	simm.s32 $0x15000  }
0x10: {  	s24 =	sadd.s32 $0x5C000, s12;
	s10 =	smax.u32 s10, $0x1;
	s11 =	sshrl.u32 s13, $0x3  }
0x11: {  	s12 =	simm.s32 $0x5;
	s13 =	simm.s32 $0x13C00;
	s22 =	sadd.s32 s22, s24  }
.LBB2_1:
0x12: {  	[spmem:s11], [sflag:s8] =	dma.local [hbm:s7], $0x2780  }
0x13: {  	_ =	swait.ge [sflag:s12], $0x2780  }
0x14: {  	[sflag:s12] =	ssyncset.done $0x0  }
0x15: {  	[sflag:s12] =	ssyncadd.s32 $0xFFFFD880  }
0x16: {  	s23 =	simm.s32 $0x0;
	[bflag:$0x0] =	sbarrier.arrive $0xFFFF  }
.LBB2_2:
0x17: {  	s24 =	smul.u32 $0x28, s23;
	_ =	sdelay $0x1  }
0x18: {  	s24 =	sadd.s32 s24, s9  }
0x19: {  	s24 =	sshll.u32 s24, $0x4  }
0x1a: {  	s26 =	simm.s32 $0x0;
	s25 =	sadd.s32 s1, s24  }
0x1b: {  	[tilespmem:s13], [sflag:$0x5] =	stream.linear.gather [hbm4b:s25+s26], $0x1400, $0x38;
	[tilespmem:$0x1E400] =	vst v63  }
0x1c: {  	_ =	swait.ge [sflag:s12], $0x1400  }
0x1d: {  	[sflag:s12] =	ssyncset.done $0x0  }
0x1e: {  	s24 =	sadd.s32 s6, s24;
	[sflag:s12] =	ssyncadd.s32 $0xFFFFEC00  }
0x1f: {  	[tilespmem:s14], [sflag:$0x5] =	stream.linear.gather [hbm4b:s24+s26], $0x1400, $0x38;
	[tilespmem:$0x1E400] =	vst v63  }
0x20: {  	_ =	swait.ge [sflag:s12], $0x1400  }
0x21: {  	[sflag:s12] =	ssyncset.done $0x0  }
0x22: {  	s28 =	simm.s32 $0x13C00;
	[sflag:s12] =	ssyncadd.s32 $0xFFFFEC00  }
0x23: {  	[tilespmem:s16], [sflag:$0x1] =	stream.indirect.gather [hbm4b:s5+s15], $0x80, s28, s15, $0xb8;
	[tilespmem:$0x1E400] =	vst v63  }
0x24: {  	s29 =	simm.s32 $0x13C80  }
0x25: {  	[tilespmem:s17], [sflag:$0x2] =	stream.indirect.gather [hbm4b:s5+s15], $0x80, s29, s15, $0xb8;
	[tilespmem:$0x1E400] =	vst v63  }
0x26: {  	_ =	swait.ge [sflag:s18], $0x4000  }
0x27: {  	[sflag:s18] =	ssyncset.done $0x0  }
0x28: {  	s30 =	simm.s32 $0x15000;
	[sflag:s18] =	ssyncadd.s32 $0xFFFFC000  }
0x29: {  	[spmem:s3] =	stream.indirect.scatter.add.f32 [tilespmem:s16], [sflag:$0x3], $0x80, s30, s15, $0xb8;
	[tilespmem:$0x1E400] =	vst v63  }
0x2a: {  	_ =	swait.ge [sflag:s19], $0x4000  }
0x2b: {  	[sflag:s19] =	ssyncset.done $0x0  }
0x2c: {  	s31 =	simm.s32 $0x15080;
	[sflag:s19] =	ssyncadd.s32 $0xFFFFC000  }
0x2d: {  	[spmem:s3] =	stream.indirect.scatter.add.f32 [tilespmem:s17], [sflag:$0x4], $0x80, s31, s15, $0xb8;
	[tilespmem:$0x1E400] =	vst v63  }
0x2e: {  	_ =	swait.ge [sflag:s20], $0x4000  }
0x2f: {  	[sflag:s20] =	ssyncset.done $0x0  }
0x30: {  	[sflag:s20] =	ssyncadd.s32 $0xFFFFC000  }
0x31: {  	_ =	swait.ge [sflag:s21], $0x4000  }
0x32: {  	s25 =	simm.s32 $0x800;
	s24 =	simm.s32 $0x100;
	[sflag:s21] =	ssyncset.done $0x0  }
.LBB2_3:
0x33: {  	s26 =	sadd.s32 $0x13C00, s24  }
0x34: {  	[sflag:s21] =	ssyncadd.s32 $0xFFFFC000;
	s28 =	smov.u32 s25;
	s29 =	sadd.s32 $0x400, s25  }
0x35: {  	[tilespmem:s16], [sflag:$0x1] =	stream.indirect.gather [hbm4b:s5+s15], $0x80, s26, s15, $0xb8;
	[tilespmem:$0x1E400] =	vst v63  }
0x36: {  	p1 =	sne.s32 s25, $0x4C00;
	s25 =	sadd.s32 $0x13C80, s24  }
0x37: {  	[tilespmem:s17], [sflag:$0x2] =	stream.indirect.gather [hbm4b:s5+s15], $0x80, s25, s15, $0xb8;
	[tilespmem:$0x1E400] =	vst v63  }
0x38: {  	_ =	swait.ge [sflag:s18], $0x4000  }
0x39: {  	[sflag:s18] =	ssyncset.done $0x0  }
0x3a: {  	s25 =	sadd.s32 $0x15000, s24;
	[sflag:s18] =	ssyncadd.s32 $0xFFFFC000  }
0x3b: {  	[spmem:s3] =	stream.indirect.scatter.add.f32 [tilespmem:s16], [sflag:$0x3], $0x80, s25, s15, $0xb8;
	[tilespmem:$0x1E400] =	vst v63  }
0x3c: {  	_ =	swait.ge [sflag:s19], $0x4000  }
0x3d: {  	[sflag:s19] =	ssyncset.done $0x0  }
0x3e: {  	s24 =	sadd.s32 $0x15080, s24;
	[sflag:s19] =	ssyncadd.s32 $0xFFFFC000  }
0x3f: {  	[spmem:s3] =	stream.indirect.scatter.add.f32 [tilespmem:s17], [sflag:$0x4], $0x80, s24, s15, $0xb8;
	[tilespmem:$0x1E400] =	vst v63  }
.Ltmp0:
0x40: {  	_ =	swait.ge [sflag:s20], $0x4000;
	(pc) =	sbr.rel @p1 .LBB2_3-.Ltmp0, $4  }
0x41: {  	[sflag:s20] =	ssyncset.done $0x0  }
0x42: {  	[sflag:s20] =	ssyncadd.s32 $0xFFFFC000  }
0x43: {  	_ =	swait.ge [sflag:s21], $0x4000  }
0x44: {  	s25 =	smov.u32 s29;
	s24 =	sshra.s32 s28, $0x2;
	[sflag:s21] =	ssyncset.done $0x0  }
0x45: {  	s25 =	sadd.s32 $0x13C00, s24;
	[sflag:s21] =	ssyncadd.s32 $0xFFFFC000  }
0x46: {  	[tilespmem:s16], [sflag:$0x1] =	stream.indirect.gather [hbm4b:s5+s15], $0x80, s25, s15, $0xb8;
	[tilespmem:$0x1E400] =	vst v63  }
0x47: {  	s29 =	sadd.s32 $0x13C80, s24  }
0x48: {  	[tilespmem:s17], [sflag:$0x2] =	stream.indirect.gather [hbm4b:s5+s15], $0x80, s29, s15, $0xb8;
	[tilespmem:$0x1E400] =	vst v63  }
0x49: {  	_ =	swait.ge [sflag:s18], $0x4000  }
0x4a: {  	[sflag:s18] =	ssyncset.done $0x0  }
0x4b: {  	s30 =	sadd.s32 $0x15000, s24;
	[sflag:s18] =	ssyncadd.s32 $0xFFFFC000  }
0x4c: {  	[spmem:s3] =	stream.indirect.scatter.add.f32 [tilespmem:s16], [sflag:$0x3], $0x80, s30, s15, $0xb8;
	[tilespmem:$0x1E400] =	vst v63  }
0x4d: {  	_ =	swait.ge [sflag:s19], $0x4000  }
0x4e: {  	[sflag:s19] =	ssyncset.done $0x0  }
0x4f: {  	s31 =	sadd.s32 $0x15080, s24;
	p1 =	slt.u32 @!p0 s23, $0x2;
	[sflag:s19] =	ssyncadd.s32 $0xFFFFC000  }
0x50: {  	[spmem:s3] =	stream.indirect.scatter.add.f32 [tilespmem:s17], [sflag:$0x4], $0x80, s31, s15, $0xb8;
	[tilespmem:$0x1E400] =	vst v63  }
0x51: {  	p1 =	por p0, !p1;
	_ =	swait.ge [sflag:s20], $0x4000  }
.Ltmp1:
0x52: {  	[sflag:s20] =	ssyncset.done $0x0;
	(pc) =	sbr.rel @!p1 .LBB2_2-.Ltmp1, $4  }
0x53: {  	[sflag:s20] =	ssyncadd.s32 $0xFFFFC000  }
0x54: {  	_ =	swait.ge [sflag:s21], $0x4000  }
0x55: {  	[sflag:s21] =	ssyncset.done $0x0  }
0x56: {  	s23 =	sadd.s32 $0x1, s23;
	[sflag:s21] =	ssyncadd.s32 $0xFFFFC000  }
0x57: {  	s4 =	sadd.s32 $0x1, s4  }
0x58: {  	p1 =	sne.s32 s4, s10  }
.Ltmp2:
0x59: {  	[bflag:$0x0] =	sbarrier.arrive $0xFFFF;
	(pc) =	sbr.rel @p1 .LBB2_1-.Ltmp2, $4  }
0x5a: {  	[hbm:s22], [sflag:s8] =	dma.local [spmem:s11], $0x2780  }
0x5b: {  	_ =	swait.ge [sflag:s12], $0x2780  }
0x5c: {  	[sflag:s12] =	ssyncset.done $0x0  }
0x5d: {  	[sflag:s12] =	ssyncadd.s32 $0xFFFFD880  }
0x5e: {  	_ =	sfence.sel $0x180000  }
0x5f: {  	[bflag:$0x0] =	sbarrier.arrive $0xFFFF  }
0x60: {  	p0 =	sne.s32 s2, $0x0;
	_ =	strace $0x9000004A  }
0x61: {  	s0 =	sadd.s32 @!p0 $0x100000, s0;
	[bflag:$0x2] =	sbarrier.arrive $0xFFFF  }
0x62: {  	[sflag:s0] =	ssyncadd.tile.s32 @!p0 $0x1;
	_ =	shalt  }
.Lfunc_end2:
_tile_overlayer_lowered:
.L_overlay_start_2:
0x63: {  	(tag) =	ssettag $0x2  }
0x64: {  	s0 =	rddreg [dreg:$0x0];
	s2 =	stileid.u32  }
0x65: {  	s1 =	rddreg [dreg:$0x1];
	p0 =	sne.s32 s2, $0x0  }
0x66: {  	s3 =	rddreg [dreg:$0x2];
	[bflag:$0x3] =	sbarrier.arrive $0xFFFF;
	s2 =	simm.s32 @!p0 $0x1C05  }
0x67: {  	[timem:s3], [sflag:s2] =	dma.local @!p0 [hbm:s0], s1  }
0x68: {  	s0 =	simm.s32 @!p0 $0x5  }
0x69: {  	_ =	swait.ge @!p0 [sflag:s0], s1  }
0x6a: {  	s1 =	ssub.s32 @!p0 $0x0, s1;
	[sflag:s0] =	ssyncset.done @!p0 $0x0  }
0x6b: {  	[sflag:s0] =	ssyncadd.s32 @!p0 s1  }
0x6c: {  	[bflag:$0x3] =	sbarrier.arrive $0xFFFF  }
0x6d: {  	_ =	shalt  }

// kernel: kernel.19.cloned.1.call-start
scs
__scs_entry_jumppad:
0x0: {  	(pc) =	sbr.rel $0x88, $3  }
0x1: {  	(tag) =	ssettag $0x0;
	lr =	simm.s32 $0x1  }
0x2: {  	[smem:$0x3F99] =	sst lr;
	_ =	strace $0xD0000000  }
0x3: {  	_ = 	snop  }
0x4: {  	_ = 	snop  }
0x5: {  	_ = 	snop  }
0x6: {  	_ = 	snop  }
0x7: {  	_ = 	snop  }
__scs_overlays_trampoline_lowered:
0x8: {  	[smem:$0x3FA8] =	sst s0  }
0x9: {  	[smem:$0x3FA9] =	sst s1  }
0xa: {  	[smem:$0x3FAA] =	sst s2  }
0xb: {  	[smem:$0x3FAB] =	sst s3  }
0xc: {  	[smem:$0x3FAC] =	sst s4  }
0xd: {  	[smem:$0x3FAD] =	sst s5  }
0xe: {  	[smem:$0x3FAE] =	sst s6  }
0xf: {  	[smem:$0x3FAF] =	sst s7  }
0x10: {  	[smem:$0x3FB0] =	sst s8  }
0x11: {  	[smem:$0x3FB1] =	sst s9;
	s0 =	simm.s32 @!p0 $0x0  }
0x12: {  	s1 =	sld [smem:$0x3F97];
	s0 =	simm.s32 @p0 $0x1  }
0x13: {  	[smem:$0x3FB2] =	sst s0;
	s0 =	simm.s32 @!p1 $0x0  }
0x14: {  	s2 =	sld [smem:$0x3F96];
	s0 =	simm.s32 @p1 $0x1  }
0x15: {  	[smem:$0x3FB3] =	sst s0;
	s0 =	simm.s32 @!p2 $0x0  }
0x16: {  	s3 =	sld [smem:$0x3FDB];
	s0 =	simm.s32 @p2 $0x1  }
0x17: {  	s4 =	simm.s32 $0x1BF5;
	[smem:$0x3FB5] =	sst s0  }
0x18: {  	s0 =	sld [smem:$0x3F98];
	_ =	swait.ge [sflag:s4], $0x0  }
0x19: {  	s7 =	sld [smem:$0x3F99]  }
0x1a: {  	s8 =	sadd.s32 $0xFFFFE003, lr  }
0x1b: {  	s9 =	sadd.s32 $0xFFFFFEF7, lr;
	s5 =	simm.s32 $0xFFFFFFFF;
	p2 =	slt.u32 s8, $0xFFFFF086  }
0x1c: {  	p1 =	slt.u32 s9, $0xF7A;
	s5 =	simm.s32 @!p2 $0x0  }
0x1d: {  	s5 =	simm.s32 @p1 $0x1;
	p0 =	seq.s32 s7, s2  }
0x1e: {  	s7 =	smul.u32 @!p0 $0xF7A, s2;
	p2 =	seq.s32 @!p0 s5, $0x0  }
0x1f: {  	s9 =	smul.u32 $0xF7A, s1;
	s8 =	simm.s32 @!p0 $0x1BF5;
	p2 =	por !p2, p0  }
0x20: {  	[sflag:s8] =	ssyncset.s32 @!p0 $0xFFFFF086;
	s6 =	sadd.s32 @!p0 s3, s7;
	s7 =	simm.s32 @!p0 $0x108  }
0x21: {  	s3 =	sadd.s32 s3, s9;
	s6 =	sadd.s32 @!p0 $0x88, s6;
	s7 =	simm.s32 @p2 $0x1082  }
0x22: {  	[simem:s7], [sflag:s8] =	dma.local @!p0 [hbm:s6], $0xF7A  }
0x23: {  	s9 =	sor.u32 $0xD0000000, s2;
	s6 =	simm.s32 $0x108;
	_ =	swait.ge @!p0 [sflag:s8], $0x0  }
0x24: {  	s3 =	sadd.s32 $0x88, s3;
	s6 =	simm.s32 @!p1 $0x1082;
	[sflag:s4] =	ssyncset.s32 $0xFFFFF086  }
0x25: {  	[simem:s6], [sflag:s4] =	dma.local [hbm:s3], $0xF7A  }
0x26: {  	[smem:$0x3F99] =	sst s1;
	(tag) =	ssettag s2;
	_ =	strace s9  }
0x27: {  	s1 =	sld [smem:$0x3FA9]  }
0x28: {  	s2 =	sld [smem:$0x3FAA]  }
0x29: {  	s4 =	sld [smem:$0x3FAC]  }
0x2a: {  	p0 =	seq.s32 s5, $0x0;
	s5 =	sld [smem:$0x3FAD]  }
0x2b: {  	s6 =	sld [smem:$0x3FAE]  }
0x2c: {  	s7 =	sld [smem:$0x3FAF]  }
0x2d: {  	s3 =	simm.s32 $0x108;
	s8 =	sld [smem:$0x3FB0]  }
0x2e: {  	s3 =	simm.s32 @!p0 $0x1082;
	s9 =	sld [smem:$0x3FB1]  }
0x2f: {  	lr =	sadd.s32 s0, s3;
	s0 =	sld [smem:$0x3FA8]  }
0x30: {  	s3 =	sld [smem:$0x3FAB]  }
0x31: {  	[smem:$0x3FB4] =	sst s10  }
0x32: {  	s10 =	sld [smem:$0x3FB2];
	_ =	sdelay $0x3  }
0x33: {  	p0 =	seq.s32 s10, $0x1;
	s10 =	sld [smem:$0x3FB4];
	_ =	sdelay $0x3  }
0x34: {  	[smem:$0x3FB4] =	sst s10  }
0x35: {  	s10 =	sld [smem:$0x3FB3];
	_ =	sdelay $0x3  }
0x36: {  	p1 =	seq.s32 s10, $0x1;
	s10 =	sld [smem:$0x3FB4];
	_ =	sdelay $0x3  }
0x37: {  	[smem:$0x3FB4] =	sst s10  }
0x38: {  	s10 =	sld [smem:$0x3FB5]  }
0x39: {  	_ = 	snop;
	(pc) =	sbr.ind lr, $3  }
0x3a: {  	_ = 	snop  }
0x3b: {  	_ = 	snop  }
0x3c: {  	p2 =	seq.s32 s10, $0x1;
	s10 =	sld [smem:$0x3FB4]  }
0x3d: {  	_ =	shalt  }
0x3e: {  	_ =	shalt  }
0x3f: {  	_ =	shalt  }
0x40: {  	_ =	shalt  }
0x41: {  	_ =	shalt  }
0x42: {  	_ =	shalt  }
0x43: {  	_ =	shalt  }
0x44: {  	_ =	shalt  }
0x45: {  	_ =	shalt  }
0x46: {  	_ =	shalt  }
0x47: {  	_ =	shalt  }
0x48: {  	_ =	shalt  }
0x49: {  	_ =	shalt  }
0x4a: {  	_ =	shalt  }
0x4b: {  	_ =	shalt  }
0x4c: {  	_ =	shalt  }
0x4d: {  	_ =	shalt  }
0x4e: {  	_ =	shalt  }
0x4f: {  	_ =	shalt  }
0x50: {  	_ =	shalt  }
0x51: {  	_ =	shalt  }
0x52: {  	_ =	shalt  }
0x53: {  	_ =	shalt  }
0x54: {  	_ =	shalt  }
0x55: {  	_ =	shalt  }
0x56: {  	_ =	shalt  }
0x57: {  	_ =	shalt  }
0x58: {  	_ =	shalt  }
0x59: {  	_ =	shalt  }
0x5a: {  	_ =	shalt  }
0x5b: {  	_ =	shalt  }
0x5c: {  	_ =	shalt  }
0x5d: {  	_ =	shalt  }
0x5e: {  	_ =	shalt  }
0x5f: {  	_ =	shalt  }
0x60: {  	_ =	shalt  }
0x61: {  	_ =	shalt  }
0x62: {  	_ =	shalt  }
0x63: {  	_ =	shalt  }
0x64: {  	_ =	shalt  }
0x65: {  	_ =	shalt  }
0x66: {  	_ =	shalt  }
0x67: {  	_ =	shalt  }
0x68: {  	_ =	shalt  }
0x69: {  	_ =	shalt  }
0x6a: {  	_ =	shalt  }
0x6b: {  	_ =	shalt  }
0x6c: {  	_ =	shalt  }
0x6d: {  	_ =	shalt  }
0x6e: {  	_ =	shalt  }
0x6f: {  	_ =	shalt  }
0x70: {  	_ =	shalt  }
0x71: {  	_ =	shalt  }
0x72: {  	_ =	shalt  }
0x73: {  	_ =	shalt  }
0x74: {  	_ =	shalt  }
0x75: {  	_ =	shalt  }
0x76: {  	_ =	shalt  }
0x77: {  	_ =	shalt  }
0x78: {  	_ =	shalt  }
0x79: {  	_ =	shalt  }
0x7a: {  	_ =	shalt  }
0x7b: {  	_ =	shalt  }
0x7c: {  	_ =	shalt  }
0x7d: {  	_ =	shalt  }
0x7e: {  	_ =	shalt  }
0x7f: {  	_ =	shalt  }
0x80: {  	_ =	shalt  }
0x81: {  	_ =	shalt  }
0x82: {  	_ =	shalt  }
0x83: {  	_ =	shalt  }
0x84: {  	_ =	shalt  }
0x85: {  	_ =	shalt  }
0x86: {  	_ =	shalt  }
0x87: {  	_ =	shalt  }
.Lfunc_end0:
.L_simem_size_0:
called_computation.2_lowered:
.L_overlay_start_0:
0x88: {  	s2 =	sld [smem:$0x3FD9]  }
0x89: {  	s3 =	sld [smem:$0x3FFE];
	_ =	sdelay $0x1  }
0x8a: {  	s1 =	srdreg.scid  }
0x8b: {  	s0 =	sand.u32 $0x1, s1  }
0x8c: {  	s17 =	sshll.u32 s0, $0xA;
	s2 =	sadd.s32 s3, s2  }
0x8d: {  	s2 =	sadd.s32 s2, s17  }
0x8e: {  	[smem:$0x3FC0] =	sst s2  }
0x8f: {  	_ = 	snop  }
0x90: {  	s18 =	sld [smem:$0x3FD0];
	(tm) =	ssettm $0x1  }
0x91: {  	s19 =	sld [smem:$0x3FFB];
	_ =	sdelay $0x3  }
0x92: {  	_ =	strace s19  }
0x93: {  	s2 =	sld [smem:$0x3FFC];
	_ =	sdelay $0x3  }
0x94: {  	_ =	strace s2  }
0x95: {  	s2 =	sld [smem:$0x3FFD];
	_ =	sdelay $0x3  }
0x96: {  	_ =	strace s2  }
0x97: {  	_ =	strace $0x8FFFFFFF  }
0x98: {  	s20 =	sld [smem:$0x3FDB];
	_ =	sdelay $0x1  }
0x99: {  	s4 =	simm.s32 $_scs_section_size  }
0x9a: {  	s5 =	simm.s32 $_size__tile_overlayer_lowered;
	s6 =	simm.s32 $_tile_overlayer_lowered  }
0x9b: {  	s7 =	simm.s32 $0x1BFF;
	s21 =	sshll.u32 s6, $0x1;
	s4 =	sadd.s32 s4, s20  }
0x9c: {  	s22 =	simm.s32 $0x0;
	s5 =	sshll.u32 s5, $0x1;
	s6 =	sadd.s32 s21, s4  }
0x9d: {  	[timem:s22], [sflag:s7] =	dma.local [hbm:s6], s5  }
0x9e: {  	_ =	swait.ge [sflag:s7], s5  }
0x9f: {  	s5 =	ssub.s32 $0x0, s5;
	[sflag:s7] =	ssyncset.done $0x0  }
0xa0: {  	[sflag:s7] =	ssyncadd.s32 s5;
	_ =	sdelay $0x1  }
0xa1: {  	s23 =	simm.s32 $0x1B8B  }
0xa2: {  	_ =	swait.ge [sflag:s23], $0x1  }
0xa3: {  	[sflag:s23] =	ssyncset.done $0x0  }
0xa4: {  	[sflag:s23] =	ssyncadd.s32 $0xFFFFFFFF  }
0xa5: {  	s5 =	sld [smem:$0x0]  }
0xa6: {  	s6 =	sand.u32 $0xFFFFFFFE, s1  }
0xa7: {  	p0 =	sne.s32 s1, s6  }
0xa8: {  	s6 =	sshll.u32 @p0 s6, $0xE  }
0xa9: {  	s6 =	sadd.s32 @p0 $0x11B8D, s6;
	s7 =	sshll.u32 @p0 s5, $0x11  }
0xaa: {  	s6 =	sor.u32 @p0 s7, s6  }
0xab: {  	[sflag:s6] =	ssyncadd.remote.s32 @p0 $0x1;
	_ =	sdelay $0x1  }
0xac: {  	s6 =	simm.s32 @p0 $0x1B8D  }
0xad: {  	_ =	swait.eq @p0 [sflag:s6], $0x1  }
0xae: {  	[sflag:s6] =	ssyncadd.s32 @p0 $0xFFFFFFFF  }
0xaf: {  	s7 =	sshll.u32 @!p0 s1, $0xE  }
0xb0: {  	s7 =	sor.u32 @!p0 $0x4000, s7;
	s6 =	simm.s32 @!p0 $0x1B8D  }
0xb1: {  	s5 =	sshll.u32 @!p0 s5, $0x11;
	s7 =	sadd.s32 @!p0 $0x11B8D, s7;
	_ =	swait.eq @!p0 [sflag:s6], $0x1  }
0xb2: {  	s5 =	sor.u32 @!p0 s5, s7;
	[sflag:s6] =	ssyncadd.s32 @!p0 $0xFFFFFFFF  }
0xb3: {  	s25 =	simm.s32 $0x1B8E;
	s24 =	sld [smem:$0x3FFE];
	[sflag:s5] =	ssyncadd.remote.s32 @!p0 $0x1  }
0xb4: {  	s26 =	simm.s32 $execute0_lowered;
	[smem:$0x3FD2] =	sst s25  }
0xb5: {  	s6 =	sshll.u32 s26, $0x1;
	_ =	strace $0x80000055;
	[dreg:$0x1] =	wrdreg $0xFFFFFFFF  }
0xb6: {  	s28 =	simm.s32 $_size_execute0_lowered;
	s4 =	sadd.s32 s4, s6;
	[dreg:$0x0] =	wrdreg $0x0  }
0xb7: {  	s6 =	sshll.u32 s28, $0x1;
	[dreg:$0x2] =	wrdreg s4  }
0xb8: {  	[dreg:$0x3] =	wrdreg s6  }
0xb9: {  	[dreg:$0x4] =	wrdreg $0xC0  }
0xba: {  	_ =	task [dreg:s22], $0x5FFFF  }
0xbb: {  	[dreg:$0x1] =	wrdreg $0xFFFFFFFF  }
0xbc: {  	[dreg:$0x0] =	wrdreg $0x60  }
0xbd: {  	[dreg:$0x2] =	wrdreg s24  }
0xbe: {  	[dreg:$0x3] =	wrdreg s18  }
0xbf: {  	[dreg:$0x4] =	wrdreg $0x0  }
0xc0: {  	[dreg:$0x5] =	wrdreg $0x9  }
0xc1: {  	_ =	task.clear_ibuf [dreg:s22], $0x6FFFF;
	_ =	strace $0x90000055  }
0xc2: {  	s29 =	simm.s32 $0x9;
	_ =	strace $0x80000057  }
0xc3: {  	_ =	swait.ge [sflag:s29], $0x1  }
0xc4: {  	[sflag:s29] =	ssyncadd.s32 $0xFFFFFFFF  }
0xc5: {  	_ =	strace $0x90000057  }
0xc6: {  	_ =	sfence  }
0xc7: {  	s30 =	sld [smem:$0x0];
	_ =	sdelay $0x2  }
0xc8: {  	s31 =	sshll.u32 s1, $0xD;
	s1 =	sshrl.u32 s1, $0x2  }
0xc9: {  	s4 =	sand.u32 $0x4000, s31;
	s1 =	sadd.s32 s1, s30  }
0xca: {  	s0 =	sor.u32 s4, s0;
	s1 =	sshll.u32 s1, $0x11  }
0xcb: {  	s0 =	sor.u32 s1, s0  }
0xcc: {  	s0 =	sadd.s32 $0x8F2B, s0  }
0xcd: {  	[sflag:s0] =	ssyncadd.remote.s32 $0x1  }
0xce: {  	_ =	sfence.sel $0xFFFF  }
0xcf: {  	[dreg:$0x0] =	wrdreg $0xFFFFFFFF;
	(pc) =	sbr.abs _section_cstart, $3  }
0xd0: {  	[dreg:$0x1] =	wrdreg $0xFFFFFFFF  }
0xd1: {  	_ =	task.clear_ibuf [dreg:s22], $0x2FFFF;
	_ =	strace $0x9FFFFFFF  }
0xd2: {  	(tm) =	ssettm $0x7FFFFFFF  }
0xd3: {  	_ =	shalt  }
tec
execute0_lowered:
.L_overlay_start_1:
0x0: {  	(tag) =	ssettag $0x1  }
0x1: {  	s7 =	rddreg [dreg:$0x0]  }
0x2: {  	s1 =	rddreg [dreg:$0x1]  }
0x3: {  	s3 =	rddreg [dreg:$0x2]  }
0x4: {  	s0 =	rddreg [dreg:$0x3];
	s4 =	simm.s32 $0x0  }
0x5: {  	s2 =	stileid.u32;
	s5 =	srdreg.scid;
	s15 =	simm.s32 $0x80  }
0x6: {  	s16 =	simm.s32 $0x16400;
	s17 =	simm.s32 $0x1A400;
	s18 =	simm.s32 $0x1  }
0x7: {  	s19 =	simm.s32 $0x2;
	s20 =	simm.s32 $0x3;
	s21 =	simm.s32 $0x4  }
0x8: {  	[smem:$0x7FF] =	sst s4;
	s22 =	smul.u32 $0x2780, s2;
	s23 =	sand.u32 $0x1, s5  }
0x9: {  	s5 =	sadd.s32 $0x1E3C00, s7;
	s6 =	sadd.s32 $0x2E00, s7;
	s11 =	smul.u32 $0x4F000, s2  }
0xa: {  	s30 =	smul.u32 $0xA0, s2;
	s31 =	sshll.u32 s2, $0x6;
	_ =	strace $0x80000056  }
0xb: {  	s8 =	smul.u32 $0x27800, s23;
	s10 =	ssub.s32 $0x2, s23;
	s26 =	ssub.s32 $0x0, s23  }
0xc: {  	p0 =	sne.s32 s23, $0x0;
	s9 =	sadd.s32 s22, s7;
	s28 =	sshrl.u32 s10, $0x1  }
0xd: {  	s29 =	sshrl.u32 s11, $0x2;
	s14 =	sand.u32 $0x78, s26;
	s12 =	sadd.s32 s8, s7  }
0xe: {  	s10 =	ssub.s32 s10, s28;
	s13 =	sadd.s32 s29, s3;
	s7 =	sadd.s32 $0xD600, s9  }
0xf: {  	s8 =	sor.u32 $0x1C05, s31;
	s9 =	sadd.s32 s30, s14;
	s14 =	simm.s32 $0x15000  }
0x10: {  	s24 =	sadd.s32 $0x2A8E00, s12;
	s10 =	smax.u32 s10, $0x1;
	s11 =	sshrl.u32 s13, $0x3  }
0x11: {  	s12 =	simm.s32 $0x5;
	s13 =	simm.s32 $0x13C00;
	s22 =	sadd.s32 s22, s24  }
.LBB2_1:
0x12: {  	[spmem:s11], [sflag:s8] =	dma.local [hbm:s7], $0x2780  }
0x13: {  	_ =	swait.ge [sflag:s12], $0x2780  }
0x14: {  	[sflag:s12] =	ssyncset.done $0x0  }
0x15: {  	[sflag:s12] =	ssyncadd.s32 $0xFFFFD880  }
0x16: {  	s23 =	simm.s32 $0x0;
	[bflag:$0x0] =	sbarrier.arrive $0xFFFF  }
.LBB2_2:
0x17: {  	s24 =	smul.u32 $0x28, s23;
	_ =	sdelay $0x1  }
0x18: {  	s24 =	sadd.s32 s24, s9  }
0x19: {  	s24 =	sshll.u32 s24, $0x4  }
0x1a: {  	s26 =	simm.s32 $0x0;
	s25 =	sadd.s32 s1, s24  }
0x1b: {  	[tilespmem:s13], [sflag:$0x5] =	stream.linear.gather [hbm4b:s25+s26], $0x1400, $0x38;
	[tilespmem:$0x1E400] =	vst v63  }
0x1c: {  	_ =	swait.ge [sflag:s12], $0x1400  }
0x1d: {  	[sflag:s12] =	ssyncset.done $0x0  }
0x1e: {  	s24 =	sadd.s32 s6, s24;
	[sflag:s12] =	ssyncadd.s32 $0xFFFFEC00  }
0x1f: {  	[tilespmem:s14], [sflag:$0x5] =	stream.linear.gather [hbm4b:s24+s26], $0x1400, $0x38;
	[tilespmem:$0x1E400] =	vst v63  }
0x20: {  	_ =	swait.ge [sflag:s12], $0x1400  }
0x21: {  	[sflag:s12] =	ssyncset.done $0x0  }
0x22: {  	s28 =	simm.s32 $0x13C00;
	[sflag:s12] =	ssyncadd.s32 $0xFFFFEC00  }
0x23: {  	[tilespmem:s16], [sflag:$0x1] =	stream.indirect.gather [hbm4b:s5+s15], $0x80, s28, s15, $0xb8;
	[tilespmem:$0x1E400] =	vst v63  }
0x24: {  	s29 =	simm.s32 $0x13C80  }
0x25: {  	[tilespmem:s17], [sflag:$0x2] =	stream.indirect.gather [hbm4b:s5+s15], $0x80, s29, s15, $0xb8;
	[tilespmem:$0x1E400] =	vst v63  }
0x26: {  	_ =	swait.ge [sflag:s18], $0x4000  }
0x27: {  	[sflag:s18] =	ssyncset.done $0x0  }
0x28: {  	s30 =	simm.s32 $0x15000;
	[sflag:s18] =	ssyncadd.s32 $0xFFFFC000  }
0x29: {  	[spmem:s3] =	stream.indirect.scatter.add.f32 [tilespmem:s16], [sflag:$0x3], $0x80, s30, s15, $0xb8;
	[tilespmem:$0x1E400] =	vst v63  }
0x2a: {  	_ =	swait.ge [sflag:s19], $0x4000  }
0x2b: {  	[sflag:s19] =	ssyncset.done $0x0  }
0x2c: {  	s31 =	simm.s32 $0x15080;
	[sflag:s19] =	ssyncadd.s32 $0xFFFFC000  }
0x2d: {  	[spmem:s3] =	stream.indirect.scatter.add.f32 [tilespmem:s17], [sflag:$0x4], $0x80, s31, s15, $0xb8;
	[tilespmem:$0x1E400] =	vst v63  }
0x2e: {  	_ =	swait.ge [sflag:s20], $0x4000  }
0x2f: {  	[sflag:s20] =	ssyncset.done $0x0  }
0x30: {  	[sflag:s20] =	ssyncadd.s32 $0xFFFFC000  }
0x31: {  	_ =	swait.ge [sflag:s21], $0x4000  }
0x32: {  	s25 =	simm.s32 $0x800;
	s24 =	simm.s32 $0x100;
	[sflag:s21] =	ssyncset.done $0x0  }
.LBB2_3:
0x33: {  	s26 =	sadd.s32 $0x13C00, s24  }
0x34: {  	[sflag:s21] =	ssyncadd.s32 $0xFFFFC000;
	s28 =	smov.u32 s25;
	s29 =	sadd.s32 $0x400, s25  }
0x35: {  	[tilespmem:s16], [sflag:$0x1] =	stream.indirect.gather [hbm4b:s5+s15], $0x80, s26, s15, $0xb8;
	[tilespmem:$0x1E400] =	vst v63  }
0x36: {  	p1 =	sne.s32 s25, $0x4C00;
	s25 =	sadd.s32 $0x13C80, s24  }
0x37: {  	[tilespmem:s17], [sflag:$0x2] =	stream.indirect.gather [hbm4b:s5+s15], $0x80, s25, s15, $0xb8;
	[tilespmem:$0x1E400] =	vst v63  }
0x38: {  	_ =	swait.ge [sflag:s18], $0x4000  }
0x39: {  	[sflag:s18] =	ssyncset.done $0x0  }
0x3a: {  	s25 =	sadd.s32 $0x15000, s24;
	[sflag:s18] =	ssyncadd.s32 $0xFFFFC000  }
0x3b: {  	[spmem:s3] =	stream.indirect.scatter.add.f32 [tilespmem:s16], [sflag:$0x3], $0x80, s25, s15, $0xb8;
	[tilespmem:$0x1E400] =	vst v63  }
0x3c: {  	_ =	swait.ge [sflag:s19], $0x4000  }
0x3d: {  	[sflag:s19] =	ssyncset.done $0x0  }
0x3e: {  	s24 =	sadd.s32 $0x15080, s24;
	[sflag:s19] =	ssyncadd.s32 $0xFFFFC000  }
0x3f: {  	[spmem:s3] =	stream.indirect.scatter.add.f32 [tilespmem:s17], [sflag:$0x4], $0x80, s24, s15, $0xb8;
	[tilespmem:$0x1E400] =	vst v63  }
.Ltmp0:
0x40: {  	_ =	swait.ge [sflag:s20], $0x4000;
	(pc) =	sbr.rel @p1 .LBB2_3-.Ltmp0, $4  }
0x41: {  	[sflag:s20] =	ssyncset.done $0x0  }
0x42: {  	[sflag:s20] =	ssyncadd.s32 $0xFFFFC000  }
0x43: {  	_ =	swait.ge [sflag:s21], $0x4000  }
0x44: {  	s25 =	smov.u32 s29;
	s24 =	sshra.s32 s28, $0x2;
	[sflag:s21] =	ssyncset.done $0x0  }
0x45: {  	s25 =	sadd.s32 $0x13C00, s24;
	[sflag:s21] =	ssyncadd.s32 $0xFFFFC000  }
0x46: {  	[tilespmem:s16], [sflag:$0x1] =	stream.indirect.gather [hbm4b:s5+s15], $0x80, s25, s15, $0xb8;
	[tilespmem:$0x1E400] =	vst v63  }
0x47: {  	s29 =	sadd.s32 $0x13C80, s24  }
0x48: {  	[tilespmem:s17], [sflag:$0x2] =	stream.indirect.gather [hbm4b:s5+s15], $0x80, s29, s15, $0xb8;
	[tilespmem:$0x1E400] =	vst v63  }
0x49: {  	_ =	swait.ge [sflag:s18], $0x4000  }
0x4a: {  	[sflag:s18] =	ssyncset.done $0x0  }
0x4b: {  	s30 =	sadd.s32 $0x15000, s24;
	[sflag:s18] =	ssyncadd.s32 $0xFFFFC000  }
0x4c: {  	[spmem:s3] =	stream.indirect.scatter.add.f32 [tilespmem:s16], [sflag:$0x3], $0x80, s30, s15, $0xb8;
	[tilespmem:$0x1E400] =	vst v63  }
0x4d: {  	_ =	swait.ge [sflag:s19], $0x4000  }
0x4e: {  	[sflag:s19] =	ssyncset.done $0x0  }
0x4f: {  	s31 =	sadd.s32 $0x15080, s24;
	p1 =	slt.u32 @!p0 s23, $0x2;
	[sflag:s19] =	ssyncadd.s32 $0xFFFFC000  }
0x50: {  	[spmem:s3] =	stream.indirect.scatter.add.f32 [tilespmem:s17], [sflag:$0x4], $0x80, s31, s15, $0xb8;
	[tilespmem:$0x1E400] =	vst v63  }
0x51: {  	p1 =	por p0, !p1;
	_ =	swait.ge [sflag:s20], $0x4000  }
.Ltmp1:
0x52: {  	[sflag:s20] =	ssyncset.done $0x0;
	(pc) =	sbr.rel @!p1 .LBB2_2-.Ltmp1, $4  }
0x53: {  	[sflag:s20] =	ssyncadd.s32 $0xFFFFC000  }
0x54: {  	_ =	swait.ge [sflag:s21], $0x4000  }
0x55: {  	[sflag:s21] =	ssyncset.done $0x0  }
0x56: {  	s23 =	sadd.s32 $0x1, s23;
	[sflag:s21] =	ssyncadd.s32 $0xFFFFC000  }
0x57: {  	s4 =	sadd.s32 $0x1, s4  }
0x58: {  	p1 =	sne.s32 s4, s10  }
.Ltmp2:
0x59: {  	[bflag:$0x0] =	sbarrier.arrive $0xFFFF;
	(pc) =	sbr.rel @p1 .LBB2_1-.Ltmp2, $4  }
0x5a: {  	[hbm:s22], [sflag:s8] =	dma.local [spmem:s11], $0x2780  }
0x5b: {  	_ =	swait.ge [sflag:s12], $0x2780  }
0x5c: {  	[sflag:s12] =	ssyncset.done $0x0  }
0x5d: {  	[sflag:s12] =	ssyncadd.s32 $0xFFFFD880  }
0x5e: {  	_ =	sfence.sel $0x180000  }
0x5f: {  	[bflag:$0x0] =	sbarrier.arrive $0xFFFF  }
0x60: {  	p0 =	sne.s32 s2, $0x0;
	_ =	strace $0x90000056  }
0x61: {  	s0 =	sadd.s32 @!p0 $0x100000, s0;
	[bflag:$0x2] =	sbarrier.arrive $0xFFFF  }
0x62: {  	[sflag:s0] =	ssyncadd.tile.s32 @!p0 $0x1;
	_ =	shalt  }
.Lfunc_end2:
_tile_overlayer_lowered:
.L_overlay_start_2:
0x63: {  	(tag) =	ssettag $0x2  }
0x64: {  	s0 =	rddreg [dreg:$0x0];
	s2 =	stileid.u32  }
0x65: {  	s1 =	rddreg [dreg:$0x1];
	p0 =	sne.s32 s2, $0x0  }
0x66: {  	s3 =	rddreg [dreg:$0x2];
	[bflag:$0x3] =	sbarrier.arrive $0xFFFF;
	s2 =	simm.s32 @!p0 $0x1C05  }
0x67: {  	[timem:s3], [sflag:s2] =	dma.local @!p0 [hbm:s0], s1  }
0x68: {  	s0 =	simm.s32 @!p0 $0x5  }
0x69: {  	_ =	swait.ge @!p0 [sflag:s0], s1  }
0x6a: {  	s1 =	ssub.s32 @!p0 $0x0, s1;
	[sflag:s0] =	ssyncset.done @!p0 $0x0  }
0x6b: {  	[sflag:s0] =	ssyncadd.s32 @!p0 s1  }
0x6c: {  	[bflag:$0x3] =	sbarrier.arrive $0xFFFF  }
0x6d: {  	_ =	shalt  }

// kernel: kernel.22.cloned.1.call-start
scs
__scs_entry_jumppad:
0x0: {  	(pc) =	sbr.rel $0x88, $3  }
0x1: {  	(tag) =	ssettag $0x0;
	lr =	simm.s32 $0x1  }
0x2: {  	[smem:$0x3F99] =	sst lr;
	_ =	strace $0xD0000000  }
0x3: {  	_ = 	snop  }
0x4: {  	_ = 	snop  }
0x5: {  	_ = 	snop  }
0x6: {  	_ = 	snop  }
0x7: {  	_ = 	snop  }
__scs_overlays_trampoline_lowered:
0x8: {  	[smem:$0x3FA8] =	sst s0  }
0x9: {  	[smem:$0x3FA9] =	sst s1  }
0xa: {  	[smem:$0x3FAA] =	sst s2  }
0xb: {  	[smem:$0x3FAB] =	sst s3  }
0xc: {  	[smem:$0x3FAC] =	sst s4  }
0xd: {  	[smem:$0x3FAD] =	sst s5  }
0xe: {  	[smem:$0x3FAE] =	sst s6  }
0xf: {  	[smem:$0x3FAF] =	sst s7  }
0x10: {  	[smem:$0x3FB0] =	sst s8  }
0x11: {  	[smem:$0x3FB1] =	sst s9;
	s0 =	simm.s32 @!p0 $0x0  }
0x12: {  	s1 =	sld [smem:$0x3F97];
	s0 =	simm.s32 @p0 $0x1  }
0x13: {  	[smem:$0x3FB2] =	sst s0;
	s0 =	simm.s32 @!p1 $0x0  }
0x14: {  	s2 =	sld [smem:$0x3F96];
	s0 =	simm.s32 @p1 $0x1  }
0x15: {  	[smem:$0x3FB3] =	sst s0;
	s0 =	simm.s32 @!p2 $0x0  }
0x16: {  	s3 =	sld [smem:$0x3FDB];
	s0 =	simm.s32 @p2 $0x1  }
0x17: {  	s4 =	simm.s32 $0x1BF5;
	[smem:$0x3FB5] =	sst s0  }
0x18: {  	s0 =	sld [smem:$0x3F98];
	_ =	swait.ge [sflag:s4], $0x0  }
0x19: {  	s7 =	sld [smem:$0x3F99]  }
0x1a: {  	s8 =	sadd.s32 $0xFFFFE003, lr  }
0x1b: {  	s9 =	sadd.s32 $0xFFFFFEF7, lr;
	s5 =	simm.s32 $0xFFFFFFFF;
	p2 =	slt.u32 s8, $0xFFFFF086  }
0x1c: {  	p1 =	slt.u32 s9, $0xF7A;
	s5 =	simm.s32 @!p2 $0x0  }
0x1d: {  	s5 =	simm.s32 @p1 $0x1;
	p0 =	seq.s32 s7, s2  }
0x1e: {  	s7 =	smul.u32 @!p0 $0xF7A, s2;
	p2 =	seq.s32 @!p0 s5, $0x0  }
0x1f: {  	s9 =	smul.u32 $0xF7A, s1;
	s8 =	simm.s32 @!p0 $0x1BF5;
	p2 =	por !p2, p0  }
0x20: {  	[sflag:s8] =	ssyncset.s32 @!p0 $0xFFFFF086;
	s6 =	sadd.s32 @!p0 s3, s7;
	s7 =	simm.s32 @!p0 $0x108  }
0x21: {  	s3 =	sadd.s32 s3, s9;
	s6 =	sadd.s32 @!p0 $0x88, s6;
	s7 =	simm.s32 @p2 $0x1082  }
0x22: {  	[simem:s7], [sflag:s8] =	dma.local @!p0 [hbm:s6], $0xF7A  }
0x23: {  	s9 =	sor.u32 $0xD0000000, s2;
	s6 =	simm.s32 $0x108;
	_ =	swait.ge @!p0 [sflag:s8], $0x0  }
0x24: {  	s3 =	sadd.s32 $0x88, s3;
	s6 =	simm.s32 @!p1 $0x1082;
	[sflag:s4] =	ssyncset.s32 $0xFFFFF086  }
0x25: {  	[simem:s6], [sflag:s4] =	dma.local [hbm:s3], $0xF7A  }
0x26: {  	[smem:$0x3F99] =	sst s1;
	(tag) =	ssettag s2;
	_ =	strace s9  }
0x27: {  	s1 =	sld [smem:$0x3FA9]  }
0x28: {  	s2 =	sld [smem:$0x3FAA]  }
0x29: {  	s4 =	sld [smem:$0x3FAC]  }
0x2a: {  	p0 =	seq.s32 s5, $0x0;
	s5 =	sld [smem:$0x3FAD]  }
0x2b: {  	s6 =	sld [smem:$0x3FAE]  }
0x2c: {  	s7 =	sld [smem:$0x3FAF]  }
0x2d: {  	s3 =	simm.s32 $0x108;
	s8 =	sld [smem:$0x3FB0]  }
0x2e: {  	s3 =	simm.s32 @!p0 $0x1082;
	s9 =	sld [smem:$0x3FB1]  }
0x2f: {  	lr =	sadd.s32 s0, s3;
	s0 =	sld [smem:$0x3FA8]  }
0x30: {  	s3 =	sld [smem:$0x3FAB]  }
0x31: {  	[smem:$0x3FB4] =	sst s10  }
0x32: {  	s10 =	sld [smem:$0x3FB2];
	_ =	sdelay $0x3  }
0x33: {  	p0 =	seq.s32 s10, $0x1;
	s10 =	sld [smem:$0x3FB4];
	_ =	sdelay $0x3  }
0x34: {  	[smem:$0x3FB4] =	sst s10  }
0x35: {  	s10 =	sld [smem:$0x3FB3];
	_ =	sdelay $0x3  }
0x36: {  	p1 =	seq.s32 s10, $0x1;
	s10 =	sld [smem:$0x3FB4];
	_ =	sdelay $0x3  }
0x37: {  	[smem:$0x3FB4] =	sst s10  }
0x38: {  	s10 =	sld [smem:$0x3FB5]  }
0x39: {  	_ = 	snop;
	(pc) =	sbr.ind lr, $3  }
0x3a: {  	_ = 	snop  }
0x3b: {  	_ = 	snop  }
0x3c: {  	p2 =	seq.s32 s10, $0x1;
	s10 =	sld [smem:$0x3FB4]  }
0x3d: {  	_ =	shalt  }
0x3e: {  	_ =	shalt  }
0x3f: {  	_ =	shalt  }
0x40: {  	_ =	shalt  }
0x41: {  	_ =	shalt  }
0x42: {  	_ =	shalt  }
0x43: {  	_ =	shalt  }
0x44: {  	_ =	shalt  }
0x45: {  	_ =	shalt  }
0x46: {  	_ =	shalt  }
0x47: {  	_ =	shalt  }
0x48: {  	_ =	shalt  }
0x49: {  	_ =	shalt  }
0x4a: {  	_ =	shalt  }
0x4b: {  	_ =	shalt  }
0x4c: {  	_ =	shalt  }
0x4d: {  	_ =	shalt  }
0x4e: {  	_ =	shalt  }
0x4f: {  	_ =	shalt  }
0x50: {  	_ =	shalt  }
0x51: {  	_ =	shalt  }
0x52: {  	_ =	shalt  }
0x53: {  	_ =	shalt  }
0x54: {  	_ =	shalt  }
0x55: {  	_ =	shalt  }
0x56: {  	_ =	shalt  }
0x57: {  	_ =	shalt  }
0x58: {  	_ =	shalt  }
0x59: {  	_ =	shalt  }
0x5a: {  	_ =	shalt  }
0x5b: {  	_ =	shalt  }
0x5c: {  	_ =	shalt  }
0x5d: {  	_ =	shalt  }
0x5e: {  	_ =	shalt  }
0x5f: {  	_ =	shalt  }
0x60: {  	_ =	shalt  }
0x61: {  	_ =	shalt  }
0x62: {  	_ =	shalt  }
0x63: {  	_ =	shalt  }
0x64: {  	_ =	shalt  }
0x65: {  	_ =	shalt  }
0x66: {  	_ =	shalt  }
0x67: {  	_ =	shalt  }
0x68: {  	_ =	shalt  }
0x69: {  	_ =	shalt  }
0x6a: {  	_ =	shalt  }
0x6b: {  	_ =	shalt  }
0x6c: {  	_ =	shalt  }
0x6d: {  	_ =	shalt  }
0x6e: {  	_ =	shalt  }
0x6f: {  	_ =	shalt  }
0x70: {  	_ =	shalt  }
0x71: {  	_ =	shalt  }
0x72: {  	_ =	shalt  }
0x73: {  	_ =	shalt  }
0x74: {  	_ =	shalt  }
0x75: {  	_ =	shalt  }
0x76: {  	_ =	shalt  }
0x77: {  	_ =	shalt  }
0x78: {  	_ =	shalt  }
0x79: {  	_ =	shalt  }
0x7a: {  	_ =	shalt  }
0x7b: {  	_ =	shalt  }
0x7c: {  	_ =	shalt  }
0x7d: {  	_ =	shalt  }
0x7e: {  	_ =	shalt  }
0x7f: {  	_ =	shalt  }
0x80: {  	_ =	shalt  }
0x81: {  	_ =	shalt  }
0x82: {  	_ =	shalt  }
0x83: {  	_ =	shalt  }
0x84: {  	_ =	shalt  }
0x85: {  	_ =	shalt  }
0x86: {  	_ =	shalt  }
0x87: {  	_ =	shalt  }
.Lfunc_end0:
.L_simem_size_0:
called_computation.3_lowered:
.L_overlay_start_0:
0x88: {  	s2 =	sld [smem:$0x3FD9]  }
0x89: {  	s3 =	sld [smem:$0x3FFE];
	_ =	sdelay $0x1  }
0x8a: {  	s1 =	srdreg.scid  }
0x8b: {  	s0 =	sand.u32 $0x1, s1  }
0x8c: {  	s17 =	sshll.u32 s0, $0xA;
	s2 =	sadd.s32 s3, s2  }
0x8d: {  	s2 =	sadd.s32 s2, s17  }
0x8e: {  	[smem:$0x3FC0] =	sst s2  }
0x8f: {  	_ = 	snop  }
0x90: {  	s18 =	sld [smem:$0x3FD0];
	(tm) =	ssettm $0x1  }
0x91: {  	s19 =	sld [smem:$0x3FFB];
	_ =	sdelay $0x3  }
0x92: {  	_ =	strace s19  }
0x93: {  	s2 =	sld [smem:$0x3FFC];
	_ =	sdelay $0x3  }
0x94: {  	_ =	strace s2  }
0x95: {  	s2 =	sld [smem:$0x3FFD];
	_ =	sdelay $0x3  }
0x96: {  	_ =	strace s2  }
0x97: {  	_ =	strace $0x8FFFFFFF  }
0x98: {  	s20 =	sld [smem:$0x3FDB];
	_ =	sdelay $0x1  }
0x99: {  	s4 =	simm.s32 $_scs_section_size  }
0x9a: {  	s5 =	simm.s32 $_size__tile_overlayer_lowered;
	s6 =	simm.s32 $_tile_overlayer_lowered  }
0x9b: {  	s7 =	simm.s32 $0x1BFF;
	s21 =	sshll.u32 s6, $0x1;
	s4 =	sadd.s32 s4, s20  }
0x9c: {  	s22 =	simm.s32 $0x0;
	s5 =	sshll.u32 s5, $0x1;
	s6 =	sadd.s32 s21, s4  }
0x9d: {  	[timem:s22], [sflag:s7] =	dma.local [hbm:s6], s5  }
0x9e: {  	_ =	swait.ge [sflag:s7], s5  }
0x9f: {  	s5 =	ssub.s32 $0x0, s5;
	[sflag:s7] =	ssyncset.done $0x0  }
0xa0: {  	[sflag:s7] =	ssyncadd.s32 s5;
	_ =	sdelay $0x1  }
0xa1: {  	s23 =	simm.s32 $0x1B8B  }
0xa2: {  	_ =	swait.ge [sflag:s23], $0x1  }
0xa3: {  	[sflag:s23] =	ssyncset.done $0x0  }
0xa4: {  	[sflag:s23] =	ssyncadd.s32 $0xFFFFFFFF  }
0xa5: {  	s5 =	sld [smem:$0x0]  }
0xa6: {  	s6 =	sand.u32 $0xFFFFFFFE, s1  }
0xa7: {  	p0 =	sne.s32 s1, s6  }
0xa8: {  	s6 =	sshll.u32 @p0 s6, $0xE  }
0xa9: {  	s6 =	sadd.s32 @p0 $0x11B8D, s6;
	s7 =	sshll.u32 @p0 s5, $0x11  }
0xaa: {  	s6 =	sor.u32 @p0 s7, s6  }
0xab: {  	[sflag:s6] =	ssyncadd.remote.s32 @p0 $0x1;
	_ =	sdelay $0x1  }
0xac: {  	s6 =	simm.s32 @p0 $0x1B8D  }
0xad: {  	_ =	swait.eq @p0 [sflag:s6], $0x1  }
0xae: {  	[sflag:s6] =	ssyncadd.s32 @p0 $0xFFFFFFFF  }
0xaf: {  	s7 =	sshll.u32 @!p0 s1, $0xE  }
0xb0: {  	s7 =	sor.u32 @!p0 $0x4000, s7;
	s6 =	simm.s32 @!p0 $0x1B8D  }
0xb1: {  	s5 =	sshll.u32 @!p0 s5, $0x11;
	s7 =	sadd.s32 @!p0 $0x11B8D, s7;
	_ =	swait.eq @!p0 [sflag:s6], $0x1  }
0xb2: {  	s5 =	sor.u32 @!p0 s5, s7;
	[sflag:s6] =	ssyncadd.s32 @!p0 $0xFFFFFFFF  }
0xb3: {  	s25 =	simm.s32 $0x1B8E;
	s24 =	sld [smem:$0x3FFE];
	[sflag:s5] =	ssyncadd.remote.s32 @!p0 $0x1  }
0xb4: {  	s26 =	simm.s32 $execute0_lowered;
	[smem:$0x3FD2] =	sst s25  }
0xb5: {  	s6 =	sshll.u32 s26, $0x1;
	_ =	strace $0x80000052;
	[dreg:$0x1] =	wrdreg $0xFFFFFFFF  }
0xb6: {  	s28 =	simm.s32 $_size_execute0_lowered;
	s4 =	sadd.s32 s4, s6;
	[dreg:$0x0] =	wrdreg $0x0  }
0xb7: {  	s6 =	sshll.u32 s28, $0x1;
	[dreg:$0x2] =	wrdreg s4  }
0xb8: {  	[dreg:$0x3] =	wrdreg s6  }
0xb9: {  	[dreg:$0x4] =	wrdreg $0xC0  }
0xba: {  	_ =	task [dreg:s22], $0x5FFFF  }
0xbb: {  	[dreg:$0x1] =	wrdreg $0xFFFFFFFF  }
0xbc: {  	[dreg:$0x0] =	wrdreg $0x60  }
0xbd: {  	[dreg:$0x2] =	wrdreg s24  }
0xbe: {  	[dreg:$0x3] =	wrdreg s18  }
0xbf: {  	[dreg:$0x4] =	wrdreg $0x0  }
0xc0: {  	[dreg:$0x5] =	wrdreg $0xA  }
0xc1: {  	_ =	task.clear_ibuf [dreg:s22], $0x6FFFF;
	_ =	strace $0x90000052  }
0xc2: {  	s29 =	simm.s32 $0xA;
	_ =	strace $0x80000054  }
0xc3: {  	_ =	swait.ge [sflag:s29], $0x1  }
0xc4: {  	[sflag:s29] =	ssyncadd.s32 $0xFFFFFFFF  }
0xc5: {  	_ =	strace $0x90000054  }
0xc6: {  	_ =	sfence  }
0xc7: {  	s30 =	sld [smem:$0x0];
	_ =	sdelay $0x2  }
0xc8: {  	s31 =	sshll.u32 s1, $0xD;
	s1 =	sshrl.u32 s1, $0x2  }
0xc9: {  	s4 =	sand.u32 $0x4000, s31;
	s1 =	sadd.s32 s1, s30  }
0xca: {  	s0 =	sor.u32 s4, s0;
	s1 =	sshll.u32 s1, $0x11  }
0xcb: {  	s0 =	sor.u32 s1, s0  }
0xcc: {  	s0 =	sadd.s32 $0x8F2B, s0  }
0xcd: {  	[sflag:s0] =	ssyncadd.remote.s32 $0x1  }
0xce: {  	_ =	sfence.sel $0xFFFF  }
0xcf: {  	[dreg:$0x0] =	wrdreg $0xFFFFFFFF;
	(pc) =	sbr.abs _section_cstart, $3  }
0xd0: {  	[dreg:$0x1] =	wrdreg $0xFFFFFFFF  }
0xd1: {  	_ =	task.clear_ibuf [dreg:s22], $0x2FFFF;
	_ =	strace $0x9FFFFFFF  }
0xd2: {  	(tm) =	ssettm $0x7FFFFFFF  }
0xd3: {  	_ =	shalt  }
tec
execute0_lowered:
.L_overlay_start_1:
0x0: {  	(tag) =	ssettag $0x1  }
0x1: {  	s7 =	rddreg [dreg:$0x0]  }
0x2: {  	s1 =	rddreg [dreg:$0x1]  }
0x3: {  	s3 =	rddreg [dreg:$0x2]  }
0x4: {  	s0 =	rddreg [dreg:$0x3];
	s4 =	simm.s32 $0x0  }
0x5: {  	s2 =	stileid.u32;
	s5 =	srdreg.scid;
	s15 =	simm.s32 $0x80  }
0x6: {  	s16 =	simm.s32 $0x16400;
	s17 =	simm.s32 $0x1A400;
	s18 =	simm.s32 $0x1  }
0x7: {  	s19 =	simm.s32 $0x2;
	s20 =	simm.s32 $0x3;
	s21 =	simm.s32 $0x4  }
0x8: {  	[smem:$0x7FF] =	sst s4;
	s22 =	smul.u32 $0x2780, s2;
	s23 =	sand.u32 $0x1, s5  }
0x9: {  	s5 =	sadd.s32 $0x83200, s7;
	s6 =	sadd.s32 $0x2E00, s7;
	s11 =	smul.u32 $0x4F000, s2  }
0xa: {  	s30 =	smul.u32 $0xA0, s2;
	s31 =	sshll.u32 s2, $0x6;
	_ =	strace $0x80000053  }
0xb: {  	s8 =	smul.u32 $0x27800, s23;
	s10 =	ssub.s32 $0x2, s23;
	s26 =	ssub.s32 $0x0, s23  }
0xc: {  	p0 =	sne.s32 s23, $0x0;
	s9 =	sadd.s32 s22, s7;
	s28 =	sshrl.u32 s10, $0x1  }
0xd: {  	s29 =	sshrl.u32 s11, $0x2;
	s14 =	sand.u32 $0x78, s26;
	s12 =	sadd.s32 s8, s7  }
0xe: {  	s10 =	ssub.s32 s10, s28;
	s13 =	sadd.s32 s29, s3;
	s7 =	sadd.s32 $0xD600, s9  }
0xf: {  	s8 =	sor.u32 $0x1C05, s31;
	s9 =	sadd.s32 s30, s14;
	s14 =	simm.s32 $0x15000  }
0x10: {  	s24 =	sadd.s32 $0x259E00, s12;
	s10 =	smax.u32 s10, $0x1;
	s11 =	sshrl.u32 s13, $0x3  }
0x11: {  	s12 =	simm.s32 $0x5;
	s13 =	simm.s32 $0x13C00;
	s22 =	sadd.s32 s22, s24  }
.LBB2_1:
0x12: {  	[spmem:s11], [sflag:s8] =	dma.local [hbm:s7], $0x2780  }
0x13: {  	_ =	swait.ge [sflag:s12], $0x2780  }
0x14: {  	[sflag:s12] =	ssyncset.done $0x0  }
0x15: {  	[sflag:s12] =	ssyncadd.s32 $0xFFFFD880  }
0x16: {  	s23 =	simm.s32 $0x0;
	[bflag:$0x0] =	sbarrier.arrive $0xFFFF  }
.LBB2_2:
0x17: {  	s24 =	smul.u32 $0x28, s23;
	_ =	sdelay $0x1  }
0x18: {  	s24 =	sadd.s32 s24, s9  }
0x19: {  	s24 =	sshll.u32 s24, $0x4  }
0x1a: {  	s26 =	simm.s32 $0x0;
	s25 =	sadd.s32 s1, s24  }
0x1b: {  	[tilespmem:s13], [sflag:$0x5] =	stream.linear.gather [hbm4b:s25+s26], $0x1400, $0x38;
	[tilespmem:$0x1E400] =	vst v63  }
0x1c: {  	_ =	swait.ge [sflag:s12], $0x1400  }
0x1d: {  	[sflag:s12] =	ssyncset.done $0x0  }
0x1e: {  	s24 =	sadd.s32 s6, s24;
	[sflag:s12] =	ssyncadd.s32 $0xFFFFEC00  }
0x1f: {  	[tilespmem:s14], [sflag:$0x5] =	stream.linear.gather [hbm4b:s24+s26], $0x1400, $0x38;
	[tilespmem:$0x1E400] =	vst v63  }
0x20: {  	_ =	swait.ge [sflag:s12], $0x1400  }
0x21: {  	[sflag:s12] =	ssyncset.done $0x0  }
0x22: {  	s28 =	simm.s32 $0x13C00;
	[sflag:s12] =	ssyncadd.s32 $0xFFFFEC00  }
0x23: {  	[tilespmem:s16], [sflag:$0x1] =	stream.indirect.gather [hbm4b:s5+s15], $0x80, s28, s15, $0xb8;
	[tilespmem:$0x1E400] =	vst v63  }
0x24: {  	s29 =	simm.s32 $0x13C80  }
0x25: {  	[tilespmem:s17], [sflag:$0x2] =	stream.indirect.gather [hbm4b:s5+s15], $0x80, s29, s15, $0xb8;
	[tilespmem:$0x1E400] =	vst v63  }
0x26: {  	_ =	swait.ge [sflag:s18], $0x4000  }
0x27: {  	[sflag:s18] =	ssyncset.done $0x0  }
0x28: {  	s30 =	simm.s32 $0x15000;
	[sflag:s18] =	ssyncadd.s32 $0xFFFFC000  }
0x29: {  	[spmem:s3] =	stream.indirect.scatter.add.f32 [tilespmem:s16], [sflag:$0x3], $0x80, s30, s15, $0xb8;
	[tilespmem:$0x1E400] =	vst v63  }
0x2a: {  	_ =	swait.ge [sflag:s19], $0x4000  }
0x2b: {  	[sflag:s19] =	ssyncset.done $0x0  }
0x2c: {  	s31 =	simm.s32 $0x15080;
	[sflag:s19] =	ssyncadd.s32 $0xFFFFC000  }
0x2d: {  	[spmem:s3] =	stream.indirect.scatter.add.f32 [tilespmem:s17], [sflag:$0x4], $0x80, s31, s15, $0xb8;
	[tilespmem:$0x1E400] =	vst v63  }
0x2e: {  	_ =	swait.ge [sflag:s20], $0x4000  }
0x2f: {  	[sflag:s20] =	ssyncset.done $0x0  }
0x30: {  	[sflag:s20] =	ssyncadd.s32 $0xFFFFC000  }
0x31: {  	_ =	swait.ge [sflag:s21], $0x4000  }
0x32: {  	s25 =	simm.s32 $0x800;
	s24 =	simm.s32 $0x100;
	[sflag:s21] =	ssyncset.done $0x0  }
.LBB2_3:
0x33: {  	s26 =	sadd.s32 $0x13C00, s24  }
0x34: {  	[sflag:s21] =	ssyncadd.s32 $0xFFFFC000;
	s28 =	smov.u32 s25;
	s29 =	sadd.s32 $0x400, s25  }
0x35: {  	[tilespmem:s16], [sflag:$0x1] =	stream.indirect.gather [hbm4b:s5+s15], $0x80, s26, s15, $0xb8;
	[tilespmem:$0x1E400] =	vst v63  }
0x36: {  	p1 =	sne.s32 s25, $0x4C00;
	s25 =	sadd.s32 $0x13C80, s24  }
0x37: {  	[tilespmem:s17], [sflag:$0x2] =	stream.indirect.gather [hbm4b:s5+s15], $0x80, s25, s15, $0xb8;
	[tilespmem:$0x1E400] =	vst v63  }
0x38: {  	_ =	swait.ge [sflag:s18], $0x4000  }
0x39: {  	[sflag:s18] =	ssyncset.done $0x0  }
0x3a: {  	s25 =	sadd.s32 $0x15000, s24;
	[sflag:s18] =	ssyncadd.s32 $0xFFFFC000  }
0x3b: {  	[spmem:s3] =	stream.indirect.scatter.add.f32 [tilespmem:s16], [sflag:$0x3], $0x80, s25, s15, $0xb8;
	[tilespmem:$0x1E400] =	vst v63  }
0x3c: {  	_ =	swait.ge [sflag:s19], $0x4000  }
0x3d: {  	[sflag:s19] =	ssyncset.done $0x0  }
0x3e: {  	s24 =	sadd.s32 $0x15080, s24;
	[sflag:s19] =	ssyncadd.s32 $0xFFFFC000  }
0x3f: {  	[spmem:s3] =	stream.indirect.scatter.add.f32 [tilespmem:s17], [sflag:$0x4], $0x80, s24, s15, $0xb8;
	[tilespmem:$0x1E400] =	vst v63  }
.Ltmp0:
0x40: {  	_ =	swait.ge [sflag:s20], $0x4000;
	(pc) =	sbr.rel @p1 .LBB2_3-.Ltmp0, $4  }
0x41: {  	[sflag:s20] =	ssyncset.done $0x0  }
0x42: {  	[sflag:s20] =	ssyncadd.s32 $0xFFFFC000  }
0x43: {  	_ =	swait.ge [sflag:s21], $0x4000  }
0x44: {  	s25 =	smov.u32 s29;
	s24 =	sshra.s32 s28, $0x2;
	[sflag:s21] =	ssyncset.done $0x0  }
0x45: {  	s25 =	sadd.s32 $0x13C00, s24;
	[sflag:s21] =	ssyncadd.s32 $0xFFFFC000  }
0x46: {  	[tilespmem:s16], [sflag:$0x1] =	stream.indirect.gather [hbm4b:s5+s15], $0x80, s25, s15, $0xb8;
	[tilespmem:$0x1E400] =	vst v63  }
0x47: {  	s29 =	sadd.s32 $0x13C80, s24  }
0x48: {  	[tilespmem:s17], [sflag:$0x2] =	stream.indirect.gather [hbm4b:s5+s15], $0x80, s29, s15, $0xb8;
	[tilespmem:$0x1E400] =	vst v63  }
0x49: {  	_ =	swait.ge [sflag:s18], $0x4000  }
0x4a: {  	[sflag:s18] =	ssyncset.done $0x0  }
0x4b: {  	s30 =	sadd.s32 $0x15000, s24;
	[sflag:s18] =	ssyncadd.s32 $0xFFFFC000  }
0x4c: {  	[spmem:s3] =	stream.indirect.scatter.add.f32 [tilespmem:s16], [sflag:$0x3], $0x80, s30, s15, $0xb8;
	[tilespmem:$0x1E400] =	vst v63  }
0x4d: {  	_ =	swait.ge [sflag:s19], $0x4000  }
0x4e: {  	[sflag:s19] =	ssyncset.done $0x0  }
0x4f: {  	s31 =	sadd.s32 $0x15080, s24;
	p1 =	slt.u32 @!p0 s23, $0x2;
	[sflag:s19] =	ssyncadd.s32 $0xFFFFC000  }
0x50: {  	[spmem:s3] =	stream.indirect.scatter.add.f32 [tilespmem:s17], [sflag:$0x4], $0x80, s31, s15, $0xb8;
	[tilespmem:$0x1E400] =	vst v63  }
0x51: {  	p1 =	por p0, !p1;
	_ =	swait.ge [sflag:s20], $0x4000  }
.Ltmp1:
0x52: {  	[sflag:s20] =	ssyncset.done $0x0;
	(pc) =	sbr.rel @!p1 .LBB2_2-.Ltmp1, $4  }
0x53: {  	[sflag:s20] =	ssyncadd.s32 $0xFFFFC000  }
0x54: {  	_ =	swait.ge [sflag:s21], $0x4000  }
0x55: {  	[sflag:s21] =	ssyncset.done $0x0  }
0x56: {  	s23 =	sadd.s32 $0x1, s23;
	[sflag:s21] =	ssyncadd.s32 $0xFFFFC000  }
0x57: {  	s4 =	sadd.s32 $0x1, s4  }
0x58: {  	p1 =	sne.s32 s4, s10  }
.Ltmp2:
0x59: {  	[bflag:$0x0] =	sbarrier.arrive $0xFFFF;
	(pc) =	sbr.rel @p1 .LBB2_1-.Ltmp2, $4  }
0x5a: {  	[hbm:s22], [sflag:s8] =	dma.local [spmem:s11], $0x2780  }
0x5b: {  	_ =	swait.ge [sflag:s12], $0x2780  }
0x5c: {  	[sflag:s12] =	ssyncset.done $0x0  }
0x5d: {  	[sflag:s12] =	ssyncadd.s32 $0xFFFFD880  }
0x5e: {  	_ =	sfence.sel $0x180000  }
0x5f: {  	[bflag:$0x0] =	sbarrier.arrive $0xFFFF  }
0x60: {  	p0 =	sne.s32 s2, $0x0;
	_ =	strace $0x90000053  }
0x61: {  	s0 =	sadd.s32 @!p0 $0x100000, s0;
	[bflag:$0x2] =	sbarrier.arrive $0xFFFF  }
0x62: {  	[sflag:s0] =	ssyncadd.tile.s32 @!p0 $0x1;
	_ =	shalt  }
.Lfunc_end2:
_tile_overlayer_lowered:
.L_overlay_start_2:
0x63: {  	(tag) =	ssettag $0x2  }
0x64: {  	s0 =	rddreg [dreg:$0x0];
	s2 =	stileid.u32  }
0x65: {  	s1 =	rddreg [dreg:$0x1];
	p0 =	sne.s32 s2, $0x0  }
0x66: {  	s3 =	rddreg [dreg:$0x2];
	[bflag:$0x3] =	sbarrier.arrive $0xFFFF;
	s2 =	simm.s32 @!p0 $0x1C05  }
0x67: {  	[timem:s3], [sflag:s2] =	dma.local @!p0 [hbm:s0], s1  }
0x68: {  	s0 =	simm.s32 @!p0 $0x5  }
0x69: {  	_ =	swait.ge @!p0 [sflag:s0], s1  }
0x6a: {  	s1 =	ssub.s32 @!p0 $0x0, s1;
	[sflag:s0] =	ssyncset.done @!p0 $0x0  }
0x6b: {  	[sflag:s0] =	ssyncadd.s32 @!p0 s1  }
0x6c: {  	[bflag:$0x3] =	sbarrier.arrive $0xFFFF  }
0x6d: {  	_ =	shalt  }

// kernel: kernel.25.cloned.1.call-start
scs
__scs_entry_jumppad:
0x0: {  	(pc) =	sbr.rel $0x88, $3  }
0x1: {  	(tag) =	ssettag $0x0;
	lr =	simm.s32 $0x1  }
0x2: {  	[smem:$0x3F99] =	sst lr;
	_ =	strace $0xD0000000  }
0x3: {  	_ = 	snop  }
0x4: {  	_ = 	snop  }
0x5: {  	_ = 	snop  }
0x6: {  	_ = 	snop  }
0x7: {  	_ = 	snop  }
__scs_overlays_trampoline_lowered:
0x8: {  	[smem:$0x3FA8] =	sst s0  }
0x9: {  	[smem:$0x3FA9] =	sst s1  }
0xa: {  	[smem:$0x3FAA] =	sst s2  }
0xb: {  	[smem:$0x3FAB] =	sst s3  }
0xc: {  	[smem:$0x3FAC] =	sst s4  }
0xd: {  	[smem:$0x3FAD] =	sst s5  }
0xe: {  	[smem:$0x3FAE] =	sst s6  }
0xf: {  	[smem:$0x3FAF] =	sst s7  }
0x10: {  	[smem:$0x3FB0] =	sst s8  }
0x11: {  	[smem:$0x3FB1] =	sst s9;
	s0 =	simm.s32 @!p0 $0x0  }
0x12: {  	s1 =	sld [smem:$0x3F97];
	s0 =	simm.s32 @p0 $0x1  }
0x13: {  	[smem:$0x3FB2] =	sst s0;
	s0 =	simm.s32 @!p1 $0x0  }
0x14: {  	s2 =	sld [smem:$0x3F96];
	s0 =	simm.s32 @p1 $0x1  }
0x15: {  	[smem:$0x3FB3] =	sst s0;
	s0 =	simm.s32 @!p2 $0x0  }
0x16: {  	s3 =	sld [smem:$0x3FDB];
	s0 =	simm.s32 @p2 $0x1  }
0x17: {  	s4 =	simm.s32 $0x1BF5;
	[smem:$0x3FB5] =	sst s0  }
0x18: {  	s0 =	sld [smem:$0x3F98];
	_ =	swait.ge [sflag:s4], $0x0  }
0x19: {  	s7 =	sld [smem:$0x3F99]  }
0x1a: {  	s8 =	sadd.s32 $0xFFFFE003, lr  }
0x1b: {  	s9 =	sadd.s32 $0xFFFFFEF7, lr;
	s5 =	simm.s32 $0xFFFFFFFF;
	p2 =	slt.u32 s8, $0xFFFFF086  }
0x1c: {  	p1 =	slt.u32 s9, $0xF7A;
	s5 =	simm.s32 @!p2 $0x0  }
0x1d: {  	s5 =	simm.s32 @p1 $0x1;
	p0 =	seq.s32 s7, s2  }
0x1e: {  	s7 =	smul.u32 @!p0 $0xF7A, s2;
	p2 =	seq.s32 @!p0 s5, $0x0  }
0x1f: {  	s9 =	smul.u32 $0xF7A, s1;
	s8 =	simm.s32 @!p0 $0x1BF5;
	p2 =	por !p2, p0  }
0x20: {  	[sflag:s8] =	ssyncset.s32 @!p0 $0xFFFFF086;
	s6 =	sadd.s32 @!p0 s3, s7;
	s7 =	simm.s32 @!p0 $0x108  }
0x21: {  	s3 =	sadd.s32 s3, s9;
	s6 =	sadd.s32 @!p0 $0x88, s6;
	s7 =	simm.s32 @p2 $0x1082  }
0x22: {  	[simem:s7], [sflag:s8] =	dma.local @!p0 [hbm:s6], $0xF7A  }
0x23: {  	s9 =	sor.u32 $0xD0000000, s2;
	s6 =	simm.s32 $0x108;
	_ =	swait.ge @!p0 [sflag:s8], $0x0  }
0x24: {  	s3 =	sadd.s32 $0x88, s3;
	s6 =	simm.s32 @!p1 $0x1082;
	[sflag:s4] =	ssyncset.s32 $0xFFFFF086  }
0x25: {  	[simem:s6], [sflag:s4] =	dma.local [hbm:s3], $0xF7A  }
0x26: {  	[smem:$0x3F99] =	sst s1;
	(tag) =	ssettag s2;
	_ =	strace s9  }
0x27: {  	s1 =	sld [smem:$0x3FA9]  }
0x28: {  	s2 =	sld [smem:$0x3FAA]  }
0x29: {  	s4 =	sld [smem:$0x3FAC]  }
0x2a: {  	p0 =	seq.s32 s5, $0x0;
	s5 =	sld [smem:$0x3FAD]  }
0x2b: {  	s6 =	sld [smem:$0x3FAE]  }
0x2c: {  	s7 =	sld [smem:$0x3FAF]  }
0x2d: {  	s3 =	simm.s32 $0x108;
	s8 =	sld [smem:$0x3FB0]  }
0x2e: {  	s3 =	simm.s32 @!p0 $0x1082;
	s9 =	sld [smem:$0x3FB1]  }
0x2f: {  	lr =	sadd.s32 s0, s3;
	s0 =	sld [smem:$0x3FA8]  }
0x30: {  	s3 =	sld [smem:$0x3FAB]  }
0x31: {  	[smem:$0x3FB4] =	sst s10  }
0x32: {  	s10 =	sld [smem:$0x3FB2];
	_ =	sdelay $0x3  }
0x33: {  	p0 =	seq.s32 s10, $0x1;
	s10 =	sld [smem:$0x3FB4];
	_ =	sdelay $0x3  }
0x34: {  	[smem:$0x3FB4] =	sst s10  }
0x35: {  	s10 =	sld [smem:$0x3FB3];
	_ =	sdelay $0x3  }
0x36: {  	p1 =	seq.s32 s10, $0x1;
	s10 =	sld [smem:$0x3FB4];
	_ =	sdelay $0x3  }
0x37: {  	[smem:$0x3FB4] =	sst s10  }
0x38: {  	s10 =	sld [smem:$0x3FB5]  }
0x39: {  	_ = 	snop;
	(pc) =	sbr.ind lr, $3  }
0x3a: {  	_ = 	snop  }
0x3b: {  	_ = 	snop  }
0x3c: {  	p2 =	seq.s32 s10, $0x1;
	s10 =	sld [smem:$0x3FB4]  }
0x3d: {  	_ =	shalt  }
0x3e: {  	_ =	shalt  }
0x3f: {  	_ =	shalt  }
0x40: {  	_ =	shalt  }
0x41: {  	_ =	shalt  }
0x42: {  	_ =	shalt  }
0x43: {  	_ =	shalt  }
0x44: {  	_ =	shalt  }
0x45: {  	_ =	shalt  }
0x46: {  	_ =	shalt  }
0x47: {  	_ =	shalt  }
0x48: {  	_ =	shalt  }
0x49: {  	_ =	shalt  }
0x4a: {  	_ =	shalt  }
0x4b: {  	_ =	shalt  }
0x4c: {  	_ =	shalt  }
0x4d: {  	_ =	shalt  }
0x4e: {  	_ =	shalt  }
0x4f: {  	_ =	shalt  }
0x50: {  	_ =	shalt  }
0x51: {  	_ =	shalt  }
0x52: {  	_ =	shalt  }
0x53: {  	_ =	shalt  }
0x54: {  	_ =	shalt  }
0x55: {  	_ =	shalt  }
0x56: {  	_ =	shalt  }
0x57: {  	_ =	shalt  }
0x58: {  	_ =	shalt  }
0x59: {  	_ =	shalt  }
0x5a: {  	_ =	shalt  }
0x5b: {  	_ =	shalt  }
0x5c: {  	_ =	shalt  }
0x5d: {  	_ =	shalt  }
0x5e: {  	_ =	shalt  }
0x5f: {  	_ =	shalt  }
0x60: {  	_ =	shalt  }
0x61: {  	_ =	shalt  }
0x62: {  	_ =	shalt  }
0x63: {  	_ =	shalt  }
0x64: {  	_ =	shalt  }
0x65: {  	_ =	shalt  }
0x66: {  	_ =	shalt  }
0x67: {  	_ =	shalt  }
0x68: {  	_ =	shalt  }
0x69: {  	_ =	shalt  }
0x6a: {  	_ =	shalt  }
0x6b: {  	_ =	shalt  }
0x6c: {  	_ =	shalt  }
0x6d: {  	_ =	shalt  }
0x6e: {  	_ =	shalt  }
0x6f: {  	_ =	shalt  }
0x70: {  	_ =	shalt  }
0x71: {  	_ =	shalt  }
0x72: {  	_ =	shalt  }
0x73: {  	_ =	shalt  }
0x74: {  	_ =	shalt  }
0x75: {  	_ =	shalt  }
0x76: {  	_ =	shalt  }
0x77: {  	_ =	shalt  }
0x78: {  	_ =	shalt  }
0x79: {  	_ =	shalt  }
0x7a: {  	_ =	shalt  }
0x7b: {  	_ =	shalt  }
0x7c: {  	_ =	shalt  }
0x7d: {  	_ =	shalt  }
0x7e: {  	_ =	shalt  }
0x7f: {  	_ =	shalt  }
0x80: {  	_ =	shalt  }
0x81: {  	_ =	shalt  }
0x82: {  	_ =	shalt  }
0x83: {  	_ =	shalt  }
0x84: {  	_ =	shalt  }
0x85: {  	_ =	shalt  }
0x86: {  	_ =	shalt  }
0x87: {  	_ =	shalt  }
.Lfunc_end0:
.L_simem_size_0:
called_computation.4_lowered:
.L_overlay_start_0:
0x88: {  	s2 =	sld [smem:$0x3FD9]  }
0x89: {  	s3 =	sld [smem:$0x3FFE];
	_ =	sdelay $0x1  }
0x8a: {  	s1 =	srdreg.scid  }
0x8b: {  	s0 =	sand.u32 $0x1, s1  }
0x8c: {  	s17 =	sshll.u32 s0, $0xA;
	s2 =	sadd.s32 s3, s2  }
0x8d: {  	s2 =	sadd.s32 s2, s17  }
0x8e: {  	[smem:$0x3FC0] =	sst s2  }
0x8f: {  	_ = 	snop  }
0x90: {  	s18 =	sld [smem:$0x3FD0];
	(tm) =	ssettm $0x1  }
0x91: {  	s19 =	sld [smem:$0x3FFB];
	_ =	sdelay $0x3  }
0x92: {  	_ =	strace s19  }
0x93: {  	s2 =	sld [smem:$0x3FFC];
	_ =	sdelay $0x3  }
0x94: {  	_ =	strace s2  }
0x95: {  	s2 =	sld [smem:$0x3FFD];
	_ =	sdelay $0x3  }
0x96: {  	_ =	strace s2  }
0x97: {  	_ =	strace $0x8FFFFFFF  }
0x98: {  	s20 =	sld [smem:$0x3FDB];
	_ =	sdelay $0x1  }
0x99: {  	s4 =	simm.s32 $_scs_section_size  }
0x9a: {  	s5 =	simm.s32 $_size__tile_overlayer_lowered;
	s6 =	simm.s32 $_tile_overlayer_lowered  }
0x9b: {  	s7 =	simm.s32 $0x1BFF;
	s21 =	sshll.u32 s6, $0x1;
	s4 =	sadd.s32 s4, s20  }
0x9c: {  	s22 =	simm.s32 $0x0;
	s5 =	sshll.u32 s5, $0x1;
	s6 =	sadd.s32 s21, s4  }
0x9d: {  	[timem:s22], [sflag:s7] =	dma.local [hbm:s6], s5  }
0x9e: {  	_ =	swait.ge [sflag:s7], s5  }
0x9f: {  	s5 =	ssub.s32 $0x0, s5;
	[sflag:s7] =	ssyncset.done $0x0  }
0xa0: {  	[sflag:s7] =	ssyncadd.s32 s5;
	_ =	sdelay $0x1  }
0xa1: {  	s23 =	simm.s32 $0x1B8B  }
0xa2: {  	_ =	swait.ge [sflag:s23], $0x1  }
0xa3: {  	[sflag:s23] =	ssyncset.done $0x0  }
0xa4: {  	[sflag:s23] =	ssyncadd.s32 $0xFFFFFFFF  }
0xa5: {  	s5 =	sld [smem:$0x0]  }
0xa6: {  	s6 =	sand.u32 $0xFFFFFFFE, s1  }
0xa7: {  	p0 =	sne.s32 s1, s6  }
0xa8: {  	s6 =	sshll.u32 @p0 s6, $0xE  }
0xa9: {  	s6 =	sadd.s32 @p0 $0x11B8D, s6;
	s7 =	sshll.u32 @p0 s5, $0x11  }
0xaa: {  	s6 =	sor.u32 @p0 s7, s6  }
0xab: {  	[sflag:s6] =	ssyncadd.remote.s32 @p0 $0x1;
	_ =	sdelay $0x1  }
0xac: {  	s6 =	simm.s32 @p0 $0x1B8D  }
0xad: {  	_ =	swait.eq @p0 [sflag:s6], $0x1  }
0xae: {  	[sflag:s6] =	ssyncadd.s32 @p0 $0xFFFFFFFF  }
0xaf: {  	s7 =	sshll.u32 @!p0 s1, $0xE  }
0xb0: {  	s7 =	sor.u32 @!p0 $0x4000, s7;
	s6 =	simm.s32 @!p0 $0x1B8D  }
0xb1: {  	s5 =	sshll.u32 @!p0 s5, $0x11;
	s7 =	sadd.s32 @!p0 $0x11B8D, s7;
	_ =	swait.eq @!p0 [sflag:s6], $0x1  }
0xb2: {  	s5 =	sor.u32 @!p0 s5, s7;
	[sflag:s6] =	ssyncadd.s32 @!p0 $0xFFFFFFFF  }
0xb3: {  	s25 =	simm.s32 $0x1B8E;
	s24 =	sld [smem:$0x3FFE];
	[sflag:s5] =	ssyncadd.remote.s32 @!p0 $0x1  }
0xb4: {  	s26 =	simm.s32 $execute0_lowered;
	[smem:$0x3FD2] =	sst s25  }
0xb5: {  	s6 =	sshll.u32 s26, $0x1;
	_ =	strace $0x8000004F;
	[dreg:$0x1] =	wrdreg $0xFFFFFFFF  }
0xb6: {  	s28 =	simm.s32 $_size_execute0_lowered;
	s4 =	sadd.s32 s4, s6;
	[dreg:$0x0] =	wrdreg $0x0  }
0xb7: {  	s6 =	sshll.u32 s28, $0x1;
	[dreg:$0x2] =	wrdreg s4  }
0xb8: {  	[dreg:$0x3] =	wrdreg s6  }
0xb9: {  	[dreg:$0x4] =	wrdreg $0xC0  }
0xba: {  	_ =	task [dreg:s22], $0x5FFFF  }
0xbb: {  	[dreg:$0x1] =	wrdreg $0xFFFFFFFF  }
0xbc: {  	[dreg:$0x0] =	wrdreg $0x60  }
0xbd: {  	[dreg:$0x2] =	wrdreg s24  }
0xbe: {  	[dreg:$0x3] =	wrdreg s18  }
0xbf: {  	[dreg:$0x4] =	wrdreg $0x0  }
0xc0: {  	[dreg:$0x5] =	wrdreg $0xB  }
0xc1: {  	_ =	task.clear_ibuf [dreg:s22], $0x6FFFF;
	_ =	strace $0x9000004F  }
0xc2: {  	s29 =	simm.s32 $0xB;
	_ =	strace $0x80000051  }
0xc3: {  	_ =	swait.ge [sflag:s29], $0x1  }
0xc4: {  	[sflag:s29] =	ssyncadd.s32 $0xFFFFFFFF  }
0xc5: {  	_ =	strace $0x90000051  }
0xc6: {  	_ =	sfence  }
0xc7: {  	s30 =	sld [smem:$0x0];
	_ =	sdelay $0x2  }
0xc8: {  	s31 =	sshll.u32 s1, $0xD;
	s1 =	sshrl.u32 s1, $0x2  }
0xc9: {  	s4 =	sand.u32 $0x4000, s31;
	s1 =	sadd.s32 s1, s30  }
0xca: {  	s0 =	sor.u32 s4, s0;
	s1 =	sshll.u32 s1, $0x11  }
0xcb: {  	s0 =	sor.u32 s1, s0  }
0xcc: {  	s0 =	sadd.s32 $0x8F2B, s0  }
0xcd: {  	[sflag:s0] =	ssyncadd.remote.s32 $0x1  }
0xce: {  	_ =	sfence.sel $0xFFFF  }
0xcf: {  	[dreg:$0x0] =	wrdreg $0xFFFFFFFF;
	(pc) =	sbr.abs _section_cstart, $3  }
0xd0: {  	[dreg:$0x1] =	wrdreg $0xFFFFFFFF  }
0xd1: {  	_ =	task.clear_ibuf [dreg:s22], $0x2FFFF;
	_ =	strace $0x9FFFFFFF  }
0xd2: {  	(tm) =	ssettm $0x7FFFFFFF  }
0xd3: {  	_ =	shalt  }
tec
execute0_lowered:
.L_overlay_start_1:
0x0: {  	(tag) =	ssettag $0x1  }
0x1: {  	s7 =	rddreg [dreg:$0x0]  }
0x2: {  	s1 =	rddreg [dreg:$0x1]  }
0x3: {  	s3 =	rddreg [dreg:$0x2]  }
0x4: {  	s0 =	rddreg [dreg:$0x3];
	s4 =	simm.s32 $0x0  }
0x5: {  	s2 =	stileid.u32;
	s5 =	srdreg.scid;
	s15 =	simm.s32 $0x80  }
0x6: {  	s16 =	simm.s32 $0x16400;
	s17 =	simm.s32 $0x1A400;
	s18 =	simm.s32 $0x1  }
0x7: {  	s19 =	simm.s32 $0x2;
	s20 =	simm.s32 $0x3;
	s21 =	simm.s32 $0x4  }
0x8: {  	[smem:$0x7FF] =	sst s4;
	s22 =	smul.u32 $0x2780, s2;
	s23 =	sand.u32 $0x1, s5  }
0x9: {  	s5 =	sadd.s32 $0x5C000, s7;
	s6 =	sadd.s32 $0x2E00, s7;
	s11 =	smul.u32 $0x4F000, s2  }
0xa: {  	s30 =	smul.u32 $0xA0, s2;
	s31 =	sshll.u32 s2, $0x6;
	_ =	strace $0x80000050  }
0xb: {  	s8 =	smul.u32 $0x27800, s23;
	s10 =	ssub.s32 $0x2, s23;
	s26 =	ssub.s32 $0x0, s23  }
0xc: {  	p0 =	sne.s32 s23, $0x0;
	s9 =	sadd.s32 s22, s7;
	s28 =	sshrl.u32 s10, $0x1  }
0xd: {  	s29 =	sshrl.u32 s11, $0x2;
	s14 =	sand.u32 $0x78, s26;
	s12 =	sadd.s32 s8, s7  }
0xe: {  	s10 =	ssub.s32 s10, s28;
	s13 =	sadd.s32 s29, s3;
	s7 =	sadd.s32 $0xD600, s9  }
0xf: {  	s8 =	sor.u32 $0x1C05, s31;
	s9 =	sadd.s32 s30, s14;
	s14 =	simm.s32 $0x15000  }
0x10: {  	s24 =	sadd.s32 $0x20AE00, s12;
	s10 =	smax.u32 s10, $0x1;
	s11 =	sshrl.u32 s13, $0x3  }
0x11: {  	s12 =	simm.s32 $0x5;
	s13 =	simm.s32 $0x13C00;
	s22 =	sadd.s32 s22, s24  }
.LBB2_1:
0x12: {  	[spmem:s11], [sflag:s8] =	dma.local [hbm:s7], $0x2780  }
0x13: {  	_ =	swait.ge [sflag:s12], $0x2780  }
0x14: {  	[sflag:s12] =	ssyncset.done $0x0  }
0x15: {  	[sflag:s12] =	ssyncadd.s32 $0xFFFFD880  }
0x16: {  	s23 =	simm.s32 $0x0;
	[bflag:$0x0] =	sbarrier.arrive $0xFFFF  }
.LBB2_2:
0x17: {  	s24 =	smul.u32 $0x28, s23;
	_ =	sdelay $0x1  }
0x18: {  	s24 =	sadd.s32 s24, s9  }
0x19: {  	s24 =	sshll.u32 s24, $0x4  }
0x1a: {  	s26 =	simm.s32 $0x0;
	s25 =	sadd.s32 s1, s24  }
0x1b: {  	[tilespmem:s13], [sflag:$0x5] =	stream.linear.gather [hbm4b:s25+s26], $0x1400, $0x38;
	[tilespmem:$0x1E400] =	vst v63  }
0x1c: {  	_ =	swait.ge [sflag:s12], $0x1400  }
0x1d: {  	[sflag:s12] =	ssyncset.done $0x0  }
0x1e: {  	s24 =	sadd.s32 s6, s24;
	[sflag:s12] =	ssyncadd.s32 $0xFFFFEC00  }
0x1f: {  	[tilespmem:s14], [sflag:$0x5] =	stream.linear.gather [hbm4b:s24+s26], $0x1400, $0x38;
	[tilespmem:$0x1E400] =	vst v63  }
0x20: {  	_ =	swait.ge [sflag:s12], $0x1400  }
0x21: {  	[sflag:s12] =	ssyncset.done $0x0  }
0x22: {  	s28 =	simm.s32 $0x13C00;
	[sflag:s12] =	ssyncadd.s32 $0xFFFFEC00  }
0x23: {  	[tilespmem:s16], [sflag:$0x1] =	stream.indirect.gather [hbm4b:s5+s15], $0x80, s28, s15, $0xb8;
	[tilespmem:$0x1E400] =	vst v63  }
0x24: {  	s29 =	simm.s32 $0x13C80  }
0x25: {  	[tilespmem:s17], [sflag:$0x2] =	stream.indirect.gather [hbm4b:s5+s15], $0x80, s29, s15, $0xb8;
	[tilespmem:$0x1E400] =	vst v63  }
0x26: {  	_ =	swait.ge [sflag:s18], $0x4000  }
0x27: {  	[sflag:s18] =	ssyncset.done $0x0  }
0x28: {  	s30 =	simm.s32 $0x15000;
	[sflag:s18] =	ssyncadd.s32 $0xFFFFC000  }
0x29: {  	[spmem:s3] =	stream.indirect.scatter.add.f32 [tilespmem:s16], [sflag:$0x3], $0x80, s30, s15, $0xb8;
	[tilespmem:$0x1E400] =	vst v63  }
0x2a: {  	_ =	swait.ge [sflag:s19], $0x4000  }
0x2b: {  	[sflag:s19] =	ssyncset.done $0x0  }
0x2c: {  	s31 =	simm.s32 $0x15080;
	[sflag:s19] =	ssyncadd.s32 $0xFFFFC000  }
0x2d: {  	[spmem:s3] =	stream.indirect.scatter.add.f32 [tilespmem:s17], [sflag:$0x4], $0x80, s31, s15, $0xb8;
	[tilespmem:$0x1E400] =	vst v63  }
0x2e: {  	_ =	swait.ge [sflag:s20], $0x4000  }
0x2f: {  	[sflag:s20] =	ssyncset.done $0x0  }
0x30: {  	[sflag:s20] =	ssyncadd.s32 $0xFFFFC000  }
0x31: {  	_ =	swait.ge [sflag:s21], $0x4000  }
0x32: {  	s25 =	simm.s32 $0x800;
	s24 =	simm.s32 $0x100;
	[sflag:s21] =	ssyncset.done $0x0  }
.LBB2_3:
0x33: {  	s26 =	sadd.s32 $0x13C00, s24  }
0x34: {  	[sflag:s21] =	ssyncadd.s32 $0xFFFFC000;
	s28 =	smov.u32 s25;
	s29 =	sadd.s32 $0x400, s25  }
0x35: {  	[tilespmem:s16], [sflag:$0x1] =	stream.indirect.gather [hbm4b:s5+s15], $0x80, s26, s15, $0xb8;
	[tilespmem:$0x1E400] =	vst v63  }
0x36: {  	p1 =	sne.s32 s25, $0x4C00;
	s25 =	sadd.s32 $0x13C80, s24  }
0x37: {  	[tilespmem:s17], [sflag:$0x2] =	stream.indirect.gather [hbm4b:s5+s15], $0x80, s25, s15, $0xb8;
	[tilespmem:$0x1E400] =	vst v63  }
0x38: {  	_ =	swait.ge [sflag:s18], $0x4000  }
0x39: {  	[sflag:s18] =	ssyncset.done $0x0  }
0x3a: {  	s25 =	sadd.s32 $0x15000, s24;
	[sflag:s18] =	ssyncadd.s32 $0xFFFFC000  }
0x3b: {  	[spmem:s3] =	stream.indirect.scatter.add.f32 [tilespmem:s16], [sflag:$0x3], $0x80, s25, s15, $0xb8;
	[tilespmem:$0x1E400] =	vst v63  }
0x3c: {  	_ =	swait.ge [sflag:s19], $0x4000  }
0x3d: {  	[sflag:s19] =	ssyncset.done $0x0  }
0x3e: {  	s24 =	sadd.s32 $0x15080, s24;
	[sflag:s19] =	ssyncadd.s32 $0xFFFFC000  }
0x3f: {  	[spmem:s3] =	stream.indirect.scatter.add.f32 [tilespmem:s17], [sflag:$0x4], $0x80, s24, s15, $0xb8;
	[tilespmem:$0x1E400] =	vst v63  }
.Ltmp0:
0x40: {  	_ =	swait.ge [sflag:s20], $0x4000;
	(pc) =	sbr.rel @p1 .LBB2_3-.Ltmp0, $4  }
0x41: {  	[sflag:s20] =	ssyncset.done $0x0  }
0x42: {  	[sflag:s20] =	ssyncadd.s32 $0xFFFFC000  }
0x43: {  	_ =	swait.ge [sflag:s21], $0x4000  }
0x44: {  	s25 =	smov.u32 s29;
	s24 =	sshra.s32 s28, $0x2;
	[sflag:s21] =	ssyncset.done $0x0  }
0x45: {  	s25 =	sadd.s32 $0x13C00, s24;
	[sflag:s21] =	ssyncadd.s32 $0xFFFFC000  }
0x46: {  	[tilespmem:s16], [sflag:$0x1] =	stream.indirect.gather [hbm4b:s5+s15], $0x80, s25, s15, $0xb8;
	[tilespmem:$0x1E400] =	vst v63  }
0x47: {  	s29 =	sadd.s32 $0x13C80, s24  }
0x48: {  	[tilespmem:s17], [sflag:$0x2] =	stream.indirect.gather [hbm4b:s5+s15], $0x80, s29, s15, $0xb8;
	[tilespmem:$0x1E400] =	vst v63  }
0x49: {  	_ =	swait.ge [sflag:s18], $0x4000  }
0x4a: {  	[sflag:s18] =	ssyncset.done $0x0  }
0x4b: {  	s30 =	sadd.s32 $0x15000, s24;
	[sflag:s18] =	ssyncadd.s32 $0xFFFFC000  }
0x4c: {  	[spmem:s3] =	stream.indirect.scatter.add.f32 [tilespmem:s16], [sflag:$0x3], $0x80, s30, s15, $0xb8;
	[tilespmem:$0x1E400] =	vst v63  }
0x4d: {  	_ =	swait.ge [sflag:s19], $0x4000  }
0x4e: {  	[sflag:s19] =	ssyncset.done $0x0  }
0x4f: {  	s31 =	sadd.s32 $0x15080, s24;
	p1 =	slt.u32 @!p0 s23, $0x2;
	[sflag:s19] =	ssyncadd.s32 $0xFFFFC000  }
0x50: {  	[spmem:s3] =	stream.indirect.scatter.add.f32 [tilespmem:s17], [sflag:$0x4], $0x80, s31, s15, $0xb8;
	[tilespmem:$0x1E400] =	vst v63  }
0x51: {  	p1 =	por p0, !p1;
	_ =	swait.ge [sflag:s20], $0x4000  }
.Ltmp1:
0x52: {  	[sflag:s20] =	ssyncset.done $0x0;
	(pc) =	sbr.rel @!p1 .LBB2_2-.Ltmp1, $4  }
0x53: {  	[sflag:s20] =	ssyncadd.s32 $0xFFFFC000  }
0x54: {  	_ =	swait.ge [sflag:s21], $0x4000  }
0x55: {  	[sflag:s21] =	ssyncset.done $0x0  }
0x56: {  	s23 =	sadd.s32 $0x1, s23;
	[sflag:s21] =	ssyncadd.s32 $0xFFFFC000  }
0x57: {  	s4 =	sadd.s32 $0x1, s4  }
0x58: {  	p1 =	sne.s32 s4, s10  }
.Ltmp2:
0x59: {  	[bflag:$0x0] =	sbarrier.arrive $0xFFFF;
	(pc) =	sbr.rel @p1 .LBB2_1-.Ltmp2, $4  }
0x5a: {  	[hbm:s22], [sflag:s8] =	dma.local [spmem:s11], $0x2780  }
0x5b: {  	_ =	swait.ge [sflag:s12], $0x2780  }
0x5c: {  	[sflag:s12] =	ssyncset.done $0x0  }
0x5d: {  	[sflag:s12] =	ssyncadd.s32 $0xFFFFD880  }
0x5e: {  	_ =	sfence.sel $0x180000  }
0x5f: {  	[bflag:$0x0] =	sbarrier.arrive $0xFFFF  }
0x60: {  	p0 =	sne.s32 s2, $0x0;
	_ =	strace $0x90000050  }
0x61: {  	s0 =	sadd.s32 @!p0 $0x100000, s0;
	[bflag:$0x2] =	sbarrier.arrive $0xFFFF  }
0x62: {  	[sflag:s0] =	ssyncadd.tile.s32 @!p0 $0x1;
	_ =	shalt  }
.Lfunc_end2:
_tile_overlayer_lowered:
.L_overlay_start_2:
0x63: {  	(tag) =	ssettag $0x2  }
0x64: {  	s0 =	rddreg [dreg:$0x0];
	s2 =	stileid.u32  }
0x65: {  	s1 =	rddreg [dreg:$0x1];
	p0 =	sne.s32 s2, $0x0  }
0x66: {  	s3 =	rddreg [dreg:$0x2];
	[bflag:$0x3] =	sbarrier.arrive $0xFFFF;
	s2 =	simm.s32 @!p0 $0x1C05  }
0x67: {  	[timem:s3], [sflag:s2] =	dma.local @!p0 [hbm:s0], s1  }
0x68: {  	s0 =	simm.s32 @!p0 $0x5  }
0x69: {  	_ =	swait.ge @!p0 [sflag:s0], s1  }
0x6a: {  	s1 =	ssub.s32 @!p0 $0x0, s1;
	[sflag:s0] =	ssyncset.done @!p0 $0x0  }
0x6b: {  	[sflag:s0] =	ssyncadd.s32 @!p0 s1  }
0x6c: {  	[bflag:$0x3] =	sbarrier.arrive $0xFFFF  }
0x6d: {  	_ =	shalt  }

// kernel: kernel.28.cloned.1.call-start
scs
__scs_entry_jumppad:
0x0: {  	(pc) =	sbr.rel $0x88, $3  }
0x1: {  	(tag) =	ssettag $0x0;
	lr =	simm.s32 $0x1  }
0x2: {  	[smem:$0x3F99] =	sst lr;
	_ =	strace $0xD0000000  }
0x3: {  	_ = 	snop  }
0x4: {  	_ = 	snop  }
0x5: {  	_ = 	snop  }
0x6: {  	_ = 	snop  }
0x7: {  	_ = 	snop  }
__scs_overlays_trampoline_lowered:
0x8: {  	[smem:$0x3FA8] =	sst s0  }
0x9: {  	[smem:$0x3FA9] =	sst s1  }
0xa: {  	[smem:$0x3FAA] =	sst s2  }
0xb: {  	[smem:$0x3FAB] =	sst s3  }
0xc: {  	[smem:$0x3FAC] =	sst s4  }
0xd: {  	[smem:$0x3FAD] =	sst s5  }
0xe: {  	[smem:$0x3FAE] =	sst s6  }
0xf: {  	[smem:$0x3FAF] =	sst s7  }
0x10: {  	[smem:$0x3FB0] =	sst s8  }
0x11: {  	[smem:$0x3FB1] =	sst s9;
	s0 =	simm.s32 @!p0 $0x0  }
0x12: {  	s1 =	sld [smem:$0x3F97];
	s0 =	simm.s32 @p0 $0x1  }
0x13: {  	[smem:$0x3FB2] =	sst s0;
	s0 =	simm.s32 @!p1 $0x0  }
0x14: {  	s2 =	sld [smem:$0x3F96];
	s0 =	simm.s32 @p1 $0x1  }
0x15: {  	[smem:$0x3FB3] =	sst s0;
	s0 =	simm.s32 @!p2 $0x0  }
0x16: {  	s3 =	sld [smem:$0x3FDB];
	s0 =	simm.s32 @p2 $0x1  }
0x17: {  	s4 =	simm.s32 $0x1BF5;
	[smem:$0x3FB5] =	sst s0  }
0x18: {  	s0 =	sld [smem:$0x3F98];
	_ =	swait.ge [sflag:s4], $0x0  }
0x19: {  	s7 =	sld [smem:$0x3F99]  }
0x1a: {  	s8 =	sadd.s32 $0xFFFFE003, lr  }
0x1b: {  	s9 =	sadd.s32 $0xFFFFFEF7, lr;
	s5 =	simm.s32 $0xFFFFFFFF;
	p2 =	slt.u32 s8, $0xFFFFF086  }
0x1c: {  	p1 =	slt.u32 s9, $0xF7A;
	s5 =	simm.s32 @!p2 $0x0  }
0x1d: {  	s5 =	simm.s32 @p1 $0x1;
	p0 =	seq.s32 s7, s2  }
0x1e: {  	s7 =	smul.u32 @!p0 $0xF7A, s2;
	p2 =	seq.s32 @!p0 s5, $0x0  }
0x1f: {  	s9 =	smul.u32 $0xF7A, s1;
	s8 =	simm.s32 @!p0 $0x1BF5;
	p2 =	por !p2, p0  }
0x20: {  	[sflag:s8] =	ssyncset.s32 @!p0 $0xFFFFF086;
	s6 =	sadd.s32 @!p0 s3, s7;
	s7 =	simm.s32 @!p0 $0x108  }
0x21: {  	s3 =	sadd.s32 s3, s9;
	s6 =	sadd.s32 @!p0 $0x88, s6;
	s7 =	simm.s32 @p2 $0x1082  }
0x22: {  	[simem:s7], [sflag:s8] =	dma.local @!p0 [hbm:s6], $0xF7A  }
0x23: {  	s9 =	sor.u32 $0xD0000000, s2;
	s6 =	simm.s32 $0x108;
	_ =	swait.ge @!p0 [sflag:s8], $0x0  }
0x24: {  	s3 =	sadd.s32 $0x88, s3;
	s6 =	simm.s32 @!p1 $0x1082;
	[sflag:s4] =	ssyncset.s32 $0xFFFFF086  }
0x25: {  	[simem:s6], [sflag:s4] =	dma.local [hbm:s3], $0xF7A  }
0x26: {  	[smem:$0x3F99] =	sst s1;
	(tag) =	ssettag s2;
	_ =	strace s9  }
0x27: {  	s1 =	sld [smem:$0x3FA9]  }
0x28: {  	s2 =	sld [smem:$0x3FAA]  }
0x29: {  	s4 =	sld [smem:$0x3FAC]  }
0x2a: {  	p0 =	seq.s32 s5, $0x0;
	s5 =	sld [smem:$0x3FAD]  }
0x2b: {  	s6 =	sld [smem:$0x3FAE]  }
0x2c: {  	s7 =	sld [smem:$0x3FAF]  }
0x2d: {  	s3 =	simm.s32 $0x108;
	s8 =	sld [smem:$0x3FB0]  }
0x2e: {  	s3 =	simm.s32 @!p0 $0x1082;
	s9 =	sld [smem:$0x3FB1]  }
0x2f: {  	lr =	sadd.s32 s0, s3;
	s0 =	sld [smem:$0x3FA8]  }
0x30: {  	s3 =	sld [smem:$0x3FAB]  }
0x31: {  	[smem:$0x3FB4] =	sst s10  }
0x32: {  	s10 =	sld [smem:$0x3FB2];
	_ =	sdelay $0x3  }
0x33: {  	p0 =	seq.s32 s10, $0x1;
	s10 =	sld [smem:$0x3FB4];
	_ =	sdelay $0x3  }
0x34: {  	[smem:$0x3FB4] =	sst s10  }
0x35: {  	s10 =	sld [smem:$0x3FB3];
	_ =	sdelay $0x3  }
0x36: {  	p1 =	seq.s32 s10, $0x1;
	s10 =	sld [smem:$0x3FB4];
	_ =	sdelay $0x3  }
0x37: {  	[smem:$0x3FB4] =	sst s10  }
0x38: {  	s10 =	sld [smem:$0x3FB5]  }
0x39: {  	_ = 	snop;
	(pc) =	sbr.ind lr, $3  }
0x3a: {  	_ = 	snop  }
0x3b: {  	_ = 	snop  }
0x3c: {  	p2 =	seq.s32 s10, $0x1;
	s10 =	sld [smem:$0x3FB4]  }
0x3d: {  	_ =	shalt  }
0x3e: {  	_ =	shalt  }
0x3f: {  	_ =	shalt  }
0x40: {  	_ =	shalt  }
0x41: {  	_ =	shalt  }
0x42: {  	_ =	shalt  }
0x43: {  	_ =	shalt  }
0x44: {  	_ =	shalt  }
0x45: {  	_ =	shalt  }
0x46: {  	_ =	shalt  }
0x47: {  	_ =	shalt  }
0x48: {  	_ =	shalt  }
0x49: {  	_ =	shalt  }
0x4a: {  	_ =	shalt  }
0x4b: {  	_ =	shalt  }
0x4c: {  	_ =	shalt  }
0x4d: {  	_ =	shalt  }
0x4e: {  	_ =	shalt  }
0x4f: {  	_ =	shalt  }
0x50: {  	_ =	shalt  }
0x51: {  	_ =	shalt  }
0x52: {  	_ =	shalt  }
0x53: {  	_ =	shalt  }
0x54: {  	_ =	shalt  }
0x55: {  	_ =	shalt  }
0x56: {  	_ =	shalt  }
0x57: {  	_ =	shalt  }
0x58: {  	_ =	shalt  }
0x59: {  	_ =	shalt  }
0x5a: {  	_ =	shalt  }
0x5b: {  	_ =	shalt  }
0x5c: {  	_ =	shalt  }
0x5d: {  	_ =	shalt  }
0x5e: {  	_ =	shalt  }
0x5f: {  	_ =	shalt  }
0x60: {  	_ =	shalt  }
0x61: {  	_ =	shalt  }
0x62: {  	_ =	shalt  }
0x63: {  	_ =	shalt  }
0x64: {  	_ =	shalt  }
0x65: {  	_ =	shalt  }
0x66: {  	_ =	shalt  }
0x67: {  	_ =	shalt  }
0x68: {  	_ =	shalt  }
0x69: {  	_ =	shalt  }
0x6a: {  	_ =	shalt  }
0x6b: {  	_ =	shalt  }
0x6c: {  	_ =	shalt  }
0x6d: {  	_ =	shalt  }
0x6e: {  	_ =	shalt  }
0x6f: {  	_ =	shalt  }
0x70: {  	_ =	shalt  }
0x71: {  	_ =	shalt  }
0x72: {  	_ =	shalt  }
0x73: {  	_ =	shalt  }
0x74: {  	_ =	shalt  }
0x75: {  	_ =	shalt  }
0x76: {  	_ =	shalt  }
0x77: {  	_ =	shalt  }
0x78: {  	_ =	shalt  }
0x79: {  	_ =	shalt  }
0x7a: {  	_ =	shalt  }
0x7b: {  	_ =	shalt  }
0x7c: {  	_ =	shalt  }
0x7d: {  	_ =	shalt  }
0x7e: {  	_ =	shalt  }
0x7f: {  	_ =	shalt  }
0x80: {  	_ =	shalt  }
0x81: {  	_ =	shalt  }
0x82: {  	_ =	shalt  }
0x83: {  	_ =	shalt  }
0x84: {  	_ =	shalt  }
0x85: {  	_ =	shalt  }
0x86: {  	_ =	shalt  }
0x87: {  	_ =	shalt  }
.Lfunc_end0:
.L_simem_size_0:
called_computation.5_lowered:
.L_overlay_start_0:
0x88: {  	s2 =	sld [smem:$0x3FD9]  }
0x89: {  	s3 =	sld [smem:$0x3FFE];
	_ =	sdelay $0x1  }
0x8a: {  	s1 =	srdreg.scid  }
0x8b: {  	s0 =	sand.u32 $0x1, s1  }
0x8c: {  	s17 =	sshll.u32 s0, $0xA;
	s2 =	sadd.s32 s3, s2  }
0x8d: {  	s2 =	sadd.s32 s2, s17  }
0x8e: {  	[smem:$0x3FC0] =	sst s2  }
0x8f: {  	_ = 	snop  }
0x90: {  	s2 =	sld [smem:$0x3FD0];
	(tm) =	ssettm $0x1  }
0x91: {  	s18 =	sld [smem:$0x3FFB];
	_ =	sdelay $0x3  }
0x92: {  	_ =	strace s18  }
0x93: {  	s3 =	sld [smem:$0x3FFC];
	_ =	sdelay $0x3  }
0x94: {  	_ =	strace s3  }
0x95: {  	s3 =	sld [smem:$0x3FFD];
	_ =	sdelay $0x3  }
0x96: {  	_ =	strace s3  }
0x97: {  	_ =	strace $0x8FFFFFFF  }
0x98: {  	s19 =	sld [smem:$0x3FDB];
	_ =	sdelay $0x1  }
0x99: {  	s4 =	simm.s32 $_scs_section_size  }
0x9a: {  	s5 =	simm.s32 $_size__tile_overlayer_lowered;
	s6 =	simm.s32 $_tile_overlayer_lowered  }
0x9b: {  	s22 =	simm.s32 $0x1BFF;
	s21 =	sshll.u32 s6, $0x1;
	s3 =	sadd.s32 s4, s19  }
0x9c: {  	s7 =	simm.s32 $0x0;
	s20 =	sshll.u32 s5, $0x1;
	s5 =	sadd.s32 s21, s3  }
0x9d: {  	[timem:s7], [sflag:s22] =	dma.local [hbm:s5], s20  }
0x9e: {  	_ =	swait.ge [sflag:s22], s20  }
0x9f: {  	s4 =	ssub.s32 $0x0, s20;
	[sflag:s22] =	ssyncset.done $0x0  }
0xa0: {  	[sflag:s22] =	ssyncadd.s32 s4;
	_ =	sdelay $0x1  }
0xa1: {  	s23 =	simm.s32 $0x1B8B  }
0xa2: {  	_ =	swait.ge [sflag:s23], $0x1  }
0xa3: {  	[sflag:s23] =	ssyncset.done $0x0  }
0xa4: {  	s25 =	simm.s32 $0x1B8E;
	s24 =	sld [smem:$0x3FFE];
	[sflag:s23] =	ssyncadd.s32 $0xFFFFFFFF  }
0xa5: {  	s26 =	simm.s32 $execute0_lowered;
	[smem:$0x3FD2] =	sst s25  }
0xa6: {  	s5 =	sshll.u32 s26, $0x1;
	_ =	strace $0x8000004C;
	[dreg:$0x1] =	wrdreg $0xFFFFFFFF  }
0xa7: {  	s28 =	simm.s32 $_size_execute0_lowered;
	s3 =	sadd.s32 s3, s5;
	[dreg:$0x0] =	wrdreg $0x0  }
0xa8: {  	s5 =	sshll.u32 s28, $0x1;
	[dreg:$0x2] =	wrdreg s3  }
0xa9: {  	[dreg:$0x3] =	wrdreg s5  }
0xaa: {  	[dreg:$0x4] =	wrdreg $0xC0  }
0xab: {  	_ =	task [dreg:s7], $0x5FFFF  }
0xac: {  	[dreg:$0x1] =	wrdreg $0xFFFFFFFF  }
0xad: {  	[dreg:$0x0] =	wrdreg $0x60  }
0xae: {  	[dreg:$0x2] =	wrdreg s24  }
0xaf: {  	[dreg:$0x3] =	wrdreg s2  }
0xb0: {  	[dreg:$0x4] =	wrdreg $0x0  }
0xb1: {  	[dreg:$0x5] =	wrdreg $0xC  }
0xb2: {  	_ =	task.clear_ibuf [dreg:s7], $0x6FFFF;
	_ =	strace $0x9000004C  }
0xb3: {  	s29 =	simm.s32 $0xC;
	_ =	strace $0x8000004E  }
0xb4: {  	_ =	swait.ge [sflag:s29], $0x1  }
0xb5: {  	[sflag:s29] =	ssyncadd.s32 $0xFFFFFFFF  }
0xb6: {  	_ =	strace $0x9000004E  }
0xb7: {  	_ =	sfence  }
0xb8: {  	s30 =	sld [smem:$0x0];
	_ =	sdelay $0x2  }
0xb9: {  	s31 =	sshll.u32 s1, $0xD;
	s1 =	sshrl.u32 s1, $0x2  }
0xba: {  	s3 =	sand.u32 $0x4000, s31;
	s1 =	sadd.s32 s1, s30  }
0xbb: {  	s0 =	sor.u32 s3, s0;
	s1 =	sshll.u32 s1, $0x11  }
0xbc: {  	s0 =	sor.u32 s1, s0  }
0xbd: {  	s0 =	sadd.s32 $0x8F2B, s0  }
0xbe: {  	[sflag:s0] =	ssyncadd.remote.s32 $0x1  }
0xbf: {  	_ =	sfence.sel $0xFFFF  }
0xc0: {  	[dreg:$0x0] =	wrdreg $0xFFFFFFFF;
	(pc) =	sbr.abs _section_cstart, $3  }
0xc1: {  	[dreg:$0x1] =	wrdreg $0xFFFFFFFF  }
0xc2: {  	_ =	task.clear_ibuf [dreg:s7], $0x2FFFF;
	_ =	strace $0x9FFFFFFF  }
0xc3: {  	(tm) =	ssettm $0x7FFFFFFF  }
tec
execute0_lowered:
.L_overlay_start_1:
0x0: {  	(tag) =	ssettag $0x1  }
0x1: {  	s7 =	rddreg [dreg:$0x0]  }
0x2: {  	s1 =	rddreg [dreg:$0x1]  }
0x3: {  	s3 =	rddreg [dreg:$0x2]  }
0x4: {  	s0 =	rddreg [dreg:$0x3];
	s4 =	simm.s32 $0x0  }
0x5: {  	s2 =	stileid.u32;
	s5 =	srdreg.scid;
	s15 =	simm.s32 $0x80  }
0x6: {  	s16 =	simm.s32 $0x16400;
	s17 =	simm.s32 $0x1A400;
	s18 =	simm.s32 $0x1  }
0x7: {  	s19 =	simm.s32 $0x2;
	s20 =	simm.s32 $0x3;
	s21 =	simm.s32 $0x4  }
0x8: {  	[smem:$0x7FF] =	sst s4;
	s22 =	smul.u32 $0x2780, s2;
	s23 =	sand.u32 $0x1, s5  }
0x9: {  	s5 =	sadd.s32 $0x34E00, s7;
	s6 =	sadd.s32 $0x2E00, s7;
	s11 =	smul.u32 $0x4F000, s2  }
0xa: {  	s30 =	smul.u32 $0xA0, s2;
	s31 =	sshll.u32 s2, $0x6;
	_ =	strace $0x8000004D  }
0xb: {  	s8 =	smul.u32 $0x27800, s23;
	s10 =	ssub.s32 $0x2, s23;
	s26 =	ssub.s32 $0x0, s23  }
0xc: {  	p0 =	sne.s32 s23, $0x0;
	s9 =	sadd.s32 s22, s7;
	s28 =	sshrl.u32 s10, $0x1  }
0xd: {  	s29 =	sshrl.u32 s11, $0x2;
	s14 =	sand.u32 $0x78, s26;
	s12 =	sadd.s32 s8, s7  }
0xe: {  	s10 =	ssub.s32 s10, s28;
	s13 =	sadd.s32 s29, s3;
	s7 =	sadd.s32 $0xD600, s9  }
0xf: {  	s8 =	sor.u32 $0x1C05, s31;
	s9 =	sadd.s32 s30, s14;
	s14 =	simm.s32 $0x15000  }
0x10: {  	s24 =	sadd.s32 $0x147400, s12;
	s10 =	smax.u32 s10, $0x1;
	s11 =	sshrl.u32 s13, $0x3  }
0x11: {  	s12 =	simm.s32 $0x5;
	s13 =	simm.s32 $0x13C00;
	s22 =	sadd.s32 s22, s24  }
.LBB2_1:
0x12: {  	[spmem:s11], [sflag:s8] =	dma.local [hbm:s7], $0x2780  }
0x13: {  	_ =	swait.ge [sflag:s12], $0x2780  }
0x14: {  	[sflag:s12] =	ssyncset.done $0x0  }
0x15: {  	[sflag:s12] =	ssyncadd.s32 $0xFFFFD880  }
0x16: {  	s23 =	simm.s32 $0x0;
	[bflag:$0x0] =	sbarrier.arrive $0xFFFF  }
.LBB2_2:
0x17: {  	s24 =	smul.u32 $0x28, s23;
	_ =	sdelay $0x1  }
0x18: {  	s24 =	sadd.s32 s24, s9  }
0x19: {  	s24 =	sshll.u32 s24, $0x4  }
0x1a: {  	s26 =	simm.s32 $0x0;
	s25 =	sadd.s32 s1, s24  }
0x1b: {  	[tilespmem:s13], [sflag:$0x5] =	stream.linear.gather [hbm4b:s25+s26], $0x1400, $0x38;
	[tilespmem:$0x1E400] =	vst v63  }
0x1c: {  	_ =	swait.ge [sflag:s12], $0x1400  }
0x1d: {  	[sflag:s12] =	ssyncset.done $0x0  }
0x1e: {  	s24 =	sadd.s32 s6, s24;
	[sflag:s12] =	ssyncadd.s32 $0xFFFFEC00  }
0x1f: {  	[tilespmem:s14], [sflag:$0x5] =	stream.linear.gather [hbm4b:s24+s26], $0x1400, $0x38;
	[tilespmem:$0x1E400] =	vst v63  }
0x20: {  	_ =	swait.ge [sflag:s12], $0x1400  }
0x21: {  	[sflag:s12] =	ssyncset.done $0x0  }
0x22: {  	s28 =	simm.s32 $0x13C00;
	[sflag:s12] =	ssyncadd.s32 $0xFFFFEC00  }
0x23: {  	[tilespmem:s16], [sflag:$0x1] =	stream.indirect.gather [hbm4b:s5+s15], $0x80, s28, s15, $0xb8;
	[tilespmem:$0x1E400] =	vst v63  }
0x24: {  	s29 =	simm.s32 $0x13C80  }
0x25: {  	[tilespmem:s17], [sflag:$0x2] =	stream.indirect.gather [hbm4b:s5+s15], $0x80, s29, s15, $0xb8;
	[tilespmem:$0x1E400] =	vst v63  }
0x26: {  	_ =	swait.ge [sflag:s18], $0x4000  }
0x27: {  	[sflag:s18] =	ssyncset.done $0x0  }
0x28: {  	s30 =	simm.s32 $0x15000;
	[sflag:s18] =	ssyncadd.s32 $0xFFFFC000  }
0x29: {  	[spmem:s3] =	stream.indirect.scatter.add.f32 [tilespmem:s16], [sflag:$0x3], $0x80, s30, s15, $0xb8;
	[tilespmem:$0x1E400] =	vst v63  }
0x2a: {  	_ =	swait.ge [sflag:s19], $0x4000  }
0x2b: {  	[sflag:s19] =	ssyncset.done $0x0  }
0x2c: {  	s31 =	simm.s32 $0x15080;
	[sflag:s19] =	ssyncadd.s32 $0xFFFFC000  }
0x2d: {  	[spmem:s3] =	stream.indirect.scatter.add.f32 [tilespmem:s17], [sflag:$0x4], $0x80, s31, s15, $0xb8;
	[tilespmem:$0x1E400] =	vst v63  }
0x2e: {  	_ =	swait.ge [sflag:s20], $0x4000  }
0x2f: {  	[sflag:s20] =	ssyncset.done $0x0  }
0x30: {  	[sflag:s20] =	ssyncadd.s32 $0xFFFFC000  }
0x31: {  	_ =	swait.ge [sflag:s21], $0x4000  }
0x32: {  	s25 =	simm.s32 $0x800;
	s24 =	simm.s32 $0x100;
	[sflag:s21] =	ssyncset.done $0x0  }
.LBB2_3:
0x33: {  	s26 =	sadd.s32 $0x13C00, s24  }
0x34: {  	[sflag:s21] =	ssyncadd.s32 $0xFFFFC000;
	s28 =	smov.u32 s25;
	s29 =	sadd.s32 $0x400, s25  }
0x35: {  	[tilespmem:s16], [sflag:$0x1] =	stream.indirect.gather [hbm4b:s5+s15], $0x80, s26, s15, $0xb8;
	[tilespmem:$0x1E400] =	vst v63  }
0x36: {  	p1 =	sne.s32 s25, $0x4C00;
	s25 =	sadd.s32 $0x13C80, s24  }
0x37: {  	[tilespmem:s17], [sflag:$0x2] =	stream.indirect.gather [hbm4b:s5+s15], $0x80, s25, s15, $0xb8;
	[tilespmem:$0x1E400] =	vst v63  }
0x38: {  	_ =	swait.ge [sflag:s18], $0x4000  }
0x39: {  	[sflag:s18] =	ssyncset.done $0x0  }
0x3a: {  	s25 =	sadd.s32 $0x15000, s24;
	[sflag:s18] =	ssyncadd.s32 $0xFFFFC000  }
0x3b: {  	[spmem:s3] =	stream.indirect.scatter.add.f32 [tilespmem:s16], [sflag:$0x3], $0x80, s25, s15, $0xb8;
	[tilespmem:$0x1E400] =	vst v63  }
0x3c: {  	_ =	swait.ge [sflag:s19], $0x4000  }
0x3d: {  	[sflag:s19] =	ssyncset.done $0x0  }
0x3e: {  	s24 =	sadd.s32 $0x15080, s24;
	[sflag:s19] =	ssyncadd.s32 $0xFFFFC000  }
0x3f: {  	[spmem:s3] =	stream.indirect.scatter.add.f32 [tilespmem:s17], [sflag:$0x4], $0x80, s24, s15, $0xb8;
	[tilespmem:$0x1E400] =	vst v63  }
.Ltmp0:
0x40: {  	_ =	swait.ge [sflag:s20], $0x4000;
	(pc) =	sbr.rel @p1 .LBB2_3-.Ltmp0, $4  }
0x41: {  	[sflag:s20] =	ssyncset.done $0x0  }
0x42: {  	[sflag:s20] =	ssyncadd.s32 $0xFFFFC000  }
0x43: {  	_ =	swait.ge [sflag:s21], $0x4000  }
0x44: {  	s25 =	smov.u32 s29;
	s24 =	sshra.s32 s28, $0x2;
	[sflag:s21] =	ssyncset.done $0x0  }
0x45: {  	s25 =	sadd.s32 $0x13C00, s24;
	[sflag:s21] =	ssyncadd.s32 $0xFFFFC000  }
0x46: {  	[tilespmem:s16], [sflag:$0x1] =	stream.indirect.gather [hbm4b:s5+s15], $0x80, s25, s15, $0xb8;
	[tilespmem:$0x1E400] =	vst v63  }
0x47: {  	s29 =	sadd.s32 $0x13C80, s24  }
0x48: {  	[tilespmem:s17], [sflag:$0x2] =	stream.indirect.gather [hbm4b:s5+s15], $0x80, s29, s15, $0xb8;
	[tilespmem:$0x1E400] =	vst v63  }
0x49: {  	_ =	swait.ge [sflag:s18], $0x4000  }
0x4a: {  	[sflag:s18] =	ssyncset.done $0x0  }
0x4b: {  	s30 =	sadd.s32 $0x15000, s24;
	[sflag:s18] =	ssyncadd.s32 $0xFFFFC000  }
0x4c: {  	[spmem:s3] =	stream.indirect.scatter.add.f32 [tilespmem:s16], [sflag:$0x3], $0x80, s30, s15, $0xb8;
	[tilespmem:$0x1E400] =	vst v63  }
0x4d: {  	_ =	swait.ge [sflag:s19], $0x4000  }
0x4e: {  	[sflag:s19] =	ssyncset.done $0x0  }
0x4f: {  	s31 =	sadd.s32 $0x15080, s24;
	p1 =	slt.u32 @!p0 s23, $0x2;
	[sflag:s19] =	ssyncadd.s32 $0xFFFFC000  }
0x50: {  	[spmem:s3] =	stream.indirect.scatter.add.f32 [tilespmem:s17], [sflag:$0x4], $0x80, s31, s15, $0xb8;
	[tilespmem:$0x1E400] =	vst v63  }
0x51: {  	p1 =	por p0, !p1;
	_ =	swait.ge [sflag:s20], $0x4000  }
.Ltmp1:
0x52: {  	[sflag:s20] =	ssyncset.done $0x0;
	(pc) =	sbr.rel @!p1 .LBB2_2-.Ltmp1, $4  }
0x53: {  	[sflag:s20] =	ssyncadd.s32 $0xFFFFC000  }
0x54: {  	_ =	swait.ge [sflag:s21], $0x4000  }
0x55: {  	[sflag:s21] =	ssyncset.done $0x0  }
0x56: {  	s23 =	sadd.s32 $0x1, s23;
	[sflag:s21] =	ssyncadd.s32 $0xFFFFC000  }
0x57: {  	s4 =	sadd.s32 $0x1, s4  }
0x58: {  	p1 =	sne.s32 s4, s10  }
.Ltmp2:
0x59: {  	[bflag:$0x0] =	sbarrier.arrive $0xFFFF;
	(pc) =	sbr.rel @p1 .LBB2_1-.Ltmp2, $4  }
0x5a: {  	[hbm:s22], [sflag:s8] =	dma.local [spmem:s11], $0x2780  }
0x5b: {  	_ =	swait.ge [sflag:s12], $0x2780  }
0x5c: {  	[sflag:s12] =	ssyncset.done $0x0  }
0x5d: {  	[sflag:s12] =	ssyncadd.s32 $0xFFFFD880  }
0x5e: {  	_ =	sfence.sel $0x180000  }
0x5f: {  	[bflag:$0x0] =	sbarrier.arrive $0xFFFF  }
0x60: {  	p0 =	sne.s32 s2, $0x0;
	_ =	strace $0x9000004D  }
0x61: {  	s0 =	sadd.s32 @!p0 $0x100000, s0;
	[bflag:$0x2] =	sbarrier.arrive $0xFFFF  }
0x62: {  	[sflag:s0] =	ssyncadd.tile.s32 @!p0 $0x1;
	_ =	shalt  }
.Lfunc_end2:
_tile_overlayer_lowered:
.L_overlay_start_2:
0x63: {  	(tag) =	ssettag $0x2  }
0x64: {  	s0 =	rddreg [dreg:$0x0];
	s2 =	stileid.u32  }
0x65: {  	s1 =	rddreg [dreg:$0x1];
	p0 =	sne.s32 s2, $0x0  }
0x66: {  	s3 =	rddreg [dreg:$0x2];
	[bflag:$0x3] =	sbarrier.arrive $0xFFFF;
	s2 =	simm.s32 @!p0 $0x1C05  }
0x67: {  	[timem:s3], [sflag:s2] =	dma.local @!p0 [hbm:s0], s1  }
0x68: {  	s0 =	simm.s32 @!p0 $0x5  }
0x69: {  	_ =	swait.ge @!p0 [sflag:s0], s1  }
0x6a: {  	s1 =	ssub.s32 @!p0 $0x0, s1;
	[sflag:s0] =	ssyncset.done @!p0 $0x0  }
0x6b: {  	[sflag:s0] =	ssyncadd.s32 @!p0 s1  }
0x6c: {  	[bflag:$0x3] =	sbarrier.arrive $0xFFFF  }
0x6d: {  	_ =	shalt  }

// kernel: kernel.31.cloned.1.call-start
scs
__scs_entry_jumppad:
0x0: {  	(pc) =	sbr.rel $0x88, $3  }
0x1: {  	(tag) =	ssettag $0x0;
	lr =	simm.s32 $0x1  }
0x2: {  	[smem:$0x3F99] =	sst lr;
	_ =	strace $0xD0000000  }
0x3: {  	_ = 	snop  }
0x4: {  	_ = 	snop  }
0x5: {  	_ = 	snop  }
0x6: {  	_ = 	snop  }
0x7: {  	_ = 	snop  }
__scs_overlays_trampoline_lowered:
0x8: {  	[smem:$0x3FA8] =	sst s0  }
0x9: {  	[smem:$0x3FA9] =	sst s1  }
0xa: {  	[smem:$0x3FAA] =	sst s2  }
0xb: {  	[smem:$0x3FAB] =	sst s3  }
0xc: {  	[smem:$0x3FAC] =	sst s4  }
0xd: {  	[smem:$0x3FAD] =	sst s5  }
0xe: {  	[smem:$0x3FAE] =	sst s6  }
0xf: {  	[smem:$0x3FAF] =	sst s7  }
0x10: {  	[smem:$0x3FB0] =	sst s8  }
0x11: {  	[smem:$0x3FB1] =	sst s9;
	s0 =	simm.s32 @!p0 $0x0  }
0x12: {  	s1 =	sld [smem:$0x3F97];
	s0 =	simm.s32 @p0 $0x1  }
0x13: {  	[smem:$0x3FB2] =	sst s0;
	s0 =	simm.s32 @!p1 $0x0  }
0x14: {  	s2 =	sld [smem:$0x3F96];
	s0 =	simm.s32 @p1 $0x1  }
0x15: {  	[smem:$0x3FB3] =	sst s0;
	s0 =	simm.s32 @!p2 $0x0  }
0x16: {  	s3 =	sld [smem:$0x3FDB];
	s0 =	simm.s32 @p2 $0x1  }
0x17: {  	s4 =	simm.s32 $0x1BF5;
	[smem:$0x3FB5] =	sst s0  }
0x18: {  	s0 =	sld [smem:$0x3F98];
	_ =	swait.ge [sflag:s4], $0x0  }
0x19: {  	s7 =	sld [smem:$0x3F99]  }
0x1a: {  	s8 =	sadd.s32 $0xFFFFE003, lr  }
0x1b: {  	s9 =	sadd.s32 $0xFFFFFEF7, lr;
	s5 =	simm.s32 $0xFFFFFFFF;
	p2 =	slt.u32 s8, $0xFFFFF086  }
0x1c: {  	p1 =	slt.u32 s9, $0xF7A;
	s5 =	simm.s32 @!p2 $0x0  }
0x1d: {  	s5 =	simm.s32 @p1 $0x1;
	p0 =	seq.s32 s7, s2  }
0x1e: {  	s7 =	smul.u32 @!p0 $0xF7A, s2;
	p2 =	seq.s32 @!p0 s5, $0x0  }
0x1f: {  	s9 =	smul.u32 $0xF7A, s1;
	s8 =	simm.s32 @!p0 $0x1BF5;
	p2 =	por !p2, p0  }
0x20: {  	[sflag:s8] =	ssyncset.s32 @!p0 $0xFFFFF086;
	s6 =	sadd.s32 @!p0 s3, s7;
	s7 =	simm.s32 @!p0 $0x108  }
0x21: {  	s3 =	sadd.s32 s3, s9;
	s6 =	sadd.s32 @!p0 $0x88, s6;
	s7 =	simm.s32 @p2 $0x1082  }
0x22: {  	[simem:s7], [sflag:s8] =	dma.local @!p0 [hbm:s6], $0xF7A  }
0x23: {  	s9 =	sor.u32 $0xD0000000, s2;
	s6 =	simm.s32 $0x108;
	_ =	swait.ge @!p0 [sflag:s8], $0x0  }
0x24: {  	s3 =	sadd.s32 $0x88, s3;
	s6 =	simm.s32 @!p1 $0x1082;
	[sflag:s4] =	ssyncset.s32 $0xFFFFF086  }
0x25: {  	[simem:s6], [sflag:s4] =	dma.local [hbm:s3], $0xF7A  }
0x26: {  	[smem:$0x3F99] =	sst s1;
	(tag) =	ssettag s2;
	_ =	strace s9  }
0x27: {  	s1 =	sld [smem:$0x3FA9]  }
0x28: {  	s2 =	sld [smem:$0x3FAA]  }
0x29: {  	s4 =	sld [smem:$0x3FAC]  }
0x2a: {  	p0 =	seq.s32 s5, $0x0;
	s5 =	sld [smem:$0x3FAD]  }
0x2b: {  	s6 =	sld [smem:$0x3FAE]  }
0x2c: {  	s7 =	sld [smem:$0x3FAF]  }
0x2d: {  	s3 =	simm.s32 $0x108;
	s8 =	sld [smem:$0x3FB0]  }
0x2e: {  	s3 =	simm.s32 @!p0 $0x1082;
	s9 =	sld [smem:$0x3FB1]  }
0x2f: {  	lr =	sadd.s32 s0, s3;
	s0 =	sld [smem:$0x3FA8]  }
0x30: {  	s3 =	sld [smem:$0x3FAB]  }
0x31: {  	[smem:$0x3FB4] =	sst s10  }
0x32: {  	s10 =	sld [smem:$0x3FB2];
	_ =	sdelay $0x3  }
0x33: {  	p0 =	seq.s32 s10, $0x1;
	s10 =	sld [smem:$0x3FB4];
	_ =	sdelay $0x3  }
0x34: {  	[smem:$0x3FB4] =	sst s10  }
0x35: {  	s10 =	sld [smem:$0x3FB3];
	_ =	sdelay $0x3  }
0x36: {  	p1 =	seq.s32 s10, $0x1;
	s10 =	sld [smem:$0x3FB4];
	_ =	sdelay $0x3  }
0x37: {  	[smem:$0x3FB4] =	sst s10  }
0x38: {  	s10 =	sld [smem:$0x3FB5]  }
0x39: {  	_ = 	snop;
	(pc) =	sbr.ind lr, $3  }
0x3a: {  	_ = 	snop  }
0x3b: {  	_ = 	snop  }
0x3c: {  	p2 =	seq.s32 s10, $0x1;
	s10 =	sld [smem:$0x3FB4]  }
0x3d: {  	_ =	shalt  }
0x3e: {  	_ =	shalt  }
0x3f: {  	_ =	shalt  }
0x40: {  	_ =	shalt  }
0x41: {  	_ =	shalt  }
0x42: {  	_ =	shalt  }
0x43: {  	_ =	shalt  }
0x44: {  	_ =	shalt  }
0x45: {  	_ =	shalt  }
0x46: {  	_ =	shalt  }
0x47: {  	_ =	shalt  }
0x48: {  	_ =	shalt  }
0x49: {  	_ =	shalt  }
0x4a: {  	_ =	shalt  }
0x4b: {  	_ =	shalt  }
0x4c: {  	_ =	shalt  }
0x4d: {  	_ =	shalt  }
0x4e: {  	_ =	shalt  }
0x4f: {  	_ =	shalt  }
0x50: {  	_ =	shalt  }
0x51: {  	_ =	shalt  }
0x52: {  	_ =	shalt  }
0x53: {  	_ =	shalt  }
0x54: {  	_ =	shalt  }
0x55: {  	_ =	shalt  }
0x56: {  	_ =	shalt  }
0x57: {  	_ =	shalt  }
0x58: {  	_ =	shalt  }
0x59: {  	_ =	shalt  }
0x5a: {  	_ =	shalt  }
0x5b: {  	_ =	shalt  }
0x5c: {  	_ =	shalt  }
0x5d: {  	_ =	shalt  }
0x5e: {  	_ =	shalt  }
0x5f: {  	_ =	shalt  }
0x60: {  	_ =	shalt  }
0x61: {  	_ =	shalt  }
0x62: {  	_ =	shalt  }
0x63: {  	_ =	shalt  }
0x64: {  	_ =	shalt  }
0x65: {  	_ =	shalt  }
0x66: {  	_ =	shalt  }
0x67: {  	_ =	shalt  }
0x68: {  	_ =	shalt  }
0x69: {  	_ =	shalt  }
0x6a: {  	_ =	shalt  }
0x6b: {  	_ =	shalt  }
0x6c: {  	_ =	shalt  }
0x6d: {  	_ =	shalt  }
0x6e: {  	_ =	shalt  }
0x6f: {  	_ =	shalt  }
0x70: {  	_ =	shalt  }
0x71: {  	_ =	shalt  }
0x72: {  	_ =	shalt  }
0x73: {  	_ =	shalt  }
0x74: {  	_ =	shalt  }
0x75: {  	_ =	shalt  }
0x76: {  	_ =	shalt  }
0x77: {  	_ =	shalt  }
0x78: {  	_ =	shalt  }
0x79: {  	_ =	shalt  }
0x7a: {  	_ =	shalt  }
0x7b: {  	_ =	shalt  }
0x7c: {  	_ =	shalt  }
0x7d: {  	_ =	shalt  }
0x7e: {  	_ =	shalt  }
0x7f: {  	_ =	shalt  }
0x80: {  	_ =	shalt  }
0x81: {  	_ =	shalt  }
0x82: {  	_ =	shalt  }
0x83: {  	_ =	shalt  }
0x84: {  	_ =	shalt  }
0x85: {  	_ =	shalt  }
0x86: {  	_ =	shalt  }
0x87: {  	_ =	shalt  }
.Lfunc_end0:
.L_simem_size_0:
called_computation.6_lowered:
.L_overlay_start_0:
0x88: {  	s2 =	sld [smem:$0x3FD9]  }
0x89: {  	s3 =	sld [smem:$0x3FFE];
	_ =	sdelay $0x1  }
0x8a: {  	s1 =	srdreg.scid  }
0x8b: {  	s0 =	sand.u32 $0x1, s1  }
0x8c: {  	s17 =	sshll.u32 s0, $0xA;
	s2 =	sadd.s32 s3, s2  }
0x8d: {  	s2 =	sadd.s32 s2, s17  }
0x8e: {  	[smem:$0x3FC0] =	sst s2  }
0x8f: {  	_ = 	snop  }
0x90: {  	s2 =	sld [smem:$0x3FD0];
	(tm) =	ssettm $0x1  }
0x91: {  	s18 =	sld [smem:$0x3FFB];
	_ =	sdelay $0x3  }
0x92: {  	_ =	strace s18  }
0x93: {  	s3 =	sld [smem:$0x3FFC];
	_ =	sdelay $0x3  }
0x94: {  	_ =	strace s3  }
0x95: {  	s3 =	sld [smem:$0x3FFD];
	_ =	sdelay $0x3  }
0x96: {  	_ =	strace s3  }
0x97: {  	_ =	strace $0x8FFFFFFF  }
0x98: {  	s19 =	sld [smem:$0x3FDB];
	_ =	sdelay $0x1  }
0x99: {  	s4 =	simm.s32 $_scs_section_size  }
0x9a: {  	s5 =	simm.s32 $_size__tile_overlayer_lowered;
	s6 =	simm.s32 $_tile_overlayer_lowered  }
0x9b: {  	s22 =	simm.s32 $0x1BFF;
	s21 =	sshll.u32 s6, $0x1;
	s3 =	sadd.s32 s4, s19  }
0x9c: {  	s7 =	simm.s32 $0x0;
	s20 =	sshll.u32 s5, $0x1;
	s5 =	sadd.s32 s21, s3  }
0x9d: {  	[timem:s7], [sflag:s22] =	dma.local [hbm:s5], s20  }
0x9e: {  	_ =	swait.ge [sflag:s22], s20  }
0x9f: {  	s4 =	ssub.s32 $0x0, s20;
	[sflag:s22] =	ssyncset.done $0x0  }
0xa0: {  	[sflag:s22] =	ssyncadd.s32 s4;
	_ =	sdelay $0x1  }
0xa1: {  	s23 =	simm.s32 $0x1B8B  }
0xa2: {  	_ =	swait.ge [sflag:s23], $0x1  }
0xa3: {  	[sflag:s23] =	ssyncset.done $0x0  }
0xa4: {  	s25 =	simm.s32 $0x1B8E;
	s24 =	sld [smem:$0x3FFE];
	[sflag:s23] =	ssyncadd.s32 $0xFFFFFFFF  }
0xa5: {  	s26 =	simm.s32 $execute0_lowered;
	[smem:$0x3FD2] =	sst s25  }
0xa6: {  	s5 =	sshll.u32 s26, $0x1;
	_ =	strace $0x80000058;
	[dreg:$0x1] =	wrdreg $0xFFFFFFFF  }
0xa7: {  	s28 =	simm.s32 $_size_execute0_lowered;
	s3 =	sadd.s32 s3, s5;
	[dreg:$0x0] =	wrdreg $0x0  }
0xa8: {  	s5 =	sshll.u32 s28, $0x1;
	[dreg:$0x2] =	wrdreg s3  }
0xa9: {  	[dreg:$0x3] =	wrdreg s5  }
0xaa: {  	[dreg:$0x4] =	wrdreg $0xC0  }
0xab: {  	_ =	task [dreg:s7], $0x5FFFF  }
0xac: {  	[dreg:$0x1] =	wrdreg $0xFFFFFFFF  }
0xad: {  	[dreg:$0x0] =	wrdreg $0x60  }
0xae: {  	[dreg:$0x2] =	wrdreg s24  }
0xaf: {  	[dreg:$0x3] =	wrdreg s2  }
0xb0: {  	[dreg:$0x4] =	wrdreg $0x0  }
0xb1: {  	[dreg:$0x5] =	wrdreg $0x9  }
0xb2: {  	_ =	task.clear_ibuf [dreg:s7], $0x6FFFF;
	_ =	strace $0x90000058  }
0xb3: {  	s29 =	simm.s32 $0x9;
	_ =	strace $0x8000005A  }
0xb4: {  	_ =	swait.ge [sflag:s29], $0x1  }
0xb5: {  	[sflag:s29] =	ssyncadd.s32 $0xFFFFFFFF  }
0xb6: {  	_ =	strace $0x9000005A  }
0xb7: {  	_ =	sfence  }
0xb8: {  	s30 =	sld [smem:$0x0];
	_ =	sdelay $0x2  }
0xb9: {  	s31 =	sshll.u32 s1, $0xD;
	s1 =	sshrl.u32 s1, $0x2  }
0xba: {  	s3 =	sand.u32 $0x4000, s31;
	s1 =	sadd.s32 s1, s30  }
0xbb: {  	s0 =	sor.u32 s3, s0;
	s1 =	sshll.u32 s1, $0x11  }
0xbc: {  	s0 =	sor.u32 s1, s0  }
0xbd: {  	s0 =	sadd.s32 $0x8F2B, s0  }
0xbe: {  	[sflag:s0] =	ssyncadd.remote.s32 $0x1  }
0xbf: {  	_ =	sfence.sel $0xFFFF  }
0xc0: {  	[dreg:$0x0] =	wrdreg $0xFFFFFFFF;
	(pc) =	sbr.abs _section_cstart, $3  }
0xc1: {  	[dreg:$0x1] =	wrdreg $0xFFFFFFFF  }
0xc2: {  	_ =	task.clear_ibuf [dreg:s7], $0x2FFFF;
	_ =	strace $0x9FFFFFFF  }
0xc3: {  	(tm) =	ssettm $0x7FFFFFFF  }
tec
execute0_lowered:
.L_overlay_start_1:
0x0: {  	(tag) =	ssettag $0x1  }
0x1: {  	s7 =	rddreg [dreg:$0x0]  }
0x2: {  	s1 =	rddreg [dreg:$0x1]  }
0x3: {  	s3 =	rddreg [dreg:$0x2]  }
0x4: {  	s0 =	rddreg [dreg:$0x3];
	s4 =	simm.s32 $0x0  }
0x5: {  	s2 =	stileid.u32;
	s5 =	srdreg.scid;
	s15 =	simm.s32 $0x80  }
0x6: {  	s16 =	simm.s32 $0x16400;
	s17 =	simm.s32 $0x1A400;
	s18 =	simm.s32 $0x1  }
0x7: {  	s19 =	simm.s32 $0x2;
	s20 =	simm.s32 $0x3;
	s21 =	simm.s32 $0x4  }
0x8: {  	[smem:$0x7FF] =	sst s4;
	s22 =	smul.u32 $0x2780, s2;
	s23 =	sand.u32 $0x1, s5  }
0x9: {  	s5 =	sadd.s32 $0x34E00, s7;
	s6 =	sadd.s32 $0x2E00, s7;
	s11 =	smul.u32 $0x4F000, s2  }
0xa: {  	s30 =	smul.u32 $0xA0, s2;
	s31 =	sshll.u32 s2, $0x6;
	_ =	strace $0x80000059  }
0xb: {  	s8 =	smul.u32 $0x27800, s23;
	s10 =	ssub.s32 $0x2, s23;
	s26 =	ssub.s32 $0x0, s23  }
0xc: {  	p0 =	sne.s32 s23, $0x0;
	s9 =	sadd.s32 s22, s7;
	s28 =	sshrl.u32 s10, $0x1  }
0xd: {  	s29 =	sshrl.u32 s11, $0x2;
	s14 =	sand.u32 $0x78, s26;
	s12 =	sadd.s32 s8, s7  }
0xe: {  	s10 =	ssub.s32 s10, s28;
	s13 =	sadd.s32 s29, s3;
	s7 =	sadd.s32 $0xD600, s9  }
0xf: {  	s8 =	sor.u32 $0x1C05, s31;
	s9 =	sadd.s32 s30, s14;
	s14 =	simm.s32 $0x15000  }
0x10: {  	s24 =	sadd.s32 $0x5C000, s12;
	s10 =	smax.u32 s10, $0x1;
	s11 =	sshrl.u32 s13, $0x3  }
0x11: {  	s12 =	simm.s32 $0x5;
	s13 =	simm.s32 $0x13C00;
	s22 =	sadd.s32 s22, s24  }
.LBB2_1:
0x12: {  	[spmem:s11], [sflag:s8] =	dma.local [hbm:s7], $0x2780  }
0x13: {  	_ =	swait.ge [sflag:s12], $0x2780  }
0x14: {  	[sflag:s12] =	ssyncset.done $0x0  }
0x15: {  	[sflag:s12] =	ssyncadd.s32 $0xFFFFD880  }
0x16: {  	s23 =	simm.s32 $0x0;
	[bflag:$0x0] =	sbarrier.arrive $0xFFFF  }
.LBB2_2:
0x17: {  	s24 =	smul.u32 $0x28, s23;
	_ =	sdelay $0x1  }
0x18: {  	s24 =	sadd.s32 s24, s9  }
0x19: {  	s24 =	sshll.u32 s24, $0x4  }
0x1a: {  	s26 =	simm.s32 $0x0;
	s25 =	sadd.s32 s1, s24  }
0x1b: {  	[tilespmem:s13], [sflag:$0x5] =	stream.linear.gather [hbm4b:s25+s26], $0x1400, $0x38;
	[tilespmem:$0x1E400] =	vst v63  }
0x1c: {  	_ =	swait.ge [sflag:s12], $0x1400  }
0x1d: {  	[sflag:s12] =	ssyncset.done $0x0  }
0x1e: {  	s24 =	sadd.s32 s6, s24;
	[sflag:s12] =	ssyncadd.s32 $0xFFFFEC00  }
0x1f: {  	[tilespmem:s14], [sflag:$0x5] =	stream.linear.gather [hbm4b:s24+s26], $0x1400, $0x38;
	[tilespmem:$0x1E400] =	vst v63  }
0x20: {  	_ =	swait.ge [sflag:s12], $0x1400  }
0x21: {  	[sflag:s12] =	ssyncset.done $0x0  }
0x22: {  	s28 =	simm.s32 $0x13C00;
	[sflag:s12] =	ssyncadd.s32 $0xFFFFEC00  }
0x23: {  	[tilespmem:s16], [sflag:$0x1] =	stream.indirect.gather [hbm4b:s5+s15], $0x80, s28, s15, $0xb8;
	[tilespmem:$0x1E400] =	vst v63  }
0x24: {  	s29 =	simm.s32 $0x13C80  }
0x25: {  	[tilespmem:s17], [sflag:$0x2] =	stream.indirect.gather [hbm4b:s5+s15], $0x80, s29, s15, $0xb8;
	[tilespmem:$0x1E400] =	vst v63  }
0x26: {  	_ =	swait.ge [sflag:s18], $0x4000  }
0x27: {  	[sflag:s18] =	ssyncset.done $0x0  }
0x28: {  	s30 =	simm.s32 $0x15000;
	[sflag:s18] =	ssyncadd.s32 $0xFFFFC000  }
0x29: {  	[spmem:s3] =	stream.indirect.scatter.add.f32 [tilespmem:s16], [sflag:$0x3], $0x80, s30, s15, $0xb8;
	[tilespmem:$0x1E400] =	vst v63  }
0x2a: {  	_ =	swait.ge [sflag:s19], $0x4000  }
0x2b: {  	[sflag:s19] =	ssyncset.done $0x0  }
0x2c: {  	s31 =	simm.s32 $0x15080;
	[sflag:s19] =	ssyncadd.s32 $0xFFFFC000  }
0x2d: {  	[spmem:s3] =	stream.indirect.scatter.add.f32 [tilespmem:s17], [sflag:$0x4], $0x80, s31, s15, $0xb8;
	[tilespmem:$0x1E400] =	vst v63  }
0x2e: {  	_ =	swait.ge [sflag:s20], $0x4000  }
0x2f: {  	[sflag:s20] =	ssyncset.done $0x0  }
0x30: {  	[sflag:s20] =	ssyncadd.s32 $0xFFFFC000  }
0x31: {  	_ =	swait.ge [sflag:s21], $0x4000  }
0x32: {  	s25 =	simm.s32 $0x800;
	s24 =	simm.s32 $0x100;
	[sflag:s21] =	ssyncset.done $0x0  }
.LBB2_3:
0x33: {  	s26 =	sadd.s32 $0x13C00, s24  }
0x34: {  	[sflag:s21] =	ssyncadd.s32 $0xFFFFC000;
	s28 =	smov.u32 s25;
	s29 =	sadd.s32 $0x400, s25  }
0x35: {  	[tilespmem:s16], [sflag:$0x1] =	stream.indirect.gather [hbm4b:s5+s15], $0x80, s26, s15, $0xb8;
	[tilespmem:$0x1E400] =	vst v63  }
0x36: {  	p1 =	sne.s32 s25, $0x4C00;
	s25 =	sadd.s32 $0x13C80, s24  }
0x37: {  	[tilespmem:s17], [sflag:$0x2] =	stream.indirect.gather [hbm4b:s5+s15], $0x80, s25, s15, $0xb8;
	[tilespmem:$0x1E400] =	vst v63  }
0x38: {  	_ =	swait.ge [sflag:s18], $0x4000  }
0x39: {  	[sflag:s18] =	ssyncset.done $0x0  }
0x3a: {  	s25 =	sadd.s32 $0x15000, s24;
	[sflag:s18] =	ssyncadd.s32 $0xFFFFC000  }
0x3b: {  	[spmem:s3] =	stream.indirect.scatter.add.f32 [tilespmem:s16], [sflag:$0x3], $0x80, s25, s15, $0xb8;
	[tilespmem:$0x1E400] =	vst v63  }
0x3c: {  	_ =	swait.ge [sflag:s19], $0x4000  }
0x3d: {  	[sflag:s19] =	ssyncset.done $0x0  }
0x3e: {  	s24 =	sadd.s32 $0x15080, s24;
	[sflag:s19] =	ssyncadd.s32 $0xFFFFC000  }
0x3f: {  	[spmem:s3] =	stream.indirect.scatter.add.f32 [tilespmem:s17], [sflag:$0x4], $0x80, s24, s15, $0xb8;
	[tilespmem:$0x1E400] =	vst v63  }
.Ltmp0:
0x40: {  	_ =	swait.ge [sflag:s20], $0x4000;
	(pc) =	sbr.rel @p1 .LBB2_3-.Ltmp0, $4  }
0x41: {  	[sflag:s20] =	ssyncset.done $0x0  }
0x42: {  	[sflag:s20] =	ssyncadd.s32 $0xFFFFC000  }
0x43: {  	_ =	swait.ge [sflag:s21], $0x4000  }
0x44: {  	s25 =	smov.u32 s29;
	s24 =	sshra.s32 s28, $0x2;
	[sflag:s21] =	ssyncset.done $0x0  }
0x45: {  	s25 =	sadd.s32 $0x13C00, s24;
	[sflag:s21] =	ssyncadd.s32 $0xFFFFC000  }
0x46: {  	[tilespmem:s16], [sflag:$0x1] =	stream.indirect.gather [hbm4b:s5+s15], $0x80, s25, s15, $0xb8;
	[tilespmem:$0x1E400] =	vst v63  }
0x47: {  	s29 =	sadd.s32 $0x13C80, s24  }
0x48: {  	[tilespmem:s17], [sflag:$0x2] =	stream.indirect.gather [hbm4b:s5+s15], $0x80, s29, s15, $0xb8;
	[tilespmem:$0x1E400] =	vst v63  }
0x49: {  	_ =	swait.ge [sflag:s18], $0x4000  }
0x4a: {  	[sflag:s18] =	ssyncset.done $0x0  }
0x4b: {  	s30 =	sadd.s32 $0x15000, s24;
	[sflag:s18] =	ssyncadd.s32 $0xFFFFC000  }
0x4c: {  	[spmem:s3] =	stream.indirect.scatter.add.f32 [tilespmem:s16], [sflag:$0x3], $0x80, s30, s15, $0xb8;
	[tilespmem:$0x1E400] =	vst v63  }
0x4d: {  	_ =	swait.ge [sflag:s19], $0x4000  }
0x4e: {  	[sflag:s19] =	ssyncset.done $0x0  }
0x4f: {  	s31 =	sadd.s32 $0x15080, s24;
	p1 =	slt.u32 @!p0 s23, $0x2;
	[sflag:s19] =	ssyncadd.s32 $0xFFFFC000  }
0x50: {  	[spmem:s3] =	stream.indirect.scatter.add.f32 [tilespmem:s17], [sflag:$0x4], $0x80, s31, s15, $0xb8;
	[tilespmem:$0x1E400] =	vst v63  }
0x51: {  	p1 =	por p0, !p1;
	_ =	swait.ge [sflag:s20], $0x4000  }
.Ltmp1:
0x52: {  	[sflag:s20] =	ssyncset.done $0x0;
	(pc) =	sbr.rel @!p1 .LBB2_2-.Ltmp1, $4  }
0x53: {  	[sflag:s20] =	ssyncadd.s32 $0xFFFFC000  }
0x54: {  	_ =	swait.ge [sflag:s21], $0x4000  }
0x55: {  	[sflag:s21] =	ssyncset.done $0x0  }
0x56: {  	s23 =	sadd.s32 $0x1, s23;
	[sflag:s21] =	ssyncadd.s32 $0xFFFFC000  }
0x57: {  	s4 =	sadd.s32 $0x1, s4  }
0x58: {  	p1 =	sne.s32 s4, s10  }
.Ltmp2:
0x59: {  	[bflag:$0x0] =	sbarrier.arrive $0xFFFF;
	(pc) =	sbr.rel @p1 .LBB2_1-.Ltmp2, $4  }
0x5a: {  	[hbm:s22], [sflag:s8] =	dma.local [spmem:s11], $0x2780  }
0x5b: {  	_ =	swait.ge [sflag:s12], $0x2780  }
0x5c: {  	[sflag:s12] =	ssyncset.done $0x0  }
0x5d: {  	[sflag:s12] =	ssyncadd.s32 $0xFFFFD880  }
0x5e: {  	_ =	sfence.sel $0x180000  }
0x5f: {  	[bflag:$0x0] =	sbarrier.arrive $0xFFFF  }
0x60: {  	p0 =	sne.s32 s2, $0x0;
	_ =	strace $0x90000059  }
0x61: {  	s0 =	sadd.s32 @!p0 $0x100000, s0;
	[bflag:$0x2] =	sbarrier.arrive $0xFFFF  }
0x62: {  	[sflag:s0] =	ssyncadd.tile.s32 @!p0 $0x1;
	_ =	shalt  }
.Lfunc_end2:
_tile_overlayer_lowered:
.L_overlay_start_2:
0x63: {  	(tag) =	ssettag $0x2  }
0x64: {  	s0 =	rddreg [dreg:$0x0];
	s2 =	stileid.u32  }
0x65: {  	s1 =	rddreg [dreg:$0x1];
	p0 =	sne.s32 s2, $0x0  }
0x66: {  	s3 =	rddreg [dreg:$0x2];
	[bflag:$0x3] =	sbarrier.arrive $0xFFFF;
	s2 =	simm.s32 @!p0 $0x1C05  }
0x67: {  	[timem:s3], [sflag:s2] =	dma.local @!p0 [hbm:s0], s1  }
0x68: {  	s0 =	simm.s32 @!p0 $0x5  }
0x69: {  	_ =	swait.ge @!p0 [sflag:s0], s1  }
0x6a: {  	s1 =	ssub.s32 @!p0 $0x0, s1;
	[sflag:s0] =	ssyncset.done @!p0 $0x0  }
0x6b: {  	[sflag:s0] =	ssyncadd.s32 @!p0 s1  }
0x6c: {  	[bflag:$0x3] =	sbarrier.arrive $0xFFFF  }
0x6d: {  	_ =	shalt  }

</sc_bundles>
